<compile_context>
chip_gen: v7x
topology: tpu7x:2x2x1
jax: 0.10.2.dev20260603
libtpu: 0.0.44.dev20260713+nightly
codegen_flags: <defaults>
</compile_context>

<pallas_src>
import functools

import jax
import jax.numpy as jnp
import numpy as np
from jax import lax
from jax.experimental import pallas as pl
from jax.experimental.pallas import tpu as pltpu
from jax.experimental.pallas import tpu_sc as plsc

NC = 2
NS = 16
L = 16
K = 80


def _make_sc_agg(N, D, E, EV):
    npad = ((N + 8 * NS - 1) // (8 * NS)) * (8 * NS)
    rows_per_sub = npad // NS
    e_per_tile = E // (NC * NS)
    ev_per_tile = EV // (NC * NS)

    mesh = plsc.VectorSubcoreMesh(
        core_axis_name="c", subcore_axis_name="s",
        num_cores=NC, num_subcores=NS)

    @functools.partial(
        pl.kernel,
        out_type=(jax.ShapeDtypeStruct((NC, npad, D), jnp.float32),
                  jax.ShapeDtypeStruct((NC, npad, D), jnp.float32)),
        mesh=mesh,
        scratch_types=dict(
            src_v=pltpu.VMEM((4, K), jnp.int32),
            dst_v=pltpu.VMEM((4, K), jnp.int32),
            rows_v=pltpu.VMEM((2, K, D), jnp.float32),
            ea_v=pltpu.VMEM((2, K, D), jnp.float32),
            acc=pltpu.VMEM_SHARED((npad, D), jnp.float32),
            isem=pltpu.SemaphoreType.DMA((4,)),
            esem=pltpu.SemaphoreType.DMA((2,)),
            gsem=pltpu.SemaphoreType.DMA((2,)),
            ssem=pltpu.SemaphoreType.DMA((2,)),
        ),
    )
    def agg(x_hbm, srcd, dstd, ead, srcu, dstu, eau, zeros_hbm,
            aggd, aggu, *, src_v, dst_v, rows_v, ea_v, acc,
            isem, esem, gsem, ssem):
        cid = lax.axis_index("c")
        sid = lax.axis_index("s")
        wid = sid * NC + cid
        r0 = sid * rows_per_sub

        def phase(src, dst, ea, out, per_tile):
            pltpu.sync_copy(zeros_hbm.at[pl.ds(r0, rows_per_sub)],
                            acc.at[pl.ds(r0, rows_per_sub)])
            plsc.subcore_barrier()
            base0 = wid * per_tile
            nch = per_tile // K

            def issue_idx(c, i):
                base = base0 + c * K
                pltpu.async_copy(src.at[pl.ds(base, K)], src_v.at[i],
                                 isem.at[i])
                pltpu.async_copy(dst.at[pl.ds(base, K)], dst_v.at[i],
                                 isem.at[i])

            def wait_idx(i):
                pltpu.make_async_copy(src.at[pl.ds(0, K)], src_v.at[i],
                                      isem.at[i]).wait()
                pltpu.make_async_copy(dst.at[pl.ds(0, K)], dst_v.at[i],
                                      isem.at[i]).wait()

            def issue_ea(c, b):
                pltpu.async_copy(ea.at[pl.ds(base0 + c * K, K)],
                                 ea_v.at[b], esem.at[b])

            def issue_gather(i, b):
                pltpu.async_copy(x_hbm.at[src_v.at[i]], rows_v.at[b],
                                 gsem.at[b])

            def wait_rows(i, b):
                pltpu.make_async_copy(x_hbm.at[src_v.at[i]], rows_v.at[b],
                                      gsem.at[b]).wait()
                pltpu.make_async_copy(ea.at[pl.ds(0, K)], ea_v.at[b],
                                      esem.at[b]).wait()

            def issue_scatter(i, b):
                pltpu.async_copy(rows_v.at[b], acc.at[dst_v.at[i]],
                                 ssem.at[b], add=True)

            def wait_scatter(i, b):
                pltpu.make_async_copy(rows_v.at[b], acc.at[dst_v.at[i]],
                                      ssem.at[b]).wait()

            def compute(b):
                @pl.loop(0, K)
                def _row(r):
                    for j in range(D // L):
                        s = pl.ds(j * L, L)
                        rows_v[b, r, s] = jnp.maximum(
                            rows_v[b, r, s] + ea_v[b, r, s], 0.0)

            issue_idx(0, 0)
            if nch > 1:
                issue_idx(1, 1)
            issue_ea(0, 0)
            wait_idx(0)
            issue_gather(0, 0)

            ngroups = (nch + 3) // 4
            @pl.loop(0, ngroups)
            def _grp(p):
                for b in range(4):
                    rb = b % 2
                    rn = 1 - rb
                    i1 = (b + 1) % 4
                    i2 = (b + 2) % 4
                    ip = (b + 3) % 4
                    c = p * 4 + b

                    @pl.when(c < nch)
                    def _chunk():
                        @pl.when(c >= 1)
                        def _():
                            wait_scatter(ip, rn)
                        @pl.when(c + 2 < nch)
                        def _():
                            issue_idx(c + 2, i2)
                        @pl.when(c + 1 < nch)
                        def _():
                            issue_ea(c + 1, rn)
                            wait_idx(i1)
                            issue_gather(i1, rn)
                        wait_rows(b % 4, rb)
                        compute(rb)
                        issue_scatter(b % 4, rb)

            wait_scatter((nch - 1) % 4, (nch - 1) % 2)
            plsc.subcore_barrier()
            pltpu.sync_copy(acc.at[pl.ds(r0, rows_per_sub)],
                            out.at[cid, pl.ds(r0, rows_per_sub)])

        phase(srcd, dstd, ead, aggd, e_per_tile)
        plsc.subcore_barrier()
        phase(srcu, dstu, eau, aggu, ev_per_tile)

    return agg


def _tc_tail(x_ref, aggd_ref, aggu_ref,
             W1d_ref, b1d_ref, g1d_ref, be1d_ref, W2d_ref, b2d_ref,
             W1u_ref, b1u_ref, g1u_ref, be1u_ref, W2u_ref, b2u_ref,
             g_bn_ref, be_bn_ref, scal_ref, out_ref):
    n = x_ref.shape[0]
    x = x_ref[...]
    eps_d = scal_ref[0]
    eps_u = scal_ref[1]
    a1 = scal_ref[2]
    a2 = scal_ref[3]

    def bn(h, g, b):
        mu = jnp.mean(h, axis=0, keepdims=True)
        var = jnp.mean((h - mu) * (h - mu), axis=0, keepdims=True)
        return (h - mu) * lax.rsqrt(var + 1e-5) * g + b

    def gine_tail(agg, eps, W1, b1, g1, be1, W2, b2):
        h = (1.0 + eps) * x + agg
        h = jnp.dot(h, W1, preferred_element_type=jnp.float32) + b1
        h = jnp.maximum(bn(h, g1, be1), 0.0)
        return jnp.dot(h, W2, preferred_element_type=jnp.float32) + b2

    hd = gine_tail(aggd_ref[0, :n, :] + aggd_ref[1, :n, :], eps_d,
                   W1d_ref[...], b1d_ref[...], g1d_ref[...], be1d_ref[...],
                   W2d_ref[...], b2d_ref[...])
    hu = gine_tail(aggu_ref[0, :n, :] + aggu_ref[1, :n, :], eps_u,
                   W1u_ref[...], b1u_ref[...], g1u_ref[...], be1u_ref[...],
                   W2u_ref[...], b2u_ref[...])
    out = x + a1 * hd + a2 * hu
    out_ref[...] = jnp.maximum(bn(out, g_bn_ref[...], be_bn_ref[...]), 0.0)


def kernel(x, edge_index, edge_attr_emb, v_idx, v_edge_emb,
           W1d, b1d, g1d, be1d, W2d, b2d, eps_d,
           W1u, b1u, g1u, be1u, W2u, b2u, eps_u,
           g_bn, be_bn, alpha1, alpha2):
    N, D = x.shape
    E = edge_attr_emb.shape[0]
    EV = v_edge_emb.shape[0]

    srcd = edge_index[0].astype(jnp.int32)
    dstd = edge_index[1].astype(jnp.int32)
    srcu = v_idx[0].astype(jnp.int32)
    dstu = v_idx[1].astype(jnp.int32)
    npad = ((N + 8 * NS - 1) // (8 * NS)) * (8 * NS)
    zeros = jnp.zeros((npad, D), jnp.float32)

    aggd, aggu = _make_sc_agg(N, D, E, EV)(
        x, srcd, dstd, edge_attr_emb, srcu, dstu, v_edge_emb, zeros)

    scal = jnp.stack([eps_d.astype(jnp.float32), eps_u.astype(jnp.float32),
                      alpha1.astype(jnp.float32), alpha2.astype(jnp.float32)])

    n_vmem = 17
    out = pl.pallas_call(
        _tc_tail,
        out_shape=jax.ShapeDtypeStruct((N, D), jnp.float32),
        in_specs=[pl.BlockSpec(memory_space=pltpu.VMEM)] * n_vmem
                 + [pl.BlockSpec(memory_space=pltpu.SMEM)],
        out_specs=pl.BlockSpec(memory_space=pltpu.VMEM),
    )(x, aggd, aggu,
      W1d, b1d, g1d, be1d, W2d, b2d,
      W1u, b1u, g1u, be1u, W2u, b2u,
      g_bn, be_bn, scal)
    return out

# --- scband reference (transcript-rebuilt; emitter-appended) ---
"""Pipeline reference for scband-hcnlayer-sized-10866267259114 (READ-ONLY COPY).

The authoritative reference and input builder live on the scoring server;
editing this copy changes nothing except your own understanding.
"""

import jax, jax.numpy as jnp
import numpy as np

N, E, EV, D = 10000, 320000, 64000, 128


def setup_inputs(seed: int = 0) -> dict:
    key = jax.random.key(seed)
    ks = jax.random.split(key, 16)
    inp = {}
    inp['x'] = jax.random.normal(ks[0], (N, D), jnp.float32)
    inp['edge_index'] = jax.random.randint(ks[1], (2, E), 0, N, dtype=jnp.int64) if jax.config.jax_enable_x64 else jax.random.randint(ks[1], (2, E), 0, N, dtype=jnp.int32)
    inp['edge_attr_emb'] = jax.random.normal(ks[2], (E, D), jnp.float32)
    inp['v_idx'] = jax.random.randint(ks[3], (2, EV), 0, N, dtype=jnp.int32)
    inp['v_edge_emb'] = jax.random.normal(ks[4], (EV, D), jnp.float32)
    s = 1.0 / np.sqrt(D)
    def lin(k):
        return jax.random.uniform(k, (D, D), jnp.float32, -s, s)
    def bias(k):
        return jax.random.uniform(k, (D,), jnp.float32, -s, s)
    # conv_down MLP params
    inp['W1d'] = lin(ks[5]); inp['b1d'] = bias(ks[6])
    inp['g1d'] = jnp.ones((D,), jnp.float32); inp['be1d'] = jnp.zeros((D,), jnp.float32)
    inp['W2d'] = lin(ks[7]); inp['b2d'] = bias(ks[8])
    inp['eps_d'] = jnp.array(0.0, jnp.float32)
    # conv_up MLP params
    inp['W1u'] = lin(ks[9]); inp['b1u'] = bias(ks[10])
    inp['g1u'] = jnp.ones((D,), jnp.float32); inp['be1u'] = jnp.zeros((D,), jnp.float32)
    inp['W2u'] = lin(ks[11]); inp['b2u'] = bias(ks[12])
    inp['eps_u'] = jnp.array(0.0, jnp.float32)
    # output batchnorm + mixing params
    inp['g_bn'] = jnp.ones((D,), jnp.float32); inp['be_bn'] = jnp.zeros((D,), jnp.float32)
    inp['alpha1'] = jnp.array(1.0, jnp.float32)
    inp['alpha2'] = jnp.array(0.01, jnp.float32)
    return inp


def _bn(h, g, b):
    mu = h.mean(axis=0)
    var = h.var(axis=0)
    return (h - mu) / jnp.sqrt(var + 1e-5) * g + b


def _gine(x, ei, ea, eps, W1, b1, g1, be1, W2, b2):
    # message = ReLU(x_j + edge_attr), sum-aggregated at dst (ei[1])
    m = jax.nn.relu(jnp.take(x, ei[0], axis=0) + ea)
    agg = jnp.zeros_like(x).at[ei[1]].add(m)
    h = (1.0 + eps) * x + agg
    h = h @ W1 + b1
    h = jax.nn.relu(_bn(h, g1, be1))
    return h @ W2 + b2


def reference(x, edge_index, edge_attr_emb, v_idx, v_edge_emb,
              W1d, b1d, g1d, be1d, W2d, b2d, eps_d,
              W1u, b1u, g1u, be1u, W2u, b2u, eps_u,
              g_bn, be_bn, alpha1, alpha2):
    h_down = _gine(x, edge_index, edge_attr_emb, eps_d, W1d, b1d, g1d, be1d, W2d, b2d)
    h_up = _gine(x, v_idx, v_edge_emb, eps_u, W1u, b1u, g1u, be1u, W2u, b2u)
    out = x + alpha1 * h_down + alpha2 * h_up
    return jax.nn.relu(_bn(out, g_bn, be_bn))

if __name__ == "__main__":
    import jax
    _d = setup_inputs()
    print(jax.jit(kernel)(*tuple(_d.values())))

</pallas_src>

<mosaic_0001>
#map = affine_map<(d0, d1) -> (0, 0)>
#map1 = affine_map<(d0, d1) -> (0)>
#map2 = affine_map<(d0, d1) -> (0, 0, 0)>
module attributes {stable_mosaic.version = 14 : i64} {
  func.func @agg(%arg0: i32, %arg1: i32, %arg2: memref<10000x128xf32, #tpu.memory_space<hbm>>, %arg3: memref<320000xi32, #tpu.memory_space<hbm>>, %arg4: memref<320000xi32, #tpu.memory_space<hbm>>, %arg5: memref<320000x128xf32, #tpu.memory_space<hbm>>, %arg6: memref<64000xi32, #tpu.memory_space<hbm>>, %arg7: memref<64000xi32, #tpu.memory_space<hbm>>, %arg8: memref<64000x128xf32, #tpu.memory_space<hbm>>, %arg9: memref<10112x128xf32, #tpu.memory_space<hbm>>, %arg10: memref<2x10112x128xf32, #tpu.memory_space<hbm>>, %arg11: memref<2x10112x128xf32, #tpu.memory_space<hbm>>, %arg12: memref<10112x128xf32, #tpu.memory_space<vmem_shared>>, %arg13: memref<4x80xi32, #tpu.memory_space<vmem>>, %arg14: memref<2x80x128xf32, #tpu.memory_space<vmem>>, %arg15: memref<2x!tpu.dma_semaphore, #tpu.memory_space<semaphore_mem>>, %arg16: memref<2x!tpu.dma_semaphore, #tpu.memory_space<semaphore_mem>>, %arg17: memref<4x!tpu.dma_semaphore, #tpu.memory_space<semaphore_mem>>, %arg18: memref<2x80x128xf32, #tpu.memory_space<vmem>>, %arg19: memref<4x80xi32, #tpu.memory_space<vmem>>, %arg20: memref<2x!tpu.dma_semaphore, #tpu.memory_space<semaphore_mem>>) attributes {dimension_semantics = [#tpu.dimension_semantics<core_parallel>, #tpu.dimension_semantics<subcore_parallel>], iteration_bounds = array<i64: 2, 16>, scalar_prefetch = 0 : i64, scratch_operands = 9 : i64, tpu.core_type = #tpu.core_type<sc_vector_subcore>, window_params = [{transform_indices = #map}, {transform_indices = #map1}, {transform_indices = #map1}, {transform_indices = #map}, {transform_indices = #map1}, {transform_indices = #map1}, {transform_indices = #map}, {transform_indices = #map}, {transform_indices = #map2}, {transform_indices = #map2}]} {
    %mul3A = arith.constant 2 : i32
    %mul3A_0 = arith.muli %arg1, %mul3A : i32
    %add3A = arith.addi %mul3A_0, %arg0 : i32
    %mul3A_1 = arith.constant 632 : i32
    %mul3A_2 = arith.muli %arg1, %mul3A_1 : i32
    "tpu.region"() ({
      %run_scoped3A = tpu.sem_alloc : memref<!tpu.dma_semaphore, #tpu.memory_space<semaphore_mem>>
      %dma_start3A_274 = arith.constant 0 : i32
      %dma_start3A_275 = tpu.memref_slice %arg12[%mul3A_2, %dma_start3A_274] : memref<10112x128xf32, #tpu.memory_space<vmem_shared>> -> memref<632x128xf32, #tpu.memory_space<vmem_shared>>
      %dma_start3A_276 = arith.constant 0 : i32
      %dma_start3A_277 = tpu.memref_slice %arg9[%mul3A_2, %dma_start3A_276] : memref<10112x128xf32, #tpu.memory_space<hbm>> -> memref<632x128xf32, #tpu.memory_space<hbm>>
      tpu.enqueue_dma source(%dma_start3A_277 : memref<632x128xf32, #tpu.memory_space<hbm>>) target(%dma_start3A_275 : memref<632x128xf32, #tpu.memory_space<vmem_shared>>) target_semaphore(%run_scoped3A : memref<!tpu.dma_semaphore, #tpu.memory_space<semaphore_mem>>)
      %dma_wait3A_278 = arith.constant 0 : i32
      %dma_wait3A_279 = tpu.memref_slice %arg12[%mul3A_2, %dma_wait3A_278] : memref<10112x128xf32, #tpu.memory_space<vmem_shared>> -> memref<632x128xf32, #tpu.memory_space<vmem_shared>>
      %dma_wait3A_280 = arith.constant 0 : i32
      %dma_wait3A_281 = tpu.memref_slice %arg9[%mul3A_2, %dma_wait3A_280] : memref<10112x128xf32, #tpu.memory_space<hbm>> -> memref<632x128xf32, #tpu.memory_space<hbm>>
      tpu.wait_dma2 semaphore(%run_scoped3A : memref<!tpu.dma_semaphore, #tpu.memory_space<semaphore_mem>>) src(%dma_wait3A_281 : memref<632x128xf32, #tpu.memory_space<hbm>>) dst(%dma_wait3A_279 : memref<632x128xf32, #tpu.memory_space<vmem_shared>>)
      tpu.yield
    }) : () -> ()
    %barrier3A = arith.constant 0 : index
    tpu.barrier barrier_id(%barrier3A)
    %mul3A_3 = arith.constant 10000 : i32
    %mul3A_4 = arith.muli %add3A, %mul3A_3 : i32
    %add3A_5 = arith.constant 0 : i32
    %add3A_6 = arith.addi %mul3A_4, %add3A_5 : i32
    %dma_start3A = arith.constant 0 : i32
    %dma_start3A_7 = arith.constant 0 : i32
    %dma_start3A_8 = arith.constant 0 : i32
    %dma_start3A_9 = tpu.memref_slice %arg19[%dma_start3A, %dma_start3A_8] : memref<4x80xi32, #tpu.memory_space<vmem>> -> memref<1x80xi32, #tpu.memory_space<vmem>>
    %dma_start3A_10 = tpu.memref_squeeze %dma_start3A_9 : memref<1x80xi32, #tpu.memory_space<vmem>> -> memref<80xi32, #tpu.memory_space<vmem>>
    %dma_start3A_11 = tpu.memref_slice %arg3[%add3A_6] : memref<320000xi32, #tpu.memory_space<hbm>> -> memref<80xi32, #tpu.memory_space<hbm>>
    %dma_start3A_12 = tpu.memref_slice %arg17[%dma_start3A_7] : memref<4x!tpu.dma_semaphore, #tpu.memory_space<semaphore_mem>> -> memref<1x!tpu.dma_semaphore, #tpu.memory_space<semaphore_mem>>
    %dma_start3A_13 = tpu.memref_squeeze %dma_start3A_12 : memref<1x!tpu.dma_semaphore, #tpu.memory_space<semaphore_mem>> -> memref<!tpu.dma_semaphore, #tpu.memory_space<semaphore_mem>>
    %dma_start3A_14 = arith.constant 0 : i32
    %dma_start3A_15 = tpu.memref_slice %arg19[%dma_start3A, %dma_start3A_14] : memref<4x80xi32, #tpu.memory_space<vmem>> -> memref<1x80xi32, #tpu.memory_space<vmem>>
    %dma_start3A_16 = tpu.memref_squeeze %dma_start3A_15 : memref<1x80xi32, #tpu.memory_space<vmem>> -> memref<80xi32, #tpu.memory_space<vmem>>
    %dma_start3A_17 = tpu.memref_slice %arg3[%add3A_6] : memref<320000xi32, #tpu.memory_space<hbm>> -> memref<80xi32, #tpu.memory_space<hbm>>
    tpu.enqueue_dma source(%dma_start3A_17 : memref<80xi32, #tpu.memory_space<hbm>>) target(%dma_start3A_16 : memref<80xi32, #tpu.memory_space<vmem>>) target_semaphore(%dma_start3A_13 : memref<!tpu.dma_semaphore, #tpu.memory_space<semaphore_mem>>)
    %dma_start3A_18 = arith.constant 0 : i32
    %dma_start3A_19 = arith.constant 0 : i32
    %dma_start3A_20 = arith.constant 0 : i32
    %dma_start3A_21 = tpu.memref_slice %arg13[%dma_start3A_18, %dma_start3A_20] : memref<4x80xi32, #tpu.memory_space<vmem>> -> memref<1x80xi32, #tpu.memory_space<vmem>>
    %dma_start3A_22 = tpu.memref_squeeze %dma_start3A_21 : memref<1x80xi32, #tpu.memory_space<vmem>> -> memref<80xi32, #tpu.memory_space<vmem>>
    %dma_start3A_23 = tpu.memref_slice %arg4[%add3A_6] : memref<320000xi32, #tpu.memory_space<hbm>> -> memref<80xi32, #tpu.memory_space<hbm>>
    %dma_start3A_24 = tpu.memref_slice %arg17[%dma_start3A_19] : memref<4x!tpu.dma_semaphore, #tpu.memory_space<semaphore_mem>> -> memref<1x!tpu.dma_semaphore, #tpu.memory_space<semaphore_mem>>
    %dma_start3A_25 = tpu.memref_squeeze %dma_start3A_24 : memref<1x!tpu.dma_semaphore, #tpu.memory_space<semaphore_mem>> -> memref<!tpu.dma_semaphore, #tpu.memory_space<semaphore_mem>>
    %dma_start3A_26 = arith.constant 0 : i32
    %dma_start3A_27 = tpu.memref_slice %arg13[%dma_start3A_18, %dma_start3A_26] : memref<4x80xi32, #tpu.memory_space<vmem>> -> memref<1x80xi32, #tpu.memory_space<vmem>>
    %dma_start3A_28 = tpu.memref_squeeze %dma_start3A_27 : memref<1x80xi32, #tpu.memory_space<vmem>> -> memref<80xi32, #tpu.memory_space<vmem>>
    %dma_start3A_29 = tpu.memref_slice %arg4[%add3A_6] : memref<320000xi32, #tpu.memory_space<hbm>> -> memref<80xi32, #tpu.memory_space<hbm>>
    tpu.enqueue_dma source(%dma_start3A_29 : memref<80xi32, #tpu.memory_space<hbm>>) target(%dma_start3A_28 : memref<80xi32, #tpu.memory_space<vmem>>) target_semaphore(%dma_start3A_25 : memref<!tpu.dma_semaphore, #tpu.memory_space<semaphore_mem>>)
    %add3A_30 = arith.constant 80 : i32
    %add3A_31 = arith.addi %mul3A_4, %add3A_30 : i32
    %dma_start3A_32 = arith.constant 1 : i32
    %dma_start3A_33 = arith.constant 1 : i32
    %dma_start3A_34 = arith.constant 0 : i32
    %dma_start3A_35 = tpu.memref_slice %arg19[%dma_start3A_32, %dma_start3A_34] : memref<4x80xi32, #tpu.memory_space<vmem>> -> memref<1x80xi32, #tpu.memory_space<vmem>>
    %dma_start3A_36 = tpu.memref_squeeze %dma_start3A_35 : memref<1x80xi32, #tpu.memory_space<vmem>> -> memref<80xi32, #tpu.memory_space<vmem>>
    %dma_start3A_37 = tpu.memref_slice %arg3[%add3A_31] : memref<320000xi32, #tpu.memory_space<hbm>> -> memref<80xi32, #tpu.memory_space<hbm>>
    %dma_start3A_38 = tpu.memref_slice %arg17[%dma_start3A_33] : memref<4x!tpu.dma_semaphore, #tpu.memory_space<semaphore_mem>> -> memref<1x!tpu.dma_semaphore, #tpu.memory_space<semaphore_mem>>
    %dma_start3A_39 = tpu.memref_squeeze %dma_start3A_38 : memref<1x!tpu.dma_semaphore, #tpu.memory_space<semaphore_mem>> -> memref<!tpu.dma_semaphore, #tpu.memory_space<semaphore_mem>>
    %dma_start3A_40 = arith.constant 0 : i32
    %dma_start3A_41 = tpu.memref_slice %arg19[%dma_start3A_32, %dma_start3A_40] : memref<4x80xi32, #tpu.memory_space<vmem>> -> memref<1x80xi32, #tpu.memory_space<vmem>>
    %dma_start3A_42 = tpu.memref_squeeze %dma_start3A_41 : memref<1x80xi32, #tpu.memory_space<vmem>> -> memref<80xi32, #tpu.memory_space<vmem>>
    %dma_start3A_43 = tpu.memref_slice %arg3[%add3A_31] : memref<320000xi32, #tpu.memory_space<hbm>> -> memref<80xi32, #tpu.memory_space<hbm>>
    tpu.enqueue_dma source(%dma_start3A_43 : memref<80xi32, #tpu.memory_space<hbm>>) target(%dma_start3A_42 : memref<80xi32, #tpu.memory_space<vmem>>) target_semaphore(%dma_start3A_39 : memref<!tpu.dma_semaphore, #tpu.memory_space<semaphore_mem>>)
    %dma_start3A_44 = arith.constant 1 : i32
    %dma_start3A_45 = arith.constant 1 : i32
    %dma_start3A_46 = arith.constant 0 : i32
    %dma_start3A_47 = tpu.memref_slice %arg13[%dma_start3A_44, %dma_start3A_46] : memref<4x80xi32, #tpu.memory_space<vmem>> -> memref<1x80xi32, #tpu.memory_space<vmem>>
    %dma_start3A_48 = tpu.memref_squeeze %dma_start3A_47 : memref<1x80xi32, #tpu.memory_space<vmem>> -> memref<80xi32, #tpu.memory_space<vmem>>
    %dma_start3A_49 = tpu.memref_slice %arg4[%add3A_31] : memref<320000xi32, #tpu.memory_space<hbm>> -> memref<80xi32, #tpu.memory_space<hbm>>
    %dma_start3A_50 = tpu.memref_slice %arg17[%dma_start3A_45] : memref<4x!tpu.dma_semaphore, #tpu.memory_space<semaphore_mem>> -> memref<1x!tpu.dma_semaphore, #tpu.memory_space<semaphore_mem>>
    %dma_start3A_51 = tpu.memref_squeeze %dma_start3A_50 : memref<1x!tpu.dma_semaphore, #tpu.memory_space<semaphore_mem>> -> memref<!tpu.dma_semaphore, #tpu.memory_space<semaphore_mem>>
    %dma_start3A_52 = arith.constant 0 : i32
    %dma_start3A_53 = tpu.memref_slice %arg13[%dma_start3A_44, %dma_start3A_52] : memref<4x80xi32, #tpu.memory_space<vmem>> -> memref<1x80xi32, #tpu.memory_space<vmem>>
    %dma_start3A_54 = tpu.memref_squeeze %dma_start3A_53 : memref<1x80xi32, #tpu.memory_space<vmem>> -> memref<80xi32, #tpu.memory_space<vmem>>
    %dma_start3A_55 = tpu.memref_slice %arg4[%add3A_31] : memref<320000xi32, #tpu.memory_space<hbm>> -> memref<80xi32, #tpu.memory_space<hbm>>
    tpu.enqueue_dma source(%dma_start3A_55 : memref<80xi32, #tpu.memory_space<hbm>>) target(%dma_start3A_54 : memref<80xi32, #tpu.memory_space<vmem>>) target_semaphore(%dma_start3A_51 : memref<!tpu.dma_semaphore, #tpu.memory_space<semaphore_mem>>)
    %add3A_56 = arith.constant 0 : i32
    %add3A_57 = arith.addi %mul3A_4, %add3A_56 : i32
    %dma_start3A_58 = arith.constant 0 : i32
    %dma_start3A_59 = arith.constant 0 : i32
    %dma_start3A_60 = arith.constant 0 : i32
    %dma_start3A_61 = arith.constant 0 : i32
    %dma_start3A_62 = tpu.memref_slice %arg14[%dma_start3A_58, %dma_start3A_60, %dma_start3A_61] : memref<2x80x128xf32, #tpu.memory_space<vmem>> -> memref<1x80x128xf32, #tpu.memory_space<vmem>>
    %dma_start3A_63 = tpu.memref_squeeze %dma_start3A_62 : memref<1x80x128xf32, #tpu.memory_space<vmem>> -> memref<80x128xf32, #tpu.memory_space<vmem>>
    %dma_start3A_64 = arith.constant 0 : i32
    %dma_start3A_65 = tpu.memref_slice %arg5[%add3A_57, %dma_start3A_64] : memref<320000x128xf32, #tpu.memory_space<hbm>> -> memref<80x128xf32, #tpu.memory_space<hbm>>
    %dma_start3A_66 = tpu.memref_slice %arg15[%dma_start3A_59] : memref<2x!tpu.dma_semaphore, #tpu.memory_space<semaphore_mem>> -> memref<1x!tpu.dma_semaphore, #tpu.memory_space<semaphore_mem>>
    %dma_start3A_67 = tpu.memref_squeeze %dma_start3A_66 : memref<1x!tpu.dma_semaphore, #tpu.memory_space<semaphore_mem>> -> memref<!tpu.dma_semaphore, #tpu.memory_space<semaphore_mem>>
    %dma_start3A_68 = arith.constant 0 : i32
    %dma_start3A_69 = arith.constant 0 : i32
    %dma_start3A_70 = tpu.memref_slice %arg14[%dma_start3A_58, %dma_start3A_68, %dma_start3A_69] : memref<2x80x128xf32, #tpu.memory_space<vmem>> -> memref<1x80x128xf32, #tpu.memory_space<vmem>>
    %dma_start3A_71 = tpu.memref_squeeze %dma_start3A_70 : memref<1x80x128xf32, #tpu.memory_space<vmem>> -> memref<80x128xf32, #tpu.memory_space<vmem>>
    %dma_start3A_72 = arith.constant 0 : i32
    %dma_start3A_73 = tpu.memref_slice %arg5[%add3A_57, %dma_start3A_72] : memref<320000x128xf32, #tpu.memory_space<hbm>> -> memref<80x128xf32, #tpu.memory_space<hbm>>
    tpu.enqueue_dma source(%dma_start3A_73 : memref<80x128xf32, #tpu.memory_space<hbm>>) target(%dma_start3A_71 : memref<80x128xf32, #tpu.memory_space<vmem>>) target_semaphore(%dma_start3A_67 : memref<!tpu.dma_semaphore, #tpu.memory_space<semaphore_mem>>)
    %dma_wait3A = arith.constant 0 : i32
    %dma_wait3A_74 = arith.constant 0 : i32
    %dma_wait3A_75 = arith.constant 0 : i32
    %dma_wait3A_76 = tpu.memref_slice %arg19[%dma_wait3A, %dma_wait3A_75] : memref<4x80xi32, #tpu.memory_space<vmem>> -> memref<1x80xi32, #tpu.memory_space<vmem>>
    %dma_wait3A_77 = tpu.memref_squeeze %dma_wait3A_76 : memref<1x80xi32, #tpu.memory_space<vmem>> -> memref<80xi32, #tpu.memory_space<vmem>>
    %dma_wait3A_78 = arith.constant 0 : i32
    %dma_wait3A_79 = tpu.memref_slice %arg3[%dma_wait3A_78] : memref<320000xi32, #tpu.memory_space<hbm>> -> memref<80xi32, #tpu.memory_space<hbm>>
    %dma_wait3A_80 = tpu.memref_slice %arg17[%dma_wait3A_74] : memref<4x!tpu.dma_semaphore, #tpu.memory_space<semaphore_mem>> -> memref<1x!tpu.dma_semaphore, #tpu.memory_space<semaphore_mem>>
    %dma_wait3A_81 = tpu.memref_squeeze %dma_wait3A_80 : memref<1x!tpu.dma_semaphore, #tpu.memory_space<semaphore_mem>> -> memref<!tpu.dma_semaphore, #tpu.memory_space<semaphore_mem>>
    %dma_wait3A_82 = arith.constant 0 : i32
    %dma_wait3A_83 = tpu.memref_slice %arg19[%dma_wait3A, %dma_wait3A_82] : memref<4x80xi32, #tpu.memory_space<vmem>> -> memref<1x80xi32, #tpu.memory_space<vmem>>
    %dma_wait3A_84 = tpu.memref_squeeze %dma_wait3A_83 : memref<1x80xi32, #tpu.memory_space<vmem>> -> memref<80xi32, #tpu.memory_space<vmem>>
    %dma_wait3A_85 = arith.constant 0 : i32
    %dma_wait3A_86 = tpu.memref_slice %arg3[%dma_wait3A_85] : memref<320000xi32, #tpu.memory_space<hbm>> -> memref<80xi32, #tpu.memory_space<hbm>>
    tpu.wait_dma2 semaphore(%dma_wait3A_81 : memref<!tpu.dma_semaphore, #tpu.memory_space<semaphore_mem>>) src(%dma_wait3A_86 : memref<80xi32, #tpu.memory_space<hbm>>) dst(%dma_wait3A_84 : memref<80xi32, #tpu.memory_space<vmem>>)
    %dma_wait3A_87 = arith.constant 0 : i32
    %dma_wait3A_88 = arith.constant 0 : i32
    %dma_wait3A_89 = arith.constant 0 : i32
    %dma_wait3A_90 = tpu.memref_slice %arg13[%dma_wait3A_87, %dma_wait3A_89] : memref<4x80xi32, #tpu.memory_space<vmem>> -> memref<1x80xi32, #tpu.memory_space<vmem>>
    %dma_wait3A_91 = tpu.memref_squeeze %dma_wait3A_90 : memref<1x80xi32, #tpu.memory_space<vmem>> -> memref<80xi32, #tpu.memory_space<vmem>>
    %dma_wait3A_92 = arith.constant 0 : i32
    %dma_wait3A_93 = tpu.memref_slice %arg4[%dma_wait3A_92] : memref<320000xi32, #tpu.memory_space<hbm>> -> memref<80xi32, #tpu.memory_space<hbm>>
    %dma_wait3A_94 = tpu.memref_slice %arg17[%dma_wait3A_88] : memref<4x!tpu.dma_semaphore, #tpu.memory_space<semaphore_mem>> -> memref<1x!tpu.dma_semaphore, #tpu.memory_space<semaphore_mem>>
    %dma_wait3A_95 = tpu.memref_squeeze %dma_wait3A_94 : memref<1x!tpu.dma_semaphore, #tpu.memory_space<semaphore_mem>> -> memref<!tpu.dma_semaphore, #tpu.memory_space<semaphore_mem>>
    %dma_wait3A_96 = arith.constant 0 : i32
    %dma_wait3A_97 = tpu.memref_slice %arg13[%dma_wait3A_87, %dma_wait3A_96] : memref<4x80xi32, #tpu.memory_space<vmem>> -> memref<1x80xi32, #tpu.memory_space<vmem>>
    %dma_wait3A_98 = tpu.memref_squeeze %dma_wait3A_97 : memref<1x80xi32, #tpu.memory_space<vmem>> -> memref<80xi32, #tpu.memory_space<vmem>>
    %dma_wait3A_99 = arith.constant 0 : i32
    %dma_wait3A_100 = tpu.memref_slice %arg4[%dma_wait3A_99] : memref<320000xi32, #tpu.memory_space<hbm>> -> memref<80xi32, #tpu.memory_space<hbm>>
    tpu.wait_dma2 semaphore(%dma_wait3A_95 : memref<!tpu.dma_semaphore, #tpu.memory_space<semaphore_mem>>) src(%dma_wait3A_100 : memref<80xi32, #tpu.memory_space<hbm>>) dst(%dma_wait3A_98 : memref<80xi32, #tpu.memory_space<vmem>>)
    %dma_start3A_101 = arith.constant 0 : i32
    %dma_start3A_102 = arith.constant 0 : i32
    %dma_start3A_103 = arith.constant 0 : i32
    %dma_start3A_104 = arith.constant 0 : i32
    %dma_start3A_105 = arith.constant 0 : i32
    %dma_start3A_106 = tpu.memref_slice %arg18[%dma_start3A_102, %dma_start3A_104, %dma_start3A_105] : memref<2x80x128xf32, #tpu.memory_space<vmem>> -> memref<1x80x128xf32, #tpu.memory_space<vmem>>
    %dma_start3A_107 = tpu.memref_squeeze %dma_start3A_106 : memref<1x80x128xf32, #tpu.memory_space<vmem>> -> memref<80x128xf32, #tpu.memory_space<vmem>>
    %dma_start3A_108 = arith.constant 0 : i32
    %dma_start3A_109 = tpu.memref_slice %arg19[%dma_start3A_101, %dma_start3A_108] : memref<4x80xi32, #tpu.memory_space<vmem>> -> memref<1x80xi32, #tpu.memory_space<vmem>>
    %dma_start3A_110 = tpu.memref_squeeze %dma_start3A_109 : memref<1x80xi32, #tpu.memory_space<vmem>> -> memref<80xi32, #tpu.memory_space<vmem>>
    %dma_start3A_111 = arith.constant 0 : i32
    %dma_start3A_112 = arith.constant 0 : i32
    %dma_start3A_113 = tpu.memref_slice %arg2[%dma_start3A_111, %dma_start3A_112] : memref<10000x128xf32, #tpu.memory_space<hbm>> -> memref<10000x128xf32, #tpu.memory_space<hbm>>
    %dma_start3A_114 = tpu.memref_slice %arg16[%dma_start3A_103] : memref<2x!tpu.dma_semaphore, #tpu.memory_space<semaphore_mem>> -> memref<1x!tpu.dma_semaphore, #tpu.memory_space<semaphore_mem>>
    %dma_start3A_115 = tpu.memref_squeeze %dma_start3A_114 : memref<1x!tpu.dma_semaphore, #tpu.memory_space<semaphore_mem>> -> memref<!tpu.dma_semaphore, #tpu.memory_space<semaphore_mem>>
    tpu.enqueue_indirect_dma source(%dma_start3A_113 : memref<10000x128xf32, #tpu.memory_space<hbm>>) target(%dma_start3A_107 : memref<80x128xf32, #tpu.memory_space<vmem>>) offsets(%dma_start3A_110 : memref<80xi32, #tpu.memory_space<vmem>>) semaphore(%dma_start3A_115 : memref<!tpu.dma_semaphore, #tpu.memory_space<semaphore_mem>>)
    %scan3A = arith.constant 0 : i32
    %scan3A_116 = arith.constant 32 : i32
    %scan3A_117 = arith.addi %scan3A, %scan3A_116 : i32
    %scan3A_118 = arith.constant 1 : i32
    scf.for %scan3A_274 = %scan3A to %scan3A_117 step %scan3A_118  : i32 {
      %mul3A_275 = arith.constant 1 : i32
      %mul3A_276 = arith.muli %scan3A_274, %mul3A_275 : i32
      %add3A_277 = arith.constant 0 : i32
      %add3A_278 = arith.addi %add3A_277, %mul3A_276 : i32
      %mul3A_279 = arith.constant 4 : i32
      %mul3A_280 = arith.muli %add3A_278, %mul3A_279 : i32
      %add3A_281 = arith.constant 0 : i32
      %add3A_282 = arith.addi %mul3A_280, %add3A_281 : i32
      %lt3A = arith.constant 125 : i32
      %lt3A_283 = arith.cmpi slt, %add3A_282, %lt3A : i32
      %convert_element_type3A = arith.extui %lt3A_283 : i1 to i32
      %cond3A = arith.constant 0 : i32
      %cond3A_284 = arith.cmpi ne, %convert_element_type3A, %cond3A : i32
      scf.if %cond3A_284 {
        %ge3A = arith.constant 1 : i32
        %ge3A_312 = arith.cmpi sge, %add3A_282, %ge3A : i32
        %convert_element_type3A_313 = arith.extui %ge3A_312 : i1 to i32
        %cond3A_314 = arith.constant 0 : i32
        %cond3A_315 = arith.cmpi ne, %convert_element_type3A_313, %cond3A_314 : i32
        scf.if %cond3A_315 {
          %dma_wait3A_383 = arith.constant 1 : i32
          %dma_wait3A_384 = arith.constant 3 : i32
          %dma_wait3A_385 = arith.constant 1 : i32
          %dma_wait3A_386 = arith.constant 0 : i32
          %dma_wait3A_387 = arith.constant 0 : i32
          %dma_wait3A_388 = tpu.memref_slice %arg18[%dma_wait3A_383, %dma_wait3A_386, %dma_wait3A_387] : memref<2x80x128xf32, #tpu.memory_space<vmem>> -> memref<1x80x128xf32, #tpu.memory_space<vmem>>
          %dma_wait3A_389 = tpu.memref_squeeze %dma_wait3A_388 : memref<1x80x128xf32, #tpu.memory_space<vmem>> -> memref<80x128xf32, #tpu.memory_space<vmem>>
          %dma_wait3A_390 = arith.constant 0 : i32
          %dma_wait3A_391 = tpu.memref_slice %arg13[%dma_wait3A_384, %dma_wait3A_390] : memref<4x80xi32, #tpu.memory_space<vmem>> -> memref<1x80xi32, #tpu.memory_space<vmem>>
          %dma_wait3A_392 = tpu.memref_squeeze %dma_wait3A_391 : memref<1x80xi32, #tpu.memory_space<vmem>> -> memref<80xi32, #tpu.memory_space<vmem>>
          %dma_wait3A_393 = arith.constant 0 : i32
          %dma_wait3A_394 = arith.constant 0 : i32
          %dma_wait3A_395 = tpu.memref_slice %arg12[%dma_wait3A_393, %dma_wait3A_394] : memref<10112x128xf32, #tpu.memory_space<vmem_shared>> -> memref<10112x128xf32, #tpu.memory_space<vmem_shared>>
          %dma_wait3A_396 = tpu.memref_slice %arg20[%dma_wait3A_385] : memref<2x!tpu.dma_semaphore, #tpu.memory_space<semaphore_mem>> -> memref<1x!tpu.dma_semaphore, #tpu.memory_space<semaphore_mem>>
          %dma_wait3A_397 = tpu.memref_squeeze %dma_wait3A_396 : memref<1x!tpu.dma_semaphore, #tpu.memory_space<semaphore_mem>> -> memref<!tpu.dma_semaphore, #tpu.memory_space<semaphore_mem>>
          tpu.wait_indirect_dma semaphore(%dma_wait3A_397 : memref<!tpu.dma_semaphore, #tpu.memory_space<semaphore_mem>>) src(%dma_wait3A_389 : memref<80x128xf32, #tpu.memory_space<vmem>>) dst(%dma_wait3A_395 : memref<10112x128xf32, #tpu.memory_space<vmem_shared>>)
        } else {
        }
        %add3A_316 = arith.constant 2 : i32
        %add3A_317 = arith.addi %add3A_282, %add3A_316 : i32
        %lt3A_318 = arith.constant 125 : i32
        %lt3A_319 = arith.cmpi slt, %add3A_317, %lt3A_318 : i32
        %convert_element_type3A_320 = arith.extui %lt3A_319 : i1 to i32
        %cond3A_321 = arith.constant 0 : i32
        %cond3A_322 = arith.cmpi ne, %convert_element_type3A_320, %cond3A_321 : i32
        scf.if %cond3A_322 {
          %add3A_383 = arith.constant 2 : i32
          %add3A_384 = arith.addi %add3A_282, %add3A_383 : i32
          %mul3A_385 = arith.constant 80 : i32
          %mul3A_386 = arith.muli %add3A_384, %mul3A_385 : i32
          %add3A_387 = arith.addi %mul3A_4, %mul3A_386 : i32
          %dma_start3A_388 = arith.constant 2 : i32
          %dma_start3A_389 = arith.constant 2 : i32
          %dma_start3A_390 = arith.constant 0 : i32
          %dma_start3A_391 = tpu.memref_slice %arg19[%dma_start3A_388, %dma_start3A_390] : memref<4x80xi32, #tpu.memory_space<vmem>> -> memref<1x80xi32, #tpu.memory_space<vmem>>
          %dma_start3A_392 = tpu.memref_squeeze %dma_start3A_391 : memref<1x80xi32, #tpu.memory_space<vmem>> -> memref<80xi32, #tpu.memory_space<vmem>>
          %dma_start3A_393 = tpu.memref_slice %arg3[%add3A_387] : memref<320000xi32, #tpu.memory_space<hbm>> -> memref<80xi32, #tpu.memory_space<hbm>>
          %dma_start3A_394 = tpu.memref_slice %arg17[%dma_start3A_389] : memref<4x!tpu.dma_semaphore, #tpu.memory_space<semaphore_mem>> -> memref<1x!tpu.dma_semaphore, #tpu.memory_space<semaphore_mem>>
          %dma_start3A_395 = tpu.memref_squeeze %dma_start3A_394 : memref<1x!tpu.dma_semaphore, #tpu.memory_space<semaphore_mem>> -> memref<!tpu.dma_semaphore, #tpu.memory_space<semaphore_mem>>
          %dma_start3A_396 = arith.constant 0 : i32
          %dma_start3A_397 = tpu.memref_slice %arg19[%dma_start3A_388, %dma_start3A_396] : memref<4x80xi32, #tpu.memory_space<vmem>> -> memref<1x80xi32, #tpu.memory_space<vmem>>
          %dma_start3A_398 = tpu.memref_squeeze %dma_start3A_397 : memref<1x80xi32, #tpu.memory_space<vmem>> -> memref<80xi32, #tpu.memory_space<vmem>>
          %dma_start3A_399 = tpu.memref_slice %arg3[%add3A_387] : memref<320000xi32, #tpu.memory_space<hbm>> -> memref<80xi32, #tpu.memory_space<hbm>>
          tpu.enqueue_dma source(%dma_start3A_399 : memref<80xi32, #tpu.memory_space<hbm>>) target(%dma_start3A_398 : memref<80xi32, #tpu.memory_space<vmem>>) target_semaphore(%dma_start3A_395 : memref<!tpu.dma_semaphore, #tpu.memory_space<semaphore_mem>>)
          %dma_start3A_400 = arith.constant 2 : i32
          %dma_start3A_401 = arith.constant 2 : i32
          %dma_start3A_402 = arith.constant 0 : i32
          %dma_start3A_403 = tpu.memref_slice %arg13[%dma_start3A_400, %dma_start3A_402] : memref<4x80xi32, #tpu.memory_space<vmem>> -> memref<1x80xi32, #tpu.memory_space<vmem>>
          %dma_start3A_404 = tpu.memref_squeeze %dma_start3A_403 : memref<1x80xi32, #tpu.memory_space<vmem>> -> memref<80xi32, #tpu.memory_space<vmem>>
          %dma_start3A_405 = tpu.memref_slice %arg4[%add3A_387] : memref<320000xi32, #tpu.memory_space<hbm>> -> memref<80xi32, #tpu.memory_space<hbm>>
          %dma_start3A_406 = tpu.memref_slice %arg17[%dma_start3A_401] : memref<4x!tpu.dma_semaphore, #tpu.memory_space<semaphore_mem>> -> memref<1x!tpu.dma_semaphore, #tpu.memory_space<semaphore_mem>>
          %dma_start3A_407 = tpu.memref_squeeze %dma_start3A_406 : memref<1x!tpu.dma_semaphore, #tpu.memory_space<semaphore_mem>> -> memref<!tpu.dma_semaphore, #tpu.memory_space<semaphore_mem>>
          %dma_start3A_408 = arith.constant 0 : i32
          %dma_start3A_409 = tpu.memref_slice %arg13[%dma_start3A_400, %dma_start3A_408] : memref<4x80xi32, #tpu.memory_space<vmem>> -> memref<1x80xi32, #tpu.memory_space<vmem>>
          %dma_start3A_410 = tpu.memref_squeeze %dma_start3A_409 : memref<1x80xi32, #tpu.memory_space<vmem>> -> memref<80xi32, #tpu.memory_space<vmem>>
          %dma_start3A_411 = tpu.memref_slice %arg4[%add3A_387] : memref<320000xi32, #tpu.memory_space<hbm>> -> memref<80xi32, #tpu.memory_space<hbm>>
          tpu.enqueue_dma source(%dma_start3A_411 : memref<80xi32, #tpu.memory_space<hbm>>) target(%dma_start3A_410 : memref<80xi32, #tpu.memory_space<vmem>>) target_semaphore(%dma_start3A_407 : memref<!tpu.dma_semaphore, #tpu.memory_space<semaphore_mem>>)
        } else {
        }
        %add3A_323 = arith.constant 1 : i32
        %add3A_324 = arith.addi %add3A_282, %add3A_323 : i32
        %lt3A_325 = arith.constant 125 : i32
        %lt3A_326 = arith.cmpi slt, %add3A_324, %lt3A_325 : i32
        %convert_element_type3A_327 = arith.extui %lt3A_326 : i1 to i32
        %cond3A_328 = arith.constant 0 : i32
        %cond3A_329 = arith.cmpi ne, %convert_element_type3A_327, %cond3A_328 : i32
        scf.if %cond3A_329 {
          %add3A_383 = arith.constant 1 : i32
          %add3A_384 = arith.addi %add3A_282, %add3A_383 : i32
          %mul3A_385 = arith.constant 80 : i32
          %mul3A_386 = arith.muli %add3A_384, %mul3A_385 : i32
          %add3A_387 = arith.addi %mul3A_4, %mul3A_386 : i32
          %dma_start3A_388 = arith.constant 1 : i32
          %dma_start3A_389 = arith.constant 1 : i32
          %dma_start3A_390 = arith.constant 0 : i32
          %dma_start3A_391 = arith.constant 0 : i32
          %dma_start3A_392 = tpu.memref_slice %arg14[%dma_start3A_388, %dma_start3A_390, %dma_start3A_391] : memref<2x80x128xf32, #tpu.memory_space<vmem>> -> memref<1x80x128xf32, #tpu.memory_space<vmem>>
          %dma_start3A_393 = tpu.memref_squeeze %dma_start3A_392 : memref<1x80x128xf32, #tpu.memory_space<vmem>> -> memref<80x128xf32, #tpu.memory_space<vmem>>
          %dma_start3A_394 = arith.constant 0 : i32
          %dma_start3A_395 = tpu.memref_slice %arg5[%add3A_387, %dma_start3A_394] : memref<320000x128xf32, #tpu.memory_space<hbm>> -> memref<80x128xf32, #tpu.memory_space<hbm>>
          %dma_start3A_396 = tpu.memref_slice %arg15[%dma_start3A_389] : memref<2x!tpu.dma_semaphore, #tpu.memory_space<semaphore_mem>> -> memref<1x!tpu.dma_semaphore, #tpu.memory_space<semaphore_mem>>
          %dma_start3A_397 = tpu.memref_squeeze %dma_start3A_396 : memref<1x!tpu.dma_semaphore, #tpu.memory_space<semaphore_mem>> -> memref<!tpu.dma_semaphore, #tpu.memory_space<semaphore_mem>>
          %dma_start3A_398 = arith.constant 0 : i32
          %dma_start3A_399 = arith.constant 0 : i32
          %dma_start3A_400 = tpu.memref_slice %arg14[%dma_start3A_388, %dma_start3A_398, %dma_start3A_399] : memref<2x80x128xf32, #tpu.memory_space<vmem>> -> memref<1x80x128xf32, #tpu.memory_space<vmem>>
          %dma_start3A_401 = tpu.memref_squeeze %dma_start3A_400 : memref<1x80x128xf32, #tpu.memory_space<vmem>> -> memref<80x128xf32, #tpu.memory_space<vmem>>
          %dma_start3A_402 = arith.constant 0 : i32
          %dma_start3A_403 = tpu.memref_slice %arg5[%add3A_387, %dma_start3A_402] : memref<320000x128xf32, #tpu.memory_space<hbm>> -> memref<80x128xf32, #tpu.memory_space<hbm>>
          tpu.enqueue_dma source(%dma_start3A_403 : memref<80x128xf32, #tpu.memory_space<hbm>>) target(%dma_start3A_401 : memref<80x128xf32, #tpu.memory_space<vmem>>) target_semaphore(%dma_start3A_397 : memref<!tpu.dma_semaphore, #tpu.memory_space<semaphore_mem>>)
          %dma_wait3A_404 = arith.constant 1 : i32
          %dma_wait3A_405 = arith.constant 1 : i32
          %dma_wait3A_406 = arith.constant 0 : i32
          %dma_wait3A_407 = tpu.memref_slice %arg19[%dma_wait3A_404, %dma_wait3A_406] : memref<4x80xi32, #tpu.memory_space<vmem>> -> memref<1x80xi32, #tpu.memory_space<vmem>>
          %dma_wait3A_408 = tpu.memref_squeeze %dma_wait3A_407 : memref<1x80xi32, #tpu.memory_space<vmem>> -> memref<80xi32, #tpu.memory_space<vmem>>
          %dma_wait3A_409 = arith.constant 0 : i32
          %dma_wait3A_410 = tpu.memref_slice %arg3[%dma_wait3A_409] : memref<320000xi32, #tpu.memory_space<hbm>> -> memref<80xi32, #tpu.memory_space<hbm>>
          %dma_wait3A_411 = tpu.memref_slice %arg17[%dma_wait3A_405] : memref<4x!tpu.dma_semaphore, #tpu.memory_space<semaphore_mem>> -> memref<1x!tpu.dma_semaphore, #tpu.memory_space<semaphore_mem>>
          %dma_wait3A_412 = tpu.memref_squeeze %dma_wait3A_411 : memref<1x!tpu.dma_semaphore, #tpu.memory_space<semaphore_mem>> -> memref<!tpu.dma_semaphore, #tpu.memory_space<semaphore_mem>>
          %dma_wait3A_413 = arith.constant 0 : i32
          %dma_wait3A_414 = tpu.memref_slice %arg19[%dma_wait3A_404, %dma_wait3A_413] : memref<4x80xi32, #tpu.memory_space<vmem>> -> memref<1x80xi32, #tpu.memory_space<vmem>>
          %dma_wait3A_415 = tpu.memref_squeeze %dma_wait3A_414 : memref<1x80xi32, #tpu.memory_space<vmem>> -> memref<80xi32, #tpu.memory_space<vmem>>
          %dma_wait3A_416 = arith.constant 0 : i32
          %dma_wait3A_417 = tpu.memref_slice %arg3[%dma_wait3A_416] : memref<320000xi32, #tpu.memory_space<hbm>> -> memref<80xi32, #tpu.memory_space<hbm>>
          tpu.wait_dma2 semaphore(%dma_wait3A_412 : memref<!tpu.dma_semaphore, #tpu.memory_space<semaphore_mem>>) src(%dma_wait3A_417 : memref<80xi32, #tpu.memory_space<hbm>>) dst(%dma_wait3A_415 : memref<80xi32, #tpu.memory_space<vmem>>)
          %dma_wait3A_418 = arith.constant 1 : i32
          %dma_wait3A_419 = arith.constant 1 : i32
          %dma_wait3A_420 = arith.constant 0 : i32
          %dma_wait3A_421 = tpu.memref_slice %arg13[%dma_wait3A_418, %dma_wait3A_420] : memref<4x80xi32, #tpu.memory_space<vmem>> -> memref<1x80xi32, #tpu.memory_space<vmem>>
          %dma_wait3A_422 = tpu.memref_squeeze %dma_wait3A_421 : memref<1x80xi32, #tpu.memory_space<vmem>> -> memref<80xi32, #tpu.memory_space<vmem>>
          %dma_wait3A_423 = arith.constant 0 : i32
          %dma_wait3A_424 = tpu.memref_slice %arg4[%dma_wait3A_423] : memref<320000xi32, #tpu.memory_space<hbm>> -> memref<80xi32, #tpu.memory_space<hbm>>
          %dma_wait3A_425 = tpu.memref_slice %arg17[%dma_wait3A_419] : memref<4x!tpu.dma_semaphore, #tpu.memory_space<semaphore_mem>> -> memref<1x!tpu.dma_semaphore, #tpu.memory_space<semaphore_mem>>
          %dma_wait3A_426 = tpu.memref_squeeze %dma_wait3A_425 : memref<1x!tpu.dma_semaphore, #tpu.memory_space<semaphore_mem>> -> memref<!tpu.dma_semaphore, #tpu.memory_space<semaphore_mem>>
          %dma_wait3A_427 = arith.constant 0 : i32
          %dma_wait3A_428 = tpu.memref_slice %arg13[%dma_wait3A_418, %dma_wait3A_427] : memref<4x80xi32, #tpu.memory_space<vmem>> -> memref<1x80xi32, #tpu.memory_space<vmem>>
          %dma_wait3A_429 = tpu.memref_squeeze %dma_wait3A_428 : memref<1x80xi32, #tpu.memory_space<vmem>> -> memref<80xi32, #tpu.memory_space<vmem>>
          %dma_wait3A_430 = arith.constant 0 : i32
          %dma_wait3A_431 = tpu.memref_slice %arg4[%dma_wait3A_430] : memref<320000xi32, #tpu.memory_space<hbm>> -> memref<80xi32, #tpu.memory_space<hbm>>
          tpu.wait_dma2 semaphore(%dma_wait3A_426 : memref<!tpu.dma_semaphore, #tpu.memory_space<semaphore_mem>>) src(%dma_wait3A_431 : memref<80xi32, #tpu.memory_space<hbm>>) dst(%dma_wait3A_429 : memref<80xi32, #tpu.memory_space<vmem>>)
          %dma_start3A_432 = arith.constant 1 : i32
          %dma_start3A_433 = arith.constant 1 : i32
          %dma_start3A_434 = arith.constant 1 : i32
          %dma_start3A_435 = arith.constant 0 : i32
          %dma_start3A_436 = arith.constant 0 : i32
          %dma_start3A_437 = tpu.memref_slice %arg18[%dma_start3A_433, %dma_start3A_435, %dma_start3A_436] : memref<2x80x128xf32, #tpu.memory_space<vmem>> -> memref<1x80x128xf32, #tpu.memory_space<vmem>>
          %dma_start3A_438 = tpu.memref_squeeze %dma_start3A_437 : memref<1x80x128xf32, #tpu.memory_space<vmem>> -> memref<80x128xf32, #tpu.memory_space<vmem>>
          %dma_start3A_439 = arith.constant 0 : i32
          %dma_start3A_440 = tpu.memref_slice %arg19[%dma_start3A_432, %dma_start3A_439] : memref<4x80xi32, #tpu.memory_space<vmem>> -> memref<1x80xi32, #tpu.memory_space<vmem>>
          %dma_start3A_441 = tpu.memref_squeeze %dma_start3A_440 : memref<1x80xi32, #tpu.memory_space<vmem>> -> memref<80xi32, #tpu.memory_space<vmem>>
          %dma_start3A_442 = arith.constant 0 : i32
          %dma_start3A_443 = arith.constant 0 : i32
          %dma_start3A_444 = tpu.memref_slice %arg2[%dma_start3A_442, %dma_start3A_443] : memref<10000x128xf32, #tpu.memory_space<hbm>> -> memref<10000x128xf32, #tpu.memory_space<hbm>>
          %dma_start3A_445 = tpu.memref_slice %arg16[%dma_start3A_434] : memref<2x!tpu.dma_semaphore, #tpu.memory_space<semaphore_mem>> -> memref<1x!tpu.dma_semaphore, #tpu.memory_space<semaphore_mem>>
          %dma_start3A_446 = tpu.memref_squeeze %dma_start3A_445 : memref<1x!tpu.dma_semaphore, #tpu.memory_space<semaphore_mem>> -> memref<!tpu.dma_semaphore, #tpu.memory_space<semaphore_mem>>
          tpu.enqueue_indirect_dma source(%dma_start3A_444 : memref<10000x128xf32, #tpu.memory_space<hbm>>) target(%dma_start3A_438 : memref<80x128xf32, #tpu.memory_space<vmem>>) offsets(%dma_start3A_441 : memref<80xi32, #tpu.memory_space<vmem>>) semaphore(%dma_start3A_446 : memref<!tpu.dma_semaphore, #tpu.memory_space<semaphore_mem>>)
        } else {
        }
        %dma_wait3A_330 = arith.constant 0 : i32
        %dma_wait3A_331 = arith.constant 0 : i32
        %dma_wait3A_332 = arith.constant 0 : i32
        %dma_wait3A_333 = arith.constant 0 : i32
        %dma_wait3A_334 = arith.constant 0 : i32
        %dma_wait3A_335 = tpu.memref_slice %arg18[%dma_wait3A_331, %dma_wait3A_333, %dma_wait3A_334] : memref<2x80x128xf32, #tpu.memory_space<vmem>> -> memref<1x80x128xf32, #tpu.memory_space<vmem>>
        %dma_wait3A_336 = tpu.memref_squeeze %dma_wait3A_335 : memref<1x80x128xf32, #tpu.memory_space<vmem>> -> memref<80x128xf32, #tpu.memory_space<vmem>>
        %dma_wait3A_337 = arith.constant 0 : i32
        %dma_wait3A_338 = tpu.memref_slice %arg19[%dma_wait3A_330, %dma_wait3A_337] : memref<4x80xi32, #tpu.memory_space<vmem>> -> memref<1x80xi32, #tpu.memory_space<vmem>>
        %dma_wait3A_339 = tpu.memref_squeeze %dma_wait3A_338 : memref<1x80xi32, #tpu.memory_space<vmem>> -> memref<80xi32, #tpu.memory_space<vmem>>
        %dma_wait3A_340 = arith.constant 0 : i32
        %dma_wait3A_341 = arith.constant 0 : i32
        %dma_wait3A_342 = tpu.memref_slice %arg2[%dma_wait3A_340, %dma_wait3A_341] : memref<10000x128xf32, #tpu.memory_space<hbm>> -> memref<10000x128xf32, #tpu.memory_space<hbm>>
        %dma_wait3A_343 = tpu.memref_slice %arg16[%dma_wait3A_332] : memref<2x!tpu.dma_semaphore, #tpu.memory_space<semaphore_mem>> -> memref<1x!tpu.dma_semaphore, #tpu.memory_space<semaphore_mem>>
        %dma_wait3A_344 = tpu.memref_squeeze %dma_wait3A_343 : memref<1x!tpu.dma_semaphore, #tpu.memory_space<semaphore_mem>> -> memref<!tpu.dma_semaphore, #tpu.memory_space<semaphore_mem>>
        tpu.wait_indirect_dma semaphore(%dma_wait3A_344 : memref<!tpu.dma_semaphore, #tpu.memory_space<semaphore_mem>>) src(%dma_wait3A_342 : memref<10000x128xf32, #tpu.memory_space<hbm>>) dst(%dma_wait3A_336 : memref<80x128xf32, #tpu.memory_space<vmem>>)
        %dma_wait3A_345 = arith.constant 0 : i32
        %dma_wait3A_346 = arith.constant 0 : i32
        %dma_wait3A_347 = arith.constant 0 : i32
        %dma_wait3A_348 = arith.constant 0 : i32
        %dma_wait3A_349 = tpu.memref_slice %arg14[%dma_wait3A_345, %dma_wait3A_347, %dma_wait3A_348] : memref<2x80x128xf32, #tpu.memory_space<vmem>> -> memref<1x80x128xf32, #tpu.memory_space<vmem>>
        %dma_wait3A_350 = tpu.memref_squeeze %dma_wait3A_349 : memref<1x80x128xf32, #tpu.memory_space<vmem>> -> memref<80x128xf32, #tpu.memory_space<vmem>>
        %dma_wait3A_351 = arith.constant 0 : i32
        %dma_wait3A_352 = arith.constant 0 : i32
        %dma_wait3A_353 = tpu.memref_slice %arg5[%dma_wait3A_351, %dma_wait3A_352] : memref<320000x128xf32, #tpu.memory_space<hbm>> -> memref<80x128xf32, #tpu.memory_space<hbm>>
        %dma_wait3A_354 = tpu.memref_slice %arg15[%dma_wait3A_346] : memref<2x!tpu.dma_semaphore, #tpu.memory_space<semaphore_mem>> -> memref<1x!tpu.dma_semaphore, #tpu.memory_space<semaphore_mem>>
        %dma_wait3A_355 = tpu.memref_squeeze %dma_wait3A_354 : memref<1x!tpu.dma_semaphore, #tpu.memory_space<semaphore_mem>> -> memref<!tpu.dma_semaphore, #tpu.memory_space<semaphore_mem>>
        %dma_wait3A_356 = arith.constant 0 : i32
        %dma_wait3A_357 = arith.constant 0 : i32
        %dma_wait3A_358 = tpu.memref_slice %arg14[%dma_wait3A_345, %dma_wait3A_356, %dma_wait3A_357] : memref<2x80x128xf32, #tpu.memory_space<vmem>> -> memref<1x80x128xf32, #tpu.memory_space<vmem>>
        %dma_wait3A_359 = tpu.memref_squeeze %dma_wait3A_358 : memref<1x80x128xf32, #tpu.memory_space<vmem>> -> memref<80x128xf32, #tpu.memory_space<vmem>>
        %dma_wait3A_360 = arith.constant 0 : i32
        %dma_wait3A_361 = arith.constant 0 : i32
        %dma_wait3A_362 = tpu.memref_slice %arg5[%dma_wait3A_360, %dma_wait3A_361] : memref<320000x128xf32, #tpu.memory_space<hbm>> -> memref<80x128xf32, #tpu.memory_space<hbm>>
        tpu.wait_dma2 semaphore(%dma_wait3A_355 : memref<!tpu.dma_semaphore, #tpu.memory_space<semaphore_mem>>) src(%dma_wait3A_362 : memref<80x128xf32, #tpu.memory_space<hbm>>) dst(%dma_wait3A_359 : memref<80x128xf32, #tpu.memory_space<vmem>>)
        %scan3A_363 = arith.constant 0 : i32
        %scan3A_364 = arith.constant 80 : i32
        %scan3A_365 = arith.addi %scan3A_363, %scan3A_364 : i32
        %scan3A_366 = arith.constant 1 : i32
        scf.for %scan3A_383 = %scan3A_363 to %scan3A_365 step %scan3A_366  : i32 {
          %mul3A_384 = arith.constant 1 : i32
          %mul3A_385 = arith.muli %scan3A_383, %mul3A_384 : i32
          %add3A_386 = arith.constant 0 : i32
          %add3A_387 = arith.addi %add3A_386, %mul3A_385 : i32
          %get3A = arith.constant 0 : i32
          %get3A_388 = arith.index_cast %get3A : i32 to index
          %get3A_389 = arith.index_cast %add3A_387 : i32 to index
          %get3A_390 = arith.constant 0 : index
          %get3A_391 = tpu.vector_load %arg18[%get3A_388, %get3A_389, %get3A_390] {strides = array<i32>} : memref<2x80x128xf32, #tpu.memory_space<vmem>>, vector<1x1x16xf32>,
          %get3A_392 = vector.shape_cast %get3A_391 : vector<1x1x16xf32> to vector<16xf32>
          %get3A_393 = arith.constant 0 : i32
          %get3A_394 = arith.index_cast %get3A_393 : i32 to index
          %get3A_395 = arith.index_cast %add3A_387 : i32 to index
          %get3A_396 = arith.constant 0 : index
          %get3A_397 = tpu.vector_load %arg14[%get3A_394, %get3A_395, %get3A_396] {strides = array<i32>} : memref<2x80x128xf32, #tpu.memory_space<vmem>>, vector<1x1x16xf32>,
          %get3A_398 = vector.shape_cast %get3A_397 : vector<1x1x16xf32> to vector<16xf32>
          %add3A_399 = arith.addf %get3A_392, %get3A_398 : vector<16xf32>
          %max3A = arith.constant 0.000000e+00 : f32
          %max3A_400 = vector.broadcast %max3A : f32 to vector<16xf32>
          %max3A_401 = arith.maximumf %add3A_399, %max3A_400 : vector<16xf32>
          %swap3A = arith.constant 0 : i32
          %swap3A_402 = arith.index_cast %swap3A : i32 to index
          %swap3A_403 = arith.index_cast %add3A_387 : i32 to index
          %swap3A_404 = arith.constant 0 : index
          %swap3A_405 = tpu.vector_load %arg18[%swap3A_402, %swap3A_403, %swap3A_404] {strides = array<i32>} : memref<2x80x128xf32, #tpu.memory_space<vmem>>, vector<1x1x16xf32>,
          %swap3A_406 = vector.shape_cast %swap3A_405 : vector<1x1x16xf32> to vector<16xf32>
          %swap3A_407 = vector.shape_cast %max3A_401 : vector<16xf32> to vector<1x1x16xf32>
          tpu.vector_store %arg18[%swap3A_402, %swap3A_403, %swap3A_404], %swap3A_407 {strides = array<i32>} : memref<2x80x128xf32, #tpu.memory_space<vmem>>, vector<1x1x16xf32>,
          %get3A_408 = arith.constant 0 : i32
          %get3A_409 = arith.index_cast %get3A_408 : i32 to index
          %get3A_410 = arith.index_cast %add3A_387 : i32 to index
          %get3A_411 = arith.constant 16 : index
          %get3A_412 = tpu.vector_load %arg18[%get3A_409, %get3A_410, %get3A_411] {strides = array<i32>} : memref<2x80x128xf32, #tpu.memory_space<vmem>>, vector<1x1x16xf32>,
          %get3A_413 = vector.shape_cast %get3A_412 : vector<1x1x16xf32> to vector<16xf32>
          %get3A_414 = arith.constant 0 : i32
          %get3A_415 = arith.index_cast %get3A_414 : i32 to index
          %get3A_416 = arith.index_cast %add3A_387 : i32 to index
          %get3A_417 = arith.constant 16 : index
          %get3A_418 = tpu.vector_load %arg14[%get3A_415, %get3A_416, %get3A_417] {strides = array<i32>} : memref<2x80x128xf32, #tpu.memory_space<vmem>>, vector<1x1x16xf32>,
          %get3A_419 = vector.shape_cast %get3A_418 : vector<1x1x16xf32> to vector<16xf32>
          %add3A_420 = arith.addf %get3A_413, %get3A_419 : vector<16xf32>
          %max3A_421 = arith.constant 0.000000e+00 : f32
          %max3A_422 = vector.broadcast %max3A_421 : f32 to vector<16xf32>
          %max3A_423 = arith.maximumf %add3A_420, %max3A_422 : vector<16xf32>
          %swap3A_424 = arith.constant 0 : i32
          %swap3A_425 = arith.index_cast %swap3A_424 : i32 to index
          %swap3A_426 = arith.index_cast %add3A_387 : i32 to index
          %swap3A_427 = arith.constant 16 : index
          %swap3A_428 = tpu.vector_load %arg18[%swap3A_425, %swap3A_426, %swap3A_427] {strides = array<i32>} : memref<2x80x128xf32, #tpu.memory_space<vmem>>, vector<1x1x16xf32>,
          %swap3A_429 = vector.shape_cast %swap3A_428 : vector<1x1x16xf32> to vector<16xf32>
          %swap3A_430 = vector.shape_cast %max3A_423 : vector<16xf32> to vector<1x1x16xf32>
          tpu.vector_store %arg18[%swap3A_425, %swap3A_426, %swap3A_427], %swap3A_430 {strides = array<i32>} : memref<2x80x128xf32, #tpu.memory_space<vmem>>, vector<1x1x16xf32>,
          %get3A_431 = arith.constant 0 : i32
          %get3A_432 = arith.index_cast %get3A_431 : i32 to index
          %get3A_433 = arith.index_cast %add3A_387 : i32 to index
          %get3A_434 = arith.constant 32 : index
          %get3A_435 = tpu.vector_load %arg18[%get3A_432, %get3A_433, %get3A_434] {strides = array<i32>} : memref<2x80x128xf32, #tpu.memory_space<vmem>>, vector<1x1x16xf32>,
          %get3A_436 = vector.shape_cast %get3A_435 : vector<1x1x16xf32> to vector<16xf32>
          %get3A_437 = arith.constant 0 : i32
          %get3A_438 = arith.index_cast %get3A_437 : i32 to index
          %get3A_439 = arith.index_cast %add3A_387 : i32 to index
          %get3A_440 = arith.constant 32 : index
          %get3A_441 = tpu.vector_load %arg14[%get3A_438, %get3A_439, %get3A_440] {strides = array<i32>} : memref<2x80x128xf32, #tpu.memory_space<vmem>>, vector<1x1x16xf32>,
          %get3A_442 = vector.shape_cast %get3A_441 : vector<1x1x16xf32> to vector<16xf32>
          %add3A_443 = arith.addf %get3A_436, %get3A_442 : vector<16xf32>
          %max3A_444 = arith.constant 0.000000e+00 : f32
          %max3A_445 = vector.broadcast %max3A_444 : f32 to vector<16xf32>
          %max3A_446 = arith.maximumf %add3A_443, %max3A_445 : vector<16xf32>
          %swap3A_447 = arith.constant 0 : i32
          %swap3A_448 = arith.index_cast %swap3A_447 : i32 to index
          %swap3A_449 = arith.index_cast %add3A_387 : i32 to index
          %swap3A_450 = arith.constant 32 : index
          %swap3A_451 = tpu.vector_load %arg18[%swap3A_448, %swap3A_449, %swap3A_450] {strides = array<i32>} : memref<2x80x128xf32, #tpu.memory_space<vmem>>, vector<1x1x16xf32>,
          %swap3A_452 = vector.shape_cast %swap3A_451 : vector<1x1x16xf32> to vector<16xf32>
          %swap3A_453 = vector.shape_cast %max3A_446 : vector<16xf32> to vector<1x1x16xf32>
          tpu.vector_store %arg18[%swap3A_448, %swap3A_449, %swap3A_450], %swap3A_453 {strides = array<i32>} : memref<2x80x128xf32, #tpu.memory_space<vmem>>, vector<1x1x16xf32>,
          %get3A_454 = arith.constant 0 : i32
          %get3A_455 = arith.index_cast %get3A_454 : i32 to index
          %get3A_456 = arith.index_cast %add3A_387 : i32 to index
          %get3A_457 = arith.constant 48 : index
          %get3A_458 = tpu.vector_load %arg18[%get3A_455, %get3A_456, %get3A_457] {strides = array<i32>} : memref<2x80x128xf32, #tpu.memory_space<vmem>>, vector<1x1x16xf32>,
          %get3A_459 = vector.shape_cast %get3A_458 : vector<1x1x16xf32> to vector<16xf32>
          %get3A_460 = arith.constant 0 : i32
          %get3A_461 = arith.index_cast %get3A_460 : i32 to index
          %get3A_462 = arith.index_cast %add3A_387 : i32 to index
          %get3A_463 = arith.constant 48 : index
          %get3A_464 = tpu.vector_load %arg14[%get3A_461, %get3A_462, %get3A_463] {strides = array<i32>} : memref<2x80x128xf32, #tpu.memory_space<vmem>>, vector<1x1x16xf32>,
          %get3A_465 = vector.shape_cast %get3A_464 : vector<1x1x16xf32> to vector<16xf32>
          %add3A_466 = arith.addf %get3A_459, %get3A_465 : vector<16xf32>
          %max3A_467 = arith.constant 0.000000e+00 : f32
          %max3A_468 = vector.broadcast %max3A_467 : f32 to vector<16xf32>
          %max3A_469 = arith.maximumf %add3A_466, %max3A_468 : vector<16xf32>
          %swap3A_470 = arith.constant 0 : i32
          %swap3A_471 = arith.index_cast %swap3A_470 : i32 to index
          %swap3A_472 = arith.index_cast %add3A_387 : i32 to index
          %swap3A_473 = arith.constant 48 : index
          %swap3A_474 = tpu.vector_load %arg18[%swap3A_471, %swap3A_472, %swap3A_473] {strides = array<i32>} : memref<2x80x128xf32, #tpu.memory_space<vmem>>, vector<1x1x16xf32>,
          %swap3A_475 = vector.shape_cast %swap3A_474 : vector<1x1x16xf32> to vector<16xf32>
          %swap3A_476 = vector.shape_cast %max3A_469 : vector<16xf32> to vector<1x1x16xf32>
          tpu.vector_store %arg18[%swap3A_471, %swap3A_472, %swap3A_473], %swap3A_476 {strides = array<i32>} : memref<2x80x128xf32, #tpu.memory_space<vmem>>, vector<1x1x16xf32>,
          %get3A_477 = arith.constant 0 : i32
          %get3A_478 = arith.index_cast %get3A_477 : i32 to index
          %get3A_479 = arith.index_cast %add3A_387 : i32 to index
          %get3A_480 = arith.constant 64 : index
          %get3A_481 = tpu.vector_load %arg18[%get3A_478, %get3A_479, %get3A_480] {strides = array<i32>} : memref<2x80x128xf32, #tpu.memory_space<vmem>>, vector<1x1x16xf32>,
          %get3A_482 = vector.shape_cast %get3A_481 : vector<1x1x16xf32> to vector<16xf32>
          %get3A_483 = arith.constant 0 : i32
          %get3A_484 = arith.index_cast %get3A_483 : i32 to index
          %get3A_485 = arith.index_cast %add3A_387 : i32 to index
          %get3A_486 = arith.constant 64 : index
          %get3A_487 = tpu.vector_load %arg14[%get3A_484, %get3A_485, %get3A_486] {strides = array<i32>} : memref<2x80x128xf32, #tpu.memory_space<vmem>>, vector<1x1x16xf32>,
          %get3A_488 = vector.shape_cast %get3A_487 : vector<1x1x16xf32> to vector<16xf32>
          %add3A_489 = arith.addf %get3A_482, %get3A_488 : vector<16xf32>
          %max3A_490 = arith.constant 0.000000e+00 : f32
          %max3A_491 = vector.broadcast %max3A_490 : f32 to vector<16xf32>
          %max3A_492 = arith.maximumf %add3A_489, %max3A_491 : vector<16xf32>
          %swap3A_493 = arith.constant 0 : i32
          %swap3A_494 = arith.index_cast %swap3A_493 : i32 to index
          %swap3A_495 = arith.index_cast %add3A_387 : i32 to index
          %swap3A_496 = arith.constant 64 : index
          %swap3A_497 = tpu.vector_load %arg18[%swap3A_494, %swap3A_495, %swap3A_496] {strides = array<i32>} : memref<2x80x128xf32, #tpu.memory_space<vmem>>, vector<1x1x16xf32>,
          %swap3A_498 = vector.shape_cast %swap3A_497 : vector<1x1x16xf32> to vector<16xf32>
          %swap3A_499 = vector.shape_cast %max3A_492 : vector<16xf32> to vector<1x1x16xf32>
          tpu.vector_store %arg18[%swap3A_494, %swap3A_495, %swap3A_496], %swap3A_499 {strides = array<i32>} : memref<2x80x128xf32, #tpu.memory_space<vmem>>, vector<1x1x16xf32>,
          %get3A_500 = arith.constant 0 : i32
          %get3A_501 = arith.index_cast %get3A_500 : i32 to index
          %get3A_502 = arith.index_cast %add3A_387 : i32 to index
          %get3A_503 = arith.constant 80 : index
          %get3A_504 = tpu.vector_load %arg18[%get3A_501, %get3A_502, %get3A_503] {strides = array<i32>} : memref<2x80x128xf32, #tpu.memory_space<vmem>>, vector<1x1x16xf32>,
          %get3A_505 = vector.shape_cast %get3A_504 : vector<1x1x16xf32> to vector<16xf32>
          %get3A_506 = arith.constant 0 : i32
          %get3A_507 = arith.index_cast %get3A_506 : i32 to index
          %get3A_508 = arith.index_cast %add3A_387 : i32 to index
          %get3A_509 = arith.constant 80 : index
          %get3A_510 = tpu.vector_load %arg14[%get3A_507, %get3A_508, %get3A_509] {strides = array<i32>} : memref<2x80x128xf32, #tpu.memory_space<vmem>>, vector<1x1x16xf32>,
          %get3A_511 = vector.shape_cast %get3A_510 : vector<1x1x16xf32> to vector<16xf32>
          %add3A_512 = arith.addf %get3A_505, %get3A_511 : vector<16xf32>
          %max3A_513 = arith.constant 0.000000e+00 : f32
          %max3A_514 = vector.broadcast %max3A_513 : f32 to vector<16xf32>
          %max3A_515 = arith.maximumf %add3A_512, %max3A_514 : vector<16xf32>
          %swap3A_516 = arith.constant 0 : i32
          %swap3A_517 = arith.index_cast %swap3A_516 : i32 to index
          %swap3A_518 = arith.index_cast %add3A_387 : i32 to index
          %swap3A_519 = arith.constant 80 : index
          %swap3A_520 = tpu.vector_load %arg18[%swap3A_517, %swap3A_518, %swap3A_519] {strides = array<i32>} : memref<2x80x128xf32, #tpu.memory_space<vmem>>, vector<1x1x16xf32>,
          %swap3A_521 = vector.shape_cast %swap3A_520 : vector<1x1x16xf32> to vector<16xf32>
          %swap3A_522 = vector.shape_cast %max3A_515 : vector<16xf32> to vector<1x1x16xf32>
          tpu.vector_store %arg18[%swap3A_517, %swap3A_518, %swap3A_519], %swap3A_522 {strides = array<i32>} : memref<2x80x128xf32, #tpu.memory_space<vmem>>, vector<1x1x16xf32>,
          %get3A_523 = arith.constant 0 : i32
          %get3A_524 = arith.index_cast %get3A_523 : i32 to index
          %get3A_525 = arith.index_cast %add3A_387 : i32 to index
          %get3A_526 = arith.constant 96 : index
          %get3A_527 = tpu.vector_load %arg18[%get3A_524, %get3A_525, %get3A_526] {strides = array<i32>} : memref<2x80x128xf32, #tpu.memory_space<vmem>>, vector<1x1x16xf32>,
          %get3A_528 = vector.shape_cast %get3A_527 : vector<1x1x16xf32> to vector<16xf32>
          %get3A_529 = arith.constant 0 : i32
          %get3A_530 = arith.index_cast %get3A_529 : i32 to index
          %get3A_531 = arith.index_cast %add3A_387 : i32 to index
          %get3A_532 = arith.constant 96 : index
          %get3A_533 = tpu.vector_load %arg14[%get3A_530, %get3A_531, %get3A_532] {strides = array<i32>} : memref<2x80x128xf32, #tpu.memory_space<vmem>>, vector<1x1x16xf32>,
          %get3A_534 = vector.shape_cast %get3A_533 : vector<1x1x16xf32> to vector<16xf32>
          %add3A_535 = arith.addf %get3A_528, %get3A_534 : vector<16xf32>
          %max3A_536 = arith.constant 0.000000e+00 : f32
          %max3A_537 = vector.broadcast %max3A_536 : f32 to vector<16xf32>
          %max3A_538 = arith.maximumf %add3A_535, %max3A_537 : vector<16xf32>
          %swap3A_539 = arith.constant 0 : i32
          %swap3A_540 = arith.index_cast %swap3A_539 : i32 to index
          %swap3A_541 = arith.index_cast %add3A_387 : i32 to index
          %swap3A_542 = arith.constant 96 : index
          %swap3A_543 = tpu.vector_load %arg18[%swap3A_540, %swap3A_541, %swap3A_542] {strides = array<i32>} : memref<2x80x128xf32, #tpu.memory_space<vmem>>, vector<1x1x16xf32>,
          %swap3A_544 = vector.shape_cast %swap3A_543 : vector<1x1x16xf32> to vector<16xf32>
          %swap3A_545 = vector.shape_cast %max3A_538 : vector<16xf32> to vector<1x1x16xf32>
          tpu.vector_store %arg18[%swap3A_540, %swap3A_541, %swap3A_542], %swap3A_545 {strides = array<i32>} : memref<2x80x128xf32, #tpu.memory_space<vmem>>, vector<1x1x16xf32>,
          %get3A_546 = arith.constant 0 : i32
          %get3A_547 = arith.index_cast %get3A_546 : i32 to index
          %get3A_548 = arith.index_cast %add3A_387 : i32 to index
          %get3A_549 = arith.constant 112 : index
          %get3A_550 = tpu.vector_load %arg18[%get3A_547, %get3A_548, %get3A_549] {strides = array<i32>} : memref<2x80x128xf32, #tpu.memory_space<vmem>>, vector<1x1x16xf32>,
          %get3A_551 = vector.shape_cast %get3A_550 : vector<1x1x16xf32> to vector<16xf32>
          %get3A_552 = arith.constant 0 : i32
          %get3A_553 = arith.index_cast %get3A_552 : i32 to index
          %get3A_554 = arith.index_cast %add3A_387 : i32 to index
          %get3A_555 = arith.constant 112 : index
          %get3A_556 = tpu.vector_load %arg14[%get3A_553, %get3A_554, %get3A_555] {strides = array<i32>} : memref<2x80x128xf32, #tpu.memory_space<vmem>>, vector<1x1x16xf32>,
          %get3A_557 = vector.shape_cast %get3A_556 : vector<1x1x16xf32> to vector<16xf32>
          %add3A_558 = arith.addf %get3A_551, %get3A_557 : vector<16xf32>
          %max3A_559 = arith.constant 0.000000e+00 : f32
          %max3A_560 = vector.broadcast %max3A_559 : f32 to vector<16xf32>
          %max3A_561 = arith.maximumf %add3A_558, %max3A_560 : vector<16xf32>
          %swap3A_562 = arith.constant 0 : i32
          %swap3A_563 = arith.index_cast %swap3A_562 : i32 to index
          %swap3A_564 = arith.index_cast %add3A_387 : i32 to index
          %swap3A_565 = arith.constant 112 : index
          %swap3A_566 = tpu.vector_load %arg18[%swap3A_563, %swap3A_564, %swap3A_565] {strides = array<i32>} : memref<2x80x128xf32, #tpu.memory_space<vmem>>, vector<1x1x16xf32>,
          %swap3A_567 = vector.shape_cast %swap3A_566 : vector<1x1x16xf32> to vector<16xf32>
          %swap3A_568 = vector.shape_cast %max3A_561 : vector<16xf32> to vector<1x1x16xf32>
          tpu.vector_store %arg18[%swap3A_563, %swap3A_564, %swap3A_565], %swap3A_568 {strides = array<i32>} : memref<2x80x128xf32, #tpu.memory_space<vmem>>, vector<1x1x16xf32>,
        }
        %scan3A_367 = arith.constant 80 : i32
        %dma_start3A_368 = arith.constant 0 : i32
        %dma_start3A_369 = arith.constant 0 : i32
        %dma_start3A_370 = arith.constant 0 : i32
        %dma_start3A_371 = arith.constant 0 : i32
        %dma_start3A_372 = arith.constant 0 : i32
        %dma_start3A_373 = tpu.memref_slice %arg18[%dma_start3A_368, %dma_start3A_371, %dma_start3A_372] : memref<2x80x128xf32, #tpu.memory_space<vmem>> -> memref<1x80x128xf32, #tpu.memory_space<vmem>>
        %dma_start3A_374 = tpu.memref_squeeze %dma_start3A_373 : memref<1x80x128xf32, #tpu.memory_space<vmem>> -> memref<80x128xf32, #tpu.memory_space<vmem>>
        %dma_start3A_375 = arith.constant 0 : i32
        %dma_start3A_376 = tpu.memref_slice %arg13[%dma_start3A_369, %dma_start3A_375] : memref<4x80xi32, #tpu.memory_space<vmem>> -> memref<1x80xi32, #tpu.memory_space<vmem>>
        %dma_start3A_377 = tpu.memref_squeeze %dma_start3A_376 : memref<1x80xi32, #tpu.memory_space<vmem>> -> memref<80xi32, #tpu.memory_space<vmem>>
        %dma_start3A_378 = arith.constant 0 : i32
        %dma_start3A_379 = arith.constant 0 : i32
        %dma_start3A_380 = tpu.memref_slice %arg12[%dma_start3A_378, %dma_start3A_379] : memref<10112x128xf32, #tpu.memory_space<vmem_shared>> -> memref<10112x128xf32, #tpu.memory_space<vmem_shared>>
        %dma_start3A_381 = tpu.memref_slice %arg20[%dma_start3A_370] : memref<2x!tpu.dma_semaphore, #tpu.memory_space<semaphore_mem>> -> memref<1x!tpu.dma_semaphore, #tpu.memory_space<semaphore_mem>>
        %dma_start3A_382 = tpu.memref_squeeze %dma_start3A_381 : memref<1x!tpu.dma_semaphore, #tpu.memory_space<semaphore_mem>> -> memref<!tpu.dma_semaphore, #tpu.memory_space<semaphore_mem>>
        tpu.enqueue_indirect_dma source(%dma_start3A_374 : memref<80x128xf32, #tpu.memory_space<vmem>>) target(%dma_start3A_380 : memref<10112x128xf32, #tpu.memory_space<vmem_shared>>) offsets(%dma_start3A_377 : memref<80xi32, #tpu.memory_space<vmem>>) semaphore(%dma_start3A_382 : memref<!tpu.dma_semaphore, #tpu.memory_space<semaphore_mem>>) {add = true}
      } else {
      }
      %mul3A_285 = arith.constant 4 : i32
      %mul3A_286 = arith.muli %add3A_278, %mul3A_285 : i32
      %add3A_287 = arith.constant 1 : i32
      %add3A_288 = arith.addi %mul3A_286, %add3A_287 : i32
      %lt3A_289 = arith.constant 125 : i32
      %lt3A_290 = arith.cmpi slt, %add3A_288, %lt3A_289 : i32
      %convert_element_type3A_291 = arith.extui %lt3A_290 : i1 to i32
      %cond3A_292 = arith.constant 0 : i32
      %cond3A_293 = arith.cmpi ne, %convert_element_type3A_291, %cond3A_292 : i32
      scf.if %cond3A_293 {
        %ge3A = arith.constant 1 : i32
        %ge3A_312 = arith.cmpi sge, %add3A_288, %ge3A : i32
        %convert_element_type3A_313 = arith.extui %ge3A_312 : i1 to i32
        %cond3A_314 = arith.constant 0 : i32
        %cond3A_315 = arith.cmpi ne, %convert_element_type3A_313, %cond3A_314 : i32
        scf.if %cond3A_315 {
          %dma_wait3A_383 = arith.constant 0 : i32
          %dma_wait3A_384 = arith.constant 0 : i32
          %dma_wait3A_385 = arith.constant 0 : i32
          %dma_wait3A_386 = arith.constant 0 : i32
          %dma_wait3A_387 = arith.constant 0 : i32
          %dma_wait3A_388 = tpu.memref_slice %arg18[%dma_wait3A_383, %dma_wait3A_386, %dma_wait3A_387] : memref<2x80x128xf32, #tpu.memory_space<vmem>> -> memref<1x80x128xf32, #tpu.memory_space<vmem>>
          %dma_wait3A_389 = tpu.memref_squeeze %dma_wait3A_388 : memref<1x80x128xf32, #tpu.memory_space<vmem>> -> memref<80x128xf32, #tpu.memory_space<vmem>>
          %dma_wait3A_390 = arith.constant 0 : i32
          %dma_wait3A_391 = tpu.memref_slice %arg13[%dma_wait3A_384, %dma_wait3A_390] : memref<4x80xi32, #tpu.memory_space<vmem>> -> memref<1x80xi32, #tpu.memory_space<vmem>>
          %dma_wait3A_392 = tpu.memref_squeeze %dma_wait3A_391 : memref<1x80xi32, #tpu.memory_space<vmem>> -> memref<80xi32, #tpu.memory_space<vmem>>
          %dma_wait3A_393 = arith.constant 0 : i32
          %dma_wait3A_394 = arith.constant 0 : i32
          %dma_wait3A_395 = tpu.memref_slice %arg12[%dma_wait3A_393, %dma_wait3A_394] : memref<10112x128xf32, #tpu.memory_space<vmem_shared>> -> memref<10112x128xf32, #tpu.memory_space<vmem_shared>>
          %dma_wait3A_396 = tpu.memref_slice %arg20[%dma_wait3A_385] : memref<2x!tpu.dma_semaphore, #tpu.memory_space<semaphore_mem>> -> memref<1x!tpu.dma_semaphore, #tpu.memory_space<semaphore_mem>>
          %dma_wait3A_397 = tpu.memref_squeeze %dma_wait3A_396 : memref<1x!tpu.dma_semaphore, #tpu.memory_space<semaphore_mem>> -> memref<!tpu.dma_semaphore, #tpu.memory_space<semaphore_mem>>
          tpu.wait_indirect_dma semaphore(%dma_wait3A_397 : memref<!tpu.dma_semaphore, #tpu.memory_space<semaphore_mem>>) src(%dma_wait3A_389 : memref<80x128xf32, #tpu.memory_space<vmem>>) dst(%dma_wait3A_395 : memref<10112x128xf32, #tpu.memory_space<vmem_shared>>)
        } else {
        }
        %add3A_316 = arith.constant 2 : i32
        %add3A_317 = arith.addi %add3A_288, %add3A_316 : i32
        %lt3A_318 = arith.constant 125 : i32
        %lt3A_319 = arith.cmpi slt, %add3A_317, %lt3A_318 : i32
        %convert_element_type3A_320 = arith.extui %lt3A_319 : i1 to i32
        %cond3A_321 = arith.constant 0 : i32
        %cond3A_322 = arith.cmpi ne, %convert_element_type3A_320, %cond3A_321 : i32
        scf.if %cond3A_322 {
          %add3A_383 = arith.constant 2 : i32
          %add3A_384 = arith.addi %add3A_288, %add3A_383 : i32
          %mul3A_385 = arith.constant 80 : i32
          %mul3A_386 = arith.muli %add3A_384, %mul3A_385 : i32
          %add3A_387 = arith.addi %mul3A_4, %mul3A_386 : i32
          %dma_start3A_388 = arith.constant 3 : i32
          %dma_start3A_389 = arith.constant 3 : i32
          %dma_start3A_390 = arith.constant 0 : i32
          %dma_start3A_391 = tpu.memref_slice %arg19[%dma_start3A_388, %dma_start3A_390] : memref<4x80xi32, #tpu.memory_space<vmem>> -> memref<1x80xi32, #tpu.memory_space<vmem>>
          %dma_start3A_392 = tpu.memref_squeeze %dma_start3A_391 : memref<1x80xi32, #tpu.memory_space<vmem>> -> memref<80xi32, #tpu.memory_space<vmem>>
          %dma_start3A_393 = tpu.memref_slice %arg3[%add3A_387] : memref<320000xi32, #tpu.memory_space<hbm>> -> memref<80xi32, #tpu.memory_space<hbm>>
          %dma_start3A_394 = tpu.memref_slice %arg17[%dma_start3A_389] : memref<4x!tpu.dma_semaphore, #tpu.memory_space<semaphore_mem>> -> memref<1x!tpu.dma_semaphore, #tpu.memory_space<semaphore_mem>>
          %dma_start3A_395 = tpu.memref_squeeze %dma_start3A_394 : memref<1x!tpu.dma_semaphore, #tpu.memory_space<semaphore_mem>> -> memref<!tpu.dma_semaphore, #tpu.memory_space<semaphore_mem>>
          %dma_start3A_396 = arith.constant 0 : i32
          %dma_start3A_397 = tpu.memref_slice %arg19[%dma_start3A_388, %dma_start3A_396] : memref<4x80xi32, #tpu.memory_space<vmem>> -> memref<1x80xi32, #tpu.memory_space<vmem>>
          %dma_start3A_398 = tpu.memref_squeeze %dma_start3A_397 : memref<1x80xi32, #tpu.memory_space<vmem>> -> memref<80xi32, #tpu.memory_space<vmem>>
          %dma_start3A_399 = tpu.memref_slice %arg3[%add3A_387] : memref<320000xi32, #tpu.memory_space<hbm>> -> memref<80xi32, #tpu.memory_space<hbm>>
          tpu.enqueue_dma source(%dma_start3A_399 : memref<80xi32, #tpu.memory_space<hbm>>) target(%dma_start3A_398 : memref<80xi32, #tpu.memory_space<vmem>>) target_semaphore(%dma_start3A_395 : memref<!tpu.dma_semaphore, #tpu.memory_space<semaphore_mem>>)
          %dma_start3A_400 = arith.constant 3 : i32
          %dma_start3A_401 = arith.constant 3 : i32
          %dma_start3A_402 = arith.constant 0 : i32
          %dma_start3A_403 = tpu.memref_slice %arg13[%dma_start3A_400, %dma_start3A_402] : memref<4x80xi32, #tpu.memory_space<vmem>> -> memref<1x80xi32, #tpu.memory_space<vmem>>
          %dma_start3A_404 = tpu.memref_squeeze %dma_start3A_403 : memref<1x80xi32, #tpu.memory_space<vmem>> -> memref<80xi32, #tpu.memory_space<vmem>>
          %dma_start3A_405 = tpu.memref_slice %arg4[%add3A_387] : memref<320000xi32, #tpu.memory_space<hbm>> -> memref<80xi32, #tpu.memory_space<hbm>>
          %dma_start3A_406 = tpu.memref_slice %arg17[%dma_start3A_401] : memref<4x!tpu.dma_semaphore, #tpu.memory_space<semaphore_mem>> -> memref<1x!tpu.dma_semaphore, #tpu.memory_space<semaphore_mem>>
          %dma_start3A_407 = tpu.memref_squeeze %dma_start3A_406 : memref<1x!tpu.dma_semaphore, #tpu.memory_space<semaphore_mem>> -> memref<!tpu.dma_semaphore, #tpu.memory_space<semaphore_mem>>
          %dma_start3A_408 = arith.constant 0 : i32
          %dma_start3A_409 = tpu.memref_slice %arg13[%dma_start3A_400, %dma_start3A_408] : memref<4x80xi32, #tpu.memory_space<vmem>> -> memref<1x80xi32, #tpu.memory_space<vmem>>
          %dma_start3A_410 = tpu.memref_squeeze %dma_start3A_409 : memref<1x80xi32, #tpu.memory_space<vmem>> -> memref<80xi32, #tpu.memory_space<vmem>>
          %dma_start3A_411 = tpu.memref_slice %arg4[%add3A_387] : memref<320000xi32, #tpu.memory_space<hbm>> -> memref<80xi32, #tpu.memory_space<hbm>>
          tpu.enqueue_dma source(%dma_start3A_411 : memref<80xi32, #tpu.memory_space<hbm>>) target(%dma_start3A_410 : memref<80xi32, #tpu.memory_space<vmem>>) target_semaphore(%dma_start3A_407 : memref<!tpu.dma_semaphore, #tpu.memory_space<semaphore_mem>>)
        } else {
        }
        %add3A_323 = arith.constant 1 : i32
        %add3A_324 = arith.addi %add3A_288, %add3A_323 : i32
        %lt3A_325 = arith.constant 125 : i32
        %lt3A_326 = arith.cmpi slt, %add3A_324, %lt3A_325 : i32
        %convert_element_type3A_327 = arith.extui %lt3A_326 : i1 to i32
        %cond3A_328 = arith.constant 0 : i32
        %cond3A_329 = arith.cmpi ne, %convert_element_type3A_327, %cond3A_328 : i32
        scf.if %cond3A_329 {
          %add3A_383 = arith.constant 1 : i32
          %add3A_384 = arith.addi %add3A_288, %add3A_383 : i32
          %mul3A_385 = arith.constant 80 : i32
          %mul3A_386 = arith.muli %add3A_384, %mul3A_385 : i32
          %add3A_387 = arith.addi %mul3A_4, %mul3A_386 : i32
          %dma_start3A_388 = arith.constant 0 : i32
          %dma_start3A_389 = arith.constant 0 : i32
          %dma_start3A_390 = arith.constant 0 : i32
          %dma_start3A_391 = arith.constant 0 : i32
          %dma_start3A_392 = tpu.memref_slice %arg14[%dma_start3A_388, %dma_start3A_390, %dma_start3A_391] : memref<2x80x128xf32, #tpu.memory_space<vmem>> -> memref<1x80x128xf32, #tpu.memory_space<vmem>>
          %dma_start3A_393 = tpu.memref_squeeze %dma_start3A_392 : memref<1x80x128xf32, #tpu.memory_space<vmem>> -> memref<80x128xf32, #tpu.memory_space<vmem>>
          %dma_start3A_394 = arith.constant 0 : i32
          %dma_start3A_395 = tpu.memref_slice %arg5[%add3A_387, %dma_start3A_394] : memref<320000x128xf32, #tpu.memory_space<hbm>> -> memref<80x128xf32, #tpu.memory_space<hbm>>
          %dma_start3A_396 = tpu.memref_slice %arg15[%dma_start3A_389] : memref<2x!tpu.dma_semaphore, #tpu.memory_space<semaphore_mem>> -> memref<1x!tpu.dma_semaphore, #tpu.memory_space<semaphore_mem>>
          %dma_start3A_397 = tpu.memref_squeeze %dma_start3A_396 : memref<1x!tpu.dma_semaphore, #tpu.memory_space<semaphore_mem>> -> memref<!tpu.dma_semaphore, #tpu.memory_space<semaphore_mem>>
          %dma_start3A_398 = arith.constant 0 : i32
          %dma_start3A_399 = arith.constant 0 : i32
          %dma_start3A_400 = tpu.memref_slice %arg14[%dma_start3A_388, %dma_start3A_398, %dma_start3A_399] : memref<2x80x128xf32, #tpu.memory_space<vmem>> -> memref<1x80x128xf32, #tpu.memory_space<vmem>>
          %dma_start3A_401 = tpu.memref_squeeze %dma_start3A_400 : memref<1x80x128xf32, #tpu.memory_space<vmem>> -> memref<80x128xf32, #tpu.memory_space<vmem>>
          %dma_start3A_402 = arith.constant 0 : i32
          %dma_start3A_403 = tpu.memref_slice %arg5[%add3A_387, %dma_start3A_402] : memref<320000x128xf32, #tpu.memory_space<hbm>> -> memref<80x128xf32, #tpu.memory_space<hbm>>
          tpu.enqueue_dma source(%dma_start3A_403 : memref<80x128xf32, #tpu.memory_space<hbm>>) target(%dma_start3A_401 : memref<80x128xf32, #tpu.memory_space<vmem>>) target_semaphore(%dma_start3A_397 : memref<!tpu.dma_semaphore, #tpu.memory_space<semaphore_mem>>)
          %dma_wait3A_404 = arith.constant 2 : i32
          %dma_wait3A_405 = arith.constant 2 : i32
          %dma_wait3A_406 = arith.constant 0 : i32
          %dma_wait3A_407 = tpu.memref_slice %arg19[%dma_wait3A_404, %dma_wait3A_406] : memref<4x80xi32, #tpu.memory_space<vmem>> -> memref<1x80xi32, #tpu.memory_space<vmem>>
          %dma_wait3A_408 = tpu.memref_squeeze %dma_wait3A_407 : memref<1x80xi32, #tpu.memory_space<vmem>> -> memref<80xi32, #tpu.memory_space<vmem>>
          %dma_wait3A_409 = arith.constant 0 : i32
          %dma_wait3A_410 = tpu.memref_slice %arg3[%dma_wait3A_409] : memref<320000xi32, #tpu.memory_space<hbm>> -> memref<80xi32, #tpu.memory_space<hbm>>
          %dma_wait3A_411 = tpu.memref_slice %arg17[%dma_wait3A_405] : memref<4x!tpu.dma_semaphore, #tpu.memory_space<semaphore_mem>> -> memref<1x!tpu.dma_semaphore, #tpu.memory_space<semaphore_mem>>
          %dma_wait3A_412 = tpu.memref_squeeze %dma_wait3A_411 : memref<1x!tpu.dma_semaphore, #tpu.memory_space<semaphore_mem>> -> memref<!tpu.dma_semaphore, #tpu.memory_space<semaphore_mem>>
          %dma_wait3A_413 = arith.constant 0 : i32
          %dma_wait3A_414 = tpu.memref_slice %arg19[%dma_wait3A_404, %dma_wait3A_413] : memref<4x80xi32, #tpu.memory_space<vmem>> -> memref<1x80xi32, #tpu.memory_space<vmem>>
          %dma_wait3A_415 = tpu.memref_squeeze %dma_wait3A_414 : memref<1x80xi32, #tpu.memory_space<vmem>> -> memref<80xi32, #tpu.memory_space<vmem>>
          %dma_wait3A_416 = arith.constant 0 : i32
          %dma_wait3A_417 = tpu.memref_slice %arg3[%dma_wait3A_416] : memref<320000xi32, #tpu.memory_space<hbm>> -> memref<80xi32, #tpu.memory_space<hbm>>
          tpu.wait_dma2 semaphore(%dma_wait3A_412 : memref<!tpu.dma_semaphore, #tpu.memory_space<semaphore_mem>>) src(%dma_wait3A_417 : memref<80xi32, #tpu.memory_space<hbm>>) dst(%dma_wait3A_415 : memref<80xi32, #tpu.memory_space<vmem>>)
          %dma_wait3A_418 = arith.constant 2 : i32
          %dma_wait3A_419 = arith.constant 2 : i32
          %dma_wait3A_420 = arith.constant 0 : i32
          %dma_wait3A_421 = tpu.memref_slice %arg13[%dma_wait3A_418, %dma_wait3A_420] : memref<4x80xi32, #tpu.memory_space<vmem>> -> memref<1x80xi32, #tpu.memory_space<vmem>>
          %dma_wait3A_422 = tpu.memref_squeeze %dma_wait3A_421 : memref<1x80xi32, #tpu.memory_space<vmem>> -> memref<80xi32, #tpu.memory_space<vmem>>
          %dma_wait3A_423 = arith.constant 0 : i32
          %dma_wait3A_424 = tpu.memref_slice %arg4[%dma_wait3A_423] : memref<320000xi32, #tpu.memory_space<hbm>> -> memref<80xi32, #tpu.memory_space<hbm>>
          %dma_wait3A_425 = tpu.memref_slice %arg17[%dma_wait3A_419] : memref<4x!tpu.dma_semaphore, #tpu.memory_space<semaphore_mem>> -> memref<1x!tpu.dma_semaphore, #tpu.memory_space<semaphore_mem>>
          %dma_wait3A_426 = tpu.memref_squeeze %dma_wait3A_425 : memref<1x!tpu.dma_semaphore, #tpu.memory_space<semaphore_mem>> -> memref<!tpu.dma_semaphore, #tpu.memory_space<semaphore_mem>>
          %dma_wait3A_427 = arith.constant 0 : i32
          %dma_wait3A_428 = tpu.memref_slice %arg13[%dma_wait3A_418, %dma_wait3A_427] : memref<4x80xi32, #tpu.memory_space<vmem>> -> memref<1x80xi32, #tpu.memory_space<vmem>>
          %dma_wait3A_429 = tpu.memref_squeeze %dma_wait3A_428 : memref<1x80xi32, #tpu.memory_space<vmem>> -> memref<80xi32, #tpu.memory_space<vmem>>
          %dma_wait3A_430 = arith.constant 0 : i32
          %dma_wait3A_431 = tpu.memref_slice %arg4[%dma_wait3A_430] : memref<320000xi32, #tpu.memory_space<hbm>> -> memref<80xi32, #tpu.memory_space<hbm>>
          tpu.wait_dma2 semaphore(%dma_wait3A_426 : memref<!tpu.dma_semaphore, #tpu.memory_space<semaphore_mem>>) src(%dma_wait3A_431 : memref<80xi32, #tpu.memory_space<hbm>>) dst(%dma_wait3A_429 : memref<80xi32, #tpu.memory_space<vmem>>)
          %dma_start3A_432 = arith.constant 2 : i32
          %dma_start3A_433 = arith.constant 0 : i32
          %dma_start3A_434 = arith.constant 0 : i32
          %dma_start3A_435 = arith.constant 0 : i32
          %dma_start3A_436 = arith.constant 0 : i32
          %dma_start3A_437 = tpu.memref_slice %arg18[%dma_start3A_433, %dma_start3A_435, %dma_start3A_436] : memref<2x80x128xf32, #tpu.memory_space<vmem>> -> memref<1x80x128xf32, #tpu.memory_space<vmem>>
          %dma_start3A_438 = tpu.memref_squeeze %dma_start3A_437 : memref<1x80x128xf32, #tpu.memory_space<vmem>> -> memref<80x128xf32, #tpu.memory_space<vmem>>
          %dma_start3A_439 = arith.constant 0 : i32
          %dma_start3A_440 = tpu.memref_slice %arg19[%dma_start3A_432, %dma_start3A_439] : memref<4x80xi32, #tpu.memory_space<vmem>> -> memref<1x80xi32, #tpu.memory_space<vmem>>
          %dma_start3A_441 = tpu.memref_squeeze %dma_start3A_440 : memref<1x80xi32, #tpu.memory_space<vmem>> -> memref<80xi32, #tpu.memory_space<vmem>>
          %dma_start3A_442 = arith.constant 0 : i32
          %dma_start3A_443 = arith.constant 0 : i32
          %dma_start3A_444 = tpu.memref_slice %arg2[%dma_start3A_442, %dma_start3A_443] : memref<10000x128xf32, #tpu.memory_space<hbm>> -> memref<10000x128xf32, #tpu.memory_space<hbm>>
          %dma_start3A_445 = tpu.memref_slice %arg16[%dma_start3A_434] : memref<2x!tpu.dma_semaphore, #tpu.memory_space<semaphore_mem>> -> memref<1x!tpu.dma_semaphore, #tpu.memory_space<semaphore_mem>>
          %dma_start3A_446 = tpu.memref_squeeze %dma_start3A_445 : memref<1x!tpu.dma_semaphore, #tpu.memory_space<semaphore_mem>> -> memref<!tpu.dma_semaphore, #tpu.memory_space<semaphore_mem>>
          tpu.enqueue_indirect_dma source(%dma_start3A_444 : memref<10000x128xf32, #tpu.memory_space<hbm>>) target(%dma_start3A_438 : memref<80x128xf32, #tpu.memory_space<vmem>>) offsets(%dma_start3A_441 : memref<80xi32, #tpu.memory_space<vmem>>) semaphore(%dma_start3A_446 : memref<!tpu.dma_semaphore, #tpu.memory_space<semaphore_mem>>)
        } else {
        }
        %dma_wait3A_330 = arith.constant 1 : i32
        %dma_wait3A_331 = arith.constant 1 : i32
        %dma_wait3A_332 = arith.constant 1 : i32
        %dma_wait3A_333 = arith.constant 0 : i32
        %dma_wait3A_334 = arith.constant 0 : i32
        %dma_wait3A_335 = tpu.memref_slice %arg18[%dma_wait3A_331, %dma_wait3A_333, %dma_wait3A_334] : memref<2x80x128xf32, #tpu.memory_space<vmem>> -> memref<1x80x128xf32, #tpu.memory_space<vmem>>
        %dma_wait3A_336 = tpu.memref_squeeze %dma_wait3A_335 : memref<1x80x128xf32, #tpu.memory_space<vmem>> -> memref<80x128xf32, #tpu.memory_space<vmem>>
        %dma_wait3A_337 = arith.constant 0 : i32
        %dma_wait3A_338 = tpu.memref_slice %arg19[%dma_wait3A_330, %dma_wait3A_337] : memref<4x80xi32, #tpu.memory_space<vmem>> -> memref<1x80xi32, #tpu.memory_space<vmem>>
        %dma_wait3A_339 = tpu.memref_squeeze %dma_wait3A_338 : memref<1x80xi32, #tpu.memory_space<vmem>> -> memref<80xi32, #tpu.memory_space<vmem>>
        %dma_wait3A_340 = arith.constant 0 : i32
        %dma_wait3A_341 = arith.constant 0 : i32
        %dma_wait3A_342 = tpu.memref_slice %arg2[%dma_wait3A_340, %dma_wait3A_341] : memref<10000x128xf32, #tpu.memory_space<hbm>> -> memref<10000x128xf32, #tpu.memory_space<hbm>>
        %dma_wait3A_343 = tpu.memref_slice %arg16[%dma_wait3A_332] : memref<2x!tpu.dma_semaphore, #tpu.memory_space<semaphore_mem>> -> memref<1x!tpu.dma_semaphore, #tpu.memory_space<semaphore_mem>>
        %dma_wait3A_344 = tpu.memref_squeeze %dma_wait3A_343 : memref<1x!tpu.dma_semaphore, #tpu.memory_space<semaphore_mem>> -> memref<!tpu.dma_semaphore, #tpu.memory_space<semaphore_mem>>
        tpu.wait_indirect_dma semaphore(%dma_wait3A_344 : memref<!tpu.dma_semaphore, #tpu.memory_space<semaphore_mem>>) src(%dma_wait3A_342 : memref<10000x128xf32, #tpu.memory_space<hbm>>) dst(%dma_wait3A_336 : memref<80x128xf32, #tpu.memory_space<vmem>>)
        %dma_wait3A_345 = arith.constant 1 : i32
        %dma_wait3A_346 = arith.constant 1 : i32
        %dma_wait3A_347 = arith.constant 0 : i32
        %dma_wait3A_348 = arith.constant 0 : i32
        %dma_wait3A_349 = tpu.memref_slice %arg14[%dma_wait3A_345, %dma_wait3A_347, %dma_wait3A_348] : memref<2x80x128xf32, #tpu.memory_space<vmem>> -> memref<1x80x128xf32, #tpu.memory_space<vmem>>
        %dma_wait3A_350 = tpu.memref_squeeze %dma_wait3A_349 : memref<1x80x128xf32, #tpu.memory_space<vmem>> -> memref<80x128xf32, #tpu.memory_space<vmem>>
        %dma_wait3A_351 = arith.constant 0 : i32
        %dma_wait3A_352 = arith.constant 0 : i32
        %dma_wait3A_353 = tpu.memref_slice %arg5[%dma_wait3A_351, %dma_wait3A_352] : memref<320000x128xf32, #tpu.memory_space<hbm>> -> memref<80x128xf32, #tpu.memory_space<hbm>>
        %dma_wait3A_354 = tpu.memref_slice %arg15[%dma_wait3A_346] : memref<2x!tpu.dma_semaphore, #tpu.memory_space<semaphore_mem>> -> memref<1x!tpu.dma_semaphore, #tpu.memory_space<semaphore_mem>>
        %dma_wait3A_355 = tpu.memref_squeeze %dma_wait3A_354 : memref<1x!tpu.dma_semaphore, #tpu.memory_space<semaphore_mem>> -> memref<!tpu.dma_semaphore, #tpu.memory_space<semaphore_mem>>
        %dma_wait3A_356 = arith.constant 0 : i32
        %dma_wait3A_357 = arith.constant 0 : i32
        %dma_wait3A_358 = tpu.memref_slice %arg14[%dma_wait3A_345, %dma_wait3A_356, %dma_wait3A_357] : memref<2x80x128xf32, #tpu.memory_space<vmem>> -> memref<1x80x128xf32, #tpu.memory_space<vmem>>
        %dma_wait3A_359 = tpu.memref_squeeze %dma_wait3A_358 : memref<1x80x128xf32, #tpu.memory_space<vmem>> -> memref<80x128xf32, #tpu.memory_space<vmem>>
        %dma_wait3A_360 = arith.constant 0 : i32
        %dma_wait3A_361 = arith.constant 0 : i32
        %dma_wait3A_362 = tpu.memref_slice %arg5[%dma_wait3A_360, %dma_wait3A_361] : memref<320000x128xf32, #tpu.memory_space<hbm>> -> memref<80x128xf32, #tpu.memory_space<hbm>>
        tpu.wait_dma2 semaphore(%dma_wait3A_355 : memref<!tpu.dma_semaphore, #tpu.memory_space<semaphore_mem>>) src(%dma_wait3A_362 : memref<80x128xf32, #tpu.memory_space<hbm>>) dst(%dma_wait3A_359 : memref<80x128xf32, #tpu.memory_space<vmem>>)
        %scan3A_363 = arith.constant 0 : i32
        %scan3A_364 = arith.constant 80 : i32
        %scan3A_365 = arith.addi %scan3A_363, %scan3A_364 : i32
        %scan3A_366 = arith.constant 1 : i32
        scf.for %scan3A_383 = %scan3A_363 to %scan3A_365 step %scan3A_366  : i32 {
          %mul3A_384 = arith.constant 1 : i32
          %mul3A_385 = arith.muli %scan3A_383, %mul3A_384 : i32
          %add3A_386 = arith.constant 0 : i32
          %add3A_387 = arith.addi %add3A_386, %mul3A_385 : i32
          %get3A = arith.constant 1 : i32
          %get3A_388 = arith.index_cast %get3A : i32 to index
          %get3A_389 = arith.index_cast %add3A_387 : i32 to index
          %get3A_390 = arith.constant 0 : index
          %get3A_391 = tpu.vector_load %arg18[%get3A_388, %get3A_389, %get3A_390] {strides = array<i32>} : memref<2x80x128xf32, #tpu.memory_space<vmem>>, vector<1x1x16xf32>,
          %get3A_392 = vector.shape_cast %get3A_391 : vector<1x1x16xf32> to vector<16xf32>
          %get3A_393 = arith.constant 1 : i32
          %get3A_394 = arith.index_cast %get3A_393 : i32 to index
          %get3A_395 = arith.index_cast %add3A_387 : i32 to index
          %get3A_396 = arith.constant 0 : index
          %get3A_397 = tpu.vector_load %arg14[%get3A_394, %get3A_395, %get3A_396] {strides = array<i32>} : memref<2x80x128xf32, #tpu.memory_space<vmem>>, vector<1x1x16xf32>,
          %get3A_398 = vector.shape_cast %get3A_397 : vector<1x1x16xf32> to vector<16xf32>
          %add3A_399 = arith.addf %get3A_392, %get3A_398 : vector<16xf32>
          %max3A = arith.constant 0.000000e+00 : f32
          %max3A_400 = vector.broadcast %max3A : f32 to vector<16xf32>
          %max3A_401 = arith.maximumf %add3A_399, %max3A_400 : vector<16xf32>
          %swap3A = arith.constant 1 : i32
          %swap3A_402 = arith.index_cast %swap3A : i32 to index
          %swap3A_403 = arith.index_cast %add3A_387 : i32 to index
          %swap3A_404 = arith.constant 0 : index
          %swap3A_405 = tpu.vector_load %arg18[%swap3A_402, %swap3A_403, %swap3A_404] {strides = array<i32>} : memref<2x80x128xf32, #tpu.memory_space<vmem>>, vector<1x1x16xf32>,
          %swap3A_406 = vector.shape_cast %swap3A_405 : vector<1x1x16xf32> to vector<16xf32>
          %swap3A_407 = vector.shape_cast %max3A_401 : vector<16xf32> to vector<1x1x16xf32>
          tpu.vector_store %arg18[%swap3A_402, %swap3A_403, %swap3A_404], %swap3A_407 {strides = array<i32>} : memref<2x80x128xf32, #tpu.memory_space<vmem>>, vector<1x1x16xf32>,
          %get3A_408 = arith.constant 1 : i32
          %get3A_409 = arith.index_cast %get3A_408 : i32 to index
          %get3A_410 = arith.index_cast %add3A_387 : i32 to index
          %get3A_411 = arith.constant 16 : index
          %get3A_412 = tpu.vector_load %arg18[%get3A_409, %get3A_410, %get3A_411] {strides = array<i32>} : memref<2x80x128xf32, #tpu.memory_space<vmem>>, vector<1x1x16xf32>,
          %get3A_413 = vector.shape_cast %get3A_412 : vector<1x1x16xf32> to vector<16xf32>
          %get3A_414 = arith.constant 1 : i32
          %get3A_415 = arith.index_cast %get3A_414 : i32 to index
          %get3A_416 = arith.index_cast %add3A_387 : i32 to index
          %get3A_417 = arith.constant 16 : index
          %get3A_418 = tpu.vector_load %arg14[%get3A_415, %get3A_416, %get3A_417] {strides = array<i32>} : memref<2x80x128xf32, #tpu.memory_space<vmem>>, vector<1x1x16xf32>,
          %get3A_419 = vector.shape_cast %get3A_418 : vector<1x1x16xf32> to vector<16xf32>
          %add3A_420 = arith.addf %get3A_413, %get3A_419 : vector<16xf32>
          %max3A_421 = arith.constant 0.000000e+00 : f32
          %max3A_422 = vector.broadcast %max3A_421 : f32 to vector<16xf32>
          %max3A_423 = arith.maximumf %add3A_420, %max3A_422 : vector<16xf32>
          %swap3A_424 = arith.constant 1 : i32
          %swap3A_425 = arith.index_cast %swap3A_424 : i32 to index
          %swap3A_426 = arith.index_cast %add3A_387 : i32 to index
          %swap3A_427 = arith.constant 16 : index
          %swap3A_428 = tpu.vector_load %arg18[%swap3A_425, %swap3A_426, %swap3A_427] {strides = array<i32>} : memref<2x80x128xf32, #tpu.memory_space<vmem>>, vector<1x1x16xf32>,
          %swap3A_429 = vector.shape_cast %swap3A_428 : vector<1x1x16xf32> to vector<16xf32>
          %swap3A_430 = vector.shape_cast %max3A_423 : vector<16xf32> to vector<1x1x16xf32>
          tpu.vector_store %arg18[%swap3A_425, %swap3A_426, %swap3A_427], %swap3A_430 {strides = array<i32>} : memref<2x80x128xf32, #tpu.memory_space<vmem>>, vector<1x1x16xf32>,
          %get3A_431 = arith.constant 1 : i32
          %get3A_432 = arith.index_cast %get3A_431 : i32 to index
          %get3A_433 = arith.index_cast %add3A_387 : i32 to index
          %get3A_434 = arith.constant 32 : index
          %get3A_435 = tpu.vector_load %arg18[%get3A_432, %get3A_433, %get3A_434] {strides = array<i32>} : memref<2x80x128xf32, #tpu.memory_space<vmem>>, vector<1x1x16xf32>,
          %get3A_436 = vector.shape_cast %get3A_435 : vector<1x1x16xf32> to vector<16xf32>
          %get3A_437 = arith.constant 1 : i32
          %get3A_438 = arith.index_cast %get3A_437 : i32 to index
          %get3A_439 = arith.index_cast %add3A_387 : i32 to index
          %get3A_440 = arith.constant 32 : index
          %get3A_441 = tpu.vector_load %arg14[%get3A_438, %get3A_439, %get3A_440] {strides = array<i32>} : memref<2x80x128xf32, #tpu.memory_space<vmem>>, vector<1x1x16xf32>,
          %get3A_442 = vector.shape_cast %get3A_441 : vector<1x1x16xf32> to vector<16xf32>
          %add3A_443 = arith.addf %get3A_436, %get3A_442 : vector<16xf32>
          %max3A_444 = arith.constant 0.000000e+00 : f32
          %max3A_445 = vector.broadcast %max3A_444 : f32 to vector<16xf32>
          %max3A_446 = arith.maximumf %add3A_443, %max3A_445 : vector<16xf32>
          %swap3A_447 = arith.constant 1 : i32
          %swap3A_448 = arith.index_cast %swap3A_447 : i32 to index
          %swap3A_449 = arith.index_cast %add3A_387 : i32 to index
          %swap3A_450 = arith.constant 32 : index
          %swap3A_451 = tpu.vector_load %arg18[%swap3A_448, %swap3A_449, %swap3A_450] {strides = array<i32>} : memref<2x80x128xf32, #tpu.memory_space<vmem>>, vector<1x1x16xf32>,
          %swap3A_452 = vector.shape_cast %swap3A_451 : vector<1x1x16xf32> to vector<16xf32>
          %swap3A_453 = vector.shape_cast %max3A_446 : vector<16xf32> to vector<1x1x16xf32>
          tpu.vector_store %arg18[%swap3A_448, %swap3A_449, %swap3A_450], %swap3A_453 {strides = array<i32>} : memref<2x80x128xf32, #tpu.memory_space<vmem>>, vector<1x1x16xf32>,
          %get3A_454 = arith.constant 1 : i32
          %get3A_455 = arith.index_cast %get3A_454 : i32 to index
          %get3A_456 = arith.index_cast %add3A_387 : i32 to index
          %get3A_457 = arith.constant 48 : index
          %get3A_458 = tpu.vector_load %arg18[%get3A_455, %get3A_456, %get3A_457] {strides = array<i32>} : memref<2x80x128xf32, #tpu.memory_space<vmem>>, vector<1x1x16xf32>,
          %get3A_459 = vector.shape_cast %get3A_458 : vector<1x1x16xf32> to vector<16xf32>
          %get3A_460 = arith.constant 1 : i32
          %get3A_461 = arith.index_cast %get3A_460 : i32 to index
          %get3A_462 = arith.index_cast %add3A_387 : i32 to index
          %get3A_463 = arith.constant 48 : index
          %get3A_464 = tpu.vector_load %arg14[%get3A_461, %get3A_462, %get3A_463] {strides = array<i32>} : memref<2x80x128xf32, #tpu.memory_space<vmem>>, vector<1x1x16xf32>,
          %get3A_465 = vector.shape_cast %get3A_464 : vector<1x1x16xf32> to vector<16xf32>
          %add3A_466 = arith.addf %get3A_459, %get3A_465 : vector<16xf32>
          %max3A_467 = arith.constant 0.000000e+00 : f32
          %max3A_468 = vector.broadcast %max3A_467 : f32 to vector<16xf32>
          %max3A_469 = arith.maximumf %add3A_466, %max3A_468 : vector<16xf32>
          %swap3A_470 = arith.constant 1 : i32
          %swap3A_471 = arith.index_cast %swap3A_470 : i32 to index
          %swap3A_472 = arith.index_cast %add3A_387 : i32 to index
          %swap3A_473 = arith.constant 48 : index
          %swap3A_474 = tpu.vector_load %arg18[%swap3A_471, %swap3A_472, %swap3A_473] {strides = array<i32>} : memref<2x80x128xf32, #tpu.memory_space<vmem>>, vector<1x1x16xf32>,
          %swap3A_475 = vector.shape_cast %swap3A_474 : vector<1x1x16xf32> to vector<16xf32>
          %swap3A_476 = vector.shape_cast %max3A_469 : vector<16xf32> to vector<1x1x16xf32>
          tpu.vector_store %arg18[%swap3A_471, %swap3A_472, %swap3A_473], %swap3A_476 {strides = array<i32>} : memref<2x80x128xf32, #tpu.memory_space<vmem>>, vector<1x1x16xf32>,
          %get3A_477 = arith.constant 1 : i32
          %get3A_478 = arith.index_cast %get3A_477 : i32 to index
          %get3A_479 = arith.index_cast %add3A_387 : i32 to index
          %get3A_480 = arith.constant 64 : index
          %get3A_481 = tpu.vector_load %arg18[%get3A_478, %get3A_479, %get3A_480] {strides = array<i32>} : memref<2x80x128xf32, #tpu.memory_space<vmem>>, vector<1x1x16xf32>,
          %get3A_482 = vector.shape_cast %get3A_481 : vector<1x1x16xf32> to vector<16xf32>
          %get3A_483 = arith.constant 1 : i32
          %get3A_484 = arith.index_cast %get3A_483 : i32 to index
          %get3A_485 = arith.index_cast %add3A_387 : i32 to index
          %get3A_486 = arith.constant 64 : index
          %get3A_487 = tpu.vector_load %arg14[%get3A_484, %get3A_485, %get3A_486] {strides = array<i32>} : memref<2x80x128xf32, #tpu.memory_space<vmem>>, vector<1x1x16xf32>,
          %get3A_488 = vector.shape_cast %get3A_487 : vector<1x1x16xf32> to vector<16xf32>
          %add3A_489 = arith.addf %get3A_482, %get3A_488 : vector<16xf32>
          %max3A_490 = arith.constant 0.000000e+00 : f32
          %max3A_491 = vector.broadcast %max3A_490 : f32 to vector<16xf32>
          %max3A_492 = arith.maximumf %add3A_489, %max3A_491 : vector<16xf32>
          %swap3A_493 = arith.constant 1 : i32
          %swap3A_494 = arith.index_cast %swap3A_493 : i32 to index
          %swap3A_495 = arith.index_cast %add3A_387 : i32 to index
          %swap3A_496 = arith.constant 64 : index
          %swap3A_497 = tpu.vector_load %arg18[%swap3A_494, %swap3A_495, %swap3A_496] {strides = array<i32>} : memref<2x80x128xf32, #tpu.memory_space<vmem>>, vector<1x1x16xf32>,
          %swap3A_498 = vector.shape_cast %swap3A_497 : vector<1x1x16xf32> to vector<16xf32>
          %swap3A_499 = vector.shape_cast %max3A_492 : vector<16xf32> to vector<1x1x16xf32>
          tpu.vector_store %arg18[%swap3A_494, %swap3A_495, %swap3A_496], %swap3A_499 {strides = array<i32>} : memref<2x80x128xf32, #tpu.memory_space<vmem>>, vector<1x1x16xf32>,
          %get3A_500 = arith.constant 1 : i32
          %get3A_501 = arith.index_cast %get3A_500 : i32 to index
          %get3A_502 = arith.index_cast %add3A_387 : i32 to index
          %get3A_503 = arith.constant 80 : index
          %get3A_504 = tpu.vector_load %arg18[%get3A_501, %get3A_502, %get3A_503] {strides = array<i32>} : memref<2x80x128xf32, #tpu.memory_space<vmem>>, vector<1x1x16xf32>,
          %get3A_505 = vector.shape_cast %get3A_504 : vector<1x1x16xf32> to vector<16xf32>
          %get3A_506 = arith.constant 1 : i32
          %get3A_507 = arith.index_cast %get3A_506 : i32 to index
          %get3A_508 = arith.index_cast %add3A_387 : i32 to index
          %get3A_509 = arith.constant 80 : index
          %get3A_510 = tpu.vector_load %arg14[%get3A_507, %get3A_508, %get3A_509] {strides = array<i32>} : memref<2x80x128xf32, #tpu.memory_space<vmem>>, vector<1x1x16xf32>,
          %get3A_511 = vector.shape_cast %get3A_510 : vector<1x1x16xf32> to vector<16xf32>
          %add3A_512 = arith.addf %get3A_505, %get3A_511 : vector<16xf32>
          %max3A_513 = arith.constant 0.000000e+00 : f32
          %max3A_514 = vector.broadcast %max3A_513 : f32 to vector<16xf32>
          %max3A_515 = arith.maximumf %add3A_512, %max3A_514 : vector<16xf32>
          %swap3A_516 = arith.constant 1 : i32
          %swap3A_517 = arith.index_cast %swap3A_516 : i32 to index
          %swap3A_518 = arith.index_cast %add3A_387 : i32 to index
          %swap3A_519 = arith.constant 80 : index
          %swap3A_520 = tpu.vector_load %arg18[%swap3A_517, %swap3A_518, %swap3A_519] {strides = array<i32>} : memref<2x80x128xf32, #tpu.memory_space<vmem>>, vector<1x1x16xf32>,
          %swap3A_521 = vector.shape_cast %swap3A_520 : vector<1x1x16xf32> to vector<16xf32>
          %swap3A_522 = vector.shape_cast %max3A_515 : vector<16xf32> to vector<1x1x16xf32>
          tpu.vector_store %arg18[%swap3A_517, %swap3A_518, %swap3A_519], %swap3A_522 {strides = array<i32>} : memref<2x80x128xf32, #tpu.memory_space<vmem>>, vector<1x1x16xf32>,
          %get3A_523 = arith.constant 1 : i32
          %get3A_524 = arith.index_cast %get3A_523 : i32 to index
          %get3A_525 = arith.index_cast %add3A_387 : i32 to index
          %get3A_526 = arith.constant 96 : index
          %get3A_527 = tpu.vector_load %arg18[%get3A_524, %get3A_525, %get3A_526] {strides = array<i32>} : memref<2x80x128xf32, #tpu.memory_space<vmem>>, vector<1x1x16xf32>,
          %get3A_528 = vector.shape_cast %get3A_527 : vector<1x1x16xf32> to vector<16xf32>
          %get3A_529 = arith.constant 1 : i32
          %get3A_530 = arith.index_cast %get3A_529 : i32 to index
          %get3A_531 = arith.index_cast %add3A_387 : i32 to index
          %get3A_532 = arith.constant 96 : index
          %get3A_533 = tpu.vector_load %arg14[%get3A_530, %get3A_531, %get3A_532] {strides = array<i32>} : memref<2x80x128xf32, #tpu.memory_space<vmem>>, vector<1x1x16xf32>,
          %get3A_534 = vector.shape_cast %get3A_533 : vector<1x1x16xf32> to vector<16xf32>
          %add3A_535 = arith.addf %get3A_528, %get3A_534 : vector<16xf32>
          %max3A_536 = arith.constant 0.000000e+00 : f32
          %max3A_537 = vector.broadcast %max3A_536 : f32 to vector<16xf32>
          %max3A_538 = arith.maximumf %add3A_535, %max3A_537 : vector<16xf32>
          %swap3A_539 = arith.constant 1 : i32
          %swap3A_540 = arith.index_cast %swap3A_539 : i32 to index
          %swap3A_541 = arith.index_cast %add3A_387 : i32 to index
          %swap3A_542 = arith.constant 96 : index
          %swap3A_543 = tpu.vector_load %arg18[%swap3A_540, %swap3A_541, %swap3A_542] {strides = array<i32>} : memref<2x80x128xf32, #tpu.memory_space<vmem>>, vector<1x1x16xf32>,
          %swap3A_544 = vector.shape_cast %swap3A_543 : vector<1x1x16xf32> to vector<16xf32>
          %swap3A_545 = vector.shape_cast %max3A_538 : vector<16xf32> to vector<1x1x16xf32>
          tpu.vector_store %arg18[%swap3A_540, %swap3A_541, %swap3A_542], %swap3A_545 {strides = array<i32>} : memref<2x80x128xf32, #tpu.memory_space<vmem>>, vector<1x1x16xf32>,
          %get3A_546 = arith.constant 1 : i32
          %get3A_547 = arith.index_cast %get3A_546 : i32 to index
          %get3A_548 = arith.index_cast %add3A_387 : i32 to index
          %get3A_549 = arith.constant 112 : index
          %get3A_550 = tpu.vector_load %arg18[%get3A_547, %get3A_548, %get3A_549] {strides = array<i32>} : memref<2x80x128xf32, #tpu.memory_space<vmem>>, vector<1x1x16xf32>,
          %get3A_551 = vector.shape_cast %get3A_550 : vector<1x1x16xf32> to vector<16xf32>
          %get3A_552 = arith.constant 1 : i32
          %get3A_553 = arith.index_cast %get3A_552 : i32 to index
          %get3A_554 = arith.index_cast %add3A_387 : i32 to index
          %get3A_555 = arith.constant 112 : index
          %get3A_556 = tpu.vector_load %arg14[%get3A_553, %get3A_554, %get3A_555] {strides = array<i32>} : memref<2x80x128xf32, #tpu.memory_space<vmem>>, vector<1x1x16xf32>,
          %get3A_557 = vector.shape_cast %get3A_556 : vector<1x1x16xf32> to vector<16xf32>
          %add3A_558 = arith.addf %get3A_551, %get3A_557 : vector<16xf32>
          %max3A_559 = arith.constant 0.000000e+00 : f32
          %max3A_560 = vector.broadcast %max3A_559 : f32 to vector<16xf32>
          %max3A_561 = arith.maximumf %add3A_558, %max3A_560 : vector<16xf32>
          %swap3A_562 = arith.constant 1 : i32
          %swap3A_563 = arith.index_cast %swap3A_562 : i32 to index
          %swap3A_564 = arith.index_cast %add3A_387 : i32 to index
          %swap3A_565 = arith.constant 112 : index
          %swap3A_566 = tpu.vector_load %arg18[%swap3A_563, %swap3A_564, %swap3A_565] {strides = array<i32>} : memref<2x80x128xf32, #tpu.memory_space<vmem>>, vector<1x1x16xf32>,
          %swap3A_567 = vector.shape_cast %swap3A_566 : vector<1x1x16xf32> to vector<16xf32>
          %swap3A_568 = vector.shape_cast %max3A_561 : vector<16xf32> to vector<1x1x16xf32>
          tpu.vector_store %arg18[%swap3A_563, %swap3A_564, %swap3A_565], %swap3A_568 {strides = array<i32>} : memref<2x80x128xf32, #tpu.memory_space<vmem>>, vector<1x1x16xf32>,
        }
        %scan3A_367 = arith.constant 80 : i32
        %dma_start3A_368 = arith.constant 1 : i32
        %dma_start3A_369 = arith.constant 1 : i32
        %dma_start3A_370 = arith.constant 1 : i32
        %dma_start3A_371 = arith.constant 0 : i32
        %dma_start3A_372 = arith.constant 0 : i32
        %dma_start3A_373 = tpu.memref_slice %arg18[%dma_start3A_368, %dma_start3A_371, %dma_start3A_372] : memref<2x80x128xf32, #tpu.memory_space<vmem>> -> memref<1x80x128xf32, #tpu.memory_space<vmem>>
        %dma_start3A_374 = tpu.memref_squeeze %dma_start3A_373 : memref<1x80x128xf32, #tpu.memory_space<vmem>> -> memref<80x128xf32, #tpu.memory_space<vmem>>
        %dma_start3A_375 = arith.constant 0 : i32
        %dma_start3A_376 = tpu.memref_slice %arg13[%dma_start3A_369, %dma_start3A_375] : memref<4x80xi32, #tpu.memory_space<vmem>> -> memref<1x80xi32, #tpu.memory_space<vmem>>
        %dma_start3A_377 = tpu.memref_squeeze %dma_start3A_376 : memref<1x80xi32, #tpu.memory_space<vmem>> -> memref<80xi32, #tpu.memory_space<vmem>>
        %dma_start3A_378 = arith.constant 0 : i32
        %dma_start3A_379 = arith.constant 0 : i32
        %dma_start3A_380 = tpu.memref_slice %arg12[%dma_start3A_378, %dma_start3A_379] : memref<10112x128xf32, #tpu.memory_space<vmem_shared>> -> memref<10112x128xf32, #tpu.memory_space<vmem_shared>>
        %dma_start3A_381 = tpu.memref_slice %arg20[%dma_start3A_370] : memref<2x!tpu.dma_semaphore, #tpu.memory_space<semaphore_mem>> -> memref<1x!tpu.dma_semaphore, #tpu.memory_space<semaphore_mem>>
        %dma_start3A_382 = tpu.memref_squeeze %dma_start3A_381 : memref<1x!tpu.dma_semaphore, #tpu.memory_space<semaphore_mem>> -> memref<!tpu.dma_semaphore, #tpu.memory_space<semaphore_mem>>
        tpu.enqueue_indirect_dma source(%dma_start3A_374 : memref<80x128xf32, #tpu.memory_space<vmem>>) target(%dma_start3A_380 : memref<10112x128xf32, #tpu.memory_space<vmem_shared>>) offsets(%dma_start3A_377 : memref<80xi32, #tpu.memory_space<vmem>>) semaphore(%dma_start3A_382 : memref<!tpu.dma_semaphore, #tpu.memory_space<semaphore_mem>>) {add = true}
      } else {
      }
      %mul3A_294 = arith.constant 4 : i32
      %mul3A_295 = arith.muli %add3A_278, %mul3A_294 : i32
      %add3A_296 = arith.constant 2 : i32
      %add3A_297 = arith.addi %mul3A_295, %add3A_296 : i32
      %lt3A_298 = arith.constant 125 : i32
      %lt3A_299 = arith.cmpi slt, %add3A_297, %lt3A_298 : i32
      %convert_element_type3A_300 = arith.extui %lt3A_299 : i1 to i32
      %cond3A_301 = arith.constant 0 : i32
      %cond3A_302 = arith.cmpi ne, %convert_element_type3A_300, %cond3A_301 : i32
      scf.if %cond3A_302 {
        %ge3A = arith.constant 1 : i32
        %ge3A_312 = arith.cmpi sge, %add3A_297, %ge3A : i32
        %convert_element_type3A_313 = arith.extui %ge3A_312 : i1 to i32
        %cond3A_314 = arith.constant 0 : i32
        %cond3A_315 = arith.cmpi ne, %convert_element_type3A_313, %cond3A_314 : i32
        scf.if %cond3A_315 {
          %dma_wait3A_383 = arith.constant 1 : i32
          %dma_wait3A_384 = arith.constant 1 : i32
          %dma_wait3A_385 = arith.constant 1 : i32
          %dma_wait3A_386 = arith.constant 0 : i32
          %dma_wait3A_387 = arith.constant 0 : i32
          %dma_wait3A_388 = tpu.memref_slice %arg18[%dma_wait3A_383, %dma_wait3A_386, %dma_wait3A_387] : memref<2x80x128xf32, #tpu.memory_space<vmem>> -> memref<1x80x128xf32, #tpu.memory_space<vmem>>
          %dma_wait3A_389 = tpu.memref_squeeze %dma_wait3A_388 : memref<1x80x128xf32, #tpu.memory_space<vmem>> -> memref<80x128xf32, #tpu.memory_space<vmem>>
          %dma_wait3A_390 = arith.constant 0 : i32
          %dma_wait3A_391 = tpu.memref_slice %arg13[%dma_wait3A_384, %dma_wait3A_390] : memref<4x80xi32, #tpu.memory_space<vmem>> -> memref<1x80xi32, #tpu.memory_space<vmem>>
          %dma_wait3A_392 = tpu.memref_squeeze %dma_wait3A_391 : memref<1x80xi32, #tpu.memory_space<vmem>> -> memref<80xi32, #tpu.memory_space<vmem>>
          %dma_wait3A_393 = arith.constant 0 : i32
          %dma_wait3A_394 = arith.constant 0 : i32
          %dma_wait3A_395 = tpu.memref_slice %arg12[%dma_wait3A_393, %dma_wait3A_394] : memref<10112x128xf32, #tpu.memory_space<vmem_shared>> -> memref<10112x128xf32, #tpu.memory_space<vmem_shared>>
          %dma_wait3A_396 = tpu.memref_slice %arg20[%dma_wait3A_385] : memref<2x!tpu.dma_semaphore, #tpu.memory_space<semaphore_mem>> -> memref<1x!tpu.dma_semaphore, #tpu.memory_space<semaphore_mem>>
          %dma_wait3A_397 = tpu.memref_squeeze %dma_wait3A_396 : memref<1x!tpu.dma_semaphore, #tpu.memory_space<semaphore_mem>> -> memref<!tpu.dma_semaphore, #tpu.memory_space<semaphore_mem>>
          tpu.wait_indirect_dma semaphore(%dma_wait3A_397 : memref<!tpu.dma_semaphore, #tpu.memory_space<semaphore_mem>>) src(%dma_wait3A_389 : memref<80x128xf32, #tpu.memory_space<vmem>>) dst(%dma_wait3A_395 : memref<10112x128xf32, #tpu.memory_space<vmem_shared>>)
        } else {
        }
        %add3A_316 = arith.constant 2 : i32
        %add3A_317 = arith.addi %add3A_297, %add3A_316 : i32
        %lt3A_318 = arith.constant 125 : i32
        %lt3A_319 = arith.cmpi slt, %add3A_317, %lt3A_318 : i32
        %convert_element_type3A_320 = arith.extui %lt3A_319 : i1 to i32
        %cond3A_321 = arith.constant 0 : i32
        %cond3A_322 = arith.cmpi ne, %convert_element_type3A_320, %cond3A_321 : i32
        scf.if %cond3A_322 {
          %add3A_383 = arith.constant 2 : i32
          %add3A_384 = arith.addi %add3A_297, %add3A_383 : i32
          %mul3A_385 = arith.constant 80 : i32
          %mul3A_386 = arith.muli %add3A_384, %mul3A_385 : i32
          %add3A_387 = arith.addi %mul3A_4, %mul3A_386 : i32
          %dma_start3A_388 = arith.constant 0 : i32
          %dma_start3A_389 = arith.constant 0 : i32
          %dma_start3A_390 = arith.constant 0 : i32
          %dma_start3A_391 = tpu.memref_slice %arg19[%dma_start3A_388, %dma_start3A_390] : memref<4x80xi32, #tpu.memory_space<vmem>> -> memref<1x80xi32, #tpu.memory_space<vmem>>
          %dma_start3A_392 = tpu.memref_squeeze %dma_start3A_391 : memref<1x80xi32, #tpu.memory_space<vmem>> -> memref<80xi32, #tpu.memory_space<vmem>>
          %dma_start3A_393 = tpu.memref_slice %arg3[%add3A_387] : memref<320000xi32, #tpu.memory_space<hbm>> -> memref<80xi32, #tpu.memory_space<hbm>>
          %dma_start3A_394 = tpu.memref_slice %arg17[%dma_start3A_389] : memref<4x!tpu.dma_semaphore, #tpu.memory_space<semaphore_mem>> -> memref<1x!tpu.dma_semaphore, #tpu.memory_space<semaphore_mem>>
          %dma_start3A_395 = tpu.memref_squeeze %dma_start3A_394 : memref<1x!tpu.dma_semaphore, #tpu.memory_space<semaphore_mem>> -> memref<!tpu.dma_semaphore, #tpu.memory_space<semaphore_mem>>
          %dma_start3A_396 = arith.constant 0 : i32
          %dma_start3A_397 = tpu.memref_slice %arg19[%dma_start3A_388, %dma_start3A_396] : memref<4x80xi32, #tpu.memory_space<vmem>> -> memref<1x80xi32, #tpu.memory_space<vmem>>
          %dma_start3A_398 = tpu.memref_squeeze %dma_start3A_397 : memref<1x80xi32, #tpu.memory_space<vmem>> -> memref<80xi32, #tpu.memory_space<vmem>>
          %dma_start3A_399 = tpu.memref_slice %arg3[%add3A_387] : memref<320000xi32, #tpu.memory_space<hbm>> -> memref<80xi32, #tpu.memory_space<hbm>>
          tpu.enqueue_dma source(%dma_start3A_399 : memref<80xi32, #tpu.memory_space<hbm>>) target(%dma_start3A_398 : memref<80xi32, #tpu.memory_space<vmem>>) target_semaphore(%dma_start3A_395 : memref<!tpu.dma_semaphore, #tpu.memory_space<semaphore_mem>>)
          %dma_start3A_400 = arith.constant 0 : i32
          %dma_start3A_401 = arith.constant 0 : i32
          %dma_start3A_402 = arith.constant 0 : i32
          %dma_start3A_403 = tpu.memref_slice %arg13[%dma_start3A_400, %dma_start3A_402] : memref<4x80xi32, #tpu.memory_space<vmem>> -> memref<1x80xi32, #tpu.memory_space<vmem>>
          %dma_start3A_404 = tpu.memref_squeeze %dma_start3A_403 : memref<1x80xi32, #tpu.memory_space<vmem>> -> memref<80xi32, #tpu.memory_space<vmem>>
          %dma_start3A_405 = tpu.memref_slice %arg4[%add3A_387] : memref<320000xi32, #tpu.memory_space<hbm>> -> memref<80xi32, #tpu.memory_space<hbm>>
          %dma_start3A_406 = tpu.memref_slice %arg17[%dma_start3A_401] : memref<4x!tpu.dma_semaphore, #tpu.memory_space<semaphore_mem>> -> memref<1x!tpu.dma_semaphore, #tpu.memory_space<semaphore_mem>>
          %dma_start3A_407 = tpu.memref_squeeze %dma_start3A_406 : memref<1x!tpu.dma_semaphore, #tpu.memory_space<semaphore_mem>> -> memref<!tpu.dma_semaphore, #tpu.memory_space<semaphore_mem>>
          %dma_start3A_408 = arith.constant 0 : i32
          %dma_start3A_409 = tpu.memref_slice %arg13[%dma_start3A_400, %dma_start3A_408] : memref<4x80xi32, #tpu.memory_space<vmem>> -> memref<1x80xi32, #tpu.memory_space<vmem>>
          %dma_start3A_410 = tpu.memref_squeeze %dma_start3A_409 : memref<1x80xi32, #tpu.memory_space<vmem>> -> memref<80xi32, #tpu.memory_space<vmem>>
          %dma_start3A_411 = tpu.memref_slice %arg4[%add3A_387] : memref<320000xi32, #tpu.memory_space<hbm>> -> memref<80xi32, #tpu.memory_space<hbm>>
          tpu.enqueue_dma source(%dma_start3A_411 : memref<80xi32, #tpu.memory_space<hbm>>) target(%dma_start3A_410 : memref<80xi32, #tpu.memory_space<vmem>>) target_semaphore(%dma_start3A_407 : memref<!tpu.dma_semaphore, #tpu.memory_space<semaphore_mem>>)
        } else {
        }
        %add3A_323 = arith.constant 1 : i32
        %add3A_324 = arith.addi %add3A_297, %add3A_323 : i32
        %lt3A_325 = arith.constant 125 : i32
        %lt3A_326 = arith.cmpi slt, %add3A_324, %lt3A_325 : i32
        %convert_element_type3A_327 = arith.extui %lt3A_326 : i1 to i32
        %cond3A_328 = arith.constant 0 : i32
        %cond3A_329 = arith.cmpi ne, %convert_element_type3A_327, %cond3A_328 : i32
        scf.if %cond3A_329 {
          %add3A_383 = arith.constant 1 : i32
          %add3A_384 = arith.addi %add3A_297, %add3A_383 : i32
          %mul3A_385 = arith.constant 80 : i32
          %mul3A_386 = arith.muli %add3A_384, %mul3A_385 : i32
          %add3A_387 = arith.addi %mul3A_4, %mul3A_386 : i32
          %dma_start3A_388 = arith.constant 1 : i32
          %dma_start3A_389 = arith.constant 1 : i32
          %dma_start3A_390 = arith.constant 0 : i32
          %dma_start3A_391 = arith.constant 0 : i32
          %dma_start3A_392 = tpu.memref_slice %arg14[%dma_start3A_388, %dma_start3A_390, %dma_start3A_391] : memref<2x80x128xf32, #tpu.memory_space<vmem>> -> memref<1x80x128xf32, #tpu.memory_space<vmem>>
          %dma_start3A_393 = tpu.memref_squeeze %dma_start3A_392 : memref<1x80x128xf32, #tpu.memory_space<vmem>> -> memref<80x128xf32, #tpu.memory_space<vmem>>
          %dma_start3A_394 = arith.constant 0 : i32
          %dma_start3A_395 = tpu.memref_slice %arg5[%add3A_387, %dma_start3A_394] : memref<320000x128xf32, #tpu.memory_space<hbm>> -> memref<80x128xf32, #tpu.memory_space<hbm>>
          %dma_start3A_396 = tpu.memref_slice %arg15[%dma_start3A_389] : memref<2x!tpu.dma_semaphore, #tpu.memory_space<semaphore_mem>> -> memref<1x!tpu.dma_semaphore, #tpu.memory_space<semaphore_mem>>
          %dma_start3A_397 = tpu.memref_squeeze %dma_start3A_396 : memref<1x!tpu.dma_semaphore, #tpu.memory_space<semaphore_mem>> -> memref<!tpu.dma_semaphore, #tpu.memory_space<semaphore_mem>>
          %dma_start3A_398 = arith.constant 0 : i32
          %dma_start3A_399 = arith.constant 0 : i32
          %dma_start3A_400 = tpu.memref_slice %arg14[%dma_start3A_388, %dma_start3A_398, %dma_start3A_399] : memref<2x80x128xf32, #tpu.memory_space<vmem>> -> memref<1x80x128xf32, #tpu.memory_space<vmem>>
          %dma_start3A_401 = tpu.memref_squeeze %dma_start3A_400 : memref<1x80x128xf32, #tpu.memory_space<vmem>> -> memref<80x128xf32, #tpu.memory_space<vmem>>
          %dma_start3A_402 = arith.constant 0 : i32
          %dma_start3A_403 = tpu.memref_slice %arg5[%add3A_387, %dma_start3A_402] : memref<320000x128xf32, #tpu.memory_space<hbm>> -> memref<80x128xf32, #tpu.memory_space<hbm>>
          tpu.enqueue_dma source(%dma_start3A_403 : memref<80x128xf32, #tpu.memory_space<hbm>>) target(%dma_start3A_401 : memref<80x128xf32, #tpu.memory_space<vmem>>) target_semaphore(%dma_start3A_397 : memref<!tpu.dma_semaphore, #tpu.memory_space<semaphore_mem>>)
          %dma_wait3A_404 = arith.constant 3 : i32
          %dma_wait3A_405 = arith.constant 3 : i32
          %dma_wait3A_406 = arith.constant 0 : i32
          %dma_wait3A_407 = tpu.memref_slice %arg19[%dma_wait3A_404, %dma_wait3A_406] : memref<4x80xi32, #tpu.memory_space<vmem>> -> memref<1x80xi32, #tpu.memory_space<vmem>>
          %dma_wait3A_408 = tpu.memref_squeeze %dma_wait3A_407 : memref<1x80xi32, #tpu.memory_space<vmem>> -> memref<80xi32, #tpu.memory_space<vmem>>
          %dma_wait3A_409 = arith.constant 0 : i32
          %dma_wait3A_410 = tpu.memref_slice %arg3[%dma_wait3A_409] : memref<320000xi32, #tpu.memory_space<hbm>> -> memref<80xi32, #tpu.memory_space<hbm>>
          %dma_wait3A_411 = tpu.memref_slice %arg17[%dma_wait3A_405] : memref<4x!tpu.dma_semaphore, #tpu.memory_space<semaphore_mem>> -> memref<1x!tpu.dma_semaphore, #tpu.memory_space<semaphore_mem>>
          %dma_wait3A_412 = tpu.memref_squeeze %dma_wait3A_411 : memref<1x!tpu.dma_semaphore, #tpu.memory_space<semaphore_mem>> -> memref<!tpu.dma_semaphore, #tpu.memory_space<semaphore_mem>>
          %dma_wait3A_413 = arith.constant 0 : i32
          %dma_wait3A_414 = tpu.memref_slice %arg19[%dma_wait3A_404, %dma_wait3A_413] : memref<4x80xi32, #tpu.memory_space<vmem>> -> memref<1x80xi32, #tpu.memory_space<vmem>>
          %dma_wait3A_415 = tpu.memref_squeeze %dma_wait3A_414 : memref<1x80xi32, #tpu.memory_space<vmem>> -> memref<80xi32, #tpu.memory_space<vmem>>
          %dma_wait3A_416 = arith.constant 0 : i32
          %dma_wait3A_417 = tpu.memref_slice %arg3[%dma_wait3A_416] : memref<320000xi32, #tpu.memory_space<hbm>> -> memref<80xi32, #tpu.memory_space<hbm>>
          tpu.wait_dma2 semaphore(%dma_wait3A_412 : memref<!tpu.dma_semaphore, #tpu.memory_space<semaphore_mem>>) src(%dma_wait3A_417 : memref<80xi32, #tpu.memory_space<hbm>>) dst(%dma_wait3A_415 : memref<80xi32, #tpu.memory_space<vmem>>)
          %dma_wait3A_418 = arith.constant 3 : i32
          %dma_wait3A_419 = arith.constant 3 : i32
          %dma_wait3A_420 = arith.constant 0 : i32
          %dma_wait3A_421 = tpu.memref_slice %arg13[%dma_wait3A_418, %dma_wait3A_420] : memref<4x80xi32, #tpu.memory_space<vmem>> -> memref<1x80xi32, #tpu.memory_space<vmem>>
          %dma_wait3A_422 = tpu.memref_squeeze %dma_wait3A_421 : memref<1x80xi32, #tpu.memory_space<vmem>> -> memref<80xi32, #tpu.memory_space<vmem>>
          %dma_wait3A_423 = arith.constant 0 : i32
          %dma_wait3A_424 = tpu.memref_slice %arg4[%dma_wait3A_423] : memref<320000xi32, #tpu.memory_space<hbm>> -> memref<80xi32, #tpu.memory_space<hbm>>
          %dma_wait3A_425 = tpu.memref_slice %arg17[%dma_wait3A_419] : memref<4x!tpu.dma_semaphore, #tpu.memory_space<semaphore_mem>> -> memref<1x!tpu.dma_semaphore, #tpu.memory_space<semaphore_mem>>
          %dma_wait3A_426 = tpu.memref_squeeze %dma_wait3A_425 : memref<1x!tpu.dma_semaphore, #tpu.memory_space<semaphore_mem>> -> memref<!tpu.dma_semaphore, #tpu.memory_space<semaphore_mem>>
          %dma_wait3A_427 = arith.constant 0 : i32
          %dma_wait3A_428 = tpu.memref_slice %arg13[%dma_wait3A_418, %dma_wait3A_427] : memref<4x80xi32, #tpu.memory_space<vmem>> -> memref<1x80xi32, #tpu.memory_space<vmem>>
          %dma_wait3A_429 = tpu.memref_squeeze %dma_wait3A_428 : memref<1x80xi32, #tpu.memory_space<vmem>> -> memref<80xi32, #tpu.memory_space<vmem>>
          %dma_wait3A_430 = arith.constant 0 : i32
          %dma_wait3A_431 = tpu.memref_slice %arg4[%dma_wait3A_430] : memref<320000xi32, #tpu.memory_space<hbm>> -> memref<80xi32, #tpu.memory_space<hbm>>
          tpu.wait_dma2 semaphore(%dma_wait3A_426 : memref<!tpu.dma_semaphore, #tpu.memory_space<semaphore_mem>>) src(%dma_wait3A_431 : memref<80xi32, #tpu.memory_space<hbm>>) dst(%dma_wait3A_429 : memref<80xi32, #tpu.memory_space<vmem>>)
          %dma_start3A_432 = arith.constant 3 : i32
          %dma_start3A_433 = arith.constant 1 : i32
          %dma_start3A_434 = arith.constant 1 : i32
          %dma_start3A_435 = arith.constant 0 : i32
          %dma_start3A_436 = arith.constant 0 : i32
          %dma_start3A_437 = tpu.memref_slice %arg18[%dma_start3A_433, %dma_start3A_435, %dma_start3A_436] : memref<2x80x128xf32, #tpu.memory_space<vmem>> -> memref<1x80x128xf32, #tpu.memory_space<vmem>>
          %dma_start3A_438 = tpu.memref_squeeze %dma_start3A_437 : memref<1x80x128xf32, #tpu.memory_space<vmem>> -> memref<80x128xf32, #tpu.memory_space<vmem>>
          %dma_start3A_439 = arith.constant 0 : i32
          %dma_start3A_440 = tpu.memref_slice %arg19[%dma_start3A_432, %dma_start3A_439] : memref<4x80xi32, #tpu.memory_space<vmem>> -> memref<1x80xi32, #tpu.memory_space<vmem>>
          %dma_start3A_441 = tpu.memref_squeeze %dma_start3A_440 : memref<1x80xi32, #tpu.memory_space<vmem>> -> memref<80xi32, #tpu.memory_space<vmem>>
          %dma_start3A_442 = arith.constant 0 : i32
          %dma_start3A_443 = arith.constant 0 : i32
          %dma_start3A_444 = tpu.memref_slice %arg2[%dma_start3A_442, %dma_start3A_443] : memref<10000x128xf32, #tpu.memory_space<hbm>> -> memref<10000x128xf32, #tpu.memory_space<hbm>>
          %dma_start3A_445 = tpu.memref_slice %arg16[%dma_start3A_434] : memref<2x!tpu.dma_semaphore, #tpu.memory_space<semaphore_mem>> -> memref<1x!tpu.dma_semaphore, #tpu.memory_space<semaphore_mem>>
          %dma_start3A_446 = tpu.memref_squeeze %dma_start3A_445 : memref<1x!tpu.dma_semaphore, #tpu.memory_space<semaphore_mem>> -> memref<!tpu.dma_semaphore, #tpu.memory_space<semaphore_mem>>
          tpu.enqueue_indirect_dma source(%dma_start3A_444 : memref<10000x128xf32, #tpu.memory_space<hbm>>) target(%dma_start3A_438 : memref<80x128xf32, #tpu.memory_space<vmem>>) offsets(%dma_start3A_441 : memref<80xi32, #tpu.memory_space<vmem>>) semaphore(%dma_start3A_446 : memref<!tpu.dma_semaphore, #tpu.memory_space<semaphore_mem>>)
        } else {
        }
        %dma_wait3A_330 = arith.constant 2 : i32
        %dma_wait3A_331 = arith.constant 0 : i32
        %dma_wait3A_332 = arith.constant 0 : i32
        %dma_wait3A_333 = arith.constant 0 : i32
        %dma_wait3A_334 = arith.constant 0 : i32
        %dma_wait3A_335 = tpu.memref_slice %arg18[%dma_wait3A_331, %dma_wait3A_333, %dma_wait3A_334] : memref<2x80x128xf32, #tpu.memory_space<vmem>> -> memref<1x80x128xf32, #tpu.memory_space<vmem>>
        %dma_wait3A_336 = tpu.memref_squeeze %dma_wait3A_335 : memref<1x80x128xf32, #tpu.memory_space<vmem>> -> memref<80x128xf32, #tpu.memory_space<vmem>>
        %dma_wait3A_337 = arith.constant 0 : i32
        %dma_wait3A_338 = tpu.memref_slice %arg19[%dma_wait3A_330, %dma_wait3A_337] : memref<4x80xi32, #tpu.memory_space<vmem>> -> memref<1x80xi32, #tpu.memory_space<vmem>>
        %dma_wait3A_339 = tpu.memref_squeeze %dma_wait3A_338 : memref<1x80xi32, #tpu.memory_space<vmem>> -> memref<80xi32, #tpu.memory_space<vmem>>
        %dma_wait3A_340 = arith.constant 0 : i32
        %dma_wait3A_341 = arith.constant 0 : i32
        %dma_wait3A_342 = tpu.memref_slice %arg2[%dma_wait3A_340, %dma_wait3A_341] : memref<10000x128xf32, #tpu.memory_space<hbm>> -> memref<10000x128xf32, #tpu.memory_space<hbm>>
        %dma_wait3A_343 = tpu.memref_slice %arg16[%dma_wait3A_332] : memref<2x!tpu.dma_semaphore, #tpu.memory_space<semaphore_mem>> -> memref<1x!tpu.dma_semaphore, #tpu.memory_space<semaphore_mem>>
        %dma_wait3A_344 = tpu.memref_squeeze %dma_wait3A_343 : memref<1x!tpu.dma_semaphore, #tpu.memory_space<semaphore_mem>> -> memref<!tpu.dma_semaphore, #tpu.memory_space<semaphore_mem>>
        tpu.wait_indirect_dma semaphore(%dma_wait3A_344 : memref<!tpu.dma_semaphore, #tpu.memory_space<semaphore_mem>>) src(%dma_wait3A_342 : memref<10000x128xf32, #tpu.memory_space<hbm>>) dst(%dma_wait3A_336 : memref<80x128xf32, #tpu.memory_space<vmem>>)
        %dma_wait3A_345 = arith.constant 0 : i32
        %dma_wait3A_346 = arith.constant 0 : i32
        %dma_wait3A_347 = arith.constant 0 : i32
        %dma_wait3A_348 = arith.constant 0 : i32
        %dma_wait3A_349 = tpu.memref_slice %arg14[%dma_wait3A_345, %dma_wait3A_347, %dma_wait3A_348] : memref<2x80x128xf32, #tpu.memory_space<vmem>> -> memref<1x80x128xf32, #tpu.memory_space<vmem>>
        %dma_wait3A_350 = tpu.memref_squeeze %dma_wait3A_349 : memref<1x80x128xf32, #tpu.memory_space<vmem>> -> memref<80x128xf32, #tpu.memory_space<vmem>>
        %dma_wait3A_351 = arith.constant 0 : i32
        %dma_wait3A_352 = arith.constant 0 : i32
        %dma_wait3A_353 = tpu.memref_slice %arg5[%dma_wait3A_351, %dma_wait3A_352] : memref<320000x128xf32, #tpu.memory_space<hbm>> -> memref<80x128xf32, #tpu.memory_space<hbm>>
        %dma_wait3A_354 = tpu.memref_slice %arg15[%dma_wait3A_346] : memref<2x!tpu.dma_semaphore, #tpu.memory_space<semaphore_mem>> -> memref<1x!tpu.dma_semaphore, #tpu.memory_space<semaphore_mem>>
        %dma_wait3A_355 = tpu.memref_squeeze %dma_wait3A_354 : memref<1x!tpu.dma_semaphore, #tpu.memory_space<semaphore_mem>> -> memref<!tpu.dma_semaphore, #tpu.memory_space<semaphore_mem>>
        %dma_wait3A_356 = arith.constant 0 : i32
        %dma_wait3A_357 = arith.constant 0 : i32
        %dma_wait3A_358 = tpu.memref_slice %arg14[%dma_wait3A_345, %dma_wait3A_356, %dma_wait3A_357] : memref<2x80x128xf32, #tpu.memory_space<vmem>> -> memref<1x80x128xf32, #tpu.memory_space<vmem>>
        %dma_wait3A_359 = tpu.memref_squeeze %dma_wait3A_358 : memref<1x80x128xf32, #tpu.memory_space<vmem>> -> memref<80x128xf32, #tpu.memory_space<vmem>>
        %dma_wait3A_360 = arith.constant 0 : i32
        %dma_wait3A_361 = arith.constant 0 : i32
        %dma_wait3A_362 = tpu.memref_slice %arg5[%dma_wait3A_360, %dma_wait3A_361] : memref<320000x128xf32, #tpu.memory_space<hbm>> -> memref<80x128xf32, #tpu.memory_space<hbm>>
        tpu.wait_dma2 semaphore(%dma_wait3A_355 : memref<!tpu.dma_semaphore, #tpu.memory_space<semaphore_mem>>) src(%dma_wait3A_362 : memref<80x128xf32, #tpu.memory_space<hbm>>) dst(%dma_wait3A_359 : memref<80x128xf32, #tpu.memory_space<vmem>>)
        %scan3A_363 = arith.constant 0 : i32
        %scan3A_364 = arith.constant 80 : i32
        %scan3A_365 = arith.addi %scan3A_363, %scan3A_364 : i32
        %scan3A_366 = arith.constant 1 : i32
        scf.for %scan3A_383 = %scan3A_363 to %scan3A_365 step %scan3A_366  : i32 {
          %mul3A_384 = arith.constant 1 : i32
          %mul3A_385 = arith.muli %scan3A_383, %mul3A_384 : i32
          %add3A_386 = arith.constant 0 : i32
          %add3A_387 = arith.addi %add3A_386, %mul3A_385 : i32
          %get3A = arith.constant 0 : i32
          %get3A_388 = arith.index_cast %get3A : i32 to index
          %get3A_389 = arith.index_cast %add3A_387 : i32 to index
          %get3A_390 = arith.constant 0 : index
          %get3A_391 = tpu.vector_load %arg18[%get3A_388, %get3A_389, %get3A_390] {strides = array<i32>} : memref<2x80x128xf32, #tpu.memory_space<vmem>>, vector<1x1x16xf32>,
          %get3A_392 = vector.shape_cast %get3A_391 : vector<1x1x16xf32> to vector<16xf32>
          %get3A_393 = arith.constant 0 : i32
          %get3A_394 = arith.index_cast %get3A_393 : i32 to index
          %get3A_395 = arith.index_cast %add3A_387 : i32 to index
          %get3A_396 = arith.constant 0 : index
          %get3A_397 = tpu.vector_load %arg14[%get3A_394, %get3A_395, %get3A_396] {strides = array<i32>} : memref<2x80x128xf32, #tpu.memory_space<vmem>>, vector<1x1x16xf32>,
          %get3A_398 = vector.shape_cast %get3A_397 : vector<1x1x16xf32> to vector<16xf32>
          %add3A_399 = arith.addf %get3A_392, %get3A_398 : vector<16xf32>
          %max3A = arith.constant 0.000000e+00 : f32
          %max3A_400 = vector.broadcast %max3A : f32 to vector<16xf32>
          %max3A_401 = arith.maximumf %add3A_399, %max3A_400 : vector<16xf32>
          %swap3A = arith.constant 0 : i32
          %swap3A_402 = arith.index_cast %swap3A : i32 to index
          %swap3A_403 = arith.index_cast %add3A_387 : i32 to index
          %swap3A_404 = arith.constant 0 : index
          %swap3A_405 = tpu.vector_load %arg18[%swap3A_402, %swap3A_403, %swap3A_404] {strides = array<i32>} : memref<2x80x128xf32, #tpu.memory_space<vmem>>, vector<1x1x16xf32>,
          %swap3A_406 = vector.shape_cast %swap3A_405 : vector<1x1x16xf32> to vector<16xf32>
          %swap3A_407 = vector.shape_cast %max3A_401 : vector<16xf32> to vector<1x1x16xf32>
          tpu.vector_store %arg18[%swap3A_402, %swap3A_403, %swap3A_404], %swap3A_407 {strides = array<i32>} : memref<2x80x128xf32, #tpu.memory_space<vmem>>, vector<1x1x16xf32>,
          %get3A_408 = arith.constant 0 : i32
          %get3A_409 = arith.index_cast %get3A_408 : i32 to index
          %get3A_410 = arith.index_cast %add3A_387 : i32 to index
          %get3A_411 = arith.constant 16 : index
          %get3A_412 = tpu.vector_load %arg18[%get3A_409, %get3A_410, %get3A_411] {strides = array<i32>} : memref<2x80x128xf32, #tpu.memory_space<vmem>>, vector<1x1x16xf32>,
          %get3A_413 = vector.shape_cast %get3A_412 : vector<1x1x16xf32> to vector<16xf32>
          %get3A_414 = arith.constant 0 : i32
          %get3A_415 = arith.index_cast %get3A_414 : i32 to index
          %get3A_416 = arith.index_cast %add3A_387 : i32 to index
          %get3A_417 = arith.constant 16 : index
          %get3A_418 = tpu.vector_load %arg14[%get3A_415, %get3A_416, %get3A_417] {strides = array<i32>} : memref<2x80x128xf32, #tpu.memory_space<vmem>>, vector<1x1x16xf32>,
          %get3A_419 = vector.shape_cast %get3A_418 : vector<1x1x16xf32> to vector<16xf32>
          %add3A_420 = arith.addf %get3A_413, %get3A_419 : vector<16xf32>
          %max3A_421 = arith.constant 0.000000e+00 : f32
          %max3A_422 = vector.broadcast %max3A_421 : f32 to vector<16xf32>
          %max3A_423 = arith.maximumf %add3A_420, %max3A_422 : vector<16xf32>
          %swap3A_424 = arith.constant 0 : i32
          %swap3A_425 = arith.index_cast %swap3A_424 : i32 to index
          %swap3A_426 = arith.index_cast %add3A_387 : i32 to index
          %swap3A_427 = arith.constant 16 : index
          %swap3A_428 = tpu.vector_load %arg18[%swap3A_425, %swap3A_426, %swap3A_427] {strides = array<i32>} : memref<2x80x128xf32, #tpu.memory_space<vmem>>, vector<1x1x16xf32>,
          %swap3A_429 = vector.shape_cast %swap3A_428 : vector<1x1x16xf32> to vector<16xf32>
          %swap3A_430 = vector.shape_cast %max3A_423 : vector<16xf32> to vector<1x1x16xf32>
          tpu.vector_store %arg18[%swap3A_425, %swap3A_426, %swap3A_427], %swap3A_430 {strides = array<i32>} : memref<2x80x128xf32, #tpu.memory_space<vmem>>, vector<1x1x16xf32>,
          %get3A_431 = arith.constant 0 : i32
          %get3A_432 = arith.index_cast %get3A_431 : i32 to index
          %get3A_433 = arith.index_cast %add3A_387 : i32 to index
          %get3A_434 = arith.constant 32 : index
          %get3A_435 = tpu.vector_load %arg18[%get3A_432, %get3A_433, %get3A_434] {strides = array<i32>} : memref<2x80x128xf32, #tpu.memory_space<vmem>>, vector<1x1x16xf32>,
          %get3A_436 = vector.shape_cast %get3A_435 : vector<1x1x16xf32> to vector<16xf32>
          %get3A_437 = arith.constant 0 : i32
          %get3A_438 = arith.index_cast %get3A_437 : i32 to index
          %get3A_439 = arith.index_cast %add3A_387 : i32 to index
          %get3A_440 = arith.constant 32 : index
          %get3A_441 = tpu.vector_load %arg14[%get3A_438, %get3A_439, %get3A_440] {strides = array<i32>} : memref<2x80x128xf32, #tpu.memory_space<vmem>>, vector<1x1x16xf32>,
          %get3A_442 = vector.shape_cast %get3A_441 : vector<1x1x16xf32> to vector<16xf32>
          %add3A_443 = arith.addf %get3A_436, %get3A_442 : vector<16xf32>
          %max3A_444 = arith.constant 0.000000e+00 : f32
          %max3A_445 = vector.broadcast %max3A_444 : f32 to vector<16xf32>
          %max3A_446 = arith.maximumf %add3A_443, %max3A_445 : vector<16xf32>
          %swap3A_447 = arith.constant 0 : i32
          %swap3A_448 = arith.index_cast %swap3A_447 : i32 to index
          %swap3A_449 = arith.index_cast %add3A_387 : i32 to index
          %swap3A_450 = arith.constant 32 : index
          %swap3A_451 = tpu.vector_load %arg18[%swap3A_448, %swap3A_449, %swap3A_450] {strides = array<i32>} : memref<2x80x128xf32, #tpu.memory_space<vmem>>, vector<1x1x16xf32>,
          %swap3A_452 = vector.shape_cast %swap3A_451 : vector<1x1x16xf32> to vector<16xf32>
          %swap3A_453 = vector.shape_cast %max3A_446 : vector<16xf32> to vector<1x1x16xf32>
          tpu.vector_store %arg18[%swap3A_448, %swap3A_449, %swap3A_450], %swap3A_453 {strides = array<i32>} : memref<2x80x128xf32, #tpu.memory_space<vmem>>, vector<1x1x16xf32>,
          %get3A_454 = arith.constant 0 : i32
          %get3A_455 = arith.index_cast %get3A_454 : i32 to index
          %get3A_456 = arith.index_cast %add3A_387 : i32 to index
          %get3A_457 = arith.constant 48 : index
          %get3A_458 = tpu.vector_load %arg18[%get3A_455, %get3A_456, %get3A_457] {strides = array<i32>} : memref<2x80x128xf32, #tpu.memory_space<vmem>>, vector<1x1x16xf32>,
          %get3A_459 = vector.shape_cast %get3A_458 : vector<1x1x16xf32> to vector<16xf32>
          %get3A_460 = arith.constant 0 : i32
          %get3A_461 = arith.index_cast %get3A_460 : i32 to index
          %get3A_462 = arith.index_cast %add3A_387 : i32 to index
          %get3A_463 = arith.constant 48 : index
          %get3A_464 = tpu.vector_load %arg14[%get3A_461, %get3A_462, %get3A_463] {strides = array<i32>} : memref<2x80x128xf32, #tpu.memory_space<vmem>>, vector<1x1x16xf32>,
          %get3A_465 = vector.shape_cast %get3A_464 : vector<1x1x16xf32> to vector<16xf32>
          %add3A_466 = arith.addf %get3A_459, %get3A_465 : vector<16xf32>
          %max3A_467 = arith.constant 0.000000e+00 : f32
          %max3A_468 = vector.broadcast %max3A_467 : f32 to vector<16xf32>
          %max3A_469 = arith.maximumf %add3A_466, %max3A_468 : vector<16xf32>
          %swap3A_470 = arith.constant 0 : i32
          %swap3A_471 = arith.index_cast %swap3A_470 : i32 to index
          %swap3A_472 = arith.index_cast %add3A_387 : i32 to index
          %swap3A_473 = arith.constant 48 : index
          %swap3A_474 = tpu.vector_load %arg18[%swap3A_471, %swap3A_472, %swap3A_473] {strides = array<i32>} : memref<2x80x128xf32, #tpu.memory_space<vmem>>, vector<1x1x16xf32>,
          %swap3A_475 = vector.shape_cast %swap3A_474 : vector<1x1x16xf32> to vector<16xf32>
          %swap3A_476 = vector.shape_cast %max3A_469 : vector<16xf32> to vector<1x1x16xf32>
          tpu.vector_store %arg18[%swap3A_471, %swap3A_472, %swap3A_473], %swap3A_476 {strides = array<i32>} : memref<2x80x128xf32, #tpu.memory_space<vmem>>, vector<1x1x16xf32>,
          %get3A_477 = arith.constant 0 : i32
          %get3A_478 = arith.index_cast %get3A_477 : i32 to index
          %get3A_479 = arith.index_cast %add3A_387 : i32 to index
          %get3A_480 = arith.constant 64 : index
          %get3A_481 = tpu.vector_load %arg18[%get3A_478, %get3A_479, %get3A_480] {strides = array<i32>} : memref<2x80x128xf32, #tpu.memory_space<vmem>>, vector<1x1x16xf32>,
          %get3A_482 = vector.shape_cast %get3A_481 : vector<1x1x16xf32> to vector<16xf32>
          %get3A_483 = arith.constant 0 : i32
          %get3A_484 = arith.index_cast %get3A_483 : i32 to index
          %get3A_485 = arith.index_cast %add3A_387 : i32 to index
          %get3A_486 = arith.constant 64 : index
          %get3A_487 = tpu.vector_load %arg14[%get3A_484, %get3A_485, %get3A_486] {strides = array<i32>} : memref<2x80x128xf32, #tpu.memory_space<vmem>>, vector<1x1x16xf32>,
          %get3A_488 = vector.shape_cast %get3A_487 : vector<1x1x16xf32> to vector<16xf32>
          %add3A_489 = arith.addf %get3A_482, %get3A_488 : vector<16xf32>
          %max3A_490 = arith.constant 0.000000e+00 : f32
          %max3A_491 = vector.broadcast %max3A_490 : f32 to vector<16xf32>
          %max3A_492 = arith.maximumf %add3A_489, %max3A_491 : vector<16xf32>
          %swap3A_493 = arith.constant 0 : i32
          %swap3A_494 = arith.index_cast %swap3A_493 : i32 to index
          %swap3A_495 = arith.index_cast %add3A_387 : i32 to index
          %swap3A_496 = arith.constant 64 : index
          %swap3A_497 = tpu.vector_load %arg18[%swap3A_494, %swap3A_495, %swap3A_496] {strides = array<i32>} : memref<2x80x128xf32, #tpu.memory_space<vmem>>, vector<1x1x16xf32>,
          %swap3A_498 = vector.shape_cast %swap3A_497 : vector<1x1x16xf32> to vector<16xf32>
          %swap3A_499 = vector.shape_cast %max3A_492 : vector<16xf32> to vector<1x1x16xf32>
          tpu.vector_store %arg18[%swap3A_494, %swap3A_495, %swap3A_496], %swap3A_499 {strides = array<i32>} : memref<2x80x128xf32, #tpu.memory_space<vmem>>, vector<1x1x16xf32>,
          %get3A_500 = arith.constant 0 : i32
          %get3A_501 = arith.index_cast %get3A_500 : i32 to index
          %get3A_502 = arith.index_cast %add3A_387 : i32 to index
          %get3A_503 = arith.constant 80 : index
          %get3A_504 = tpu.vector_load %arg18[%get3A_501, %get3A_502, %get3A_503] {strides = array<i32>} : memref<2x80x128xf32, #tpu.memory_space<vmem>>, vector<1x1x16xf32>,
          %get3A_505 = vector.shape_cast %get3A_504 : vector<1x1x16xf32> to vector<16xf32>
          %get3A_506 = arith.constant 0 : i32
          %get3A_507 = arith.index_cast %get3A_506 : i32 to index
          %get3A_508 = arith.index_cast %add3A_387 : i32 to index
          %get3A_509 = arith.constant 80 : index
          %get3A_510 = tpu.vector_load %arg14[%get3A_507, %get3A_508, %get3A_509] {strides = array<i32>} : memref<2x80x128xf32, #tpu.memory_space<vmem>>, vector<1x1x16xf32>,
          %get3A_511 = vector.shape_cast %get3A_510 : vector<1x1x16xf32> to vector<16xf32>
          %add3A_512 = arith.addf %get3A_505, %get3A_511 : vector<16xf32>
          %max3A_513 = arith.constant 0.000000e+00 : f32
          %max3A_514 = vector.broadcast %max3A_513 : f32 to vector<16xf32>
          %max3A_515 = arith.maximumf %add3A_512, %max3A_514 : vector<16xf32>
          %swap3A_516 = arith.constant 0 : i32
          %swap3A_517 = arith.index_cast %swap3A_516 : i32 to index
          %swap3A_518 = arith.index_cast %add3A_387 : i32 to index
          %swap3A_519 = arith.constant 80 : index
          %swap3A_520 = tpu.vector_load %arg18[%swap3A_517, %swap3A_518, %swap3A_519] {strides = array<i32>} : memref<2x80x128xf32, #tpu.memory_space<vmem>>, vector<1x1x16xf32>,
          %swap3A_521 = vector.shape_cast %swap3A_520 : vector<1x1x16xf32> to vector<16xf32>
          %swap3A_522 = vector.shape_cast %max3A_515 : vector<16xf32> to vector<1x1x16xf32>
          tpu.vector_store %arg18[%swap3A_517, %swap3A_518, %swap3A_519], %swap3A_522 {strides = array<i32>} : memref<2x80x128xf32, #tpu.memory_space<vmem>>, vector<1x1x16xf32>,
          %get3A_523 = arith.constant 0 : i32
          %get3A_524 = arith.index_cast %get3A_523 : i32 to index
          %get3A_525 = arith.index_cast %add3A_387 : i32 to index
          %get3A_526 = arith.constant 96 : index
          %get3A_527 = tpu.vector_load %arg18[%get3A_524, %get3A_525, %get3A_526] {strides = array<i32>} : memref<2x80x128xf32, #tpu.memory_space<vmem>>, vector<1x1x16xf32>,
          %get3A_528 = vector.shape_cast %get3A_527 : vector<1x1x16xf32> to vector<16xf32>
          %get3A_529 = arith.constant 0 : i32
          %get3A_530 = arith.index_cast %get3A_529 : i32 to index
          %get3A_531 = arith.index_cast %add3A_387 : i32 to index
          %get3A_532 = arith.constant 96 : index
          %get3A_533 = tpu.vector_load %arg14[%get3A_530, %get3A_531, %get3A_532] {strides = array<i32>} : memref<2x80x128xf32, #tpu.memory_space<vmem>>, vector<1x1x16xf32>,
          %get3A_534 = vector.shape_cast %get3A_533 : vector<1x1x16xf32> to vector<16xf32>
          %add3A_535 = arith.addf %get3A_528, %get3A_534 : vector<16xf32>
          %max3A_536 = arith.constant 0.000000e+00 : f32
          %max3A_537 = vector.broadcast %max3A_536 : f32 to vector<16xf32>
          %max3A_538 = arith.maximumf %add3A_535, %max3A_537 : vector<16xf32>
          %swap3A_539 = arith.constant 0 : i32
          %swap3A_540 = arith.index_cast %swap3A_539 : i32 to index
          %swap3A_541 = arith.index_cast %add3A_387 : i32 to index
          %swap3A_542 = arith.constant 96 : index
          %swap3A_543 = tpu.vector_load %arg18[%swap3A_540, %swap3A_541, %swap3A_542] {strides = array<i32>} : memref<2x80x128xf32, #tpu.memory_space<vmem>>, vector<1x1x16xf32>,
          %swap3A_544 = vector.shape_cast %swap3A_543 : vector<1x1x16xf32> to vector<16xf32>
          %swap3A_545 = vector.shape_cast %max3A_538 : vector<16xf32> to vector<1x1x16xf32>
          tpu.vector_store %arg18[%swap3A_540, %swap3A_541, %swap3A_542], %swap3A_545 {strides = array<i32>} : memref<2x80x128xf32, #tpu.memory_space<vmem>>, vector<1x1x16xf32>,
          %get3A_546 = arith.constant 0 : i32
          %get3A_547 = arith.index_cast %get3A_546 : i32 to index
          %get3A_548 = arith.index_cast %add3A_387 : i32 to index
          %get3A_549 = arith.constant 112 : index
          %get3A_550 = tpu.vector_load %arg18[%get3A_547, %get3A_548, %get3A_549] {strides = array<i32>} : memref<2x80x128xf32, #tpu.memory_space<vmem>>, vector<1x1x16xf32>,
          %get3A_551 = vector.shape_cast %get3A_550 : vector<1x1x16xf32> to vector<16xf32>
          %get3A_552 = arith.constant 0 : i32
          %get3A_553 = arith.index_cast %get3A_552 : i32 to index
          %get3A_554 = arith.index_cast %add3A_387 : i32 to index
          %get3A_555 = arith.constant 112 : index
          %get3A_556 = tpu.vector_load %arg14[%get3A_553, %get3A_554, %get3A_555] {strides = array<i32>} : memref<2x80x128xf32, #tpu.memory_space<vmem>>, vector<1x1x16xf32>,
          %get3A_557 = vector.shape_cast %get3A_556 : vector<1x1x16xf32> to vector<16xf32>
          %add3A_558 = arith.addf %get3A_551, %get3A_557 : vector<16xf32>
          %max3A_559 = arith.constant 0.000000e+00 : f32
          %max3A_560 = vector.broadcast %max3A_559 : f32 to vector<16xf32>
          %max3A_561 = arith.maximumf %add3A_558, %max3A_560 : vector<16xf32>
          %swap3A_562 = arith.constant 0 : i32
          %swap3A_563 = arith.index_cast %swap3A_562 : i32 to index
          %swap3A_564 = arith.index_cast %add3A_387 : i32 to index
          %swap3A_565 = arith.constant 112 : index
          %swap3A_566 = tpu.vector_load %arg18[%swap3A_563, %swap3A_564, %swap3A_565] {strides = array<i32>} : memref<2x80x128xf32, #tpu.memory_space<vmem>>, vector<1x1x16xf32>,
          %swap3A_567 = vector.shape_cast %swap3A_566 : vector<1x1x16xf32> to vector<16xf32>
          %swap3A_568 = vector.shape_cast %max3A_561 : vector<16xf32> to vector<1x1x16xf32>
          tpu.vector_store %arg18[%swap3A_563, %swap3A_564, %swap3A_565], %swap3A_568 {strides = array<i32>} : memref<2x80x128xf32, #tpu.memory_space<vmem>>, vector<1x1x16xf32>,
        }
        %scan3A_367 = arith.constant 80 : i32
        %dma_start3A_368 = arith.constant 0 : i32
        %dma_start3A_369 = arith.constant 2 : i32
        %dma_start3A_370 = arith.constant 0 : i32
        %dma_start3A_371 = arith.constant 0 : i32
        %dma_start3A_372 = arith.constant 0 : i32
        %dma_start3A_373 = tpu.memref_slice %arg18[%dma_start3A_368, %dma_start3A_371, %dma_start3A_372] : memref<2x80x128xf32, #tpu.memory_space<vmem>> -> memref<1x80x128xf32, #tpu.memory_space<vmem>>
        %dma_start3A_374 = tpu.memref_squeeze %dma_start3A_373 : memref<1x80x128xf32, #tpu.memory_space<vmem>> -> memref<80x128xf32, #tpu.memory_space<vmem>>
        %dma_start3A_375 = arith.constant 0 : i32
        %dma_start3A_376 = tpu.memref_slice %arg13[%dma_start3A_369, %dma_start3A_375] : memref<4x80xi32, #tpu.memory_space<vmem>> -> memref<1x80xi32, #tpu.memory_space<vmem>>
        %dma_start3A_377 = tpu.memref_squeeze %dma_start3A_376 : memref<1x80xi32, #tpu.memory_space<vmem>> -> memref<80xi32, #tpu.memory_space<vmem>>
        %dma_start3A_378 = arith.constant 0 : i32
        %dma_start3A_379 = arith.constant 0 : i32
        %dma_start3A_380 = tpu.memref_slice %arg12[%dma_start3A_378, %dma_start3A_379] : memref<10112x128xf32, #tpu.memory_space<vmem_shared>> -> memref<10112x128xf32, #tpu.memory_space<vmem_shared>>
        %dma_start3A_381 = tpu.memref_slice %arg20[%dma_start3A_370] : memref<2x!tpu.dma_semaphore, #tpu.memory_space<semaphore_mem>> -> memref<1x!tpu.dma_semaphore, #tpu.memory_space<semaphore_mem>>
        %dma_start3A_382 = tpu.memref_squeeze %dma_start3A_381 : memref<1x!tpu.dma_semaphore, #tpu.memory_space<semaphore_mem>> -> memref<!tpu.dma_semaphore, #tpu.memory_space<semaphore_mem>>
        tpu.enqueue_indirect_dma source(%dma_start3A_374 : memref<80x128xf32, #tpu.memory_space<vmem>>) target(%dma_start3A_380 : memref<10112x128xf32, #tpu.memory_space<vmem_shared>>) offsets(%dma_start3A_377 : memref<80xi32, #tpu.memory_space<vmem>>) semaphore(%dma_start3A_382 : memref<!tpu.dma_semaphore, #tpu.memory_space<semaphore_mem>>) {add = true}
      } else {
      }
      %mul3A_303 = arith.constant 4 : i32
      %mul3A_304 = arith.muli %add3A_278, %mul3A_303 : i32
      %add3A_305 = arith.constant 3 : i32
      %add3A_306 = arith.addi %mul3A_304, %add3A_305 : i32
      %lt3A_307 = arith.constant 125 : i32
      %lt3A_308 = arith.cmpi slt, %add3A_306, %lt3A_307 : i32
      %convert_element_type3A_309 = arith.extui %lt3A_308 : i1 to i32
      %cond3A_310 = arith.constant 0 : i32
      %cond3A_311 = arith.cmpi ne, %convert_element_type3A_309, %cond3A_310 : i32
      scf.if %cond3A_311 {
        %ge3A = arith.constant 1 : i32
        %ge3A_312 = arith.cmpi sge, %add3A_306, %ge3A : i32
        %convert_element_type3A_313 = arith.extui %ge3A_312 : i1 to i32
        %cond3A_314 = arith.constant 0 : i32
        %cond3A_315 = arith.cmpi ne, %convert_element_type3A_313, %cond3A_314 : i32
        scf.if %cond3A_315 {
          %dma_wait3A_383 = arith.constant 0 : i32
          %dma_wait3A_384 = arith.constant 2 : i32
          %dma_wait3A_385 = arith.constant 0 : i32
          %dma_wait3A_386 = arith.constant 0 : i32
          %dma_wait3A_387 = arith.constant 0 : i32
          %dma_wait3A_388 = tpu.memref_slice %arg18[%dma_wait3A_383, %dma_wait3A_386, %dma_wait3A_387] : memref<2x80x128xf32, #tpu.memory_space<vmem>> -> memref<1x80x128xf32, #tpu.memory_space<vmem>>
          %dma_wait3A_389 = tpu.memref_squeeze %dma_wait3A_388 : memref<1x80x128xf32, #tpu.memory_space<vmem>> -> memref<80x128xf32, #tpu.memory_space<vmem>>
          %dma_wait3A_390 = arith.constant 0 : i32
          %dma_wait3A_391 = tpu.memref_slice %arg13[%dma_wait3A_384, %dma_wait3A_390] : memref<4x80xi32, #tpu.memory_space<vmem>> -> memref<1x80xi32, #tpu.memory_space<vmem>>
          %dma_wait3A_392 = tpu.memref_squeeze %dma_wait3A_391 : memref<1x80xi32, #tpu.memory_space<vmem>> -> memref<80xi32, #tpu.memory_space<vmem>>
          %dma_wait3A_393 = arith.constant 0 : i32
          %dma_wait3A_394 = arith.constant 0 : i32
          %dma_wait3A_395 = tpu.memref_slice %arg12[%dma_wait3A_393, %dma_wait3A_394] : memref<10112x128xf32, #tpu.memory_space<vmem_shared>> -> memref<10112x128xf32, #tpu.memory_space<vmem_shared>>
          %dma_wait3A_396 = tpu.memref_slice %arg20[%dma_wait3A_385] : memref<2x!tpu.dma_semaphore, #tpu.memory_space<semaphore_mem>> -> memref<1x!tpu.dma_semaphore, #tpu.memory_space<semaphore_mem>>
          %dma_wait3A_397 = tpu.memref_squeeze %dma_wait3A_396 : memref<1x!tpu.dma_semaphore, #tpu.memory_space<semaphore_mem>> -> memref<!tpu.dma_semaphore, #tpu.memory_space<semaphore_mem>>
          tpu.wait_indirect_dma semaphore(%dma_wait3A_397 : memref<!tpu.dma_semaphore, #tpu.memory_space<semaphore_mem>>) src(%dma_wait3A_389 : memref<80x128xf32, #tpu.memory_space<vmem>>) dst(%dma_wait3A_395 : memref<10112x128xf32, #tpu.memory_space<vmem_shared>>)
        } else {
        }
        %add3A_316 = arith.constant 2 : i32
        %add3A_317 = arith.addi %add3A_306, %add3A_316 : i32
        %lt3A_318 = arith.constant 125 : i32
        %lt3A_319 = arith.cmpi slt, %add3A_317, %lt3A_318 : i32
        %convert_element_type3A_320 = arith.extui %lt3A_319 : i1 to i32
        %cond3A_321 = arith.constant 0 : i32
        %cond3A_322 = arith.cmpi ne, %convert_element_type3A_320, %cond3A_321 : i32
        scf.if %cond3A_322 {
          %add3A_383 = arith.constant 2 : i32
          %add3A_384 = arith.addi %add3A_306, %add3A_383 : i32
          %mul3A_385 = arith.constant 80 : i32
          %mul3A_386 = arith.muli %add3A_384, %mul3A_385 : i32
          %add3A_387 = arith.addi %mul3A_4, %mul3A_386 : i32
          %dma_start3A_388 = arith.constant 1 : i32
          %dma_start3A_389 = arith.constant 1 : i32
          %dma_start3A_390 = arith.constant 0 : i32
          %dma_start3A_391 = tpu.memref_slice %arg19[%dma_start3A_388, %dma_start3A_390] : memref<4x80xi32, #tpu.memory_space<vmem>> -> memref<1x80xi32, #tpu.memory_space<vmem>>
          %dma_start3A_392 = tpu.memref_squeeze %dma_start3A_391 : memref<1x80xi32, #tpu.memory_space<vmem>> -> memref<80xi32, #tpu.memory_space<vmem>>
          %dma_start3A_393 = tpu.memref_slice %arg3[%add3A_387] : memref<320000xi32, #tpu.memory_space<hbm>> -> memref<80xi32, #tpu.memory_space<hbm>>
          %dma_start3A_394 = tpu.memref_slice %arg17[%dma_start3A_389] : memref<4x!tpu.dma_semaphore, #tpu.memory_space<semaphore_mem>> -> memref<1x!tpu.dma_semaphore, #tpu.memory_space<semaphore_mem>>
          %dma_start3A_395 = tpu.memref_squeeze %dma_start3A_394 : memref<1x!tpu.dma_semaphore, #tpu.memory_space<semaphore_mem>> -> memref<!tpu.dma_semaphore, #tpu.memory_space<semaphore_mem>>
          %dma_start3A_396 = arith.constant 0 : i32
          %dma_start3A_397 = tpu.memref_slice %arg19[%dma_start3A_388, %dma_start3A_396] : memref<4x80xi32, #tpu.memory_space<vmem>> -> memref<1x80xi32, #tpu.memory_space<vmem>>
          %dma_start3A_398 = tpu.memref_squeeze %dma_start3A_397 : memref<1x80xi32, #tpu.memory_space<vmem>> -> memref<80xi32, #tpu.memory_space<vmem>>
          %dma_start3A_399 = tpu.memref_slice %arg3[%add3A_387] : memref<320000xi32, #tpu.memory_space<hbm>> -> memref<80xi32, #tpu.memory_space<hbm>>
          tpu.enqueue_dma source(%dma_start3A_399 : memref<80xi32, #tpu.memory_space<hbm>>) target(%dma_start3A_398 : memref<80xi32, #tpu.memory_space<vmem>>) target_semaphore(%dma_start3A_395 : memref<!tpu.dma_semaphore, #tpu.memory_space<semaphore_mem>>)
          %dma_start3A_400 = arith.constant 1 : i32
          %dma_start3A_401 = arith.constant 1 : i32
          %dma_start3A_402 = arith.constant 0 : i32
          %dma_start3A_403 = tpu.memref_slice %arg13[%dma_start3A_400, %dma_start3A_402] : memref<4x80xi32, #tpu.memory_space<vmem>> -> memref<1x80xi32, #tpu.memory_space<vmem>>
          %dma_start3A_404 = tpu.memref_squeeze %dma_start3A_403 : memref<1x80xi32, #tpu.memory_space<vmem>> -> memref<80xi32, #tpu.memory_space<vmem>>
          %dma_start3A_405 = tpu.memref_slice %arg4[%add3A_387] : memref<320000xi32, #tpu.memory_space<hbm>> -> memref<80xi32, #tpu.memory_space<hbm>>
          %dma_start3A_406 = tpu.memref_slice %arg17[%dma_start3A_401] : memref<4x!tpu.dma_semaphore, #tpu.memory_space<semaphore_mem>> -> memref<1x!tpu.dma_semaphore, #tpu.memory_space<semaphore_mem>>
          %dma_start3A_407 = tpu.memref_squeeze %dma_start3A_406 : memref<1x!tpu.dma_semaphore, #tpu.memory_space<semaphore_mem>> -> memref<!tpu.dma_semaphore, #tpu.memory_space<semaphore_mem>>
          %dma_start3A_408 = arith.constant 0 : i32
          %dma_start3A_409 = tpu.memref_slice %arg13[%dma_start3A_400, %dma_start3A_408] : memref<4x80xi32, #tpu.memory_space<vmem>> -> memref<1x80xi32, #tpu.memory_space<vmem>>
          %dma_start3A_410 = tpu.memref_squeeze %dma_start3A_409 : memref<1x80xi32, #tpu.memory_space<vmem>> -> memref<80xi32, #tpu.memory_space<vmem>>
          %dma_start3A_411 = tpu.memref_slice %arg4[%add3A_387] : memref<320000xi32, #tpu.memory_space<hbm>> -> memref<80xi32, #tpu.memory_space<hbm>>
          tpu.enqueue_dma source(%dma_start3A_411 : memref<80xi32, #tpu.memory_space<hbm>>) target(%dma_start3A_410 : memref<80xi32, #tpu.memory_space<vmem>>) target_semaphore(%dma_start3A_407 : memref<!tpu.dma_semaphore, #tpu.memory_space<semaphore_mem>>)
        } else {
        }
        %add3A_323 = arith.constant 1 : i32
        %add3A_324 = arith.addi %add3A_306, %add3A_323 : i32
        %lt3A_325 = arith.constant 125 : i32
        %lt3A_326 = arith.cmpi slt, %add3A_324, %lt3A_325 : i32
        %convert_element_type3A_327 = arith.extui %lt3A_326 : i1 to i32
        %cond3A_328 = arith.constant 0 : i32
        %cond3A_329 = arith.cmpi ne, %convert_element_type3A_327, %cond3A_328 : i32
        scf.if %cond3A_329 {
          %add3A_383 = arith.constant 1 : i32
          %add3A_384 = arith.addi %add3A_306, %add3A_383 : i32
          %mul3A_385 = arith.constant 80 : i32
          %mul3A_386 = arith.muli %add3A_384, %mul3A_385 : i32
          %add3A_387 = arith.addi %mul3A_4, %mul3A_386 : i32
          %dma_start3A_388 = arith.constant 0 : i32
          %dma_start3A_389 = arith.constant 0 : i32
          %dma_start3A_390 = arith.constant 0 : i32
          %dma_start3A_391 = arith.constant 0 : i32
          %dma_start3A_392 = tpu.memref_slice %arg14[%dma_start3A_388, %dma_start3A_390, %dma_start3A_391] : memref<2x80x128xf32, #tpu.memory_space<vmem>> -> memref<1x80x128xf32, #tpu.memory_space<vmem>>
          %dma_start3A_393 = tpu.memref_squeeze %dma_start3A_392 : memref<1x80x128xf32, #tpu.memory_space<vmem>> -> memref<80x128xf32, #tpu.memory_space<vmem>>
          %dma_start3A_394 = arith.constant 0 : i32
          %dma_start3A_395 = tpu.memref_slice %arg5[%add3A_387, %dma_start3A_394] : memref<320000x128xf32, #tpu.memory_space<hbm>> -> memref<80x128xf32, #tpu.memory_space<hbm>>
          %dma_start3A_396 = tpu.memref_slice %arg15[%dma_start3A_389] : memref<2x!tpu.dma_semaphore, #tpu.memory_space<semaphore_mem>> -> memref<1x!tpu.dma_semaphore, #tpu.memory_space<semaphore_mem>>
          %dma_start3A_397 = tpu.memref_squeeze %dma_start3A_396 : memref<1x!tpu.dma_semaphore, #tpu.memory_space<semaphore_mem>> -> memref<!tpu.dma_semaphore, #tpu.memory_space<semaphore_mem>>
          %dma_start3A_398 = arith.constant 0 : i32
          %dma_start3A_399 = arith.constant 0 : i32
          %dma_start3A_400 = tpu.memref_slice %arg14[%dma_start3A_388, %dma_start3A_398, %dma_start3A_399] : memref<2x80x128xf32, #tpu.memory_space<vmem>> -> memref<1x80x128xf32, #tpu.memory_space<vmem>>
          %dma_start3A_401 = tpu.memref_squeeze %dma_start3A_400 : memref<1x80x128xf32, #tpu.memory_space<vmem>> -> memref<80x128xf32, #tpu.memory_space<vmem>>
          %dma_start3A_402 = arith.constant 0 : i32
          %dma_start3A_403 = tpu.memref_slice %arg5[%add3A_387, %dma_start3A_402] : memref<320000x128xf32, #tpu.memory_space<hbm>> -> memref<80x128xf32, #tpu.memory_space<hbm>>
          tpu.enqueue_dma source(%dma_start3A_403 : memref<80x128xf32, #tpu.memory_space<hbm>>) target(%dma_start3A_401 : memref<80x128xf32, #tpu.memory_space<vmem>>) target_semaphore(%dma_start3A_397 : memref<!tpu.dma_semaphore, #tpu.memory_space<semaphore_mem>>)
          %dma_wait3A_404 = arith.constant 0 : i32
          %dma_wait3A_405 = arith.constant 0 : i32
          %dma_wait3A_406 = arith.constant 0 : i32
          %dma_wait3A_407 = tpu.memref_slice %arg19[%dma_wait3A_404, %dma_wait3A_406] : memref<4x80xi32, #tpu.memory_space<vmem>> -> memref<1x80xi32, #tpu.memory_space<vmem>>
          %dma_wait3A_408 = tpu.memref_squeeze %dma_wait3A_407 : memref<1x80xi32, #tpu.memory_space<vmem>> -> memref<80xi32, #tpu.memory_space<vmem>>
          %dma_wait3A_409 = arith.constant 0 : i32
          %dma_wait3A_410 = tpu.memref_slice %arg3[%dma_wait3A_409] : memref<320000xi32, #tpu.memory_space<hbm>> -> memref<80xi32, #tpu.memory_space<hbm>>
          %dma_wait3A_411 = tpu.memref_slice %arg17[%dma_wait3A_405] : memref<4x!tpu.dma_semaphore, #tpu.memory_space<semaphore_mem>> -> memref<1x!tpu.dma_semaphore, #tpu.memory_space<semaphore_mem>>
          %dma_wait3A_412 = tpu.memref_squeeze %dma_wait3A_411 : memref<1x!tpu.dma_semaphore, #tpu.memory_space<semaphore_mem>> -> memref<!tpu.dma_semaphore, #tpu.memory_space<semaphore_mem>>
          %dma_wait3A_413 = arith.constant 0 : i32
          %dma_wait3A_414 = tpu.memref_slice %arg19[%dma_wait3A_404, %dma_wait3A_413] : memref<4x80xi32, #tpu.memory_space<vmem>> -> memref<1x80xi32, #tpu.memory_space<vmem>>
          %dma_wait3A_415 = tpu.memref_squeeze %dma_wait3A_414 : memref<1x80xi32, #tpu.memory_space<vmem>> -> memref<80xi32, #tpu.memory_space<vmem>>
          %dma_wait3A_416 = arith.constant 0 : i32
          %dma_wait3A_417 = tpu.memref_slice %arg3[%dma_wait3A_416] : memref<320000xi32, #tpu.memory_space<hbm>> -> memref<80xi32, #tpu.memory_space<hbm>>
          tpu.wait_dma2 semaphore(%dma_wait3A_412 : memref<!tpu.dma_semaphore, #tpu.memory_space<semaphore_mem>>) src(%dma_wait3A_417 : memref<80xi32, #tpu.memory_space<hbm>>) dst(%dma_wait3A_415 : memref<80xi32, #tpu.memory_space<vmem>>)
          %dma_wait3A_418 = arith.constant 0 : i32
          %dma_wait3A_419 = arith.constant 0 : i32
          %dma_wait3A_420 = arith.constant 0 : i32
          %dma_wait3A_421 = tpu.memref_slice %arg13[%dma_wait3A_418, %dma_wait3A_420] : memref<4x80xi32, #tpu.memory_space<vmem>> -> memref<1x80xi32, #tpu.memory_space<vmem>>
          %dma_wait3A_422 = tpu.memref_squeeze %dma_wait3A_421 : memref<1x80xi32, #tpu.memory_space<vmem>> -> memref<80xi32, #tpu.memory_space<vmem>>
          %dma_wait3A_423 = arith.constant 0 : i32
          %dma_wait3A_424 = tpu.memref_slice %arg4[%dma_wait3A_423] : memref<320000xi32, #tpu.memory_space<hbm>> -> memref<80xi32, #tpu.memory_space<hbm>>
          %dma_wait3A_425 = tpu.memref_slice %arg17[%dma_wait3A_419] : memref<4x!tpu.dma_semaphore, #tpu.memory_space<semaphore_mem>> -> memref<1x!tpu.dma_semaphore, #tpu.memory_space<semaphore_mem>>
          %dma_wait3A_426 = tpu.memref_squeeze %dma_wait3A_425 : memref<1x!tpu.dma_semaphore, #tpu.memory_space<semaphore_mem>> -> memref<!tpu.dma_semaphore, #tpu.memory_space<semaphore_mem>>
          %dma_wait3A_427 = arith.constant 0 : i32
          %dma_wait3A_428 = tpu.memref_slice %arg13[%dma_wait3A_418, %dma_wait3A_427] : memref<4x80xi32, #tpu.memory_space<vmem>> -> memref<1x80xi32, #tpu.memory_space<vmem>>
          %dma_wait3A_429 = tpu.memref_squeeze %dma_wait3A_428 : memref<1x80xi32, #tpu.memory_space<vmem>> -> memref<80xi32, #tpu.memory_space<vmem>>
          %dma_wait3A_430 = arith.constant 0 : i32
          %dma_wait3A_431 = tpu.memref_slice %arg4[%dma_wait3A_430] : memref<320000xi32, #tpu.memory_space<hbm>> -> memref<80xi32, #tpu.memory_space<hbm>>
          tpu.wait_dma2 semaphore(%dma_wait3A_426 : memref<!tpu.dma_semaphore, #tpu.memory_space<semaphore_mem>>) src(%dma_wait3A_431 : memref<80xi32, #tpu.memory_space<hbm>>) dst(%dma_wait3A_429 : memref<80xi32, #tpu.memory_space<vmem>>)
          %dma_start3A_432 = arith.constant 0 : i32
          %dma_start3A_433 = arith.constant 0 : i32
          %dma_start3A_434 = arith.constant 0 : i32
          %dma_start3A_435 = arith.constant 0 : i32
          %dma_start3A_436 = arith.constant 0 : i32
          %dma_start3A_437 = tpu.memref_slice %arg18[%dma_start3A_433, %dma_start3A_435, %dma_start3A_436] : memref<2x80x128xf32, #tpu.memory_space<vmem>> -> memref<1x80x128xf32, #tpu.memory_space<vmem>>
          %dma_start3A_438 = tpu.memref_squeeze %dma_start3A_437 : memref<1x80x128xf32, #tpu.memory_space<vmem>> -> memref<80x128xf32, #tpu.memory_space<vmem>>
          %dma_start3A_439 = arith.constant 0 : i32
          %dma_start3A_440 = tpu.memref_slice %arg19[%dma_start3A_432, %dma_start3A_439] : memref<4x80xi32, #tpu.memory_space<vmem>> -> memref<1x80xi32, #tpu.memory_space<vmem>>
          %dma_start3A_441 = tpu.memref_squeeze %dma_start3A_440 : memref<1x80xi32, #tpu.memory_space<vmem>> -> memref<80xi32, #tpu.memory_space<vmem>>
          %dma_start3A_442 = arith.constant 0 : i32
          %dma_start3A_443 = arith.constant 0 : i32
          %dma_start3A_444 = tpu.memref_slice %arg2[%dma_start3A_442, %dma_start3A_443] : memref<10000x128xf32, #tpu.memory_space<hbm>> -> memref<10000x128xf32, #tpu.memory_space<hbm>>
          %dma_start3A_445 = tpu.memref_slice %arg16[%dma_start3A_434] : memref<2x!tpu.dma_semaphore, #tpu.memory_space<semaphore_mem>> -> memref<1x!tpu.dma_semaphore, #tpu.memory_space<semaphore_mem>>
          %dma_start3A_446 = tpu.memref_squeeze %dma_start3A_445 : memref<1x!tpu.dma_semaphore, #tpu.memory_space<semaphore_mem>> -> memref<!tpu.dma_semaphore, #tpu.memory_space<semaphore_mem>>
          tpu.enqueue_indirect_dma source(%dma_start3A_444 : memref<10000x128xf32, #tpu.memory_space<hbm>>) target(%dma_start3A_438 : memref<80x128xf32, #tpu.memory_space<vmem>>) offsets(%dma_start3A_441 : memref<80xi32, #tpu.memory_space<vmem>>) semaphore(%dma_start3A_446 : memref<!tpu.dma_semaphore, #tpu.memory_space<semaphore_mem>>)
        } else {
        }
        %dma_wait3A_330 = arith.constant 3 : i32
        %dma_wait3A_331 = arith.constant 1 : i32
        %dma_wait3A_332 = arith.constant 1 : i32
        %dma_wait3A_333 = arith.constant 0 : i32
        %dma_wait3A_334 = arith.constant 0 : i32
        %dma_wait3A_335 = tpu.memref_slice %arg18[%dma_wait3A_331, %dma_wait3A_333, %dma_wait3A_334] : memref<2x80x128xf32, #tpu.memory_space<vmem>> -> memref<1x80x128xf32, #tpu.memory_space<vmem>>
        %dma_wait3A_336 = tpu.memref_squeeze %dma_wait3A_335 : memref<1x80x128xf32, #tpu.memory_space<vmem>> -> memref<80x128xf32, #tpu.memory_space<vmem>>
        %dma_wait3A_337 = arith.constant 0 : i32
        %dma_wait3A_338 = tpu.memref_slice %arg19[%dma_wait3A_330, %dma_wait3A_337] : memref<4x80xi32, #tpu.memory_space<vmem>> -> memref<1x80xi32, #tpu.memory_space<vmem>>
        %dma_wait3A_339 = tpu.memref_squeeze %dma_wait3A_338 : memref<1x80xi32, #tpu.memory_space<vmem>> -> memref<80xi32, #tpu.memory_space<vmem>>
        %dma_wait3A_340 = arith.constant 0 : i32
        %dma_wait3A_341 = arith.constant 0 : i32
        %dma_wait3A_342 = tpu.memref_slice %arg2[%dma_wait3A_340, %dma_wait3A_341] : memref<10000x128xf32, #tpu.memory_space<hbm>> -> memref<10000x128xf32, #tpu.memory_space<hbm>>
        %dma_wait3A_343 = tpu.memref_slice %arg16[%dma_wait3A_332] : memref<2x!tpu.dma_semaphore, #tpu.memory_space<semaphore_mem>> -> memref<1x!tpu.dma_semaphore, #tpu.memory_space<semaphore_mem>>
        %dma_wait3A_344 = tpu.memref_squeeze %dma_wait3A_343 : memref<1x!tpu.dma_semaphore, #tpu.memory_space<semaphore_mem>> -> memref<!tpu.dma_semaphore, #tpu.memory_space<semaphore_mem>>
        tpu.wait_indirect_dma semaphore(%dma_wait3A_344 : memref<!tpu.dma_semaphore, #tpu.memory_space<semaphore_mem>>) src(%dma_wait3A_342 : memref<10000x128xf32, #tpu.memory_space<hbm>>) dst(%dma_wait3A_336 : memref<80x128xf32, #tpu.memory_space<vmem>>)
        %dma_wait3A_345 = arith.constant 1 : i32
        %dma_wait3A_346 = arith.constant 1 : i32
        %dma_wait3A_347 = arith.constant 0 : i32
        %dma_wait3A_348 = arith.constant 0 : i32
        %dma_wait3A_349 = tpu.memref_slice %arg14[%dma_wait3A_345, %dma_wait3A_347, %dma_wait3A_348] : memref<2x80x128xf32, #tpu.memory_space<vmem>> -> memref<1x80x128xf32, #tpu.memory_space<vmem>>
        %dma_wait3A_350 = tpu.memref_squeeze %dma_wait3A_349 : memref<1x80x128xf32, #tpu.memory_space<vmem>> -> memref<80x128xf32, #tpu.memory_space<vmem>>
        %dma_wait3A_351 = arith.constant 0 : i32
        %dma_wait3A_352 = arith.constant 0 : i32
        %dma_wait3A_353 = tpu.memref_slice %arg5[%dma_wait3A_351, %dma_wait3A_352] : memref<320000x128xf32, #tpu.memory_space<hbm>> -> memref<80x128xf32, #tpu.memory_space<hbm>>
        %dma_wait3A_354 = tpu.memref_slice %arg15[%dma_wait3A_346] : memref<2x!tpu.dma_semaphore, #tpu.memory_space<semaphore_mem>> -> memref<1x!tpu.dma_semaphore, #tpu.memory_space<semaphore_mem>>
        %dma_wait3A_355 = tpu.memref_squeeze %dma_wait3A_354 : memref<1x!tpu.dma_semaphore, #tpu.memory_space<semaphore_mem>> -> memref<!tpu.dma_semaphore, #tpu.memory_space<semaphore_mem>>
        %dma_wait3A_356 = arith.constant 0 : i32
        %dma_wait3A_357 = arith.constant 0 : i32
        %dma_wait3A_358 = tpu.memref_slice %arg14[%dma_wait3A_345, %dma_wait3A_356, %dma_wait3A_357] : memref<2x80x128xf32, #tpu.memory_space<vmem>> -> memref<1x80x128xf32, #tpu.memory_space<vmem>>
        %dma_wait3A_359 = tpu.memref_squeeze %dma_wait3A_358 : memref<1x80x128xf32, #tpu.memory_space<vmem>> -> memref<80x128xf32, #tpu.memory_space<vmem>>
        %dma_wait3A_360 = arith.constant 0 : i32
        %dma_wait3A_361 = arith.constant 0 : i32
        %dma_wait3A_362 = tpu.memref_slice %arg5[%dma_wait3A_360, %dma_wait3A_361] : memref<320000x128xf32, #tpu.memory_space<hbm>> -> memref<80x128xf32, #tpu.memory_space<hbm>>
        tpu.wait_dma2 semaphore(%dma_wait3A_355 : memref<!tpu.dma_semaphore, #tpu.memory_space<semaphore_mem>>) src(%dma_wait3A_362 : memref<80x128xf32, #tpu.memory_space<hbm>>) dst(%dma_wait3A_359 : memref<80x128xf32, #tpu.memory_space<vmem>>)
        %scan3A_363 = arith.constant 0 : i32
        %scan3A_364 = arith.constant 80 : i32
        %scan3A_365 = arith.addi %scan3A_363, %scan3A_364 : i32
        %scan3A_366 = arith.constant 1 : i32
        scf.for %scan3A_383 = %scan3A_363 to %scan3A_365 step %scan3A_366  : i32 {
          %mul3A_384 = arith.constant 1 : i32
          %mul3A_385 = arith.muli %scan3A_383, %mul3A_384 : i32
          %add3A_386 = arith.constant 0 : i32
          %add3A_387 = arith.addi %add3A_386, %mul3A_385 : i32
          %get3A = arith.constant 1 : i32
          %get3A_388 = arith.index_cast %get3A : i32 to index
          %get3A_389 = arith.index_cast %add3A_387 : i32 to index
          %get3A_390 = arith.constant 0 : index
          %get3A_391 = tpu.vector_load %arg18[%get3A_388, %get3A_389, %get3A_390] {strides = array<i32>} : memref<2x80x128xf32, #tpu.memory_space<vmem>>, vector<1x1x16xf32>,
          %get3A_392 = vector.shape_cast %get3A_391 : vector<1x1x16xf32> to vector<16xf32>
          %get3A_393 = arith.constant 1 : i32
          %get3A_394 = arith.index_cast %get3A_393 : i32 to index
          %get3A_395 = arith.index_cast %add3A_387 : i32 to index
          %get3A_396 = arith.constant 0 : index
          %get3A_397 = tpu.vector_load %arg14[%get3A_394, %get3A_395, %get3A_396] {strides = array<i32>} : memref<2x80x128xf32, #tpu.memory_space<vmem>>, vector<1x1x16xf32>,
          %get3A_398 = vector.shape_cast %get3A_397 : vector<1x1x16xf32> to vector<16xf32>
          %add3A_399 = arith.addf %get3A_392, %get3A_398 : vector<16xf32>
          %max3A = arith.constant 0.000000e+00 : f32
          %max3A_400 = vector.broadcast %max3A : f32 to vector<16xf32>
          %max3A_401 = arith.maximumf %add3A_399, %max3A_400 : vector<16xf32>
          %swap3A = arith.constant 1 : i32
          %swap3A_402 = arith.index_cast %swap3A : i32 to index
          %swap3A_403 = arith.index_cast %add3A_387 : i32 to index
          %swap3A_404 = arith.constant 0 : index
          %swap3A_405 = tpu.vector_load %arg18[%swap3A_402, %swap3A_403, %swap3A_404] {strides = array<i32>} : memref<2x80x128xf32, #tpu.memory_space<vmem>>, vector<1x1x16xf32>,
          %swap3A_406 = vector.shape_cast %swap3A_405 : vector<1x1x16xf32> to vector<16xf32>
          %swap3A_407 = vector.shape_cast %max3A_401 : vector<16xf32> to vector<1x1x16xf32>
          tpu.vector_store %arg18[%swap3A_402, %swap3A_403, %swap3A_404], %swap3A_407 {strides = array<i32>} : memref<2x80x128xf32, #tpu.memory_space<vmem>>, vector<1x1x16xf32>,
          %get3A_408 = arith.constant 1 : i32
          %get3A_409 = arith.index_cast %get3A_408 : i32 to index
          %get3A_410 = arith.index_cast %add3A_387 : i32 to index
          %get3A_411 = arith.constant 16 : index
          %get3A_412 = tpu.vector_load %arg18[%get3A_409, %get3A_410, %get3A_411] {strides = array<i32>} : memref<2x80x128xf32, #tpu.memory_space<vmem>>, vector<1x1x16xf32>,
          %get3A_413 = vector.shape_cast %get3A_412 : vector<1x1x16xf32> to vector<16xf32>
          %get3A_414 = arith.constant 1 : i32
          %get3A_415 = arith.index_cast %get3A_414 : i32 to index
          %get3A_416 = arith.index_cast %add3A_387 : i32 to index
          %get3A_417 = arith.constant 16 : index
          %get3A_418 = tpu.vector_load %arg14[%get3A_415, %get3A_416, %get3A_417] {strides = array<i32>} : memref<2x80x128xf32, #tpu.memory_space<vmem>>, vector<1x1x16xf32>,
          %get3A_419 = vector.shape_cast %get3A_418 : vector<1x1x16xf32> to vector<16xf32>
          %add3A_420 = arith.addf %get3A_413, %get3A_419 : vector<16xf32>
          %max3A_421 = arith.constant 0.000000e+00 : f32
          %max3A_422 = vector.broadcast %max3A_421 : f32 to vector<16xf32>
          %max3A_423 = arith.maximumf %add3A_420, %max3A_422 : vector<16xf32>
          %swap3A_424 = arith.constant 1 : i32
          %swap3A_425 = arith.index_cast %swap3A_424 : i32 to index
          %swap3A_426 = arith.index_cast %add3A_387 : i32 to index
          %swap3A_427 = arith.constant 16 : index
          %swap3A_428 = tpu.vector_load %arg18[%swap3A_425, %swap3A_426, %swap3A_427] {strides = array<i32>} : memref<2x80x128xf32, #tpu.memory_space<vmem>>, vector<1x1x16xf32>,
          %swap3A_429 = vector.shape_cast %swap3A_428 : vector<1x1x16xf32> to vector<16xf32>
          %swap3A_430 = vector.shape_cast %max3A_423 : vector<16xf32> to vector<1x1x16xf32>
          tpu.vector_store %arg18[%swap3A_425, %swap3A_426, %swap3A_427], %swap3A_430 {strides = array<i32>} : memref<2x80x128xf32, #tpu.memory_space<vmem>>, vector<1x1x16xf32>,
          %get3A_431 = arith.constant 1 : i32
          %get3A_432 = arith.index_cast %get3A_431 : i32 to index
          %get3A_433 = arith.index_cast %add3A_387 : i32 to index
          %get3A_434 = arith.constant 32 : index
          %get3A_435 = tpu.vector_load %arg18[%get3A_432, %get3A_433, %get3A_434] {strides = array<i32>} : memref<2x80x128xf32, #tpu.memory_space<vmem>>, vector<1x1x16xf32>,
          %get3A_436 = vector.shape_cast %get3A_435 : vector<1x1x16xf32> to vector<16xf32>
          %get3A_437 = arith.constant 1 : i32
          %get3A_438 = arith.index_cast %get3A_437 : i32 to index
          %get3A_439 = arith.index_cast %add3A_387 : i32 to index
          %get3A_440 = arith.constant 32 : index
          %get3A_441 = tpu.vector_load %arg14[%get3A_438, %get3A_439, %get3A_440] {strides = array<i32>} : memref<2x80x128xf32, #tpu.memory_space<vmem>>, vector<1x1x16xf32>,
          %get3A_442 = vector.shape_cast %get3A_441 : vector<1x1x16xf32> to vector<16xf32>
          %add3A_443 = arith.addf %get3A_436, %get3A_442 : vector<16xf32>
          %max3A_444 = arith.constant 0.000000e+00 : f32
          %max3A_445 = vector.broadcast %max3A_444 : f32 to vector<16xf32>
          %max3A_446 = arith.maximumf %add3A_443, %max3A_445 : vector<16xf32>
          %swap3A_447 = arith.constant 1 : i32
          %swap3A_448 = arith.index_cast %swap3A_447 : i32 to index
          %swap3A_449 = arith.index_cast %add3A_387 : i32 to index
          %swap3A_450 = arith.constant 32 : index
          %swap3A_451 = tpu.vector_load %arg18[%swap3A_448, %swap3A_449, %swap3A_450] {strides = array<i32>} : memref<2x80x128xf32, #tpu.memory_space<vmem>>, vector<1x1x16xf32>,
          %swap3A_452 = vector.shape_cast %swap3A_451 : vector<1x1x16xf32> to vector<16xf32>
          %swap3A_453 = vector.shape_cast %max3A_446 : vector<16xf32> to vector<1x1x16xf32>
          tpu.vector_store %arg18[%swap3A_448, %swap3A_449, %swap3A_450], %swap3A_453 {strides = array<i32>} : memref<2x80x128xf32, #tpu.memory_space<vmem>>, vector<1x1x16xf32>,
          %get3A_454 = arith.constant 1 : i32
          %get3A_455 = arith.index_cast %get3A_454 : i32 to index
          %get3A_456 = arith.index_cast %add3A_387 : i32 to index
          %get3A_457 = arith.constant 48 : index
          %get3A_458 = tpu.vector_load %arg18[%get3A_455, %get3A_456, %get3A_457] {strides = array<i32>} : memref<2x80x128xf32, #tpu.memory_space<vmem>>, vector<1x1x16xf32>,
          %get3A_459 = vector.shape_cast %get3A_458 : vector<1x1x16xf32> to vector<16xf32>
          %get3A_460 = arith.constant 1 : i32
          %get3A_461 = arith.index_cast %get3A_460 : i32 to index
          %get3A_462 = arith.index_cast %add3A_387 : i32 to index
          %get3A_463 = arith.constant 48 : index
          %get3A_464 = tpu.vector_load %arg14[%get3A_461, %get3A_462, %get3A_463] {strides = array<i32>} : memref<2x80x128xf32, #tpu.memory_space<vmem>>, vector<1x1x16xf32>,
          %get3A_465 = vector.shape_cast %get3A_464 : vector<1x1x16xf32> to vector<16xf32>
          %add3A_466 = arith.addf %get3A_459, %get3A_465 : vector<16xf32>
          %max3A_467 = arith.constant 0.000000e+00 : f32
          %max3A_468 = vector.broadcast %max3A_467 : f32 to vector<16xf32>
          %max3A_469 = arith.maximumf %add3A_466, %max3A_468 : vector<16xf32>
          %swap3A_470 = arith.constant 1 : i32
          %swap3A_471 = arith.index_cast %swap3A_470 : i32 to index
          %swap3A_472 = arith.index_cast %add3A_387 : i32 to index
          %swap3A_473 = arith.constant 48 : index
          %swap3A_474 = tpu.vector_load %arg18[%swap3A_471, %swap3A_472, %swap3A_473] {strides = array<i32>} : memref<2x80x128xf32, #tpu.memory_space<vmem>>, vector<1x1x16xf32>,
          %swap3A_475 = vector.shape_cast %swap3A_474 : vector<1x1x16xf32> to vector<16xf32>
          %swap3A_476 = vector.shape_cast %max3A_469 : vector<16xf32> to vector<1x1x16xf32>
          tpu.vector_store %arg18[%swap3A_471, %swap3A_472, %swap3A_473], %swap3A_476 {strides = array<i32>} : memref<2x80x128xf32, #tpu.memory_space<vmem>>, vector<1x1x16xf32>,
          %get3A_477 = arith.constant 1 : i32
          %get3A_478 = arith.index_cast %get3A_477 : i32 to index
          %get3A_479 = arith.index_cast %add3A_387 : i32 to index
          %get3A_480 = arith.constant 64 : index
          %get3A_481 = tpu.vector_load %arg18[%get3A_478, %get3A_479, %get3A_480] {strides = array<i32>} : memref<2x80x128xf32, #tpu.memory_space<vmem>>, vector<1x1x16xf32>,
          %get3A_482 = vector.shape_cast %get3A_481 : vector<1x1x16xf32> to vector<16xf32>
          %get3A_483 = arith.constant 1 : i32
          %get3A_484 = arith.index_cast %get3A_483 : i32 to index
          %get3A_485 = arith.index_cast %add3A_387 : i32 to index
          %get3A_486 = arith.constant 64 : index
          %get3A_487 = tpu.vector_load %arg14[%get3A_484, %get3A_485, %get3A_486] {strides = array<i32>} : memref<2x80x128xf32, #tpu.memory_space<vmem>>, vector<1x1x16xf32>,
          %get3A_488 = vector.shape_cast %get3A_487 : vector<1x1x16xf32> to vector<16xf32>
          %add3A_489 = arith.addf %get3A_482, %get3A_488 : vector<16xf32>
          %max3A_490 = arith.constant 0.000000e+00 : f32
          %max3A_491 = vector.broadcast %max3A_490 : f32 to vector<16xf32>
          %max3A_492 = arith.maximumf %add3A_489, %max3A_491 : vector<16xf32>
          %swap3A_493 = arith.constant 1 : i32
          %swap3A_494 = arith.index_cast %swap3A_493 : i32 to index
          %swap3A_495 = arith.index_cast %add3A_387 : i32 to index
          %swap3A_496 = arith.constant 64 : index
          %swap3A_497 = tpu.vector_load %arg18[%swap3A_494, %swap3A_495, %swap3A_496] {strides = array<i32>} : memref<2x80x128xf32, #tpu.memory_space<vmem>>, vector<1x1x16xf32>,
          %swap3A_498 = vector.shape_cast %swap3A_497 : vector<1x1x16xf32> to vector<16xf32>
          %swap3A_499 = vector.shape_cast %max3A_492 : vector<16xf32> to vector<1x1x16xf32>
          tpu.vector_store %arg18[%swap3A_494, %swap3A_495, %swap3A_496], %swap3A_499 {strides = array<i32>} : memref<2x80x128xf32, #tpu.memory_space<vmem>>, vector<1x1x16xf32>,
          %get3A_500 = arith.constant 1 : i32
          %get3A_501 = arith.index_cast %get3A_500 : i32 to index
          %get3A_502 = arith.index_cast %add3A_387 : i32 to index
          %get3A_503 = arith.constant 80 : index
          %get3A_504 = tpu.vector_load %arg18[%get3A_501, %get3A_502, %get3A_503] {strides = array<i32>} : memref<2x80x128xf32, #tpu.memory_space<vmem>>, vector<1x1x16xf32>,
          %get3A_505 = vector.shape_cast %get3A_504 : vector<1x1x16xf32> to vector<16xf32>
          %get3A_506 = arith.constant 1 : i32
          %get3A_507 = arith.index_cast %get3A_506 : i32 to index
          %get3A_508 = arith.index_cast %add3A_387 : i32 to index
          %get3A_509 = arith.constant 80 : index
          %get3A_510 = tpu.vector_load %arg14[%get3A_507, %get3A_508, %get3A_509] {strides = array<i32>} : memref<2x80x128xf32, #tpu.memory_space<vmem>>, vector<1x1x16xf32>,
          %get3A_511 = vector.shape_cast %get3A_510 : vector<1x1x16xf32> to vector<16xf32>
          %add3A_512 = arith.addf %get3A_505, %get3A_511 : vector<16xf32>
          %max3A_513 = arith.constant 0.000000e+00 : f32
          %max3A_514 = vector.broadcast %max3A_513 : f32 to vector<16xf32>
          %max3A_515 = arith.maximumf %add3A_512, %max3A_514 : vector<16xf32>
          %swap3A_516 = arith.constant 1 : i32
          %swap3A_517 = arith.index_cast %swap3A_516 : i32 to index
          %swap3A_518 = arith.index_cast %add3A_387 : i32 to index
          %swap3A_519 = arith.constant 80 : index
          %swap3A_520 = tpu.vector_load %arg18[%swap3A_517, %swap3A_518, %swap3A_519] {strides = array<i32>} : memref<2x80x128xf32, #tpu.memory_space<vmem>>, vector<1x1x16xf32>,
          %swap3A_521 = vector.shape_cast %swap3A_520 : vector<1x1x16xf32> to vector<16xf32>
          %swap3A_522 = vector.shape_cast %max3A_515 : vector<16xf32> to vector<1x1x16xf32>
          tpu.vector_store %arg18[%swap3A_517, %swap3A_518, %swap3A_519], %swap3A_522 {strides = array<i32>} : memref<2x80x128xf32, #tpu.memory_space<vmem>>, vector<1x1x16xf32>,
          %get3A_523 = arith.constant 1 : i32
          %get3A_524 = arith.index_cast %get3A_523 : i32 to index
          %get3A_525 = arith.index_cast %add3A_387 : i32 to index
          %get3A_526 = arith.constant 96 : index
          %get3A_527 = tpu.vector_load %arg18[%get3A_524, %get3A_525, %get3A_526] {strides = array<i32>} : memref<2x80x128xf32, #tpu.memory_space<vmem>>, vector<1x1x16xf32>,
          %get3A_528 = vector.shape_cast %get3A_527 : vector<1x1x16xf32> to vector<16xf32>
          %get3A_529 = arith.constant 1 : i32
          %get3A_530 = arith.index_cast %get3A_529 : i32 to index
          %get3A_531 = arith.index_cast %add3A_387 : i32 to index
          %get3A_532 = arith.constant 96 : index
          %get3A_533 = tpu.vector_load %arg14[%get3A_530, %get3A_531, %get3A_532] {strides = array<i32>} : memref<2x80x128xf32, #tpu.memory_space<vmem>>, vector<1x1x16xf32>,
          %get3A_534 = vector.shape_cast %get3A_533 : vector<1x1x16xf32> to vector<16xf32>
          %add3A_535 = arith.addf %get3A_528, %get3A_534 : vector<16xf32>
          %max3A_536 = arith.constant 0.000000e+00 : f32
          %max3A_537 = vector.broadcast %max3A_536 : f32 to vector<16xf32>
          %max3A_538 = arith.maximumf %add3A_535, %max3A_537 : vector<16xf32>
          %swap3A_539 = arith.constant 1 : i32
          %swap3A_540 = arith.index_cast %swap3A_539 : i32 to index
          %swap3A_541 = arith.index_cast %add3A_387 : i32 to index
          %swap3A_542 = arith.constant 96 : index
          %swap3A_543 = tpu.vector_load %arg18[%swap3A_540, %swap3A_541, %swap3A_542] {strides = array<i32>} : memref<2x80x128xf32, #tpu.memory_space<vmem>>, vector<1x1x16xf32>,
          %swap3A_544 = vector.shape_cast %swap3A_543 : vector<1x1x16xf32> to vector<16xf32>
          %swap3A_545 = vector.shape_cast %max3A_538 : vector<16xf32> to vector<1x1x16xf32>
          tpu.vector_store %arg18[%swap3A_540, %swap3A_541, %swap3A_542], %swap3A_545 {strides = array<i32>} : memref<2x80x128xf32, #tpu.memory_space<vmem>>, vector<1x1x16xf32>,
          %get3A_546 = arith.constant 1 : i32
          %get3A_547 = arith.index_cast %get3A_546 : i32 to index
          %get3A_548 = arith.index_cast %add3A_387 : i32 to index
          %get3A_549 = arith.constant 112 : index
          %get3A_550 = tpu.vector_load %arg18[%get3A_547, %get3A_548, %get3A_549] {strides = array<i32>} : memref<2x80x128xf32, #tpu.memory_space<vmem>>, vector<1x1x16xf32>,
          %get3A_551 = vector.shape_cast %get3A_550 : vector<1x1x16xf32> to vector<16xf32>
          %get3A_552 = arith.constant 1 : i32
          %get3A_553 = arith.index_cast %get3A_552 : i32 to index
          %get3A_554 = arith.index_cast %add3A_387 : i32 to index
          %get3A_555 = arith.constant 112 : index
          %get3A_556 = tpu.vector_load %arg14[%get3A_553, %get3A_554, %get3A_555] {strides = array<i32>} : memref<2x80x128xf32, #tpu.memory_space<vmem>>, vector<1x1x16xf32>,
          %get3A_557 = vector.shape_cast %get3A_556 : vector<1x1x16xf32> to vector<16xf32>
          %add3A_558 = arith.addf %get3A_551, %get3A_557 : vector<16xf32>
          %max3A_559 = arith.constant 0.000000e+00 : f32
          %max3A_560 = vector.broadcast %max3A_559 : f32 to vector<16xf32>
          %max3A_561 = arith.maximumf %add3A_558, %max3A_560 : vector<16xf32>
          %swap3A_562 = arith.constant 1 : i32
          %swap3A_563 = arith.index_cast %swap3A_562 : i32 to index
          %swap3A_564 = arith.index_cast %add3A_387 : i32 to index
          %swap3A_565 = arith.constant 112 : index
          %swap3A_566 = tpu.vector_load %arg18[%swap3A_563, %swap3A_564, %swap3A_565] {strides = array<i32>} : memref<2x80x128xf32, #tpu.memory_space<vmem>>, vector<1x1x16xf32>,
          %swap3A_567 = vector.shape_cast %swap3A_566 : vector<1x1x16xf32> to vector<16xf32>
          %swap3A_568 = vector.shape_cast %max3A_561 : vector<16xf32> to vector<1x1x16xf32>
          tpu.vector_store %arg18[%swap3A_563, %swap3A_564, %swap3A_565], %swap3A_568 {strides = array<i32>} : memref<2x80x128xf32, #tpu.memory_space<vmem>>, vector<1x1x16xf32>,
        }
        %scan3A_367 = arith.constant 80 : i32
        %dma_start3A_368 = arith.constant 1 : i32
        %dma_start3A_369 = arith.constant 3 : i32
        %dma_start3A_370 = arith.constant 1 : i32
        %dma_start3A_371 = arith.constant 0 : i32
        %dma_start3A_372 = arith.constant 0 : i32
        %dma_start3A_373 = tpu.memref_slice %arg18[%dma_start3A_368, %dma_start3A_371, %dma_start3A_372] : memref<2x80x128xf32, #tpu.memory_space<vmem>> -> memref<1x80x128xf32, #tpu.memory_space<vmem>>
        %dma_start3A_374 = tpu.memref_squeeze %dma_start3A_373 : memref<1x80x128xf32, #tpu.memory_space<vmem>> -> memref<80x128xf32, #tpu.memory_space<vmem>>
        %dma_start3A_375 = arith.constant 0 : i32
        %dma_start3A_376 = tpu.memref_slice %arg13[%dma_start3A_369, %dma_start3A_375] : memref<4x80xi32, #tpu.memory_space<vmem>> -> memref<1x80xi32, #tpu.memory_space<vmem>>
        %dma_start3A_377 = tpu.memref_squeeze %dma_start3A_376 : memref<1x80xi32, #tpu.memory_space<vmem>> -> memref<80xi32, #tpu.memory_space<vmem>>
        %dma_start3A_378 = arith.constant 0 : i32
        %dma_start3A_379 = arith.constant 0 : i32
        %dma_start3A_380 = tpu.memref_slice %arg12[%dma_start3A_378, %dma_start3A_379] : memref<10112x128xf32, #tpu.memory_space<vmem_shared>> -> memref<10112x128xf32, #tpu.memory_space<vmem_shared>>
        %dma_start3A_381 = tpu.memref_slice %arg20[%dma_start3A_370] : memref<2x!tpu.dma_semaphore, #tpu.memory_space<semaphore_mem>> -> memref<1x!tpu.dma_semaphore, #tpu.memory_space<semaphore_mem>>
        %dma_start3A_382 = tpu.memref_squeeze %dma_start3A_381 : memref<1x!tpu.dma_semaphore, #tpu.memory_space<semaphore_mem>> -> memref<!tpu.dma_semaphore, #tpu.memory_space<semaphore_mem>>
        tpu.enqueue_indirect_dma source(%dma_start3A_374 : memref<80x128xf32, #tpu.memory_space<vmem>>) target(%dma_start3A_380 : memref<10112x128xf32, #tpu.memory_space<vmem_shared>>) offsets(%dma_start3A_377 : memref<80xi32, #tpu.memory_space<vmem>>) semaphore(%dma_start3A_382 : memref<!tpu.dma_semaphore, #tpu.memory_space<semaphore_mem>>) {add = true}
      } else {
      }
    }
    %scan3A_119 = arith.constant 32 : i32
    %dma_wait3A_120 = arith.constant 0 : i32
    %dma_wait3A_121 = arith.constant 0 : i32
    %dma_wait3A_122 = arith.constant 0 : i32
    %dma_wait3A_123 = arith.constant 0 : i32
    %dma_wait3A_124 = arith.constant 0 : i32
    %dma_wait3A_125 = tpu.memref_slice %arg18[%dma_wait3A_120, %dma_wait3A_123, %dma_wait3A_124] : memref<2x80x128xf32, #tpu.memory_space<vmem>> -> memref<1x80x128xf32, #tpu.memory_space<vmem>>
    %dma_wait3A_126 = tpu.memref_squeeze %dma_wait3A_125 : memref<1x80x128xf32, #tpu.memory_space<vmem>> -> memref<80x128xf32, #tpu.memory_space<vmem>>
    %dma_wait3A_127 = arith.constant 0 : i32
    %dma_wait3A_128 = tpu.memref_slice %arg13[%dma_wait3A_121, %dma_wait3A_127] : memref<4x80xi32, #tpu.memory_space<vmem>> -> memref<1x80xi32, #tpu.memory_space<vmem>>
    %dma_wait3A_129 = tpu.memref_squeeze %dma_wait3A_128 : memref<1x80xi32, #tpu.memory_space<vmem>> -> memref<80xi32, #tpu.memory_space<vmem>>
    %dma_wait3A_130 = arith.constant 0 : i32
    %dma_wait3A_131 = arith.constant 0 : i32
    %dma_wait3A_132 = tpu.memref_slice %arg12[%dma_wait3A_130, %dma_wait3A_131] : memref<10112x128xf32, #tpu.memory_space<vmem_shared>> -> memref<10112x128xf32, #tpu.memory_space<vmem_shared>>
    %dma_wait3A_133 = tpu.memref_slice %arg20[%dma_wait3A_122] : memref<2x!tpu.dma_semaphore, #tpu.memory_space<semaphore_mem>> -> memref<1x!tpu.dma_semaphore, #tpu.memory_space<semaphore_mem>>
    %dma_wait3A_134 = tpu.memref_squeeze %dma_wait3A_133 : memref<1x!tpu.dma_semaphore, #tpu.memory_space<semaphore_mem>> -> memref<!tpu.dma_semaphore, #tpu.memory_space<semaphore_mem>>
    tpu.wait_indirect_dma semaphore(%dma_wait3A_134 : memref<!tpu.dma_semaphore, #tpu.memory_space<semaphore_mem>>) src(%dma_wait3A_126 : memref<80x128xf32, #tpu.memory_space<vmem>>) dst(%dma_wait3A_132 : memref<10112x128xf32, #tpu.memory_space<vmem_shared>>)
    %barrier3A_135 = arith.constant 0 : index
    tpu.barrier barrier_id(%barrier3A_135)
    "tpu.region"() ({
      %run_scoped3A = tpu.sem_alloc : memref<!tpu.dma_semaphore, #tpu.memory_space<semaphore_mem>>
      %dma_start3A_274 = arith.constant 0 : i32
      %dma_start3A_275 = tpu.memref_slice %arg10[%arg0, %mul3A_2, %dma_start3A_274] : memref<2x10112x128xf32, #tpu.memory_space<hbm>> -> memref<1x632x128xf32, #tpu.memory_space<hbm>>
      %dma_start3A_276 = tpu.memref_squeeze %dma_start3A_275 : memref<1x632x128xf32, #tpu.memory_space<hbm>> -> memref<632x128xf32, #tpu.memory_space<hbm>>
      %dma_start3A_277 = arith.constant 0 : i32
      %dma_start3A_278 = tpu.memref_slice %arg12[%mul3A_2, %dma_start3A_277] : memref<10112x128xf32, #tpu.memory_space<vmem_shared>> -> memref<632x128xf32, #tpu.memory_space<vmem_shared>>
      tpu.enqueue_dma source(%dma_start3A_278 : memref<632x128xf32, #tpu.memory_space<vmem_shared>>) target(%dma_start3A_276 : memref<632x128xf32, #tpu.memory_space<hbm>>) target_semaphore(%run_scoped3A : memref<!tpu.dma_semaphore, #tpu.memory_space<semaphore_mem>>)
      %dma_wait3A_279 = arith.constant 0 : i32
      %dma_wait3A_280 = tpu.memref_slice %arg10[%arg0, %mul3A_2, %dma_wait3A_279] : memref<2x10112x128xf32, #tpu.memory_space<hbm>> -> memref<1x632x128xf32, #tpu.memory_space<hbm>>
      %dma_wait3A_281 = tpu.memref_squeeze %dma_wait3A_280 : memref<1x632x128xf32, #tpu.memory_space<hbm>> -> memref<632x128xf32, #tpu.memory_space<hbm>>
      %dma_wait3A_282 = arith.constant 0 : i32
      %dma_wait3A_283 = tpu.memref_slice %arg12[%mul3A_2, %dma_wait3A_282] : memref<10112x128xf32, #tpu.memory_space<vmem_shared>> -> memref<632x128xf32, #tpu.memory_space<vmem_shared>>
      tpu.wait_dma2 semaphore(%run_scoped3A : memref<!tpu.dma_semaphore, #tpu.memory_space<semaphore_mem>>) src(%dma_wait3A_283 : memref<632x128xf32, #tpu.memory_space<vmem_shared>>) dst(%dma_wait3A_281 : memref<632x128xf32, #tpu.memory_space<hbm>>)
      tpu.yield
    }) : () -> ()
    %barrier3A_136 = arith.constant 0 : index
    tpu.barrier barrier_id(%barrier3A_136)
    "tpu.region"() ({
      %run_scoped3A = tpu.sem_alloc : memref<!tpu.dma_semaphore, #tpu.memory_space<semaphore_mem>>
      %dma_start3A_274 = arith.constant 0 : i32
      %dma_start3A_275 = tpu.memref_slice %arg12[%mul3A_2, %dma_start3A_274] : memref<10112x128xf32, #tpu.memory_space<vmem_shared>> -> memref<632x128xf32, #tpu.memory_space<vmem_shared>>
      %dma_start3A_276 = arith.constant 0 : i32
      %dma_start3A_277 = tpu.memref_slice %arg9[%mul3A_2, %dma_start3A_276] : memref<10112x128xf32, #tpu.memory_space<hbm>> -> memref<632x128xf32, #tpu.memory_space<hbm>>
      tpu.enqueue_dma source(%dma_start3A_277 : memref<632x128xf32, #tpu.memory_space<hbm>>) target(%dma_start3A_275 : memref<632x128xf32, #tpu.memory_space<vmem_shared>>) target_semaphore(%run_scoped3A : memref<!tpu.dma_semaphore, #tpu.memory_space<semaphore_mem>>)
      %dma_wait3A_278 = arith.constant 0 : i32
      %dma_wait3A_279 = tpu.memref_slice %arg12[%mul3A_2, %dma_wait3A_278] : memref<10112x128xf32, #tpu.memory_space<vmem_shared>> -> memref<632x128xf32, #tpu.memory_space<vmem_shared>>
      %dma_wait3A_280 = arith.constant 0 : i32
      %dma_wait3A_281 = tpu.memref_slice %arg9[%mul3A_2, %dma_wait3A_280] : memref<10112x128xf32, #tpu.memory_space<hbm>> -> memref<632x128xf32, #tpu.memory_space<hbm>>
      tpu.wait_dma2 semaphore(%run_scoped3A : memref<!tpu.dma_semaphore, #tpu.memory_space<semaphore_mem>>) src(%dma_wait3A_281 : memref<632x128xf32, #tpu.memory_space<hbm>>) dst(%dma_wait3A_279 : memref<632x128xf32, #tpu.memory_space<vmem_shared>>)
      tpu.yield
    }) : () -> ()
    %barrier3A_137 = arith.constant 0 : index
    tpu.barrier barrier_id(%barrier3A_137)
    %mul3A_138 = arith.constant 2000 : i32
    %mul3A_139 = arith.muli %add3A, %mul3A_138 : i32
    %add3A_140 = arith.constant 0 : i32
    %add3A_141 = arith.addi %mul3A_139, %add3A_140 : i32
    %dma_start3A_142 = arith.constant 0 : i32
    %dma_start3A_143 = arith.constant 0 : i32
    %dma_start3A_144 = arith.constant 0 : i32
    %dma_start3A_145 = tpu.memref_slice %arg19[%dma_start3A_142, %dma_start3A_144] : memref<4x80xi32, #tpu.memory_space<vmem>> -> memref<1x80xi32, #tpu.memory_space<vmem>>
    %dma_start3A_146 = tpu.memref_squeeze %dma_start3A_145 : memref<1x80xi32, #tpu.memory_space<vmem>> -> memref<80xi32, #tpu.memory_space<vmem>>
    %dma_start3A_147 = tpu.memref_slice %arg6[%add3A_141] : memref<64000xi32, #tpu.memory_space<hbm>> -> memref<80xi32, #tpu.memory_space<hbm>>
    %dma_start3A_148 = tpu.memref_slice %arg17[%dma_start3A_143] : memref<4x!tpu.dma_semaphore, #tpu.memory_space<semaphore_mem>> -> memref<1x!tpu.dma_semaphore, #tpu.memory_space<semaphore_mem>>
    %dma_start3A_149 = tpu.memref_squeeze %dma_start3A_148 : memref<1x!tpu.dma_semaphore, #tpu.memory_space<semaphore_mem>> -> memref<!tpu.dma_semaphore, #tpu.memory_space<semaphore_mem>>
    %dma_start3A_150 = arith.constant 0 : i32
    %dma_start3A_151 = tpu.memref_slice %arg19[%dma_start3A_142, %dma_start3A_150] : memref<4x80xi32, #tpu.memory_space<vmem>> -> memref<1x80xi32, #tpu.memory_space<vmem>>
    %dma_start3A_152 = tpu.memref_squeeze %dma_start3A_151 : memref<1x80xi32, #tpu.memory_space<vmem>> -> memref<80xi32, #tpu.memory_space<vmem>>
    %dma_start3A_153 = tpu.memref_slice %arg6[%add3A_141] : memref<64000xi32, #tpu.memory_space<hbm>> -> memref<80xi32, #tpu.memory_space<hbm>>
    tpu.enqueue_dma source(%dma_start3A_153 : memref<80xi32, #tpu.memory_space<hbm>>) target(%dma_start3A_152 : memref<80xi32, #tpu.memory_space<vmem>>) target_semaphore(%dma_start3A_149 : memref<!tpu.dma_semaphore, #tpu.memory_space<semaphore_mem>>)
    %dma_start3A_154 = arith.constant 0 : i32
    %dma_start3A_155 = arith.constant 0 : i32
    %dma_start3A_156 = arith.constant 0 : i32
    %dma_start3A_157 = tpu.memref_slice %arg13[%dma_start3A_154, %dma_start3A_156] : memref<4x80xi32, #tpu.memory_space<vmem>> -> memref<1x80xi32, #tpu.memory_space<vmem>>
    %dma_start3A_158 = tpu.memref_squeeze %dma_start3A_157 : memref<1x80xi32, #tpu.memory_space<vmem>> -> memref<80xi32, #tpu.memory_space<vmem>>
    %dma_start3A_159 = tpu.memref_slice %arg7[%add3A_141] : memref<64000xi32, #tpu.memory_space<hbm>> -> memref<80xi32, #tpu.memory_space<hbm>>
    %dma_start3A_160 = tpu.memref_slice %arg17[%dma_start3A_155] : memref<4x!tpu.dma_semaphore, #tpu.memory_space<semaphore_mem>> -> memref<1x!tpu.dma_semaphore, #tpu.memory_space<semaphore_mem>>
    %dma_start3A_161 = tpu.memref_squeeze %dma_start3A_160 : memref<1x!tpu.dma_semaphore, #tpu.memory_space<semaphore_mem>> -> memref<!tpu.dma_semaphore, #tpu.memory_space<semaphore_mem>>
    %dma_start3A_162 = arith.constant 0 : i32
    %dma_start3A_163 = tpu.memref_slice %arg13[%dma_start3A_154, %dma_start3A_162] : memref<4x80xi32, #tpu.memory_space<vmem>> -> memref<1x80xi32, #tpu.memory_space<vmem>>
    %dma_start3A_164 = tpu.memref_squeeze %dma_start3A_163 : memref<1x80xi32, #tpu.memory_space<vmem>> -> memref<80xi32, #tpu.memory_space<vmem>>
    %dma_start3A_165 = tpu.memref_slice %arg7[%add3A_141] : memref<64000xi32, #tpu.memory_space<hbm>> -> memref<80xi32, #tpu.memory_space<hbm>>
    tpu.enqueue_dma source(%dma_start3A_165 : memref<80xi32, #tpu.memory_space<hbm>>) target(%dma_start3A_164 : memref<80xi32, #tpu.memory_space<vmem>>) target_semaphore(%dma_start3A_161 : memref<!tpu.dma_semaphore, #tpu.memory_space<semaphore_mem>>)
    %add3A_166 = arith.constant 80 : i32
    %add3A_167 = arith.addi %mul3A_139, %add3A_166 : i32
    %dma_start3A_168 = arith.constant 1 : i32
    %dma_start3A_169 = arith.constant 1 : i32
    %dma_start3A_170 = arith.constant 0 : i32
    %dma_start3A_171 = tpu.memref_slice %arg19[%dma_start3A_168, %dma_start3A_170] : memref<4x80xi32, #tpu.memory_space<vmem>> -> memref<1x80xi32, #tpu.memory_space<vmem>>
    %dma_start3A_172 = tpu.memref_squeeze %dma_start3A_171 : memref<1x80xi32, #tpu.memory_space<vmem>> -> memref<80xi32, #tpu.memory_space<vmem>>
    %dma_start3A_173 = tpu.memref_slice %arg6[%add3A_167] : memref<64000xi32, #tpu.memory_space<hbm>> -> memref<80xi32, #tpu.memory_space<hbm>>
    %dma_start3A_174 = tpu.memref_slice %arg17[%dma_start3A_169] : memref<4x!tpu.dma_semaphore, #tpu.memory_space<semaphore_mem>> -> memref<1x!tpu.dma_semaphore, #tpu.memory_space<semaphore_mem>>
    %dma_start3A_175 = tpu.memref_squeeze %dma_start3A_174 : memref<1x!tpu.dma_semaphore, #tpu.memory_space<semaphore_mem>> -> memref<!tpu.dma_semaphore, #tpu.memory_space<semaphore_mem>>
    %dma_start3A_176 = arith.constant 0 : i32
    %dma_start3A_177 = tpu.memref_slice %arg19[%dma_start3A_168, %dma_start3A_176] : memref<4x80xi32, #tpu.memory_space<vmem>> -> memref<1x80xi32, #tpu.memory_space<vmem>>
    %dma_start3A_178 = tpu.memref_squeeze %dma_start3A_177 : memref<1x80xi32, #tpu.memory_space<vmem>> -> memref<80xi32, #tpu.memory_space<vmem>>
    %dma_start3A_179 = tpu.memref_slice %arg6[%add3A_167] : memref<64000xi32, #tpu.memory_space<hbm>> -> memref<80xi32, #tpu.memory_space<hbm>>
    tpu.enqueue_dma source(%dma_start3A_179 : memref<80xi32, #tpu.memory_space<hbm>>) target(%dma_start3A_178 : memref<80xi32, #tpu.memory_space<vmem>>) target_semaphore(%dma_start3A_175 : memref<!tpu.dma_semaphore, #tpu.memory_space<semaphore_mem>>)
    %dma_start3A_180 = arith.constant 1 : i32
    %dma_start3A_181 = arith.constant 1 : i32
    %dma_start3A_182 = arith.constant 0 : i32
    %dma_start3A_183 = tpu.memref_slice %arg13[%dma_start3A_180, %dma_start3A_182] : memref<4x80xi32, #tpu.memory_space<vmem>> -> memref<1x80xi32, #tpu.memory_space<vmem>>
    %dma_start3A_184 = tpu.memref_squeeze %dma_start3A_183 : memref<1x80xi32, #tpu.memory_space<vmem>> -> memref<80xi32, #tpu.memory_space<vmem>>
    %dma_start3A_185 = tpu.memref_slice %arg7[%add3A_167] : memref<64000xi32, #tpu.memory_space<hbm>> -> memref<80xi32, #tpu.memory_space<hbm>>
    %dma_start3A_186 = tpu.memref_slice %arg17[%dma_start3A_181] : memref<4x!tpu.dma_semaphore, #tpu.memory_space<semaphore_mem>> -> memref<1x!tpu.dma_semaphore, #tpu.memory_space<semaphore_mem>>
    %dma_start3A_187 = tpu.memref_squeeze %dma_start3A_186 : memref<1x!tpu.dma_semaphore, #tpu.memory_space<semaphore_mem>> -> memref<!tpu.dma_semaphore, #tpu.memory_space<semaphore_mem>>
    %dma_start3A_188 = arith.constant 0 : i32
    %dma_start3A_189 = tpu.memref_slice %arg13[%dma_start3A_180, %dma_start3A_188] : memref<4x80xi32, #tpu.memory_space<vmem>> -> memref<1x80xi32, #tpu.memory_space<vmem>>
    %dma_start3A_190 = tpu.memref_squeeze %dma_start3A_189 : memref<1x80xi32, #tpu.memory_space<vmem>> -> memref<80xi32, #tpu.memory_space<vmem>>
    %dma_start3A_191 = tpu.memref_slice %arg7[%add3A_167] : memref<64000xi32, #tpu.memory_space<hbm>> -> memref<80xi32, #tpu.memory_space<hbm>>
    tpu.enqueue_dma source(%dma_start3A_191 : memref<80xi32, #tpu.memory_space<hbm>>) target(%dma_start3A_190 : memref<80xi32, #tpu.memory_space<vmem>>) target_semaphore(%dma_start3A_187 : memref<!tpu.dma_semaphore, #tpu.memory_space<semaphore_mem>>)
    %add3A_192 = arith.constant 0 : i32
    %add3A_193 = arith.addi %mul3A_139, %add3A_192 : i32
    %dma_start3A_194 = arith.constant 0 : i32
    %dma_start3A_195 = arith.constant 0 : i32
    %dma_start3A_196 = arith.constant 0 : i32
    %dma_start3A_197 = arith.constant 0 : i32
    %dma_start3A_198 = tpu.memref_slice %arg14[%dma_start3A_194, %dma_start3A_196, %dma_start3A_197] : memref<2x80x128xf32, #tpu.memory_space<vmem>> -> memref<1x80x128xf32, #tpu.memory_space<vmem>>
    %dma_start3A_199 = tpu.memref_squeeze %dma_start3A_198 : memref<1x80x128xf32, #tpu.memory_space<vmem>> -> memref<80x128xf32, #tpu.memory_space<vmem>>
    %dma_start3A_200 = arith.constant 0 : i32
    %dma_start3A_201 = tpu.memref_slice %arg8[%add3A_193, %dma_start3A_200] : memref<64000x128xf32, #tpu.memory_space<hbm>> -> memref<80x128xf32, #tpu.memory_space<hbm>>
    %dma_start3A_202 = tpu.memref_slice %arg15[%dma_start3A_195] : memref<2x!tpu.dma_semaphore, #tpu.memory_space<semaphore_mem>> -> memref<1x!tpu.dma_semaphore, #tpu.memory_space<semaphore_mem>>
    %dma_start3A_203 = tpu.memref_squeeze %dma_start3A_202 : memref<1x!tpu.dma_semaphore, #tpu.memory_space<semaphore_mem>> -> memref<!tpu.dma_semaphore, #tpu.memory_space<semaphore_mem>>
    %dma_start3A_204 = arith.constant 0 : i32
    %dma_start3A_205 = arith.constant 0 : i32
    %dma_start3A_206 = tpu.memref_slice %arg14[%dma_start3A_194, %dma_start3A_204, %dma_start3A_205] : memref<2x80x128xf32, #tpu.memory_space<vmem>> -> memref<1x80x128xf32, #tpu.memory_space<vmem>>
    %dma_start3A_207 = tpu.memref_squeeze %dma_start3A_206 : memref<1x80x128xf32, #tpu.memory_space<vmem>> -> memref<80x128xf32, #tpu.memory_space<vmem>>
    %dma_start3A_208 = arith.constant 0 : i32
    %dma_start3A_209 = tpu.memref_slice %arg8[%add3A_193, %dma_start3A_208] : memref<64000x128xf32, #tpu.memory_space<hbm>> -> memref<80x128xf32, #tpu.memory_space<hbm>>
    tpu.enqueue_dma source(%dma_start3A_209 : memref<80x128xf32, #tpu.memory_space<hbm>>) target(%dma_start3A_207 : memref<80x128xf32, #tpu.memory_space<vmem>>) target_semaphore(%dma_start3A_203 : memref<!tpu.dma_semaphore, #tpu.memory_space<semaphore_mem>>)
    %dma_wait3A_210 = arith.constant 0 : i32
    %dma_wait3A_211 = arith.constant 0 : i32
    %dma_wait3A_212 = arith.constant 0 : i32
    %dma_wait3A_213 = tpu.memref_slice %arg19[%dma_wait3A_210, %dma_wait3A_212] : memref<4x80xi32, #tpu.memory_space<vmem>> -> memref<1x80xi32, #tpu.memory_space<vmem>>
    %dma_wait3A_214 = tpu.memref_squeeze %dma_wait3A_213 : memref<1x80xi32, #tpu.memory_space<vmem>> -> memref<80xi32, #tpu.memory_space<vmem>>
    %dma_wait3A_215 = arith.constant 0 : i32
    %dma_wait3A_216 = tpu.memref_slice %arg6[%dma_wait3A_215] : memref<64000xi32, #tpu.memory_space<hbm>> -> memref<80xi32, #tpu.memory_space<hbm>>
    %dma_wait3A_217 = tpu.memref_slice %arg17[%dma_wait3A_211] : memref<4x!tpu.dma_semaphore, #tpu.memory_space<semaphore_mem>> -> memref<1x!tpu.dma_semaphore, #tpu.memory_space<semaphore_mem>>
    %dma_wait3A_218 = tpu.memref_squeeze %dma_wait3A_217 : memref<1x!tpu.dma_semaphore, #tpu.memory_space<semaphore_mem>> -> memref<!tpu.dma_semaphore, #tpu.memory_space<semaphore_mem>>
    %dma_wait3A_219 = arith.constant 0 : i32
    %dma_wait3A_220 = tpu.memref_slice %arg19[%dma_wait3A_210, %dma_wait3A_219] : memref<4x80xi32, #tpu.memory_space<vmem>> -> memref<1x80xi32, #tpu.memory_space<vmem>>
    %dma_wait3A_221 = tpu.memref_squeeze %dma_wait3A_220 : memref<1x80xi32, #tpu.memory_space<vmem>> -> memref<80xi32, #tpu.memory_space<vmem>>
    %dma_wait3A_222 = arith.constant 0 : i32
    %dma_wait3A_223 = tpu.memref_slice %arg6[%dma_wait3A_222] : memref<64000xi32, #tpu.memory_space<hbm>> -> memref<80xi32, #tpu.memory_space<hbm>>
    tpu.wait_dma2 semaphore(%dma_wait3A_218 : memref<!tpu.dma_semaphore, #tpu.memory_space<semaphore_mem>>) src(%dma_wait3A_223 : memref<80xi32, #tpu.memory_space<hbm>>) dst(%dma_wait3A_221 : memref<80xi32, #tpu.memory_space<vmem>>)
    %dma_wait3A_224 = arith.constant 0 : i32
    %dma_wait3A_225 = arith.constant 0 : i32
    %dma_wait3A_226 = arith.constant 0 : i32
    %dma_wait3A_227 = tpu.memref_slice %arg13[%dma_wait3A_224, %dma_wait3A_226] : memref<4x80xi32, #tpu.memory_space<vmem>> -> memref<1x80xi32, #tpu.memory_space<vmem>>
    %dma_wait3A_228 = tpu.memref_squeeze %dma_wait3A_227 : memref<1x80xi32, #tpu.memory_space<vmem>> -> memref<80xi32, #tpu.memory_space<vmem>>
    %dma_wait3A_229 = arith.constant 0 : i32
    %dma_wait3A_230 = tpu.memref_slice %arg7[%dma_wait3A_229] : memref<64000xi32, #tpu.memory_space<hbm>> -> memref<80xi32, #tpu.memory_space<hbm>>
    %dma_wait3A_231 = tpu.memref_slice %arg17[%dma_wait3A_225] : memref<4x!tpu.dma_semaphore, #tpu.memory_space<semaphore_mem>> -> memref<1x!tpu.dma_semaphore, #tpu.memory_space<semaphore_mem>>
    %dma_wait3A_232 = tpu.memref_squeeze %dma_wait3A_231 : memref<1x!tpu.dma_semaphore, #tpu.memory_space<semaphore_mem>> -> memref<!tpu.dma_semaphore, #tpu.memory_space<semaphore_mem>>
    %dma_wait3A_233 = arith.constant 0 : i32
    %dma_wait3A_234 = tpu.memref_slice %arg13[%dma_wait3A_224, %dma_wait3A_233] : memref<4x80xi32, #tpu.memory_space<vmem>> -> memref<1x80xi32, #tpu.memory_space<vmem>>
    %dma_wait3A_235 = tpu.memref_squeeze %dma_wait3A_234 : memref<1x80xi32, #tpu.memory_space<vmem>> -> memref<80xi32, #tpu.memory_space<vmem>>
    %dma_wait3A_236 = arith.constant 0 : i32
    %dma_wait3A_237 = tpu.memref_slice %arg7[%dma_wait3A_236] : memref<64000xi32, #tpu.memory_space<hbm>> -> memref<80xi32, #tpu.memory_space<hbm>>
    tpu.wait_dma2 semaphore(%dma_wait3A_232 : memref<!tpu.dma_semaphore, #tpu.memory_space<semaphore_mem>>) src(%dma_wait3A_237 : memref<80xi32, #tpu.memory_space<hbm>>) dst(%dma_wait3A_235 : memref<80xi32, #tpu.memory_space<vmem>>)
    %dma_start3A_238 = arith.constant 0 : i32
    %dma_start3A_239 = arith.constant 0 : i32
    %dma_start3A_240 = arith.constant 0 : i32
    %dma_start3A_241 = arith.constant 0 : i32
    %dma_start3A_242 = arith.constant 0 : i32
    %dma_start3A_243 = tpu.memref_slice %arg18[%dma_start3A_239, %dma_start3A_241, %dma_start3A_242] : memref<2x80x128xf32, #tpu.memory_space<vmem>> -> memref<1x80x128xf32, #tpu.memory_space<vmem>>
    %dma_start3A_244 = tpu.memref_squeeze %dma_start3A_243 : memref<1x80x128xf32, #tpu.memory_space<vmem>> -> memref<80x128xf32, #tpu.memory_space<vmem>>
    %dma_start3A_245 = arith.constant 0 : i32
    %dma_start3A_246 = tpu.memref_slice %arg19[%dma_start3A_238, %dma_start3A_245] : memref<4x80xi32, #tpu.memory_space<vmem>> -> memref<1x80xi32, #tpu.memory_space<vmem>>
    %dma_start3A_247 = tpu.memref_squeeze %dma_start3A_246 : memref<1x80xi32, #tpu.memory_space<vmem>> -> memref<80xi32, #tpu.memory_space<vmem>>
    %dma_start3A_248 = arith.constant 0 : i32
    %dma_start3A_249 = arith.constant 0 : i32
    %dma_start3A_250 = tpu.memref_slice %arg2[%dma_start3A_248, %dma_start3A_249] : memref<10000x128xf32, #tpu.memory_space<hbm>> -> memref<10000x128xf32, #tpu.memory_space<hbm>>
    %dma_start3A_251 = tpu.memref_slice %arg16[%dma_start3A_240] : memref<2x!tpu.dma_semaphore, #tpu.memory_space<semaphore_mem>> -> memref<1x!tpu.dma_semaphore, #tpu.memory_space<semaphore_mem>>
    %dma_start3A_252 = tpu.memref_squeeze %dma_start3A_251 : memref<1x!tpu.dma_semaphore, #tpu.memory_space<semaphore_mem>> -> memref<!tpu.dma_semaphore, #tpu.memory_space<semaphore_mem>>
    tpu.enqueue_indirect_dma source(%dma_start3A_250 : memref<10000x128xf32, #tpu.memory_space<hbm>>) target(%dma_start3A_244 : memref<80x128xf32, #tpu.memory_space<vmem>>) offsets(%dma_start3A_247 : memref<80xi32, #tpu.memory_space<vmem>>) semaphore(%dma_start3A_252 : memref<!tpu.dma_semaphore, #tpu.memory_space<semaphore_mem>>)
    %scan3A_253 = arith.constant 0 : i32
    %scan3A_254 = arith.constant 7 : i32
    %scan3A_255 = arith.addi %scan3A_253, %scan3A_254 : i32
    %scan3A_256 = arith.constant 1 : i32
    scf.for %scan3A_274 = %scan3A_253 to %scan3A_255 step %scan3A_256  : i32 {
      %mul3A_275 = arith.constant 1 : i32
      %mul3A_276 = arith.muli %scan3A_274, %mul3A_275 : i32
      %add3A_277 = arith.constant 0 : i32
      %add3A_278 = arith.addi %add3A_277, %mul3A_276 : i32
      %mul3A_279 = arith.constant 4 : i32
      %mul3A_280 = arith.muli %add3A_278, %mul3A_279 : i32
      %add3A_281 = arith.constant 0 : i32
      %add3A_282 = arith.addi %mul3A_280, %add3A_281 : i32
      %lt3A = arith.constant 25 : i32
      %lt3A_283 = arith.cmpi slt, %add3A_282, %lt3A : i32
      %convert_element_type3A = arith.extui %lt3A_283 : i1 to i32
      %cond3A = arith.constant 0 : i32
      %cond3A_284 = arith.cmpi ne, %convert_element_type3A, %cond3A : i32
      scf.if %cond3A_284 {
        %ge3A = arith.constant 1 : i32
        %ge3A_312 = arith.cmpi sge, %add3A_282, %ge3A : i32
        %convert_element_type3A_313 = arith.extui %ge3A_312 : i1 to i32
        %cond3A_314 = arith.constant 0 : i32
        %cond3A_315 = arith.cmpi ne, %convert_element_type3A_313, %cond3A_314 : i32
        scf.if %cond3A_315 {
          %dma_wait3A_383 = arith.constant 1 : i32
          %dma_wait3A_384 = arith.constant 3 : i32
          %dma_wait3A_385 = arith.constant 1 : i32
          %dma_wait3A_386 = arith.constant 0 : i32
          %dma_wait3A_387 = arith.constant 0 : i32
          %dma_wait3A_388 = tpu.memref_slice %arg18[%dma_wait3A_383, %dma_wait3A_386, %dma_wait3A_387] : memref<2x80x128xf32, #tpu.memory_space<vmem>> -> memref<1x80x128xf32, #tpu.memory_space<vmem>>
          %dma_wait3A_389 = tpu.memref_squeeze %dma_wait3A_388 : memref<1x80x128xf32, #tpu.memory_space<vmem>> -> memref<80x128xf32, #tpu.memory_space<vmem>>
          %dma_wait3A_390 = arith.constant 0 : i32
          %dma_wait3A_391 = tpu.memref_slice %arg13[%dma_wait3A_384, %dma_wait3A_390] : memref<4x80xi32, #tpu.memory_space<vmem>> -> memref<1x80xi32, #tpu.memory_space<vmem>>
          %dma_wait3A_392 = tpu.memref_squeeze %dma_wait3A_391 : memref<1x80xi32, #tpu.memory_space<vmem>> -> memref<80xi32, #tpu.memory_space<vmem>>
          %dma_wait3A_393 = arith.constant 0 : i32
          %dma_wait3A_394 = arith.constant 0 : i32
          %dma_wait3A_395 = tpu.memref_slice %arg12[%dma_wait3A_393, %dma_wait3A_394] : memref<10112x128xf32, #tpu.memory_space<vmem_shared>> -> memref<10112x128xf32, #tpu.memory_space<vmem_shared>>
          %dma_wait3A_396 = tpu.memref_slice %arg20[%dma_wait3A_385] : memref<2x!tpu.dma_semaphore, #tpu.memory_space<semaphore_mem>> -> memref<1x!tpu.dma_semaphore, #tpu.memory_space<semaphore_mem>>
          %dma_wait3A_397 = tpu.memref_squeeze %dma_wait3A_396 : memref<1x!tpu.dma_semaphore, #tpu.memory_space<semaphore_mem>> -> memref<!tpu.dma_semaphore, #tpu.memory_space<semaphore_mem>>
          tpu.wait_indirect_dma semaphore(%dma_wait3A_397 : memref<!tpu.dma_semaphore, #tpu.memory_space<semaphore_mem>>) src(%dma_wait3A_389 : memref<80x128xf32, #tpu.memory_space<vmem>>) dst(%dma_wait3A_395 : memref<10112x128xf32, #tpu.memory_space<vmem_shared>>)
        } else {
        }
        %add3A_316 = arith.constant 2 : i32
        %add3A_317 = arith.addi %add3A_282, %add3A_316 : i32
        %lt3A_318 = arith.constant 25 : i32
        %lt3A_319 = arith.cmpi slt, %add3A_317, %lt3A_318 : i32
        %convert_element_type3A_320 = arith.extui %lt3A_319 : i1 to i32
        %cond3A_321 = arith.constant 0 : i32
        %cond3A_322 = arith.cmpi ne, %convert_element_type3A_320, %cond3A_321 : i32
        scf.if %cond3A_322 {
          %add3A_383 = arith.constant 2 : i32
          %add3A_384 = arith.addi %add3A_282, %add3A_383 : i32
          %mul3A_385 = arith.constant 80 : i32
          %mul3A_386 = arith.muli %add3A_384, %mul3A_385 : i32
          %add3A_387 = arith.addi %mul3A_139, %mul3A_386 : i32
          %dma_start3A_388 = arith.constant 2 : i32
          %dma_start3A_389 = arith.constant 2 : i32
          %dma_start3A_390 = arith.constant 0 : i32
          %dma_start3A_391 = tpu.memref_slice %arg19[%dma_start3A_388, %dma_start3A_390] : memref<4x80xi32, #tpu.memory_space<vmem>> -> memref<1x80xi32, #tpu.memory_space<vmem>>
          %dma_start3A_392 = tpu.memref_squeeze %dma_start3A_391 : memref<1x80xi32, #tpu.memory_space<vmem>> -> memref<80xi32, #tpu.memory_space<vmem>>
          %dma_start3A_393 = tpu.memref_slice %arg6[%add3A_387] : memref<64000xi32, #tpu.memory_space<hbm>> -> memref<80xi32, #tpu.memory_space<hbm>>
          %dma_start3A_394 = tpu.memref_slice %arg17[%dma_start3A_389] : memref<4x!tpu.dma_semaphore, #tpu.memory_space<semaphore_mem>> -> memref<1x!tpu.dma_semaphore, #tpu.memory_space<semaphore_mem>>
          %dma_start3A_395 = tpu.memref_squeeze %dma_start3A_394 : memref<1x!tpu.dma_semaphore, #tpu.memory_space<semaphore_mem>> -> memref<!tpu.dma_semaphore, #tpu.memory_space<semaphore_mem>>
          %dma_start3A_396 = arith.constant 0 : i32
          %dma_start3A_397 = tpu.memref_slice %arg19[%dma_start3A_388, %dma_start3A_396] : memref<4x80xi32, #tpu.memory_space<vmem>> -> memref<1x80xi32, #tpu.memory_space<vmem>>
          %dma_start3A_398 = tpu.memref_squeeze %dma_start3A_397 : memref<1x80xi32, #tpu.memory_space<vmem>> -> memref<80xi32, #tpu.memory_space<vmem>>
          %dma_start3A_399 = tpu.memref_slice %arg6[%add3A_387] : memref<64000xi32, #tpu.memory_space<hbm>> -> memref<80xi32, #tpu.memory_space<hbm>>
          tpu.enqueue_dma source(%dma_start3A_399 : memref<80xi32, #tpu.memory_space<hbm>>) target(%dma_start3A_398 : memref<80xi32, #tpu.memory_space<vmem>>) target_semaphore(%dma_start3A_395 : memref<!tpu.dma_semaphore, #tpu.memory_space<semaphore_mem>>)
          %dma_start3A_400 = arith.constant 2 : i32
          %dma_start3A_401 = arith.constant 2 : i32
          %dma_start3A_402 = arith.constant 0 : i32
          %dma_start3A_403 = tpu.memref_slice %arg13[%dma_start3A_400, %dma_start3A_402] : memref<4x80xi32, #tpu.memory_space<vmem>> -> memref<1x80xi32, #tpu.memory_space<vmem>>
          %dma_start3A_404 = tpu.memref_squeeze %dma_start3A_403 : memref<1x80xi32, #tpu.memory_space<vmem>> -> memref<80xi32, #tpu.memory_space<vmem>>
          %dma_start3A_405 = tpu.memref_slice %arg7[%add3A_387] : memref<64000xi32, #tpu.memory_space<hbm>> -> memref<80xi32, #tpu.memory_space<hbm>>
          %dma_start3A_406 = tpu.memref_slice %arg17[%dma_start3A_401] : memref<4x!tpu.dma_semaphore, #tpu.memory_space<semaphore_mem>> -> memref<1x!tpu.dma_semaphore, #tpu.memory_space<semaphore_mem>>
          %dma_start3A_407 = tpu.memref_squeeze %dma_start3A_406 : memref<1x!tpu.dma_semaphore, #tpu.memory_space<semaphore_mem>> -> memref<!tpu.dma_semaphore, #tpu.memory_space<semaphore_mem>>
          %dma_start3A_408 = arith.constant 0 : i32
          %dma_start3A_409 = tpu.memref_slice %arg13[%dma_start3A_400, %dma_start3A_408] : memref<4x80xi32, #tpu.memory_space<vmem>> -> memref<1x80xi32, #tpu.memory_space<vmem>>
          %dma_start3A_410 = tpu.memref_squeeze %dma_start3A_409 : memref<1x80xi32, #tpu.memory_space<vmem>> -> memref<80xi32, #tpu.memory_space<vmem>>
          %dma_start3A_411 = tpu.memref_slice %arg7[%add3A_387] : memref<64000xi32, #tpu.memory_space<hbm>> -> memref<80xi32, #tpu.memory_space<hbm>>
          tpu.enqueue_dma source(%dma_start3A_411 : memref<80xi32, #tpu.memory_space<hbm>>) target(%dma_start3A_410 : memref<80xi32, #tpu.memory_space<vmem>>) target_semaphore(%dma_start3A_407 : memref<!tpu.dma_semaphore, #tpu.memory_space<semaphore_mem>>)
        } else {
        }
        %add3A_323 = arith.constant 1 : i32
        %add3A_324 = arith.addi %add3A_282, %add3A_323 : i32
        %lt3A_325 = arith.constant 25 : i32
        %lt3A_326 = arith.cmpi slt, %add3A_324, %lt3A_325 : i32
        %convert_element_type3A_327 = arith.extui %lt3A_326 : i1 to i32
        %cond3A_328 = arith.constant 0 : i32
        %cond3A_329 = arith.cmpi ne, %convert_element_type3A_327, %cond3A_328 : i32
        scf.if %cond3A_329 {
          %add3A_383 = arith.constant 1 : i32
          %add3A_384 = arith.addi %add3A_282, %add3A_383 : i32
          %mul3A_385 = arith.constant 80 : i32
          %mul3A_386 = arith.muli %add3A_384, %mul3A_385 : i32
          %add3A_387 = arith.addi %mul3A_139, %mul3A_386 : i32
          %dma_start3A_388 = arith.constant 1 : i32
          %dma_start3A_389 = arith.constant 1 : i32
          %dma_start3A_390 = arith.constant 0 : i32
          %dma_start3A_391 = arith.constant 0 : i32
          %dma_start3A_392 = tpu.memref_slice %arg14[%dma_start3A_388, %dma_start3A_390, %dma_start3A_391] : memref<2x80x128xf32, #tpu.memory_space<vmem>> -> memref<1x80x128xf32, #tpu.memory_space<vmem>>
          %dma_start3A_393 = tpu.memref_squeeze %dma_start3A_392 : memref<1x80x128xf32, #tpu.memory_space<vmem>> -> memref<80x128xf32, #tpu.memory_space<vmem>>
          %dma_start3A_394 = arith.constant 0 : i32
          %dma_start3A_395 = tpu.memref_slice %arg8[%add3A_387, %dma_start3A_394] : memref<64000x128xf32, #tpu.memory_space<hbm>> -> memref<80x128xf32, #tpu.memory_space<hbm>>
          %dma_start3A_396 = tpu.memref_slice %arg15[%dma_start3A_389] : memref<2x!tpu.dma_semaphore, #tpu.memory_space<semaphore_mem>> -> memref<1x!tpu.dma_semaphore, #tpu.memory_space<semaphore_mem>>
          %dma_start3A_397 = tpu.memref_squeeze %dma_start3A_396 : memref<1x!tpu.dma_semaphore, #tpu.memory_space<semaphore_mem>> -> memref<!tpu.dma_semaphore, #tpu.memory_space<semaphore_mem>>
          %dma_start3A_398 = arith.constant 0 : i32
          %dma_start3A_399 = arith.constant 0 : i32
          %dma_start3A_400 = tpu.memref_slice %arg14[%dma_start3A_388, %dma_start3A_398, %dma_start3A_399] : memref<2x80x128xf32, #tpu.memory_space<vmem>> -> memref<1x80x128xf32, #tpu.memory_space<vmem>>
          %dma_start3A_401 = tpu.memref_squeeze %dma_start3A_400 : memref<1x80x128xf32, #tpu.memory_space<vmem>> -> memref<80x128xf32, #tpu.memory_space<vmem>>
          %dma_start3A_402 = arith.constant 0 : i32
          %dma_start3A_403 = tpu.memref_slice %arg8[%add3A_387, %dma_start3A_402] : memref<64000x128xf32, #tpu.memory_space<hbm>> -> memref<80x128xf32, #tpu.memory_space<hbm>>
          tpu.enqueue_dma source(%dma_start3A_403 : memref<80x128xf32, #tpu.memory_space<hbm>>) target(%dma_start3A_401 : memref<80x128xf32, #tpu.memory_space<vmem>>) target_semaphore(%dma_start3A_397 : memref<!tpu.dma_semaphore, #tpu.memory_space<semaphore_mem>>)
          %dma_wait3A_404 = arith.constant 1 : i32
          %dma_wait3A_405 = arith.constant 1 : i32
          %dma_wait3A_406 = arith.constant 0 : i32
          %dma_wait3A_407 = tpu.memref_slice %arg19[%dma_wait3A_404, %dma_wait3A_406] : memref<4x80xi32, #tpu.memory_space<vmem>> -> memref<1x80xi32, #tpu.memory_space<vmem>>
          %dma_wait3A_408 = tpu.memref_squeeze %dma_wait3A_407 : memref<1x80xi32, #tpu.memory_space<vmem>> -> memref<80xi32, #tpu.memory_space<vmem>>
          %dma_wait3A_409 = arith.constant 0 : i32
          %dma_wait3A_410 = tpu.memref_slice %arg6[%dma_wait3A_409] : memref<64000xi32, #tpu.memory_space<hbm>> -> memref<80xi32, #tpu.memory_space<hbm>>
          %dma_wait3A_411 = tpu.memref_slice %arg17[%dma_wait3A_405] : memref<4x!tpu.dma_semaphore, #tpu.memory_space<semaphore_mem>> -> memref<1x!tpu.dma_semaphore, #tpu.memory_space<semaphore_mem>>
          %dma_wait3A_412 = tpu.memref_squeeze %dma_wait3A_411 : memref<1x!tpu.dma_semaphore, #tpu.memory_space<semaphore_mem>> -> memref<!tpu.dma_semaphore, #tpu.memory_space<semaphore_mem>>
          %dma_wait3A_413 = arith.constant 0 : i32
          %dma_wait3A_414 = tpu.memref_slice %arg19[%dma_wait3A_404, %dma_wait3A_413] : memref<4x80xi32, #tpu.memory_space<vmem>> -> memref<1x80xi32, #tpu.memory_space<vmem>>
          %dma_wait3A_415 = tpu.memref_squeeze %dma_wait3A_414 : memref<1x80xi32, #tpu.memory_space<vmem>> -> memref<80xi32, #tpu.memory_space<vmem>>
          %dma_wait3A_416 = arith.constant 0 : i32
          %dma_wait3A_417 = tpu.memref_slice %arg6[%dma_wait3A_416] : memref<64000xi32, #tpu.memory_space<hbm>> -> memref<80xi32, #tpu.memory_space<hbm>>
          tpu.wait_dma2 semaphore(%dma_wait3A_412 : memref<!tpu.dma_semaphore, #tpu.memory_space<semaphore_mem>>) src(%dma_wait3A_417 : memref<80xi32, #tpu.memory_space<hbm>>) dst(%dma_wait3A_415 : memref<80xi32, #tpu.memory_space<vmem>>)
          %dma_wait3A_418 = arith.constant 1 : i32
          %dma_wait3A_419 = arith.constant 1 : i32
          %dma_wait3A_420 = arith.constant 0 : i32
          %dma_wait3A_421 = tpu.memref_slice %arg13[%dma_wait3A_418, %dma_wait3A_420] : memref<4x80xi32, #tpu.memory_space<vmem>> -> memref<1x80xi32, #tpu.memory_space<vmem>>
          %dma_wait3A_422 = tpu.memref_squeeze %dma_wait3A_421 : memref<1x80xi32, #tpu.memory_space<vmem>> -> memref<80xi32, #tpu.memory_space<vmem>>
          %dma_wait3A_423 = arith.constant 0 : i32
          %dma_wait3A_424 = tpu.memref_slice %arg7[%dma_wait3A_423] : memref<64000xi32, #tpu.memory_space<hbm>> -> memref<80xi32, #tpu.memory_space<hbm>>
          %dma_wait3A_425 = tpu.memref_slice %arg17[%dma_wait3A_419] : memref<4x!tpu.dma_semaphore, #tpu.memory_space<semaphore_mem>> -> memref<1x!tpu.dma_semaphore, #tpu.memory_space<semaphore_mem>>
          %dma_wait3A_426 = tpu.memref_squeeze %dma_wait3A_425 : memref<1x!tpu.dma_semaphore, #tpu.memory_space<semaphore_mem>> -> memref<!tpu.dma_semaphore, #tpu.memory_space<semaphore_mem>>
          %dma_wait3A_427 = arith.constant 0 : i32
          %dma_wait3A_428 = tpu.memref_slice %arg13[%dma_wait3A_418, %dma_wait3A_427] : memref<4x80xi32, #tpu.memory_space<vmem>> -> memref<1x80xi32, #tpu.memory_space<vmem>>
          %dma_wait3A_429 = tpu.memref_squeeze %dma_wait3A_428 : memref<1x80xi32, #tpu.memory_space<vmem>> -> memref<80xi32, #tpu.memory_space<vmem>>
          %dma_wait3A_430 = arith.constant 0 : i32
          %dma_wait3A_431 = tpu.memref_slice %arg7[%dma_wait3A_430] : memref<64000xi32, #tpu.memory_space<hbm>> -> memref<80xi32, #tpu.memory_space<hbm>>
          tpu.wait_dma2 semaphore(%dma_wait3A_426 : memref<!tpu.dma_semaphore, #tpu.memory_space<semaphore_mem>>) src(%dma_wait3A_431 : memref<80xi32, #tpu.memory_space<hbm>>) dst(%dma_wait3A_429 : memref<80xi32, #tpu.memory_space<vmem>>)
          %dma_start3A_432 = arith.constant 1 : i32
          %dma_start3A_433 = arith.constant 1 : i32
          %dma_start3A_434 = arith.constant 1 : i32
          %dma_start3A_435 = arith.constant 0 : i32
          %dma_start3A_436 = arith.constant 0 : i32
          %dma_start3A_437 = tpu.memref_slice %arg18[%dma_start3A_433, %dma_start3A_435, %dma_start3A_436] : memref<2x80x128xf32, #tpu.memory_space<vmem>> -> memref<1x80x128xf32, #tpu.memory_space<vmem>>
          %dma_start3A_438 = tpu.memref_squeeze %dma_start3A_437 : memref<1x80x128xf32, #tpu.memory_space<vmem>> -> memref<80x128xf32, #tpu.memory_space<vmem>>
          %dma_start3A_439 = arith.constant 0 : i32
          %dma_start3A_440 = tpu.memref_slice %arg19[%dma_start3A_432, %dma_start3A_439] : memref<4x80xi32, #tpu.memory_space<vmem>> -> memref<1x80xi32, #tpu.memory_space<vmem>>
          %dma_start3A_441 = tpu.memref_squeeze %dma_start3A_440 : memref<1x80xi32, #tpu.memory_space<vmem>> -> memref<80xi32, #tpu.memory_space<vmem>>
          %dma_start3A_442 = arith.constant 0 : i32
          %dma_start3A_443 = arith.constant 0 : i32
          %dma_start3A_444 = tpu.memref_slice %arg2[%dma_start3A_442, %dma_start3A_443] : memref<10000x128xf32, #tpu.memory_space<hbm>> -> memref<10000x128xf32, #tpu.memory_space<hbm>>
          %dma_start3A_445 = tpu.memref_slice %arg16[%dma_start3A_434] : memref<2x!tpu.dma_semaphore, #tpu.memory_space<semaphore_mem>> -> memref<1x!tpu.dma_semaphore, #tpu.memory_space<semaphore_mem>>
          %dma_start3A_446 = tpu.memref_squeeze %dma_start3A_445 : memref<1x!tpu.dma_semaphore, #tpu.memory_space<semaphore_mem>> -> memref<!tpu.dma_semaphore, #tpu.memory_space<semaphore_mem>>
          tpu.enqueue_indirect_dma source(%dma_start3A_444 : memref<10000x128xf32, #tpu.memory_space<hbm>>) target(%dma_start3A_438 : memref<80x128xf32, #tpu.memory_space<vmem>>) offsets(%dma_start3A_441 : memref<80xi32, #tpu.memory_space<vmem>>) semaphore(%dma_start3A_446 : memref<!tpu.dma_semaphore, #tpu.memory_space<semaphore_mem>>)
        } else {
        }
        %dma_wait3A_330 = arith.constant 0 : i32
        %dma_wait3A_331 = arith.constant 0 : i32
        %dma_wait3A_332 = arith.constant 0 : i32
        %dma_wait3A_333 = arith.constant 0 : i32
        %dma_wait3A_334 = arith.constant 0 : i32
        %dma_wait3A_335 = tpu.memref_slice %arg18[%dma_wait3A_331, %dma_wait3A_333, %dma_wait3A_334] : memref<2x80x128xf32, #tpu.memory_space<vmem>> -> memref<1x80x128xf32, #tpu.memory_space<vmem>>
        %dma_wait3A_336 = tpu.memref_squeeze %dma_wait3A_335 : memref<1x80x128xf32, #tpu.memory_space<vmem>> -> memref<80x128xf32, #tpu.memory_space<vmem>>
        %dma_wait3A_337 = arith.constant 0 : i32
        %dma_wait3A_338 = tpu.memref_slice %arg19[%dma_wait3A_330, %dma_wait3A_337] : memref<4x80xi32, #tpu.memory_space<vmem>> -> memref<1x80xi32, #tpu.memory_space<vmem>>
        %dma_wait3A_339 = tpu.memref_squeeze %dma_wait3A_338 : memref<1x80xi32, #tpu.memory_space<vmem>> -> memref<80xi32, #tpu.memory_space<vmem>>
        %dma_wait3A_340 = arith.constant 0 : i32
        %dma_wait3A_341 = arith.constant 0 : i32
        %dma_wait3A_342 = tpu.memref_slice %arg2[%dma_wait3A_340, %dma_wait3A_341] : memref<10000x128xf32, #tpu.memory_space<hbm>> -> memref<10000x128xf32, #tpu.memory_space<hbm>>
        %dma_wait3A_343 = tpu.memref_slice %arg16[%dma_wait3A_332] : memref<2x!tpu.dma_semaphore, #tpu.memory_space<semaphore_mem>> -> memref<1x!tpu.dma_semaphore, #tpu.memory_space<semaphore_mem>>
        %dma_wait3A_344 = tpu.memref_squeeze %dma_wait3A_343 : memref<1x!tpu.dma_semaphore, #tpu.memory_space<semaphore_mem>> -> memref<!tpu.dma_semaphore, #tpu.memory_space<semaphore_mem>>
        tpu.wait_indirect_dma semaphore(%dma_wait3A_344 : memref<!tpu.dma_semaphore, #tpu.memory_space<semaphore_mem>>) src(%dma_wait3A_342 : memref<10000x128xf32, #tpu.memory_space<hbm>>) dst(%dma_wait3A_336 : memref<80x128xf32, #tpu.memory_space<vmem>>)
        %dma_wait3A_345 = arith.constant 0 : i32
        %dma_wait3A_346 = arith.constant 0 : i32
        %dma_wait3A_347 = arith.constant 0 : i32
        %dma_wait3A_348 = arith.constant 0 : i32
        %dma_wait3A_349 = tpu.memref_slice %arg14[%dma_wait3A_345, %dma_wait3A_347, %dma_wait3A_348] : memref<2x80x128xf32, #tpu.memory_space<vmem>> -> memref<1x80x128xf32, #tpu.memory_space<vmem>>
        %dma_wait3A_350 = tpu.memref_squeeze %dma_wait3A_349 : memref<1x80x128xf32, #tpu.memory_space<vmem>> -> memref<80x128xf32, #tpu.memory_space<vmem>>
        %dma_wait3A_351 = arith.constant 0 : i32
        %dma_wait3A_352 = arith.constant 0 : i32
        %dma_wait3A_353 = tpu.memref_slice %arg8[%dma_wait3A_351, %dma_wait3A_352] : memref<64000x128xf32, #tpu.memory_space<hbm>> -> memref<80x128xf32, #tpu.memory_space<hbm>>
        %dma_wait3A_354 = tpu.memref_slice %arg15[%dma_wait3A_346] : memref<2x!tpu.dma_semaphore, #tpu.memory_space<semaphore_mem>> -> memref<1x!tpu.dma_semaphore, #tpu.memory_space<semaphore_mem>>
        %dma_wait3A_355 = tpu.memref_squeeze %dma_wait3A_354 : memref<1x!tpu.dma_semaphore, #tpu.memory_space<semaphore_mem>> -> memref<!tpu.dma_semaphore, #tpu.memory_space<semaphore_mem>>
        %dma_wait3A_356 = arith.constant 0 : i32
        %dma_wait3A_357 = arith.constant 0 : i32
        %dma_wait3A_358 = tpu.memref_slice %arg14[%dma_wait3A_345, %dma_wait3A_356, %dma_wait3A_357] : memref<2x80x128xf32, #tpu.memory_space<vmem>> -> memref<1x80x128xf32, #tpu.memory_space<vmem>>
        %dma_wait3A_359 = tpu.memref_squeeze %dma_wait3A_358 : memref<1x80x128xf32, #tpu.memory_space<vmem>> -> memref<80x128xf32, #tpu.memory_space<vmem>>
        %dma_wait3A_360 = arith.constant 0 : i32
        %dma_wait3A_361 = arith.constant 0 : i32
        %dma_wait3A_362 = tpu.memref_slice %arg8[%dma_wait3A_360, %dma_wait3A_361] : memref<64000x128xf32, #tpu.memory_space<hbm>> -> memref<80x128xf32, #tpu.memory_space<hbm>>
        tpu.wait_dma2 semaphore(%dma_wait3A_355 : memref<!tpu.dma_semaphore, #tpu.memory_space<semaphore_mem>>) src(%dma_wait3A_362 : memref<80x128xf32, #tpu.memory_space<hbm>>) dst(%dma_wait3A_359 : memref<80x128xf32, #tpu.memory_space<vmem>>)
        %scan3A_363 = arith.constant 0 : i32
        %scan3A_364 = arith.constant 80 : i32
        %scan3A_365 = arith.addi %scan3A_363, %scan3A_364 : i32
        %scan3A_366 = arith.constant 1 : i32
        scf.for %scan3A_383 = %scan3A_363 to %scan3A_365 step %scan3A_366  : i32 {
          %mul3A_384 = arith.constant 1 : i32
          %mul3A_385 = arith.muli %scan3A_383, %mul3A_384 : i32
          %add3A_386 = arith.constant 0 : i32
          %add3A_387 = arith.addi %add3A_386, %mul3A_385 : i32
          %get3A = arith.constant 0 : i32
          %get3A_388 = arith.index_cast %get3A : i32 to index
          %get3A_389 = arith.index_cast %add3A_387 : i32 to index
          %get3A_390 = arith.constant 0 : index
          %get3A_391 = tpu.vector_load %arg18[%get3A_388, %get3A_389, %get3A_390] {strides = array<i32>} : memref<2x80x128xf32, #tpu.memory_space<vmem>>, vector<1x1x16xf32>,
          %get3A_392 = vector.shape_cast %get3A_391 : vector<1x1x16xf32> to vector<16xf32>
          %get3A_393 = arith.constant 0 : i32
          %get3A_394 = arith.index_cast %get3A_393 : i32 to index
          %get3A_395 = arith.index_cast %add3A_387 : i32 to index
          %get3A_396 = arith.constant 0 : index
          %get3A_397 = tpu.vector_load %arg14[%get3A_394, %get3A_395, %get3A_396] {strides = array<i32>} : memref<2x80x128xf32, #tpu.memory_space<vmem>>, vector<1x1x16xf32>,
          %get3A_398 = vector.shape_cast %get3A_397 : vector<1x1x16xf32> to vector<16xf32>
          %add3A_399 = arith.addf %get3A_392, %get3A_398 : vector<16xf32>
          %max3A = arith.constant 0.000000e+00 : f32
          %max3A_400 = vector.broadcast %max3A : f32 to vector<16xf32>
          %max3A_401 = arith.maximumf %add3A_399, %max3A_400 : vector<16xf32>
          %swap3A = arith.constant 0 : i32
          %swap3A_402 = arith.index_cast %swap3A : i32 to index
          %swap3A_403 = arith.index_cast %add3A_387 : i32 to index
          %swap3A_404 = arith.constant 0 : index
          %swap3A_405 = tpu.vector_load %arg18[%swap3A_402, %swap3A_403, %swap3A_404] {strides = array<i32>} : memref<2x80x128xf32, #tpu.memory_space<vmem>>, vector<1x1x16xf32>,
          %swap3A_406 = vector.shape_cast %swap3A_405 : vector<1x1x16xf32> to vector<16xf32>
          %swap3A_407 = vector.shape_cast %max3A_401 : vector<16xf32> to vector<1x1x16xf32>
          tpu.vector_store %arg18[%swap3A_402, %swap3A_403, %swap3A_404], %swap3A_407 {strides = array<i32>} : memref<2x80x128xf32, #tpu.memory_space<vmem>>, vector<1x1x16xf32>,
          %get3A_408 = arith.constant 0 : i32
          %get3A_409 = arith.index_cast %get3A_408 : i32 to index
          %get3A_410 = arith.index_cast %add3A_387 : i32 to index
          %get3A_411 = arith.constant 16 : index
          %get3A_412 = tpu.vector_load %arg18[%get3A_409, %get3A_410, %get3A_411] {strides = array<i32>} : memref<2x80x128xf32, #tpu.memory_space<vmem>>, vector<1x1x16xf32>,
          %get3A_413 = vector.shape_cast %get3A_412 : vector<1x1x16xf32> to vector<16xf32>
          %get3A_414 = arith.constant 0 : i32
          %get3A_415 = arith.index_cast %get3A_414 : i32 to index
          %get3A_416 = arith.index_cast %add3A_387 : i32 to index
          %get3A_417 = arith.constant 16 : index
          %get3A_418 = tpu.vector_load %arg14[%get3A_415, %get3A_416, %get3A_417] {strides = array<i32>} : memref<2x80x128xf32, #tpu.memory_space<vmem>>, vector<1x1x16xf32>,
          %get3A_419 = vector.shape_cast %get3A_418 : vector<1x1x16xf32> to vector<16xf32>
          %add3A_420 = arith.addf %get3A_413, %get3A_419 : vector<16xf32>
          %max3A_421 = arith.constant 0.000000e+00 : f32
          %max3A_422 = vector.broadcast %max3A_421 : f32 to vector<16xf32>
          %max3A_423 = arith.maximumf %add3A_420, %max3A_422 : vector<16xf32>
          %swap3A_424 = arith.constant 0 : i32
          %swap3A_425 = arith.index_cast %swap3A_424 : i32 to index
          %swap3A_426 = arith.index_cast %add3A_387 : i32 to index
          %swap3A_427 = arith.constant 16 : index
          %swap3A_428 = tpu.vector_load %arg18[%swap3A_425, %swap3A_426, %swap3A_427] {strides = array<i32>} : memref<2x80x128xf32, #tpu.memory_space<vmem>>, vector<1x1x16xf32>,
          %swap3A_429 = vector.shape_cast %swap3A_428 : vector<1x1x16xf32> to vector<16xf32>
          %swap3A_430 = vector.shape_cast %max3A_423 : vector<16xf32> to vector<1x1x16xf32>
          tpu.vector_store %arg18[%swap3A_425, %swap3A_426, %swap3A_427], %swap3A_430 {strides = array<i32>} : memref<2x80x128xf32, #tpu.memory_space<vmem>>, vector<1x1x16xf32>,
          %get3A_431 = arith.constant 0 : i32
          %get3A_432 = arith.index_cast %get3A_431 : i32 to index
          %get3A_433 = arith.index_cast %add3A_387 : i32 to index
          %get3A_434 = arith.constant 32 : index
          %get3A_435 = tpu.vector_load %arg18[%get3A_432, %get3A_433, %get3A_434] {strides = array<i32>} : memref<2x80x128xf32, #tpu.memory_space<vmem>>, vector<1x1x16xf32>,
          %get3A_436 = vector.shape_cast %get3A_435 : vector<1x1x16xf32> to vector<16xf32>
          %get3A_437 = arith.constant 0 : i32
          %get3A_438 = arith.index_cast %get3A_437 : i32 to index
          %get3A_439 = arith.index_cast %add3A_387 : i32 to index
          %get3A_440 = arith.constant 32 : index
          %get3A_441 = tpu.vector_load %arg14[%get3A_438, %get3A_439, %get3A_440] {strides = array<i32>} : memref<2x80x128xf32, #tpu.memory_space<vmem>>, vector<1x1x16xf32>,
          %get3A_442 = vector.shape_cast %get3A_441 : vector<1x1x16xf32> to vector<16xf32>
          %add3A_443 = arith.addf %get3A_436, %get3A_442 : vector<16xf32>
          %max3A_444 = arith.constant 0.000000e+00 : f32
          %max3A_445 = vector.broadcast %max3A_444 : f32 to vector<16xf32>
          %max3A_446 = arith.maximumf %add3A_443, %max3A_445 : vector<16xf32>
          %swap3A_447 = arith.constant 0 : i32
          %swap3A_448 = arith.index_cast %swap3A_447 : i32 to index
          %swap3A_449 = arith.index_cast %add3A_387 : i32 to index
          %swap3A_450 = arith.constant 32 : index
          %swap3A_451 = tpu.vector_load %arg18[%swap3A_448, %swap3A_449, %swap3A_450] {strides = array<i32>} : memref<2x80x128xf32, #tpu.memory_space<vmem>>, vector<1x1x16xf32>,
          %swap3A_452 = vector.shape_cast %swap3A_451 : vector<1x1x16xf32> to vector<16xf32>
          %swap3A_453 = vector.shape_cast %max3A_446 : vector<16xf32> to vector<1x1x16xf32>
          tpu.vector_store %arg18[%swap3A_448, %swap3A_449, %swap3A_450], %swap3A_453 {strides = array<i32>} : memref<2x80x128xf32, #tpu.memory_space<vmem>>, vector<1x1x16xf32>,
          %get3A_454 = arith.constant 0 : i32
          %get3A_455 = arith.index_cast %get3A_454 : i32 to index
          %get3A_456 = arith.index_cast %add3A_387 : i32 to index
          %get3A_457 = arith.constant 48 : index
          %get3A_458 = tpu.vector_load %arg18[%get3A_455, %get3A_456, %get3A_457] {strides = array<i32>} : memref<2x80x128xf32, #tpu.memory_space<vmem>>, vector<1x1x16xf32>,
          %get3A_459 = vector.shape_cast %get3A_458 : vector<1x1x16xf32> to vector<16xf32>
          %get3A_460 = arith.constant 0 : i32
          %get3A_461 = arith.index_cast %get3A_460 : i32 to index
          %get3A_462 = arith.index_cast %add3A_387 : i32 to index
          %get3A_463 = arith.constant 48 : index
          %get3A_464 = tpu.vector_load %arg14[%get3A_461, %get3A_462, %get3A_463] {strides = array<i32>} : memref<2x80x128xf32, #tpu.memory_space<vmem>>, vector<1x1x16xf32>,
          %get3A_465 = vector.shape_cast %get3A_464 : vector<1x1x16xf32> to vector<16xf32>
          %add3A_466 = arith.addf %get3A_459, %get3A_465 : vector<16xf32>
          %max3A_467 = arith.constant 0.000000e+00 : f32
          %max3A_468 = vector.broadcast %max3A_467 : f32 to vector<16xf32>
          %max3A_469 = arith.maximumf %add3A_466, %max3A_468 : vector<16xf32>
          %swap3A_470 = arith.constant 0 : i32
          %swap3A_471 = arith.index_cast %swap3A_470 : i32 to index
          %swap3A_472 = arith.index_cast %add3A_387 : i32 to index
          %swap3A_473 = arith.constant 48 : index
          %swap3A_474 = tpu.vector_load %arg18[%swap3A_471, %swap3A_472, %swap3A_473] {strides = array<i32>} : memref<2x80x128xf32, #tpu.memory_space<vmem>>, vector<1x1x16xf32>,
          %swap3A_475 = vector.shape_cast %swap3A_474 : vector<1x1x16xf32> to vector<16xf32>
          %swap3A_476 = vector.shape_cast %max3A_469 : vector<16xf32> to vector<1x1x16xf32>
          tpu.vector_store %arg18[%swap3A_471, %swap3A_472, %swap3A_473], %swap3A_476 {strides = array<i32>} : memref<2x80x128xf32, #tpu.memory_space<vmem>>, vector<1x1x16xf32>,
          %get3A_477 = arith.constant 0 : i32
          %get3A_478 = arith.index_cast %get3A_477 : i32 to index
          %get3A_479 = arith.index_cast %add3A_387 : i32 to index
          %get3A_480 = arith.constant 64 : index
          %get3A_481 = tpu.vector_load %arg18[%get3A_478, %get3A_479, %get3A_480] {strides = array<i32>} : memref<2x80x128xf32, #tpu.memory_space<vmem>>, vector<1x1x16xf32>,
          %get3A_482 = vector.shape_cast %get3A_481 : vector<1x1x16xf32> to vector<16xf32>
          %get3A_483 = arith.constant 0 : i32
          %get3A_484 = arith.index_cast %get3A_483 : i32 to index
          %get3A_485 = arith.index_cast %add3A_387 : i32 to index
          %get3A_486 = arith.constant 64 : index
          %get3A_487 = tpu.vector_load %arg14[%get3A_484, %get3A_485, %get3A_486] {strides = array<i32>} : memref<2x80x128xf32, #tpu.memory_space<vmem>>, vector<1x1x16xf32>,
          %get3A_488 = vector.shape_cast %get3A_487 : vector<1x1x16xf32> to vector<16xf32>
          %add3A_489 = arith.addf %get3A_482, %get3A_488 : vector<16xf32>
          %max3A_490 = arith.constant 0.000000e+00 : f32
          %max3A_491 = vector.broadcast %max3A_490 : f32 to vector<16xf32>
          %max3A_492 = arith.maximumf %add3A_489, %max3A_491 : vector<16xf32>
          %swap3A_493 = arith.constant 0 : i32
          %swap3A_494 = arith.index_cast %swap3A_493 : i32 to index
          %swap3A_495 = arith.index_cast %add3A_387 : i32 to index
          %swap3A_496 = arith.constant 64 : index
          %swap3A_497 = tpu.vector_load %arg18[%swap3A_494, %swap3A_495, %swap3A_496] {strides = array<i32>} : memref<2x80x128xf32, #tpu.memory_space<vmem>>, vector<1x1x16xf32>,
          %swap3A_498 = vector.shape_cast %swap3A_497 : vector<1x1x16xf32> to vector<16xf32>
          %swap3A_499 = vector.shape_cast %max3A_492 : vector<16xf32> to vector<1x1x16xf32>
          tpu.vector_store %arg18[%swap3A_494, %swap3A_495, %swap3A_496], %swap3A_499 {strides = array<i32>} : memref<2x80x128xf32, #tpu.memory_space<vmem>>, vector<1x1x16xf32>,
          %get3A_500 = arith.constant 0 : i32
          %get3A_501 = arith.index_cast %get3A_500 : i32 to index
          %get3A_502 = arith.index_cast %add3A_387 : i32 to index
          %get3A_503 = arith.constant 80 : index
          %get3A_504 = tpu.vector_load %arg18[%get3A_501, %get3A_502, %get3A_503] {strides = array<i32>} : memref<2x80x128xf32, #tpu.memory_space<vmem>>, vector<1x1x16xf32>,
          %get3A_505 = vector.shape_cast %get3A_504 : vector<1x1x16xf32> to vector<16xf32>
          %get3A_506 = arith.constant 0 : i32
          %get3A_507 = arith.index_cast %get3A_506 : i32 to index
          %get3A_508 = arith.index_cast %add3A_387 : i32 to index
          %get3A_509 = arith.constant 80 : index
          %get3A_510 = tpu.vector_load %arg14[%get3A_507, %get3A_508, %get3A_509] {strides = array<i32>} : memref<2x80x128xf32, #tpu.memory_space<vmem>>, vector<1x1x16xf32>,
          %get3A_511 = vector.shape_cast %get3A_510 : vector<1x1x16xf32> to vector<16xf32>
          %add3A_512 = arith.addf %get3A_505, %get3A_511 : vector<16xf32>
          %max3A_513 = arith.constant 0.000000e+00 : f32
          %max3A_514 = vector.broadcast %max3A_513 : f32 to vector<16xf32>
          %max3A_515 = arith.maximumf %add3A_512, %max3A_514 : vector<16xf32>
          %swap3A_516 = arith.constant 0 : i32
          %swap3A_517 = arith.index_cast %swap3A_516 : i32 to index
          %swap3A_518 = arith.index_cast %add3A_387 : i32 to index
          %swap3A_519 = arith.constant 80 : index
          %swap3A_520 = tpu.vector_load %arg18[%swap3A_517, %swap3A_518, %swap3A_519] {strides = array<i32>} : memref<2x80x128xf32, #tpu.memory_space<vmem>>, vector<1x1x16xf32>,
          %swap3A_521 = vector.shape_cast %swap3A_520 : vector<1x1x16xf32> to vector<16xf32>
          %swap3A_522 = vector.shape_cast %max3A_515 : vector<16xf32> to vector<1x1x16xf32>
          tpu.vector_store %arg18[%swap3A_517, %swap3A_518, %swap3A_519], %swap3A_522 {strides = array<i32>} : memref<2x80x128xf32, #tpu.memory_space<vmem>>, vector<1x1x16xf32>,
          %get3A_523 = arith.constant 0 : i32
          %get3A_524 = arith.index_cast %get3A_523 : i32 to index
          %get3A_525 = arith.index_cast %add3A_387 : i32 to index
          %get3A_526 = arith.constant 96 : index
          %get3A_527 = tpu.vector_load %arg18[%get3A_524, %get3A_525, %get3A_526] {strides = array<i32>} : memref<2x80x128xf32, #tpu.memory_space<vmem>>, vector<1x1x16xf32>,
          %get3A_528 = vector.shape_cast %get3A_527 : vector<1x1x16xf32> to vector<16xf32>
          %get3A_529 = arith.constant 0 : i32
          %get3A_530 = arith.index_cast %get3A_529 : i32 to index
          %get3A_531 = arith.index_cast %add3A_387 : i32 to index
          %get3A_532 = arith.constant 96 : index
          %get3A_533 = tpu.vector_load %arg14[%get3A_530, %get3A_531, %get3A_532] {strides = array<i32>} : memref<2x80x128xf32, #tpu.memory_space<vmem>>, vector<1x1x16xf32>,
          %get3A_534 = vector.shape_cast %get3A_533 : vector<1x1x16xf32> to vector<16xf32>
          %add3A_535 = arith.addf %get3A_528, %get3A_534 : vector<16xf32>
          %max3A_536 = arith.constant 0.000000e+00 : f32
          %max3A_537 = vector.broadcast %max3A_536 : f32 to vector<16xf32>
          %max3A_538 = arith.maximumf %add3A_535, %max3A_537 : vector<16xf32>
          %swap3A_539 = arith.constant 0 : i32
          %swap3A_540 = arith.index_cast %swap3A_539 : i32 to index
          %swap3A_541 = arith.index_cast %add3A_387 : i32 to index
          %swap3A_542 = arith.constant 96 : index
          %swap3A_543 = tpu.vector_load %arg18[%swap3A_540, %swap3A_541, %swap3A_542] {strides = array<i32>} : memref<2x80x128xf32, #tpu.memory_space<vmem>>, vector<1x1x16xf32>,
          %swap3A_544 = vector.shape_cast %swap3A_543 : vector<1x1x16xf32> to vector<16xf32>
          %swap3A_545 = vector.shape_cast %max3A_538 : vector<16xf32> to vector<1x1x16xf32>
          tpu.vector_store %arg18[%swap3A_540, %swap3A_541, %swap3A_542], %swap3A_545 {strides = array<i32>} : memref<2x80x128xf32, #tpu.memory_space<vmem>>, vector<1x1x16xf32>,
          %get3A_546 = arith.constant 0 : i32
          %get3A_547 = arith.index_cast %get3A_546 : i32 to index
          %get3A_548 = arith.index_cast %add3A_387 : i32 to index
          %get3A_549 = arith.constant 112 : index
          %get3A_550 = tpu.vector_load %arg18[%get3A_547, %get3A_548, %get3A_549] {strides = array<i32>} : memref<2x80x128xf32, #tpu.memory_space<vmem>>, vector<1x1x16xf32>,
          %get3A_551 = vector.shape_cast %get3A_550 : vector<1x1x16xf32> to vector<16xf32>
          %get3A_552 = arith.constant 0 : i32
          %get3A_553 = arith.index_cast %get3A_552 : i32 to index
          %get3A_554 = arith.index_cast %add3A_387 : i32 to index
          %get3A_555 = arith.constant 112 : index
          %get3A_556 = tpu.vector_load %arg14[%get3A_553, %get3A_554, %get3A_555] {strides = array<i32>} : memref<2x80x128xf32, #tpu.memory_space<vmem>>, vector<1x1x16xf32>,
          %get3A_557 = vector.shape_cast %get3A_556 : vector<1x1x16xf32> to vector<16xf32>
          %add3A_558 = arith.addf %get3A_551, %get3A_557 : vector<16xf32>
          %max3A_559 = arith.constant 0.000000e+00 : f32
          %max3A_560 = vector.broadcast %max3A_559 : f32 to vector<16xf32>
          %max3A_561 = arith.maximumf %add3A_558, %max3A_560 : vector<16xf32>
          %swap3A_562 = arith.constant 0 : i32
          %swap3A_563 = arith.index_cast %swap3A_562 : i32 to index
          %swap3A_564 = arith.index_cast %add3A_387 : i32 to index
          %swap3A_565 = arith.constant 112 : index
          %swap3A_566 = tpu.vector_load %arg18[%swap3A_563, %swap3A_564, %swap3A_565] {strides = array<i32>} : memref<2x80x128xf32, #tpu.memory_space<vmem>>, vector<1x1x16xf32>,
          %swap3A_567 = vector.shape_cast %swap3A_566 : vector<1x1x16xf32> to vector<16xf32>
          %swap3A_568 = vector.shape_cast %max3A_561 : vector<16xf32> to vector<1x1x16xf32>
          tpu.vector_store %arg18[%swap3A_563, %swap3A_564, %swap3A_565], %swap3A_568 {strides = array<i32>} : memref<2x80x128xf32, #tpu.memory_space<vmem>>, vector<1x1x16xf32>,
        }
        %scan3A_367 = arith.constant 80 : i32
        %dma_start3A_368 = arith.constant 0 : i32
        %dma_start3A_369 = arith.constant 0 : i32
        %dma_start3A_370 = arith.constant 0 : i32
        %dma_start3A_371 = arith.constant 0 : i32
        %dma_start3A_372 = arith.constant 0 : i32
        %dma_start3A_373 = tpu.memref_slice %arg18[%dma_start3A_368, %dma_start3A_371, %dma_start3A_372] : memref<2x80x128xf32, #tpu.memory_space<vmem>> -> memref<1x80x128xf32, #tpu.memory_space<vmem>>
        %dma_start3A_374 = tpu.memref_squeeze %dma_start3A_373 : memref<1x80x128xf32, #tpu.memory_space<vmem>> -> memref<80x128xf32, #tpu.memory_space<vmem>>
        %dma_start3A_375 = arith.constant 0 : i32
        %dma_start3A_376 = tpu.memref_slice %arg13[%dma_start3A_369, %dma_start3A_375] : memref<4x80xi32, #tpu.memory_space<vmem>> -> memref<1x80xi32, #tpu.memory_space<vmem>>
        %dma_start3A_377 = tpu.memref_squeeze %dma_start3A_376 : memref<1x80xi32, #tpu.memory_space<vmem>> -> memref<80xi32, #tpu.memory_space<vmem>>
        %dma_start3A_378 = arith.constant 0 : i32
        %dma_start3A_379 = arith.constant 0 : i32
        %dma_start3A_380 = tpu.memref_slice %arg12[%dma_start3A_378, %dma_start3A_379] : memref<10112x128xf32, #tpu.memory_space<vmem_shared>> -> memref<10112x128xf32, #tpu.memory_space<vmem_shared>>
        %dma_start3A_381 = tpu.memref_slice %arg20[%dma_start3A_370] : memref<2x!tpu.dma_semaphore, #tpu.memory_space<semaphore_mem>> -> memref<1x!tpu.dma_semaphore, #tpu.memory_space<semaphore_mem>>
        %dma_start3A_382 = tpu.memref_squeeze %dma_start3A_381 : memref<1x!tpu.dma_semaphore, #tpu.memory_space<semaphore_mem>> -> memref<!tpu.dma_semaphore, #tpu.memory_space<semaphore_mem>>
        tpu.enqueue_indirect_dma source(%dma_start3A_374 : memref<80x128xf32, #tpu.memory_space<vmem>>) target(%dma_start3A_380 : memref<10112x128xf32, #tpu.memory_space<vmem_shared>>) offsets(%dma_start3A_377 : memref<80xi32, #tpu.memory_space<vmem>>) semaphore(%dma_start3A_382 : memref<!tpu.dma_semaphore, #tpu.memory_space<semaphore_mem>>) {add = true}
      } else {
      }
      %mul3A_285 = arith.constant 4 : i32
      %mul3A_286 = arith.muli %add3A_278, %mul3A_285 : i32
      %add3A_287 = arith.constant 1 : i32
      %add3A_288 = arith.addi %mul3A_286, %add3A_287 : i32
      %lt3A_289 = arith.constant 25 : i32
      %lt3A_290 = arith.cmpi slt, %add3A_288, %lt3A_289 : i32
      %convert_element_type3A_291 = arith.extui %lt3A_290 : i1 to i32
      %cond3A_292 = arith.constant 0 : i32
      %cond3A_293 = arith.cmpi ne, %convert_element_type3A_291, %cond3A_292 : i32
      scf.if %cond3A_293 {
        %ge3A = arith.constant 1 : i32
        %ge3A_312 = arith.cmpi sge, %add3A_288, %ge3A : i32
        %convert_element_type3A_313 = arith.extui %ge3A_312 : i1 to i32
        %cond3A_314 = arith.constant 0 : i32
        %cond3A_315 = arith.cmpi ne, %convert_element_type3A_313, %cond3A_314 : i32
        scf.if %cond3A_315 {
          %dma_wait3A_383 = arith.constant 0 : i32
          %dma_wait3A_384 = arith.constant 0 : i32
          %dma_wait3A_385 = arith.constant 0 : i32
          %dma_wait3A_386 = arith.constant 0 : i32
          %dma_wait3A_387 = arith.constant 0 : i32
          %dma_wait3A_388 = tpu.memref_slice %arg18[%dma_wait3A_383, %dma_wait3A_386, %dma_wait3A_387] : memref<2x80x128xf32, #tpu.memory_space<vmem>> -> memref<1x80x128xf32, #tpu.memory_space<vmem>>
          %dma_wait3A_389 = tpu.memref_squeeze %dma_wait3A_388 : memref<1x80x128xf32, #tpu.memory_space<vmem>> -> memref<80x128xf32, #tpu.memory_space<vmem>>
          %dma_wait3A_390 = arith.constant 0 : i32
          %dma_wait3A_391 = tpu.memref_slice %arg13[%dma_wait3A_384, %dma_wait3A_390] : memref<4x80xi32, #tpu.memory_space<vmem>> -> memref<1x80xi32, #tpu.memory_space<vmem>>
          %dma_wait3A_392 = tpu.memref_squeeze %dma_wait3A_391 : memref<1x80xi32, #tpu.memory_space<vmem>> -> memref<80xi32, #tpu.memory_space<vmem>>
          %dma_wait3A_393 = arith.constant 0 : i32
          %dma_wait3A_394 = arith.constant 0 : i32
          %dma_wait3A_395 = tpu.memref_slice %arg12[%dma_wait3A_393, %dma_wait3A_394] : memref<10112x128xf32, #tpu.memory_space<vmem_shared>> -> memref<10112x128xf32, #tpu.memory_space<vmem_shared>>
          %dma_wait3A_396 = tpu.memref_slice %arg20[%dma_wait3A_385] : memref<2x!tpu.dma_semaphore, #tpu.memory_space<semaphore_mem>> -> memref<1x!tpu.dma_semaphore, #tpu.memory_space<semaphore_mem>>
          %dma_wait3A_397 = tpu.memref_squeeze %dma_wait3A_396 : memref<1x!tpu.dma_semaphore, #tpu.memory_space<semaphore_mem>> -> memref<!tpu.dma_semaphore, #tpu.memory_space<semaphore_mem>>
          tpu.wait_indirect_dma semaphore(%dma_wait3A_397 : memref<!tpu.dma_semaphore, #tpu.memory_space<semaphore_mem>>) src(%dma_wait3A_389 : memref<80x128xf32, #tpu.memory_space<vmem>>) dst(%dma_wait3A_395 : memref<10112x128xf32, #tpu.memory_space<vmem_shared>>)
        } else {
        }
        %add3A_316 = arith.constant 2 : i32
        %add3A_317 = arith.addi %add3A_288, %add3A_316 : i32
        %lt3A_318 = arith.constant 25 : i32
        %lt3A_319 = arith.cmpi slt, %add3A_317, %lt3A_318 : i32
        %convert_element_type3A_320 = arith.extui %lt3A_319 : i1 to i32
        %cond3A_321 = arith.constant 0 : i32
        %cond3A_322 = arith.cmpi ne, %convert_element_type3A_320, %cond3A_321 : i32
        scf.if %cond3A_322 {
          %add3A_383 = arith.constant 2 : i32
          %add3A_384 = arith.addi %add3A_288, %add3A_383 : i32
          %mul3A_385 = arith.constant 80 : i32
          %mul3A_386 = arith.muli %add3A_384, %mul3A_385 : i32
          %add3A_387 = arith.addi %mul3A_139, %mul3A_386 : i32
          %dma_start3A_388 = arith.constant 3 : i32
          %dma_start3A_389 = arith.constant 3 : i32
          %dma_start3A_390 = arith.constant 0 : i32
          %dma_start3A_391 = tpu.memref_slice %arg19[%dma_start3A_388, %dma_start3A_390] : memref<4x80xi32, #tpu.memory_space<vmem>> -> memref<1x80xi32, #tpu.memory_space<vmem>>
          %dma_start3A_392 = tpu.memref_squeeze %dma_start3A_391 : memref<1x80xi32, #tpu.memory_space<vmem>> -> memref<80xi32, #tpu.memory_space<vmem>>
          %dma_start3A_393 = tpu.memref_slice %arg6[%add3A_387] : memref<64000xi32, #tpu.memory_space<hbm>> -> memref<80xi32, #tpu.memory_space<hbm>>
          %dma_start3A_394 = tpu.memref_slice %arg17[%dma_start3A_389] : memref<4x!tpu.dma_semaphore, #tpu.memory_space<semaphore_mem>> -> memref<1x!tpu.dma_semaphore, #tpu.memory_space<semaphore_mem>>
          %dma_start3A_395 = tpu.memref_squeeze %dma_start3A_394 : memref<1x!tpu.dma_semaphore, #tpu.memory_space<semaphore_mem>> -> memref<!tpu.dma_semaphore, #tpu.memory_space<semaphore_mem>>
          %dma_start3A_396 = arith.constant 0 : i32
          %dma_start3A_397 = tpu.memref_slice %arg19[%dma_start3A_388, %dma_start3A_396] : memref<4x80xi32, #tpu.memory_space<vmem>> -> memref<1x80xi32, #tpu.memory_space<vmem>>
          %dma_start3A_398 = tpu.memref_squeeze %dma_start3A_397 : memref<1x80xi32, #tpu.memory_space<vmem>> -> memref<80xi32, #tpu.memory_space<vmem>>
          %dma_start3A_399 = tpu.memref_slice %arg6[%add3A_387] : memref<64000xi32, #tpu.memory_space<hbm>> -> memref<80xi32, #tpu.memory_space<hbm>>
          tpu.enqueue_dma source(%dma_start3A_399 : memref<80xi32, #tpu.memory_space<hbm>>) target(%dma_start3A_398 : memref<80xi32, #tpu.memory_space<vmem>>) target_semaphore(%dma_start3A_395 : memref<!tpu.dma_semaphore, #tpu.memory_space<semaphore_mem>>)
          %dma_start3A_400 = arith.constant 3 : i32
          %dma_start3A_401 = arith.constant 3 : i32
          %dma_start3A_402 = arith.constant 0 : i32
          %dma_start3A_403 = tpu.memref_slice %arg13[%dma_start3A_400, %dma_start3A_402] : memref<4x80xi32, #tpu.memory_space<vmem>> -> memref<1x80xi32, #tpu.memory_space<vmem>>
          %dma_start3A_404 = tpu.memref_squeeze %dma_start3A_403 : memref<1x80xi32, #tpu.memory_space<vmem>> -> memref<80xi32, #tpu.memory_space<vmem>>
          %dma_start3A_405 = tpu.memref_slice %arg7[%add3A_387] : memref<64000xi32, #tpu.memory_space<hbm>> -> memref<80xi32, #tpu.memory_space<hbm>>
          %dma_start3A_406 = tpu.memref_slice %arg17[%dma_start3A_401] : memref<4x!tpu.dma_semaphore, #tpu.memory_space<semaphore_mem>> -> memref<1x!tpu.dma_semaphore, #tpu.memory_space<semaphore_mem>>
          %dma_start3A_407 = tpu.memref_squeeze %dma_start3A_406 : memref<1x!tpu.dma_semaphore, #tpu.memory_space<semaphore_mem>> -> memref<!tpu.dma_semaphore, #tpu.memory_space<semaphore_mem>>
          %dma_start3A_408 = arith.constant 0 : i32
          %dma_start3A_409 = tpu.memref_slice %arg13[%dma_start3A_400, %dma_start3A_408] : memref<4x80xi32, #tpu.memory_space<vmem>> -> memref<1x80xi32, #tpu.memory_space<vmem>>
          %dma_start3A_410 = tpu.memref_squeeze %dma_start3A_409 : memref<1x80xi32, #tpu.memory_space<vmem>> -> memref<80xi32, #tpu.memory_space<vmem>>
          %dma_start3A_411 = tpu.memref_slice %arg7[%add3A_387] : memref<64000xi32, #tpu.memory_space<hbm>> -> memref<80xi32, #tpu.memory_space<hbm>>
          tpu.enqueue_dma source(%dma_start3A_411 : memref<80xi32, #tpu.memory_space<hbm>>) target(%dma_start3A_410 : memref<80xi32, #tpu.memory_space<vmem>>) target_semaphore(%dma_start3A_407 : memref<!tpu.dma_semaphore, #tpu.memory_space<semaphore_mem>>)
        } else {
        }
        %add3A_323 = arith.constant 1 : i32
        %add3A_324 = arith.addi %add3A_288, %add3A_323 : i32
        %lt3A_325 = arith.constant 25 : i32
        %lt3A_326 = arith.cmpi slt, %add3A_324, %lt3A_325 : i32
        %convert_element_type3A_327 = arith.extui %lt3A_326 : i1 to i32
        %cond3A_328 = arith.constant 0 : i32
        %cond3A_329 = arith.cmpi ne, %convert_element_type3A_327, %cond3A_328 : i32
        scf.if %cond3A_329 {
          %add3A_383 = arith.constant 1 : i32
          %add3A_384 = arith.addi %add3A_288, %add3A_383 : i32
          %mul3A_385 = arith.constant 80 : i32
          %mul3A_386 = arith.muli %add3A_384, %mul3A_385 : i32
          %add3A_387 = arith.addi %mul3A_139, %mul3A_386 : i32
          %dma_start3A_388 = arith.constant 0 : i32
          %dma_start3A_389 = arith.constant 0 : i32
          %dma_start3A_390 = arith.constant 0 : i32
          %dma_start3A_391 = arith.constant 0 : i32
          %dma_start3A_392 = tpu.memref_slice %arg14[%dma_start3A_388, %dma_start3A_390, %dma_start3A_391] : memref<2x80x128xf32, #tpu.memory_space<vmem>> -> memref<1x80x128xf32, #tpu.memory_space<vmem>>
          %dma_start3A_393 = tpu.memref_squeeze %dma_start3A_392 : memref<1x80x128xf32, #tpu.memory_space<vmem>> -> memref<80x128xf32, #tpu.memory_space<vmem>>
          %dma_start3A_394 = arith.constant 0 : i32
          %dma_start3A_395 = tpu.memref_slice %arg8[%add3A_387, %dma_start3A_394] : memref<64000x128xf32, #tpu.memory_space<hbm>> -> memref<80x128xf32, #tpu.memory_space<hbm>>
          %dma_start3A_396 = tpu.memref_slice %arg15[%dma_start3A_389] : memref<2x!tpu.dma_semaphore, #tpu.memory_space<semaphore_mem>> -> memref<1x!tpu.dma_semaphore, #tpu.memory_space<semaphore_mem>>
          %dma_start3A_397 = tpu.memref_squeeze %dma_start3A_396 : memref<1x!tpu.dma_semaphore, #tpu.memory_space<semaphore_mem>> -> memref<!tpu.dma_semaphore, #tpu.memory_space<semaphore_mem>>
          %dma_start3A_398 = arith.constant 0 : i32
          %dma_start3A_399 = arith.constant 0 : i32
          %dma_start3A_400 = tpu.memref_slice %arg14[%dma_start3A_388, %dma_start3A_398, %dma_start3A_399] : memref<2x80x128xf32, #tpu.memory_space<vmem>> -> memref<1x80x128xf32, #tpu.memory_space<vmem>>
          %dma_start3A_401 = tpu.memref_squeeze %dma_start3A_400 : memref<1x80x128xf32, #tpu.memory_space<vmem>> -> memref<80x128xf32, #tpu.memory_space<vmem>>
          %dma_start3A_402 = arith.constant 0 : i32
          %dma_start3A_403 = tpu.memref_slice %arg8[%add3A_387, %dma_start3A_402] : memref<64000x128xf32, #tpu.memory_space<hbm>> -> memref<80x128xf32, #tpu.memory_space<hbm>>
          tpu.enqueue_dma source(%dma_start3A_403 : memref<80x128xf32, #tpu.memory_space<hbm>>) target(%dma_start3A_401 : memref<80x128xf32, #tpu.memory_space<vmem>>) target_semaphore(%dma_start3A_397 : memref<!tpu.dma_semaphore, #tpu.memory_space<semaphore_mem>>)
          %dma_wait3A_404 = arith.constant 2 : i32
          %dma_wait3A_405 = arith.constant 2 : i32
          %dma_wait3A_406 = arith.constant 0 : i32
          %dma_wait3A_407 = tpu.memref_slice %arg19[%dma_wait3A_404, %dma_wait3A_406] : memref<4x80xi32, #tpu.memory_space<vmem>> -> memref<1x80xi32, #tpu.memory_space<vmem>>
          %dma_wait3A_408 = tpu.memref_squeeze %dma_wait3A_407 : memref<1x80xi32, #tpu.memory_space<vmem>> -> memref<80xi32, #tpu.memory_space<vmem>>
          %dma_wait3A_409 = arith.constant 0 : i32
          %dma_wait3A_410 = tpu.memref_slice %arg6[%dma_wait3A_409] : memref<64000xi32, #tpu.memory_space<hbm>> -> memref<80xi32, #tpu.memory_space<hbm>>
          %dma_wait3A_411 = tpu.memref_slice %arg17[%dma_wait3A_405] : memref<4x!tpu.dma_semaphore, #tpu.memory_space<semaphore_mem>> -> memref<1x!tpu.dma_semaphore, #tpu.memory_space<semaphore_mem>>
          %dma_wait3A_412 = tpu.memref_squeeze %dma_wait3A_411 : memref<1x!tpu.dma_semaphore, #tpu.memory_space<semaphore_mem>> -> memref<!tpu.dma_semaphore, #tpu.memory_space<semaphore_mem>>
          %dma_wait3A_413 = arith.constant 0 : i32
          %dma_wait3A_414 = tpu.memref_slice %arg19[%dma_wait3A_404, %dma_wait3A_413] : memref<4x80xi32, #tpu.memory_space<vmem>> -> memref<1x80xi32, #tpu.memory_space<vmem>>
          %dma_wait3A_415 = tpu.memref_squeeze %dma_wait3A_414 : memref<1x80xi32, #tpu.memory_space<vmem>> -> memref<80xi32, #tpu.memory_space<vmem>>
          %dma_wait3A_416 = arith.constant 0 : i32
          %dma_wait3A_417 = tpu.memref_slice %arg6[%dma_wait3A_416] : memref<64000xi32, #tpu.memory_space<hbm>> -> memref<80xi32, #tpu.memory_space<hbm>>
          tpu.wait_dma2 semaphore(%dma_wait3A_412 : memref<!tpu.dma_semaphore, #tpu.memory_space<semaphore_mem>>) src(%dma_wait3A_417 : memref<80xi32, #tpu.memory_space<hbm>>) dst(%dma_wait3A_415 : memref<80xi32, #tpu.memory_space<vmem>>)
          %dma_wait3A_418 = arith.constant 2 : i32
          %dma_wait3A_419 = arith.constant 2 : i32
          %dma_wait3A_420 = arith.constant 0 : i32
          %dma_wait3A_421 = tpu.memref_slice %arg13[%dma_wait3A_418, %dma_wait3A_420] : memref<4x80xi32, #tpu.memory_space<vmem>> -> memref<1x80xi32, #tpu.memory_space<vmem>>
          %dma_wait3A_422 = tpu.memref_squeeze %dma_wait3A_421 : memref<1x80xi32, #tpu.memory_space<vmem>> -> memref<80xi32, #tpu.memory_space<vmem>>
          %dma_wait3A_423 = arith.constant 0 : i32
          %dma_wait3A_424 = tpu.memref_slice %arg7[%dma_wait3A_423] : memref<64000xi32, #tpu.memory_space<hbm>> -> memref<80xi32, #tpu.memory_space<hbm>>
          %dma_wait3A_425 = tpu.memref_slice %arg17[%dma_wait3A_419] : memref<4x!tpu.dma_semaphore, #tpu.memory_space<semaphore_mem>> -> memref<1x!tpu.dma_semaphore, #tpu.memory_space<semaphore_mem>>
          %dma_wait3A_426 = tpu.memref_squeeze %dma_wait3A_425 : memref<1x!tpu.dma_semaphore, #tpu.memory_space<semaphore_mem>> -> memref<!tpu.dma_semaphore, #tpu.memory_space<semaphore_mem>>
          %dma_wait3A_427 = arith.constant 0 : i32
          %dma_wait3A_428 = tpu.memref_slice %arg13[%dma_wait3A_418, %dma_wait3A_427] : memref<4x80xi32, #tpu.memory_space<vmem>> -> memref<1x80xi32, #tpu.memory_space<vmem>>
          %dma_wait3A_429 = tpu.memref_squeeze %dma_wait3A_428 : memref<1x80xi32, #tpu.memory_space<vmem>> -> memref<80xi32, #tpu.memory_space<vmem>>
          %dma_wait3A_430 = arith.constant 0 : i32
          %dma_wait3A_431 = tpu.memref_slice %arg7[%dma_wait3A_430] : memref<64000xi32, #tpu.memory_space<hbm>> -> memref<80xi32, #tpu.memory_space<hbm>>
          tpu.wait_dma2 semaphore(%dma_wait3A_426 : memref<!tpu.dma_semaphore, #tpu.memory_space<semaphore_mem>>) src(%dma_wait3A_431 : memref<80xi32, #tpu.memory_space<hbm>>) dst(%dma_wait3A_429 : memref<80xi32, #tpu.memory_space<vmem>>)
          %dma_start3A_432 = arith.constant 2 : i32
          %dma_start3A_433 = arith.constant 0 : i32
          %dma_start3A_434 = arith.constant 0 : i32
          %dma_start3A_435 = arith.constant 0 : i32
          %dma_start3A_436 = arith.constant 0 : i32
          %dma_start3A_437 = tpu.memref_slice %arg18[%dma_start3A_433, %dma_start3A_435, %dma_start3A_436] : memref<2x80x128xf32, #tpu.memory_space<vmem>> -> memref<1x80x128xf32, #tpu.memory_space<vmem>>
          %dma_start3A_438 = tpu.memref_squeeze %dma_start3A_437 : memref<1x80x128xf32, #tpu.memory_space<vmem>> -> memref<80x128xf32, #tpu.memory_space<vmem>>
          %dma_start3A_439 = arith.constant 0 : i32
          %dma_start3A_440 = tpu.memref_slice %arg19[%dma_start3A_432, %dma_start3A_439] : memref<4x80xi32, #tpu.memory_space<vmem>> -> memref<1x80xi32, #tpu.memory_space<vmem>>
          %dma_start3A_441 = tpu.memref_squeeze %dma_start3A_440 : memref<1x80xi32, #tpu.memory_space<vmem>> -> memref<80xi32, #tpu.memory_space<vmem>>
          %dma_start3A_442 = arith.constant 0 : i32
          %dma_start3A_443 = arith.constant 0 : i32
          %dma_start3A_444 = tpu.memref_slice %arg2[%dma_start3A_442, %dma_start3A_443] : memref<10000x128xf32, #tpu.memory_space<hbm>> -> memref<10000x128xf32, #tpu.memory_space<hbm>>
          %dma_start3A_445 = tpu.memref_slice %arg16[%dma_start3A_434] : memref<2x!tpu.dma_semaphore, #tpu.memory_space<semaphore_mem>> -> memref<1x!tpu.dma_semaphore, #tpu.memory_space<semaphore_mem>>
          %dma_start3A_446 = tpu.memref_squeeze %dma_start3A_445 : memref<1x!tpu.dma_semaphore, #tpu.memory_space<semaphore_mem>> -> memref<!tpu.dma_semaphore, #tpu.memory_space<semaphore_mem>>
          tpu.enqueue_indirect_dma source(%dma_start3A_444 : memref<10000x128xf32, #tpu.memory_space<hbm>>) target(%dma_start3A_438 : memref<80x128xf32, #tpu.memory_space<vmem>>) offsets(%dma_start3A_441 : memref<80xi32, #tpu.memory_space<vmem>>) semaphore(%dma_start3A_446 : memref<!tpu.dma_semaphore, #tpu.memory_space<semaphore_mem>>)
        } else {
        }
        %dma_wait3A_330 = arith.constant 1 : i32
        %dma_wait3A_331 = arith.constant 1 : i32
        %dma_wait3A_332 = arith.constant 1 : i32
        %dma_wait3A_333 = arith.constant 0 : i32
        %dma_wait3A_334 = arith.constant 0 : i32
        %dma_wait3A_335 = tpu.memref_slice %arg18[%dma_wait3A_331, %dma_wait3A_333, %dma_wait3A_334] : memref<2x80x128xf32, #tpu.memory_space<vmem>> -> memref<1x80x128xf32, #tpu.memory_space<vmem>>
        %dma_wait3A_336 = tpu.memref_squeeze %dma_wait3A_335 : memref<1x80x128xf32, #tpu.memory_space<vmem>> -> memref<80x128xf32, #tpu.memory_space<vmem>>
        %dma_wait3A_337 = arith.constant 0 : i32
        %dma_wait3A_338 = tpu.memref_slice %arg19[%dma_wait3A_330, %dma_wait3A_337] : memref<4x80xi32, #tpu.memory_space<vmem>> -> memref<1x80xi32, #tpu.memory_space<vmem>>
        %dma_wait3A_339 = tpu.memref_squeeze %dma_wait3A_338 : memref<1x80xi32, #tpu.memory_space<vmem>> -> memref<80xi32, #tpu.memory_space<vmem>>
        %dma_wait3A_340 = arith.constant 0 : i32
        %dma_wait3A_341 = arith.constant 0 : i32
        %dma_wait3A_342 = tpu.memref_slice %arg2[%dma_wait3A_340, %dma_wait3A_341] : memref<10000x128xf32, #tpu.memory_space<hbm>> -> memref<10000x128xf32, #tpu.memory_space<hbm>>
        %dma_wait3A_343 = tpu.memref_slice %arg16[%dma_wait3A_332] : memref<2x!tpu.dma_semaphore, #tpu.memory_space<semaphore_mem>> -> memref<1x!tpu.dma_semaphore, #tpu.memory_space<semaphore_mem>>
        %dma_wait3A_344 = tpu.memref_squeeze %dma_wait3A_343 : memref<1x!tpu.dma_semaphore, #tpu.memory_space<semaphore_mem>> -> memref<!tpu.dma_semaphore, #tpu.memory_space<semaphore_mem>>
        tpu.wait_indirect_dma semaphore(%dma_wait3A_344 : memref<!tpu.dma_semaphore, #tpu.memory_space<semaphore_mem>>) src(%dma_wait3A_342 : memref<10000x128xf32, #tpu.memory_space<hbm>>) dst(%dma_wait3A_336 : memref<80x128xf32, #tpu.memory_space<vmem>>)
        %dma_wait3A_345 = arith.constant 1 : i32
        %dma_wait3A_346 = arith.constant 1 : i32
        %dma_wait3A_347 = arith.constant 0 : i32
        %dma_wait3A_348 = arith.constant 0 : i32
        %dma_wait3A_349 = tpu.memref_slice %arg14[%dma_wait3A_345, %dma_wait3A_347, %dma_wait3A_348] : memref<2x80x128xf32, #tpu.memory_space<vmem>> -> memref<1x80x128xf32, #tpu.memory_space<vmem>>
        %dma_wait3A_350 = tpu.memref_squeeze %dma_wait3A_349 : memref<1x80x128xf32, #tpu.memory_space<vmem>> -> memref<80x128xf32, #tpu.memory_space<vmem>>
        %dma_wait3A_351 = arith.constant 0 : i32
        %dma_wait3A_352 = arith.constant 0 : i32
        %dma_wait3A_353 = tpu.memref_slice %arg8[%dma_wait3A_351, %dma_wait3A_352] : memref<64000x128xf32, #tpu.memory_space<hbm>> -> memref<80x128xf32, #tpu.memory_space<hbm>>
        %dma_wait3A_354 = tpu.memref_slice %arg15[%dma_wait3A_346] : memref<2x!tpu.dma_semaphore, #tpu.memory_space<semaphore_mem>> -> memref<1x!tpu.dma_semaphore, #tpu.memory_space<semaphore_mem>>
        %dma_wait3A_355 = tpu.memref_squeeze %dma_wait3A_354 : memref<1x!tpu.dma_semaphore, #tpu.memory_space<semaphore_mem>> -> memref<!tpu.dma_semaphore, #tpu.memory_space<semaphore_mem>>
        %dma_wait3A_356 = arith.constant 0 : i32
        %dma_wait3A_357 = arith.constant 0 : i32
        %dma_wait3A_358 = tpu.memref_slice %arg14[%dma_wait3A_345, %dma_wait3A_356, %dma_wait3A_357] : memref<2x80x128xf32, #tpu.memory_space<vmem>> -> memref<1x80x128xf32, #tpu.memory_space<vmem>>
        %dma_wait3A_359 = tpu.memref_squeeze %dma_wait3A_358 : memref<1x80x128xf32, #tpu.memory_space<vmem>> -> memref<80x128xf32, #tpu.memory_space<vmem>>
        %dma_wait3A_360 = arith.constant 0 : i32
        %dma_wait3A_361 = arith.constant 0 : i32
        %dma_wait3A_362 = tpu.memref_slice %arg8[%dma_wait3A_360, %dma_wait3A_361] : memref<64000x128xf32, #tpu.memory_space<hbm>> -> memref<80x128xf32, #tpu.memory_space<hbm>>
        tpu.wait_dma2 semaphore(%dma_wait3A_355 : memref<!tpu.dma_semaphore, #tpu.memory_space<semaphore_mem>>) src(%dma_wait3A_362 : memref<80x128xf32, #tpu.memory_space<hbm>>) dst(%dma_wait3A_359 : memref<80x128xf32, #tpu.memory_space<vmem>>)
        %scan3A_363 = arith.constant 0 : i32
        %scan3A_364 = arith.constant 80 : i32
        %scan3A_365 = arith.addi %scan3A_363, %scan3A_364 : i32
        %scan3A_366 = arith.constant 1 : i32
        scf.for %scan3A_383 = %scan3A_363 to %scan3A_365 step %scan3A_366  : i32 {
          %mul3A_384 = arith.constant 1 : i32
          %mul3A_385 = arith.muli %scan3A_383, %mul3A_384 : i32
          %add3A_386 = arith.constant 0 : i32
          %add3A_387 = arith.addi %add3A_386, %mul3A_385 : i32
          %get3A = arith.constant 1 : i32
          %get3A_388 = arith.index_cast %get3A : i32 to index
          %get3A_389 = arith.index_cast %add3A_387 : i32 to index
          %get3A_390 = arith.constant 0 : index
          %get3A_391 = tpu.vector_load %arg18[%get3A_388, %get3A_389, %get3A_390] {strides = array<i32>} : memref<2x80x128xf32, #tpu.memory_space<vmem>>, vector<1x1x16xf32>,
          %get3A_392 = vector.shape_cast %get3A_391 : vector<1x1x16xf32> to vector<16xf32>
          %get3A_393 = arith.constant 1 : i32
          %get3A_394 = arith.index_cast %get3A_393 : i32 to index
          %get3A_395 = arith.index_cast %add3A_387 : i32 to index
          %get3A_396 = arith.constant 0 : index
          %get3A_397 = tpu.vector_load %arg14[%get3A_394, %get3A_395, %get3A_396] {strides = array<i32>} : memref<2x80x128xf32, #tpu.memory_space<vmem>>, vector<1x1x16xf32>,
          %get3A_398 = vector.shape_cast %get3A_397 : vector<1x1x16xf32> to vector<16xf32>
          %add3A_399 = arith.addf %get3A_392, %get3A_398 : vector<16xf32>
          %max3A = arith.constant 0.000000e+00 : f32
          %max3A_400 = vector.broadcast %max3A : f32 to vector<16xf32>
          %max3A_401 = arith.maximumf %add3A_399, %max3A_400 : vector<16xf32>
          %swap3A = arith.constant 1 : i32
          %swap3A_402 = arith.index_cast %swap3A : i32 to index
          %swap3A_403 = arith.index_cast %add3A_387 : i32 to index
          %swap3A_404 = arith.constant 0 : index
          %swap3A_405 = tpu.vector_load %arg18[%swap3A_402, %swap3A_403, %swap3A_404] {strides = array<i32>} : memref<2x80x128xf32, #tpu.memory_space<vmem>>, vector<1x1x16xf32>,
          %swap3A_406 = vector.shape_cast %swap3A_405 : vector<1x1x16xf32> to vector<16xf32>
          %swap3A_407 = vector.shape_cast %max3A_401 : vector<16xf32> to vector<1x1x16xf32>
          tpu.vector_store %arg18[%swap3A_402, %swap3A_403, %swap3A_404], %swap3A_407 {strides = array<i32>} : memref<2x80x128xf32, #tpu.memory_space<vmem>>, vector<1x1x16xf32>,
          %get3A_408 = arith.constant 1 : i32
          %get3A_409 = arith.index_cast %get3A_408 : i32 to index
          %get3A_410 = arith.index_cast %add3A_387 : i32 to index
          %get3A_411 = arith.constant 16 : index
          %get3A_412 = tpu.vector_load %arg18[%get3A_409, %get3A_410, %get3A_411] {strides = array<i32>} : memref<2x80x128xf32, #tpu.memory_space<vmem>>, vector<1x1x16xf32>,
          %get3A_413 = vector.shape_cast %get3A_412 : vector<1x1x16xf32> to vector<16xf32>
          %get3A_414 = arith.constant 1 : i32
          %get3A_415 = arith.index_cast %get3A_414 : i32 to index
          %get3A_416 = arith.index_cast %add3A_387 : i32 to index
          %get3A_417 = arith.constant 16 : index
          %get3A_418 = tpu.vector_load %arg14[%get3A_415, %get3A_416, %get3A_417] {strides = array<i32>} : memref<2x80x128xf32, #tpu.memory_space<vmem>>, vector<1x1x16xf32>,
          %get3A_419 = vector.shape_cast %get3A_418 : vector<1x1x16xf32> to vector<16xf32>
          %add3A_420 = arith.addf %get3A_413, %get3A_419 : vector<16xf32>
          %max3A_421 = arith.constant 0.000000e+00 : f32
          %max3A_422 = vector.broadcast %max3A_421 : f32 to vector<16xf32>
          %max3A_423 = arith.maximumf %add3A_420, %max3A_422 : vector<16xf32>
          %swap3A_424 = arith.constant 1 : i32
          %swap3A_425 = arith.index_cast %swap3A_424 : i32 to index
          %swap3A_426 = arith.index_cast %add3A_387 : i32 to index
          %swap3A_427 = arith.constant 16 : index
          %swap3A_428 = tpu.vector_load %arg18[%swap3A_425, %swap3A_426, %swap3A_427] {strides = array<i32>} : memref<2x80x128xf32, #tpu.memory_space<vmem>>, vector<1x1x16xf32>,
          %swap3A_429 = vector.shape_cast %swap3A_428 : vector<1x1x16xf32> to vector<16xf32>
          %swap3A_430 = vector.shape_cast %max3A_423 : vector<16xf32> to vector<1x1x16xf32>
          tpu.vector_store %arg18[%swap3A_425, %swap3A_426, %swap3A_427], %swap3A_430 {strides = array<i32>} : memref<2x80x128xf32, #tpu.memory_space<vmem>>, vector<1x1x16xf32>,
          %get3A_431 = arith.constant 1 : i32
          %get3A_432 = arith.index_cast %get3A_431 : i32 to index
          %get3A_433 = arith.index_cast %add3A_387 : i32 to index
          %get3A_434 = arith.constant 32 : index
          %get3A_435 = tpu.vector_load %arg18[%get3A_432, %get3A_433, %get3A_434] {strides = array<i32>} : memref<2x80x128xf32, #tpu.memory_space<vmem>>, vector<1x1x16xf32>,
          %get3A_436 = vector.shape_cast %get3A_435 : vector<1x1x16xf32> to vector<16xf32>
          %get3A_437 = arith.constant 1 : i32
          %get3A_438 = arith.index_cast %get3A_437 : i32 to index
          %get3A_439 = arith.index_cast %add3A_387 : i32 to index
          %get3A_440 = arith.constant 32 : index
          %get3A_441 = tpu.vector_load %arg14[%get3A_438, %get3A_439, %get3A_440] {strides = array<i32>} : memref<2x80x128xf32, #tpu.memory_space<vmem>>, vector<1x1x16xf32>,
          %get3A_442 = vector.shape_cast %get3A_441 : vector<1x1x16xf32> to vector<16xf32>
          %add3A_443 = arith.addf %get3A_436, %get3A_442 : vector<16xf32>
          %max3A_444 = arith.constant 0.000000e+00 : f32
          %max3A_445 = vector.broadcast %max3A_444 : f32 to vector<16xf32>
          %max3A_446 = arith.maximumf %add3A_443, %max3A_445 : vector<16xf32>
          %swap3A_447 = arith.constant 1 : i32
          %swap3A_448 = arith.index_cast %swap3A_447 : i32 to index
          %swap3A_449 = arith.index_cast %add3A_387 : i32 to index
          %swap3A_450 = arith.constant 32 : index
          %swap3A_451 = tpu.vector_load %arg18[%swap3A_448, %swap3A_449, %swap3A_450] {strides = array<i32>} : memref<2x80x128xf32, #tpu.memory_space<vmem>>, vector<1x1x16xf32>,
          %swap3A_452 = vector.shape_cast %swap3A_451 : vector<1x1x16xf32> to vector<16xf32>
          %swap3A_453 = vector.shape_cast %max3A_446 : vector<16xf32> to vector<1x1x16xf32>
          tpu.vector_store %arg18[%swap3A_448, %swap3A_449, %swap3A_450], %swap3A_453 {strides = array<i32>} : memref<2x80x128xf32, #tpu.memory_space<vmem>>, vector<1x1x16xf32>,
          %get3A_454 = arith.constant 1 : i32
          %get3A_455 = arith.index_cast %get3A_454 : i32 to index
          %get3A_456 = arith.index_cast %add3A_387 : i32 to index
          %get3A_457 = arith.constant 48 : index
          %get3A_458 = tpu.vector_load %arg18[%get3A_455, %get3A_456, %get3A_457] {strides = array<i32>} : memref<2x80x128xf32, #tpu.memory_space<vmem>>, vector<1x1x16xf32>,
          %get3A_459 = vector.shape_cast %get3A_458 : vector<1x1x16xf32> to vector<16xf32>
          %get3A_460 = arith.constant 1 : i32
          %get3A_461 = arith.index_cast %get3A_460 : i32 to index
          %get3A_462 = arith.index_cast %add3A_387 : i32 to index
          %get3A_463 = arith.constant 48 : index
          %get3A_464 = tpu.vector_load %arg14[%get3A_461, %get3A_462, %get3A_463] {strides = array<i32>} : memref<2x80x128xf32, #tpu.memory_space<vmem>>, vector<1x1x16xf32>,
          %get3A_465 = vector.shape_cast %get3A_464 : vector<1x1x16xf32> to vector<16xf32>
          %add3A_466 = arith.addf %get3A_459, %get3A_465 : vector<16xf32>
          %max3A_467 = arith.constant 0.000000e+00 : f32
          %max3A_468 = vector.broadcast %max3A_467 : f32 to vector<16xf32>
          %max3A_469 = arith.maximumf %add3A_466, %max3A_468 : vector<16xf32>
          %swap3A_470 = arith.constant 1 : i32
          %swap3A_471 = arith.index_cast %swap3A_470 : i32 to index
          %swap3A_472 = arith.index_cast %add3A_387 : i32 to index
          %swap3A_473 = arith.constant 48 : index
          %swap3A_474 = tpu.vector_load %arg18[%swap3A_471, %swap3A_472, %swap3A_473] {strides = array<i32>} : memref<2x80x128xf32, #tpu.memory_space<vmem>>, vector<1x1x16xf32>,
          %swap3A_475 = vector.shape_cast %swap3A_474 : vector<1x1x16xf32> to vector<16xf32>
          %swap3A_476 = vector.shape_cast %max3A_469 : vector<16xf32> to vector<1x1x16xf32>
          tpu.vector_store %arg18[%swap3A_471, %swap3A_472, %swap3A_473], %swap3A_476 {strides = array<i32>} : memref<2x80x128xf32, #tpu.memory_space<vmem>>, vector<1x1x16xf32>,
          %get3A_477 = arith.constant 1 : i32
          %get3A_478 = arith.index_cast %get3A_477 : i32 to index
          %get3A_479 = arith.index_cast %add3A_387 : i32 to index
          %get3A_480 = arith.constant 64 : index
          %get3A_481 = tpu.vector_load %arg18[%get3A_478, %get3A_479, %get3A_480] {strides = array<i32>} : memref<2x80x128xf32, #tpu.memory_space<vmem>>, vector<1x1x16xf32>,
          %get3A_482 = vector.shape_cast %get3A_481 : vector<1x1x16xf32> to vector<16xf32>
          %get3A_483 = arith.constant 1 : i32
          %get3A_484 = arith.index_cast %get3A_483 : i32 to index
          %get3A_485 = arith.index_cast %add3A_387 : i32 to index
          %get3A_486 = arith.constant 64 : index
          %get3A_487 = tpu.vector_load %arg14[%get3A_484, %get3A_485, %get3A_486] {strides = array<i32>} : memref<2x80x128xf32, #tpu.memory_space<vmem>>, vector<1x1x16xf32>,
          %get3A_488 = vector.shape_cast %get3A_487 : vector<1x1x16xf32> to vector<16xf32>
          %add3A_489 = arith.addf %get3A_482, %get3A_488 : vector<16xf32>
          %max3A_490 = arith.constant 0.000000e+00 : f32
          %max3A_491 = vector.broadcast %max3A_490 : f32 to vector<16xf32>
          %max3A_492 = arith.maximumf %add3A_489, %max3A_491 : vector<16xf32>
          %swap3A_493 = arith.constant 1 : i32
          %swap3A_494 = arith.index_cast %swap3A_493 : i32 to index
          %swap3A_495 = arith.index_cast %add3A_387 : i32 to index
          %swap3A_496 = arith.constant 64 : index
          %swap3A_497 = tpu.vector_load %arg18[%swap3A_494, %swap3A_495, %swap3A_496] {strides = array<i32>} : memref<2x80x128xf32, #tpu.memory_space<vmem>>, vector<1x1x16xf32>,
          %swap3A_498 = vector.shape_cast %swap3A_497 : vector<1x1x16xf32> to vector<16xf32>
          %swap3A_499 = vector.shape_cast %max3A_492 : vector<16xf32> to vector<1x1x16xf32>
          tpu.vector_store %arg18[%swap3A_494, %swap3A_495, %swap3A_496], %swap3A_499 {strides = array<i32>} : memref<2x80x128xf32, #tpu.memory_space<vmem>>, vector<1x1x16xf32>,
          %get3A_500 = arith.constant 1 : i32
          %get3A_501 = arith.index_cast %get3A_500 : i32 to index
          %get3A_502 = arith.index_cast %add3A_387 : i32 to index
          %get3A_503 = arith.constant 80 : index
          %get3A_504 = tpu.vector_load %arg18[%get3A_501, %get3A_502, %get3A_503] {strides = array<i32>} : memref<2x80x128xf32, #tpu.memory_space<vmem>>, vector<1x1x16xf32>,
          %get3A_505 = vector.shape_cast %get3A_504 : vector<1x1x16xf32> to vector<16xf32>
          %get3A_506 = arith.constant 1 : i32
          %get3A_507 = arith.index_cast %get3A_506 : i32 to index
          %get3A_508 = arith.index_cast %add3A_387 : i32 to index
          %get3A_509 = arith.constant 80 : index
          %get3A_510 = tpu.vector_load %arg14[%get3A_507, %get3A_508, %get3A_509] {strides = array<i32>} : memref<2x80x128xf32, #tpu.memory_space<vmem>>, vector<1x1x16xf32>,
          %get3A_511 = vector.shape_cast %get3A_510 : vector<1x1x16xf32> to vector<16xf32>
          %add3A_512 = arith.addf %get3A_505, %get3A_511 : vector<16xf32>
          %max3A_513 = arith.constant 0.000000e+00 : f32
          %max3A_514 = vector.broadcast %max3A_513 : f32 to vector<16xf32>
          %max3A_515 = arith.maximumf %add3A_512, %max3A_514 : vector<16xf32>
          %swap3A_516 = arith.constant 1 : i32
          %swap3A_517 = arith.index_cast %swap3A_516 : i32 to index
          %swap3A_518 = arith.index_cast %add3A_387 : i32 to index
          %swap3A_519 = arith.constant 80 : index
          %swap3A_520 = tpu.vector_load %arg18[%swap3A_517, %swap3A_518, %swap3A_519] {strides = array<i32>} : memref<2x80x128xf32, #tpu.memory_space<vmem>>, vector<1x1x16xf32>,
          %swap3A_521 = vector.shape_cast %swap3A_520 : vector<1x1x16xf32> to vector<16xf32>
          %swap3A_522 = vector.shape_cast %max3A_515 : vector<16xf32> to vector<1x1x16xf32>
          tpu.vector_store %arg18[%swap3A_517, %swap3A_518, %swap3A_519], %swap3A_522 {strides = array<i32>} : memref<2x80x128xf32, #tpu.memory_space<vmem>>, vector<1x1x16xf32>,
          %get3A_523 = arith.constant 1 : i32
          %get3A_524 = arith.index_cast %get3A_523 : i32 to index
          %get3A_525 = arith.index_cast %add3A_387 : i32 to index
          %get3A_526 = arith.constant 96 : index
          %get3A_527 = tpu.vector_load %arg18[%get3A_524, %get3A_525, %get3A_526] {strides = array<i32>} : memref<2x80x128xf32, #tpu.memory_space<vmem>>, vector<1x1x16xf32>,
          %get3A_528 = vector.shape_cast %get3A_527 : vector<1x1x16xf32> to vector<16xf32>
          %get3A_529 = arith.constant 1 : i32
          %get3A_530 = arith.index_cast %get3A_529 : i32 to index
          %get3A_531 = arith.index_cast %add3A_387 : i32 to index
          %get3A_532 = arith.constant 96 : index
          %get3A_533 = tpu.vector_load %arg14[%get3A_530, %get3A_531, %get3A_532] {strides = array<i32>} : memref<2x80x128xf32, #tpu.memory_space<vmem>>, vector<1x1x16xf32>,
          %get3A_534 = vector.shape_cast %get3A_533 : vector<1x1x16xf32> to vector<16xf32>
          %add3A_535 = arith.addf %get3A_528, %get3A_534 : vector<16xf32>
          %max3A_536 = arith.constant 0.000000e+00 : f32
          %max3A_537 = vector.broadcast %max3A_536 : f32 to vector<16xf32>
          %max3A_538 = arith.maximumf %add3A_535, %max3A_537 : vector<16xf32>
          %swap3A_539 = arith.constant 1 : i32
          %swap3A_540 = arith.index_cast %swap3A_539 : i32 to index
          %swap3A_541 = arith.index_cast %add3A_387 : i32 to index
          %swap3A_542 = arith.constant 96 : index
          %swap3A_543 = tpu.vector_load %arg18[%swap3A_540, %swap3A_541, %swap3A_542] {strides = array<i32>} : memref<2x80x128xf32, #tpu.memory_space<vmem>>, vector<1x1x16xf32>,
          %swap3A_544 = vector.shape_cast %swap3A_543 : vector<1x1x16xf32> to vector<16xf32>
          %swap3A_545 = vector.shape_cast %max3A_538 : vector<16xf32> to vector<1x1x16xf32>
          tpu.vector_store %arg18[%swap3A_540, %swap3A_541, %swap3A_542], %swap3A_545 {strides = array<i32>} : memref<2x80x128xf32, #tpu.memory_space<vmem>>, vector<1x1x16xf32>,
          %get3A_546 = arith.constant 1 : i32
          %get3A_547 = arith.index_cast %get3A_546 : i32 to index
          %get3A_548 = arith.index_cast %add3A_387 : i32 to index
          %get3A_549 = arith.constant 112 : index
          %get3A_550 = tpu.vector_load %arg18[%get3A_547, %get3A_548, %get3A_549] {strides = array<i32>} : memref<2x80x128xf32, #tpu.memory_space<vmem>>, vector<1x1x16xf32>,
          %get3A_551 = vector.shape_cast %get3A_550 : vector<1x1x16xf32> to vector<16xf32>
          %get3A_552 = arith.constant 1 : i32
          %get3A_553 = arith.index_cast %get3A_552 : i32 to index
          %get3A_554 = arith.index_cast %add3A_387 : i32 to index
          %get3A_555 = arith.constant 112 : index
          %get3A_556 = tpu.vector_load %arg14[%get3A_553, %get3A_554, %get3A_555] {strides = array<i32>} : memref<2x80x128xf32, #tpu.memory_space<vmem>>, vector<1x1x16xf32>,
          %get3A_557 = vector.shape_cast %get3A_556 : vector<1x1x16xf32> to vector<16xf32>
          %add3A_558 = arith.addf %get3A_551, %get3A_557 : vector<16xf32>
          %max3A_559 = arith.constant 0.000000e+00 : f32
          %max3A_560 = vector.broadcast %max3A_559 : f32 to vector<16xf32>
          %max3A_561 = arith.maximumf %add3A_558, %max3A_560 : vector<16xf32>
          %swap3A_562 = arith.constant 1 : i32
          %swap3A_563 = arith.index_cast %swap3A_562 : i32 to index
          %swap3A_564 = arith.index_cast %add3A_387 : i32 to index
          %swap3A_565 = arith.constant 112 : index
          %swap3A_566 = tpu.vector_load %arg18[%swap3A_563, %swap3A_564, %swap3A_565] {strides = array<i32>} : memref<2x80x128xf32, #tpu.memory_space<vmem>>, vector<1x1x16xf32>,
          %swap3A_567 = vector.shape_cast %swap3A_566 : vector<1x1x16xf32> to vector<16xf32>
          %swap3A_568 = vector.shape_cast %max3A_561 : vector<16xf32> to vector<1x1x16xf32>
          tpu.vector_store %arg18[%swap3A_563, %swap3A_564, %swap3A_565], %swap3A_568 {strides = array<i32>} : memref<2x80x128xf32, #tpu.memory_space<vmem>>, vector<1x1x16xf32>,
        }
        %scan3A_367 = arith.constant 80 : i32
        %dma_start3A_368 = arith.constant 1 : i32
        %dma_start3A_369 = arith.constant 1 : i32
        %dma_start3A_370 = arith.constant 1 : i32
        %dma_start3A_371 = arith.constant 0 : i32
        %dma_start3A_372 = arith.constant 0 : i32
        %dma_start3A_373 = tpu.memref_slice %arg18[%dma_start3A_368, %dma_start3A_371, %dma_start3A_372] : memref<2x80x128xf32, #tpu.memory_space<vmem>> -> memref<1x80x128xf32, #tpu.memory_space<vmem>>
        %dma_start3A_374 = tpu.memref_squeeze %dma_start3A_373 : memref<1x80x128xf32, #tpu.memory_space<vmem>> -> memref<80x128xf32, #tpu.memory_space<vmem>>
        %dma_start3A_375 = arith.constant 0 : i32
        %dma_start3A_376 = tpu.memref_slice %arg13[%dma_start3A_369, %dma_start3A_375] : memref<4x80xi32, #tpu.memory_space<vmem>> -> memref<1x80xi32, #tpu.memory_space<vmem>>
        %dma_start3A_377 = tpu.memref_squeeze %dma_start3A_376 : memref<1x80xi32, #tpu.memory_space<vmem>> -> memref<80xi32, #tpu.memory_space<vmem>>
        %dma_start3A_378 = arith.constant 0 : i32
        %dma_start3A_379 = arith.constant 0 : i32
        %dma_start3A_380 = tpu.memref_slice %arg12[%dma_start3A_378, %dma_start3A_379] : memref<10112x128xf32, #tpu.memory_space<vmem_shared>> -> memref<10112x128xf32, #tpu.memory_space<vmem_shared>>
        %dma_start3A_381 = tpu.memref_slice %arg20[%dma_start3A_370] : memref<2x!tpu.dma_semaphore, #tpu.memory_space<semaphore_mem>> -> memref<1x!tpu.dma_semaphore, #tpu.memory_space<semaphore_mem>>
        %dma_start3A_382 = tpu.memref_squeeze %dma_start3A_381 : memref<1x!tpu.dma_semaphore, #tpu.memory_space<semaphore_mem>> -> memref<!tpu.dma_semaphore, #tpu.memory_space<semaphore_mem>>
        tpu.enqueue_indirect_dma source(%dma_start3A_374 : memref<80x128xf32, #tpu.memory_space<vmem>>) target(%dma_start3A_380 : memref<10112x128xf32, #tpu.memory_space<vmem_shared>>) offsets(%dma_start3A_377 : memref<80xi32, #tpu.memory_space<vmem>>) semaphore(%dma_start3A_382 : memref<!tpu.dma_semaphore, #tpu.memory_space<semaphore_mem>>) {add = true}
      } else {
      }
      %mul3A_294 = arith.constant 4 : i32
      %mul3A_295 = arith.muli %add3A_278, %mul3A_294 : i32
      %add3A_296 = arith.constant 2 : i32
      %add3A_297 = arith.addi %mul3A_295, %add3A_296 : i32
      %lt3A_298 = arith.constant 25 : i32
      %lt3A_299 = arith.cmpi slt, %add3A_297, %lt3A_298 : i32
      %convert_element_type3A_300 = arith.extui %lt3A_299 : i1 to i32
      %cond3A_301 = arith.constant 0 : i32
      %cond3A_302 = arith.cmpi ne, %convert_element_type3A_300, %cond3A_301 : i32
      scf.if %cond3A_302 {
        %ge3A = arith.constant 1 : i32
        %ge3A_312 = arith.cmpi sge, %add3A_297, %ge3A : i32
        %convert_element_type3A_313 = arith.extui %ge3A_312 : i1 to i32
        %cond3A_314 = arith.constant 0 : i32
        %cond3A_315 = arith.cmpi ne, %convert_element_type3A_313, %cond3A_314 : i32
        scf.if %cond3A_315 {
          %dma_wait3A_383 = arith.constant 1 : i32
          %dma_wait3A_384 = arith.constant 1 : i32
          %dma_wait3A_385 = arith.constant 1 : i32
          %dma_wait3A_386 = arith.constant 0 : i32
          %dma_wait3A_387 = arith.constant 0 : i32
          %dma_wait3A_388 = tpu.memref_slice %arg18[%dma_wait3A_383, %dma_wait3A_386, %dma_wait3A_387] : memref<2x80x128xf32, #tpu.memory_space<vmem>> -> memref<1x80x128xf32, #tpu.memory_space<vmem>>
          %dma_wait3A_389 = tpu.memref_squeeze %dma_wait3A_388 : memref<1x80x128xf32, #tpu.memory_space<vmem>> -> memref<80x128xf32, #tpu.memory_space<vmem>>
          %dma_wait3A_390 = arith.constant 0 : i32
          %dma_wait3A_391 = tpu.memref_slice %arg13[%dma_wait3A_384, %dma_wait3A_390] : memref<4x80xi32, #tpu.memory_space<vmem>> -> memref<1x80xi32, #tpu.memory_space<vmem>>
          %dma_wait3A_392 = tpu.memref_squeeze %dma_wait3A_391 : memref<1x80xi32, #tpu.memory_space<vmem>> -> memref<80xi32, #tpu.memory_space<vmem>>
          %dma_wait3A_393 = arith.constant 0 : i32
          %dma_wait3A_394 = arith.constant 0 : i32
          %dma_wait3A_395 = tpu.memref_slice %arg12[%dma_wait3A_393, %dma_wait3A_394] : memref<10112x128xf32, #tpu.memory_space<vmem_shared>> -> memref<10112x128xf32, #tpu.memory_space<vmem_shared>>
          %dma_wait3A_396 = tpu.memref_slice %arg20[%dma_wait3A_385] : memref<2x!tpu.dma_semaphore, #tpu.memory_space<semaphore_mem>> -> memref<1x!tpu.dma_semaphore, #tpu.memory_space<semaphore_mem>>
          %dma_wait3A_397 = tpu.memref_squeeze %dma_wait3A_396 : memref<1x!tpu.dma_semaphore, #tpu.memory_space<semaphore_mem>> -> memref<!tpu.dma_semaphore, #tpu.memory_space<semaphore_mem>>
          tpu.wait_indirect_dma semaphore(%dma_wait3A_397 : memref<!tpu.dma_semaphore, #tpu.memory_space<semaphore_mem>>) src(%dma_wait3A_389 : memref<80x128xf32, #tpu.memory_space<vmem>>) dst(%dma_wait3A_395 : memref<10112x128xf32, #tpu.memory_space<vmem_shared>>)
        } else {
        }
        %add3A_316 = arith.constant 2 : i32
        %add3A_317 = arith.addi %add3A_297, %add3A_316 : i32
        %lt3A_318 = arith.constant 25 : i32
        %lt3A_319 = arith.cmpi slt, %add3A_317, %lt3A_318 : i32
        %convert_element_type3A_320 = arith.extui %lt3A_319 : i1 to i32
        %cond3A_321 = arith.constant 0 : i32
        %cond3A_322 = arith.cmpi ne, %convert_element_type3A_320, %cond3A_321 : i32
        scf.if %cond3A_322 {
          %add3A_383 = arith.constant 2 : i32
          %add3A_384 = arith.addi %add3A_297, %add3A_383 : i32
          %mul3A_385 = arith.constant 80 : i32
          %mul3A_386 = arith.muli %add3A_384, %mul3A_385 : i32
          %add3A_387 = arith.addi %mul3A_139, %mul3A_386 : i32
          %dma_start3A_388 = arith.constant 0 : i32
          %dma_start3A_389 = arith.constant 0 : i32
          %dma_start3A_390 = arith.constant 0 : i32
          %dma_start3A_391 = tpu.memref_slice %arg19[%dma_start3A_388, %dma_start3A_390] : memref<4x80xi32, #tpu.memory_space<vmem>> -> memref<1x80xi32, #tpu.memory_space<vmem>>
          %dma_start3A_392 = tpu.memref_squeeze %dma_start3A_391 : memref<1x80xi32, #tpu.memory_space<vmem>> -> memref<80xi32, #tpu.memory_space<vmem>>
          %dma_start3A_393 = tpu.memref_slice %arg6[%add3A_387] : memref<64000xi32, #tpu.memory_space<hbm>> -> memref<80xi32, #tpu.memory_space<hbm>>
          %dma_start3A_394 = tpu.memref_slice %arg17[%dma_start3A_389] : memref<4x!tpu.dma_semaphore, #tpu.memory_space<semaphore_mem>> -> memref<1x!tpu.dma_semaphore, #tpu.memory_space<semaphore_mem>>
          %dma_start3A_395 = tpu.memref_squeeze %dma_start3A_394 : memref<1x!tpu.dma_semaphore, #tpu.memory_space<semaphore_mem>> -> memref<!tpu.dma_semaphore, #tpu.memory_space<semaphore_mem>>
          %dma_start3A_396 = arith.constant 0 : i32
          %dma_start3A_397 = tpu.memref_slice %arg19[%dma_start3A_388, %dma_start3A_396] : memref<4x80xi32, #tpu.memory_space<vmem>> -> memref<1x80xi32, #tpu.memory_space<vmem>>
          %dma_start3A_398 = tpu.memref_squeeze %dma_start3A_397 : memref<1x80xi32, #tpu.memory_space<vmem>> -> memref<80xi32, #tpu.memory_space<vmem>>
          %dma_start3A_399 = tpu.memref_slice %arg6[%add3A_387] : memref<64000xi32, #tpu.memory_space<hbm>> -> memref<80xi32, #tpu.memory_space<hbm>>
          tpu.enqueue_dma source(%dma_start3A_399 : memref<80xi32, #tpu.memory_space<hbm>>) target(%dma_start3A_398 : memref<80xi32, #tpu.memory_space<vmem>>) target_semaphore(%dma_start3A_395 : memref<!tpu.dma_semaphore, #tpu.memory_space<semaphore_mem>>)
          %dma_start3A_400 = arith.constant 0 : i32
          %dma_start3A_401 = arith.constant 0 : i32
          %dma_start3A_402 = arith.constant 0 : i32
          %dma_start3A_403 = tpu.memref_slice %arg13[%dma_start3A_400, %dma_start3A_402] : memref<4x80xi32, #tpu.memory_space<vmem>> -> memref<1x80xi32, #tpu.memory_space<vmem>>
          %dma_start3A_404 = tpu.memref_squeeze %dma_start3A_403 : memref<1x80xi32, #tpu.memory_space<vmem>> -> memref<80xi32, #tpu.memory_space<vmem>>
          %dma_start3A_405 = tpu.memref_slice %arg7[%add3A_387] : memref<64000xi32, #tpu.memory_space<hbm>> -> memref<80xi32, #tpu.memory_space<hbm>>
          %dma_start3A_406 = tpu.memref_slice %arg17[%dma_start3A_401] : memref<4x!tpu.dma_semaphore, #tpu.memory_space<semaphore_mem>> -> memref<1x!tpu.dma_semaphore, #tpu.memory_space<semaphore_mem>>
          %dma_start3A_407 = tpu.memref_squeeze %dma_start3A_406 : memref<1x!tpu.dma_semaphore, #tpu.memory_space<semaphore_mem>> -> memref<!tpu.dma_semaphore, #tpu.memory_space<semaphore_mem>>
          %dma_start3A_408 = arith.constant 0 : i32
          %dma_start3A_409 = tpu.memref_slice %arg13[%dma_start3A_400, %dma_start3A_408] : memref<4x80xi32, #tpu.memory_space<vmem>> -> memref<1x80xi32, #tpu.memory_space<vmem>>
          %dma_start3A_410 = tpu.memref_squeeze %dma_start3A_409 : memref<1x80xi32, #tpu.memory_space<vmem>> -> memref<80xi32, #tpu.memory_space<vmem>>
          %dma_start3A_411 = tpu.memref_slice %arg7[%add3A_387] : memref<64000xi32, #tpu.memory_space<hbm>> -> memref<80xi32, #tpu.memory_space<hbm>>
          tpu.enqueue_dma source(%dma_start3A_411 : memref<80xi32, #tpu.memory_space<hbm>>) target(%dma_start3A_410 : memref<80xi32, #tpu.memory_space<vmem>>) target_semaphore(%dma_start3A_407 : memref<!tpu.dma_semaphore, #tpu.memory_space<semaphore_mem>>)
        } else {
        }
        %add3A_323 = arith.constant 1 : i32
        %add3A_324 = arith.addi %add3A_297, %add3A_323 : i32
        %lt3A_325 = arith.constant 25 : i32
        %lt3A_326 = arith.cmpi slt, %add3A_324, %lt3A_325 : i32
        %convert_element_type3A_327 = arith.extui %lt3A_326 : i1 to i32
        %cond3A_328 = arith.constant 0 : i32
        %cond3A_329 = arith.cmpi ne, %convert_element_type3A_327, %cond3A_328 : i32
        scf.if %cond3A_329 {
          %add3A_383 = arith.constant 1 : i32
          %add3A_384 = arith.addi %add3A_297, %add3A_383 : i32
          %mul3A_385 = arith.constant 80 : i32
          %mul3A_386 = arith.muli %add3A_384, %mul3A_385 : i32
          %add3A_387 = arith.addi %mul3A_139, %mul3A_386 : i32
          %dma_start3A_388 = arith.constant 1 : i32
          %dma_start3A_389 = arith.constant 1 : i32
          %dma_start3A_390 = arith.constant 0 : i32
          %dma_start3A_391 = arith.constant 0 : i32
          %dma_start3A_392 = tpu.memref_slice %arg14[%dma_start3A_388, %dma_start3A_390, %dma_start3A_391] : memref<2x80x128xf32, #tpu.memory_space<vmem>> -> memref<1x80x128xf32, #tpu.memory_space<vmem>>
          %dma_start3A_393 = tpu.memref_squeeze %dma_start3A_392 : memref<1x80x128xf32, #tpu.memory_space<vmem>> -> memref<80x128xf32, #tpu.memory_space<vmem>>
          %dma_start3A_394 = arith.constant 0 : i32
          %dma_start3A_395 = tpu.memref_slice %arg8[%add3A_387, %dma_start3A_394] : memref<64000x128xf32, #tpu.memory_space<hbm>> -> memref<80x128xf32, #tpu.memory_space<hbm>>
          %dma_start3A_396 = tpu.memref_slice %arg15[%dma_start3A_389] : memref<2x!tpu.dma_semaphore, #tpu.memory_space<semaphore_mem>> -> memref<1x!tpu.dma_semaphore, #tpu.memory_space<semaphore_mem>>
          %dma_start3A_397 = tpu.memref_squeeze %dma_start3A_396 : memref<1x!tpu.dma_semaphore, #tpu.memory_space<semaphore_mem>> -> memref<!tpu.dma_semaphore, #tpu.memory_space<semaphore_mem>>
          %dma_start3A_398 = arith.constant 0 : i32
          %dma_start3A_399 = arith.constant 0 : i32
          %dma_start3A_400 = tpu.memref_slice %arg14[%dma_start3A_388, %dma_start3A_398, %dma_start3A_399] : memref<2x80x128xf32, #tpu.memory_space<vmem>> -> memref<1x80x128xf32, #tpu.memory_space<vmem>>
          %dma_start3A_401 = tpu.memref_squeeze %dma_start3A_400 : memref<1x80x128xf32, #tpu.memory_space<vmem>> -> memref<80x128xf32, #tpu.memory_space<vmem>>
          %dma_start3A_402 = arith.constant 0 : i32
          %dma_start3A_403 = tpu.memref_slice %arg8[%add3A_387, %dma_start3A_402] : memref<64000x128xf32, #tpu.memory_space<hbm>> -> memref<80x128xf32, #tpu.memory_space<hbm>>
          tpu.enqueue_dma source(%dma_start3A_403 : memref<80x128xf32, #tpu.memory_space<hbm>>) target(%dma_start3A_401 : memref<80x128xf32, #tpu.memory_space<vmem>>) target_semaphore(%dma_start3A_397 : memref<!tpu.dma_semaphore, #tpu.memory_space<semaphore_mem>>)
          %dma_wait3A_404 = arith.constant 3 : i32
          %dma_wait3A_405 = arith.constant 3 : i32
          %dma_wait3A_406 = arith.constant 0 : i32
          %dma_wait3A_407 = tpu.memref_slice %arg19[%dma_wait3A_404, %dma_wait3A_406] : memref<4x80xi32, #tpu.memory_space<vmem>> -> memref<1x80xi32, #tpu.memory_space<vmem>>
          %dma_wait3A_408 = tpu.memref_squeeze %dma_wait3A_407 : memref<1x80xi32, #tpu.memory_space<vmem>> -> memref<80xi32, #tpu.memory_space<vmem>>
          %dma_wait3A_409 = arith.constant 0 : i32
          %dma_wait3A_410 = tpu.memref_slice %arg6[%dma_wait3A_409] : memref<64000xi32, #tpu.memory_space<hbm>> -> memref<80xi32, #tpu.memory_space<hbm>>
          %dma_wait3A_411 = tpu.memref_slice %arg17[%dma_wait3A_405] : memref<4x!tpu.dma_semaphore, #tpu.memory_space<semaphore_mem>> -> memref<1x!tpu.dma_semaphore, #tpu.memory_space<semaphore_mem>>
          %dma_wait3A_412 = tpu.memref_squeeze %dma_wait3A_411 : memref<1x!tpu.dma_semaphore, #tpu.memory_space<semaphore_mem>> -> memref<!tpu.dma_semaphore, #tpu.memory_space<semaphore_mem>>
          %dma_wait3A_413 = arith.constant 0 : i32
          %dma_wait3A_414 = tpu.memref_slice %arg19[%dma_wait3A_404, %dma_wait3A_413] : memref<4x80xi32, #tpu.memory_space<vmem>> -> memref<1x80xi32, #tpu.memory_space<vmem>>
          %dma_wait3A_415 = tpu.memref_squeeze %dma_wait3A_414 : memref<1x80xi32, #tpu.memory_space<vmem>> -> memref<80xi32, #tpu.memory_space<vmem>>
          %dma_wait3A_416 = arith.constant 0 : i32
          %dma_wait3A_417 = tpu.memref_slice %arg6[%dma_wait3A_416] : memref<64000xi32, #tpu.memory_space<hbm>> -> memref<80xi32, #tpu.memory_space<hbm>>
          tpu.wait_dma2 semaphore(%dma_wait3A_412 : memref<!tpu.dma_semaphore, #tpu.memory_space<semaphore_mem>>) src(%dma_wait3A_417 : memref<80xi32, #tpu.memory_space<hbm>>) dst(%dma_wait3A_415 : memref<80xi32, #tpu.memory_space<vmem>>)
          %dma_wait3A_418 = arith.constant 3 : i32
          %dma_wait3A_419 = arith.constant 3 : i32
          %dma_wait3A_420 = arith.constant 0 : i32
          %dma_wait3A_421 = tpu.memref_slice %arg13[%dma_wait3A_418, %dma_wait3A_420] : memref<4x80xi32, #tpu.memory_space<vmem>> -> memref<1x80xi32, #tpu.memory_space<vmem>>
          %dma_wait3A_422 = tpu.memref_squeeze %dma_wait3A_421 : memref<1x80xi32, #tpu.memory_space<vmem>> -> memref<80xi32, #tpu.memory_space<vmem>>
          %dma_wait3A_423 = arith.constant 0 : i32
          %dma_wait3A_424 = tpu.memref_slice %arg7[%dma_wait3A_423] : memref<64000xi32, #tpu.memory_space<hbm>> -> memref<80xi32, #tpu.memory_space<hbm>>
          %dma_wait3A_425 = tpu.memref_slice %arg17[%dma_wait3A_419] : memref<4x!tpu.dma_semaphore, #tpu.memory_space<semaphore_mem>> -> memref<1x!tpu.dma_semaphore, #tpu.memory_space<semaphore_mem>>
          %dma_wait3A_426 = tpu.memref_squeeze %dma_wait3A_425 : memref<1x!tpu.dma_semaphore, #tpu.memory_space<semaphore_mem>> -> memref<!tpu.dma_semaphore, #tpu.memory_space<semaphore_mem>>
          %dma_wait3A_427 = arith.constant 0 : i32
          %dma_wait3A_428 = tpu.memref_slice %arg13[%dma_wait3A_418, %dma_wait3A_427] : memref<4x80xi32, #tpu.memory_space<vmem>> -> memref<1x80xi32, #tpu.memory_space<vmem>>
          %dma_wait3A_429 = tpu.memref_squeeze %dma_wait3A_428 : memref<1x80xi32, #tpu.memory_space<vmem>> -> memref<80xi32, #tpu.memory_space<vmem>>
          %dma_wait3A_430 = arith.constant 0 : i32
          %dma_wait3A_431 = tpu.memref_slice %arg7[%dma_wait3A_430] : memref<64000xi32, #tpu.memory_space<hbm>> -> memref<80xi32, #tpu.memory_space<hbm>>
          tpu.wait_dma2 semaphore(%dma_wait3A_426 : memref<!tpu.dma_semaphore, #tpu.memory_space<semaphore_mem>>) src(%dma_wait3A_431 : memref<80xi32, #tpu.memory_space<hbm>>) dst(%dma_wait3A_429 : memref<80xi32, #tpu.memory_space<vmem>>)
          %dma_start3A_432 = arith.constant 3 : i32
          %dma_start3A_433 = arith.constant 1 : i32
          %dma_start3A_434 = arith.constant 1 : i32
          %dma_start3A_435 = arith.constant 0 : i32
          %dma_start3A_436 = arith.constant 0 : i32
          %dma_start3A_437 = tpu.memref_slice %arg18[%dma_start3A_433, %dma_start3A_435, %dma_start3A_436] : memref<2x80x128xf32, #tpu.memory_space<vmem>> -> memref<1x80x128xf32, #tpu.memory_space<vmem>>
          %dma_start3A_438 = tpu.memref_squeeze %dma_start3A_437 : memref<1x80x128xf32, #tpu.memory_space<vmem>> -> memref<80x128xf32, #tpu.memory_space<vmem>>
          %dma_start3A_439 = arith.constant 0 : i32
          %dma_start3A_440 = tpu.memref_slice %arg19[%dma_start3A_432, %dma_start3A_439] : memref<4x80xi32, #tpu.memory_space<vmem>> -> memref<1x80xi32, #tpu.memory_space<vmem>>
          %dma_start3A_441 = tpu.memref_squeeze %dma_start3A_440 : memref<1x80xi32, #tpu.memory_space<vmem>> -> memref<80xi32, #tpu.memory_space<vmem>>
          %dma_start3A_442 = arith.constant 0 : i32
          %dma_start3A_443 = arith.constant 0 : i32
          %dma_start3A_444 = tpu.memref_slice %arg2[%dma_start3A_442, %dma_start3A_443] : memref<10000x128xf32, #tpu.memory_space<hbm>> -> memref<10000x128xf32, #tpu.memory_space<hbm>>
          %dma_start3A_445 = tpu.memref_slice %arg16[%dma_start3A_434] : memref<2x!tpu.dma_semaphore, #tpu.memory_space<semaphore_mem>> -> memref<1x!tpu.dma_semaphore, #tpu.memory_space<semaphore_mem>>
          %dma_start3A_446 = tpu.memref_squeeze %dma_start3A_445 : memref<1x!tpu.dma_semaphore, #tpu.memory_space<semaphore_mem>> -> memref<!tpu.dma_semaphore, #tpu.memory_space<semaphore_mem>>
          tpu.enqueue_indirect_dma source(%dma_start3A_444 : memref<10000x128xf32, #tpu.memory_space<hbm>>) target(%dma_start3A_438 : memref<80x128xf32, #tpu.memory_space<vmem>>) offsets(%dma_start3A_441 : memref<80xi32, #tpu.memory_space<vmem>>) semaphore(%dma_start3A_446 : memref<!tpu.dma_semaphore, #tpu.memory_space<semaphore_mem>>)
        } else {
        }
        %dma_wait3A_330 = arith.constant 2 : i32
        %dma_wait3A_331 = arith.constant 0 : i32
        %dma_wait3A_332 = arith.constant 0 : i32
        %dma_wait3A_333 = arith.constant 0 : i32
        %dma_wait3A_334 = arith.constant 0 : i32
        %dma_wait3A_335 = tpu.memref_slice %arg18[%dma_wait3A_331, %dma_wait3A_333, %dma_wait3A_334] : memref<2x80x128xf32, #tpu.memory_space<vmem>> -> memref<1x80x128xf32, #tpu.memory_space<vmem>>
        %dma_wait3A_336 = tpu.memref_squeeze %dma_wait3A_335 : memref<1x80x128xf32, #tpu.memory_space<vmem>> -> memref<80x128xf32, #tpu.memory_space<vmem>>
        %dma_wait3A_337 = arith.constant 0 : i32
        %dma_wait3A_338 = tpu.memref_slice %arg19[%dma_wait3A_330, %dma_wait3A_337] : memref<4x80xi32, #tpu.memory_space<vmem>> -> memref<1x80xi32, #tpu.memory_space<vmem>>
        %dma_wait3A_339 = tpu.memref_squeeze %dma_wait3A_338 : memref<1x80xi32, #tpu.memory_space<vmem>> -> memref<80xi32, #tpu.memory_space<vmem>>
        %dma_wait3A_340 = arith.constant 0 : i32
        %dma_wait3A_341 = arith.constant 0 : i32
        %dma_wait3A_342 = tpu.memref_slice %arg2[%dma_wait3A_340, %dma_wait3A_341] : memref<10000x128xf32, #tpu.memory_space<hbm>> -> memref<10000x128xf32, #tpu.memory_space<hbm>>
        %dma_wait3A_343 = tpu.memref_slice %arg16[%dma_wait3A_332] : memref<2x!tpu.dma_semaphore, #tpu.memory_space<semaphore_mem>> -> memref<1x!tpu.dma_semaphore, #tpu.memory_space<semaphore_mem>>
        %dma_wait3A_344 = tpu.memref_squeeze %dma_wait3A_343 : memref<1x!tpu.dma_semaphore, #tpu.memory_space<semaphore_mem>> -> memref<!tpu.dma_semaphore, #tpu.memory_space<semaphore_mem>>
        tpu.wait_indirect_dma semaphore(%dma_wait3A_344 : memref<!tpu.dma_semaphore, #tpu.memory_space<semaphore_mem>>) src(%dma_wait3A_342 : memref<10000x128xf32, #tpu.memory_space<hbm>>) dst(%dma_wait3A_336 : memref<80x128xf32, #tpu.memory_space<vmem>>)
        %dma_wait3A_345 = arith.constant 0 : i32
        %dma_wait3A_346 = arith.constant 0 : i32
        %dma_wait3A_347 = arith.constant 0 : i32
        %dma_wait3A_348 = arith.constant 0 : i32
        %dma_wait3A_349 = tpu.memref_slice %arg14[%dma_wait3A_345, %dma_wait3A_347, %dma_wait3A_348] : memref<2x80x128xf32, #tpu.memory_space<vmem>> -> memref<1x80x128xf32, #tpu.memory_space<vmem>>
        %dma_wait3A_350 = tpu.memref_squeeze %dma_wait3A_349 : memref<1x80x128xf32, #tpu.memory_space<vmem>> -> memref<80x128xf32, #tpu.memory_space<vmem>>
        %dma_wait3A_351 = arith.constant 0 : i32
        %dma_wait3A_352 = arith.constant 0 : i32
        %dma_wait3A_353 = tpu.memref_slice %arg8[%dma_wait3A_351, %dma_wait3A_352] : memref<64000x128xf32, #tpu.memory_space<hbm>> -> memref<80x128xf32, #tpu.memory_space<hbm>>
        %dma_wait3A_354 = tpu.memref_slice %arg15[%dma_wait3A_346] : memref<2x!tpu.dma_semaphore, #tpu.memory_space<semaphore_mem>> -> memref<1x!tpu.dma_semaphore, #tpu.memory_space<semaphore_mem>>
        %dma_wait3A_355 = tpu.memref_squeeze %dma_wait3A_354 : memref<1x!tpu.dma_semaphore, #tpu.memory_space<semaphore_mem>> -> memref<!tpu.dma_semaphore, #tpu.memory_space<semaphore_mem>>
        %dma_wait3A_356 = arith.constant 0 : i32
        %dma_wait3A_357 = arith.constant 0 : i32
        %dma_wait3A_358 = tpu.memref_slice %arg14[%dma_wait3A_345, %dma_wait3A_356, %dma_wait3A_357] : memref<2x80x128xf32, #tpu.memory_space<vmem>> -> memref<1x80x128xf32, #tpu.memory_space<vmem>>
        %dma_wait3A_359 = tpu.memref_squeeze %dma_wait3A_358 : memref<1x80x128xf32, #tpu.memory_space<vmem>> -> memref<80x128xf32, #tpu.memory_space<vmem>>
        %dma_wait3A_360 = arith.constant 0 : i32
        %dma_wait3A_361 = arith.constant 0 : i32
        %dma_wait3A_362 = tpu.memref_slice %arg8[%dma_wait3A_360, %dma_wait3A_361] : memref<64000x128xf32, #tpu.memory_space<hbm>> -> memref<80x128xf32, #tpu.memory_space<hbm>>
        tpu.wait_dma2 semaphore(%dma_wait3A_355 : memref<!tpu.dma_semaphore, #tpu.memory_space<semaphore_mem>>) src(%dma_wait3A_362 : memref<80x128xf32, #tpu.memory_space<hbm>>) dst(%dma_wait3A_359 : memref<80x128xf32, #tpu.memory_space<vmem>>)
        %scan3A_363 = arith.constant 0 : i32
        %scan3A_364 = arith.constant 80 : i32
        %scan3A_365 = arith.addi %scan3A_363, %scan3A_364 : i32
        %scan3A_366 = arith.constant 1 : i32
        scf.for %scan3A_383 = %scan3A_363 to %scan3A_365 step %scan3A_366  : i32 {
          %mul3A_384 = arith.constant 1 : i32
          %mul3A_385 = arith.muli %scan3A_383, %mul3A_384 : i32
          %add3A_386 = arith.constant 0 : i32
          %add3A_387 = arith.addi %add3A_386, %mul3A_385 : i32
          %get3A = arith.constant 0 : i32
          %get3A_388 = arith.index_cast %get3A : i32 to index
          %get3A_389 = arith.index_cast %add3A_387 : i32 to index
          %get3A_390 = arith.constant 0 : index
          %get3A_391 = tpu.vector_load %arg18[%get3A_388, %get3A_389, %get3A_390] {strides = array<i32>} : memref<2x80x128xf32, #tpu.memory_space<vmem>>, vector<1x1x16xf32>,
          %get3A_392 = vector.shape_cast %get3A_391 : vector<1x1x16xf32> to vector<16xf32>
          %get3A_393 = arith.constant 0 : i32
          %get3A_394 = arith.index_cast %get3A_393 : i32 to index
          %get3A_395 = arith.index_cast %add3A_387 : i32 to index
          %get3A_396 = arith.constant 0 : index
          %get3A_397 = tpu.vector_load %arg14[%get3A_394, %get3A_395, %get3A_396] {strides = array<i32>} : memref<2x80x128xf32, #tpu.memory_space<vmem>>, vector<1x1x16xf32>,
          %get3A_398 = vector.shape_cast %get3A_397 : vector<1x1x16xf32> to vector<16xf32>
          %add3A_399 = arith.addf %get3A_392, %get3A_398 : vector<16xf32>
          %max3A = arith.constant 0.000000e+00 : f32
          %max3A_400 = vector.broadcast %max3A : f32 to vector<16xf32>
          %max3A_401 = arith.maximumf %add3A_399, %max3A_400 : vector<16xf32>
          %swap3A = arith.constant 0 : i32
          %swap3A_402 = arith.index_cast %swap3A : i32 to index
          %swap3A_403 = arith.index_cast %add3A_387 : i32 to index
          %swap3A_404 = arith.constant 0 : index
          %swap3A_405 = tpu.vector_load %arg18[%swap3A_402, %swap3A_403, %swap3A_404] {strides = array<i32>} : memref<2x80x128xf32, #tpu.memory_space<vmem>>, vector<1x1x16xf32>,
          %swap3A_406 = vector.shape_cast %swap3A_405 : vector<1x1x16xf32> to vector<16xf32>
          %swap3A_407 = vector.shape_cast %max3A_401 : vector<16xf32> to vector<1x1x16xf32>
          tpu.vector_store %arg18[%swap3A_402, %swap3A_403, %swap3A_404], %swap3A_407 {strides = array<i32>} : memref<2x80x128xf32, #tpu.memory_space<vmem>>, vector<1x1x16xf32>,
          %get3A_408 = arith.constant 0 : i32
          %get3A_409 = arith.index_cast %get3A_408 : i32 to index
          %get3A_410 = arith.index_cast %add3A_387 : i32 to index
          %get3A_411 = arith.constant 16 : index
          %get3A_412 = tpu.vector_load %arg18[%get3A_409, %get3A_410, %get3A_411] {strides = array<i32>} : memref<2x80x128xf32, #tpu.memory_space<vmem>>, vector<1x1x16xf32>,
          %get3A_413 = vector.shape_cast %get3A_412 : vector<1x1x16xf32> to vector<16xf32>
          %get3A_414 = arith.constant 0 : i32
          %get3A_415 = arith.index_cast %get3A_414 : i32 to index
          %get3A_416 = arith.index_cast %add3A_387 : i32 to index
          %get3A_417 = arith.constant 16 : index
          %get3A_418 = tpu.vector_load %arg14[%get3A_415, %get3A_416, %get3A_417] {strides = array<i32>} : memref<2x80x128xf32, #tpu.memory_space<vmem>>, vector<1x1x16xf32>,
          %get3A_419 = vector.shape_cast %get3A_418 : vector<1x1x16xf32> to vector<16xf32>
          %add3A_420 = arith.addf %get3A_413, %get3A_419 : vector<16xf32>
          %max3A_421 = arith.constant 0.000000e+00 : f32
          %max3A_422 = vector.broadcast %max3A_421 : f32 to vector<16xf32>
          %max3A_423 = arith.maximumf %add3A_420, %max3A_422 : vector<16xf32>
          %swap3A_424 = arith.constant 0 : i32
          %swap3A_425 = arith.index_cast %swap3A_424 : i32 to index
          %swap3A_426 = arith.index_cast %add3A_387 : i32 to index
          %swap3A_427 = arith.constant 16 : index
          %swap3A_428 = tpu.vector_load %arg18[%swap3A_425, %swap3A_426, %swap3A_427] {strides = array<i32>} : memref<2x80x128xf32, #tpu.memory_space<vmem>>, vector<1x1x16xf32>,
          %swap3A_429 = vector.shape_cast %swap3A_428 : vector<1x1x16xf32> to vector<16xf32>
          %swap3A_430 = vector.shape_cast %max3A_423 : vector<16xf32> to vector<1x1x16xf32>
          tpu.vector_store %arg18[%swap3A_425, %swap3A_426, %swap3A_427], %swap3A_430 {strides = array<i32>} : memref<2x80x128xf32, #tpu.memory_space<vmem>>, vector<1x1x16xf32>,
          %get3A_431 = arith.constant 0 : i32
          %get3A_432 = arith.index_cast %get3A_431 : i32 to index
          %get3A_433 = arith.index_cast %add3A_387 : i32 to index
          %get3A_434 = arith.constant 32 : index
          %get3A_435 = tpu.vector_load %arg18[%get3A_432, %get3A_433, %get3A_434] {strides = array<i32>} : memref<2x80x128xf32, #tpu.memory_space<vmem>>, vector<1x1x16xf32>,
          %get3A_436 = vector.shape_cast %get3A_435 : vector<1x1x16xf32> to vector<16xf32>
          %get3A_437 = arith.constant 0 : i32
          %get3A_438 = arith.index_cast %get3A_437 : i32 to index
          %get3A_439 = arith.index_cast %add3A_387 : i32 to index
          %get3A_440 = arith.constant 32 : index
          %get3A_441 = tpu.vector_load %arg14[%get3A_438, %get3A_439, %get3A_440] {strides = array<i32>} : memref<2x80x128xf32, #tpu.memory_space<vmem>>, vector<1x1x16xf32>,
          %get3A_442 = vector.shape_cast %get3A_441 : vector<1x1x16xf32> to vector<16xf32>
          %add3A_443 = arith.addf %get3A_436, %get3A_442 : vector<16xf32>
          %max3A_444 = arith.constant 0.000000e+00 : f32
          %max3A_445 = vector.broadcast %max3A_444 : f32 to vector<16xf32>
          %max3A_446 = arith.maximumf %add3A_443, %max3A_445 : vector<16xf32>
          %swap3A_447 = arith.constant 0 : i32
          %swap3A_448 = arith.index_cast %swap3A_447 : i32 to index
          %swap3A_449 = arith.index_cast %add3A_387 : i32 to index
          %swap3A_450 = arith.constant 32 : index
          %swap3A_451 = tpu.vector_load %arg18[%swap3A_448, %swap3A_449, %swap3A_450] {strides = array<i32>} : memref<2x80x128xf32, #tpu.memory_space<vmem>>, vector<1x1x16xf32>,
          %swap3A_452 = vector.shape_cast %swap3A_451 : vector<1x1x16xf32> to vector<16xf32>
          %swap3A_453 = vector.shape_cast %max3A_446 : vector<16xf32> to vector<1x1x16xf32>
          tpu.vector_store %arg18[%swap3A_448, %swap3A_449, %swap3A_450], %swap3A_453 {strides = array<i32>} : memref<2x80x128xf32, #tpu.memory_space<vmem>>, vector<1x1x16xf32>,
          %get3A_454 = arith.constant 0 : i32
          %get3A_455 = arith.index_cast %get3A_454 : i32 to index
          %get3A_456 = arith.index_cast %add3A_387 : i32 to index
          %get3A_457 = arith.constant 48 : index
          %get3A_458 = tpu.vector_load %arg18[%get3A_455, %get3A_456, %get3A_457] {strides = array<i32>} : memref<2x80x128xf32, #tpu.memory_space<vmem>>, vector<1x1x16xf32>,
          %get3A_459 = vector.shape_cast %get3A_458 : vector<1x1x16xf32> to vector<16xf32>
          %get3A_460 = arith.constant 0 : i32
          %get3A_461 = arith.index_cast %get3A_460 : i32 to index
          %get3A_462 = arith.index_cast %add3A_387 : i32 to index
          %get3A_463 = arith.constant 48 : index
          %get3A_464 = tpu.vector_load %arg14[%get3A_461, %get3A_462, %get3A_463] {strides = array<i32>} : memref<2x80x128xf32, #tpu.memory_space<vmem>>, vector<1x1x16xf32>,
          %get3A_465 = vector.shape_cast %get3A_464 : vector<1x1x16xf32> to vector<16xf32>
          %add3A_466 = arith.addf %get3A_459, %get3A_465 : vector<16xf32>
          %max3A_467 = arith.constant 0.000000e+00 : f32
          %max3A_468 = vector.broadcast %max3A_467 : f32 to vector<16xf32>
          %max3A_469 = arith.maximumf %add3A_466, %max3A_468 : vector<16xf32>
          %swap3A_470 = arith.constant 0 : i32
          %swap3A_471 = arith.index_cast %swap3A_470 : i32 to index
          %swap3A_472 = arith.index_cast %add3A_387 : i32 to index
          %swap3A_473 = arith.constant 48 : index
          %swap3A_474 = tpu.vector_load %arg18[%swap3A_471, %swap3A_472, %swap3A_473] {strides = array<i32>} : memref<2x80x128xf32, #tpu.memory_space<vmem>>, vector<1x1x16xf32>,
          %swap3A_475 = vector.shape_cast %swap3A_474 : vector<1x1x16xf32> to vector<16xf32>
          %swap3A_476 = vector.shape_cast %max3A_469 : vector<16xf32> to vector<1x1x16xf32>
          tpu.vector_store %arg18[%swap3A_471, %swap3A_472, %swap3A_473], %swap3A_476 {strides = array<i32>} : memref<2x80x128xf32, #tpu.memory_space<vmem>>, vector<1x1x16xf32>,
          %get3A_477 = arith.constant 0 : i32
          %get3A_478 = arith.index_cast %get3A_477 : i32 to index
          %get3A_479 = arith.index_cast %add3A_387 : i32 to index
          %get3A_480 = arith.constant 64 : index
          %get3A_481 = tpu.vector_load %arg18[%get3A_478, %get3A_479, %get3A_480] {strides = array<i32>} : memref<2x80x128xf32, #tpu.memory_space<vmem>>, vector<1x1x16xf32>,
          %get3A_482 = vector.shape_cast %get3A_481 : vector<1x1x16xf32> to vector<16xf32>
          %get3A_483 = arith.constant 0 : i32
          %get3A_484 = arith.index_cast %get3A_483 : i32 to index
          %get3A_485 = arith.index_cast %add3A_387 : i32 to index
          %get3A_486 = arith.constant 64 : index
          %get3A_487 = tpu.vector_load %arg14[%get3A_484, %get3A_485, %get3A_486] {strides = array<i32>} : memref<2x80x128xf32, #tpu.memory_space<vmem>>, vector<1x1x16xf32>,
          %get3A_488 = vector.shape_cast %get3A_487 : vector<1x1x16xf32> to vector<16xf32>
          %add3A_489 = arith.addf %get3A_482, %get3A_488 : vector<16xf32>
          %max3A_490 = arith.constant 0.000000e+00 : f32
          %max3A_491 = vector.broadcast %max3A_490 : f32 to vector<16xf32>
          %max3A_492 = arith.maximumf %add3A_489, %max3A_491 : vector<16xf32>
          %swap3A_493 = arith.constant 0 : i32
          %swap3A_494 = arith.index_cast %swap3A_493 : i32 to index
          %swap3A_495 = arith.index_cast %add3A_387 : i32 to index
          %swap3A_496 = arith.constant 64 : index
          %swap3A_497 = tpu.vector_load %arg18[%swap3A_494, %swap3A_495, %swap3A_496] {strides = array<i32>} : memref<2x80x128xf32, #tpu.memory_space<vmem>>, vector<1x1x16xf32>,
          %swap3A_498 = vector.shape_cast %swap3A_497 : vector<1x1x16xf32> to vector<16xf32>
          %swap3A_499 = vector.shape_cast %max3A_492 : vector<16xf32> to vector<1x1x16xf32>
          tpu.vector_store %arg18[%swap3A_494, %swap3A_495, %swap3A_496], %swap3A_499 {strides = array<i32>} : memref<2x80x128xf32, #tpu.memory_space<vmem>>, vector<1x1x16xf32>,
          %get3A_500 = arith.constant 0 : i32
          %get3A_501 = arith.index_cast %get3A_500 : i32 to index
          %get3A_502 = arith.index_cast %add3A_387 : i32 to index
          %get3A_503 = arith.constant 80 : index
          %get3A_504 = tpu.vector_load %arg18[%get3A_501, %get3A_502, %get3A_503] {strides = array<i32>} : memref<2x80x128xf32, #tpu.memory_space<vmem>>, vector<1x1x16xf32>,
          %get3A_505 = vector.shape_cast %get3A_504 : vector<1x1x16xf32> to vector<16xf32>
          %get3A_506 = arith.constant 0 : i32
          %get3A_507 = arith.index_cast %get3A_506 : i32 to index
          %get3A_508 = arith.index_cast %add3A_387 : i32 to index
          %get3A_509 = arith.constant 80 : index
          %get3A_510 = tpu.vector_load %arg14[%get3A_507, %get3A_508, %get3A_509] {strides = array<i32>} : memref<2x80x128xf32, #tpu.memory_space<vmem>>, vector<1x1x16xf32>,
          %get3A_511 = vector.shape_cast %get3A_510 : vector<1x1x16xf32> to vector<16xf32>
          %add3A_512 = arith.addf %get3A_505, %get3A_511 : vector<16xf32>
          %max3A_513 = arith.constant 0.000000e+00 : f32
          %max3A_514 = vector.broadcast %max3A_513 : f32 to vector<16xf32>
          %max3A_515 = arith.maximumf %add3A_512, %max3A_514 : vector<16xf32>
          %swap3A_516 = arith.constant 0 : i32
          %swap3A_517 = arith.index_cast %swap3A_516 : i32 to index
          %swap3A_518 = arith.index_cast %add3A_387 : i32 to index
          %swap3A_519 = arith.constant 80 : index
          %swap3A_520 = tpu.vector_load %arg18[%swap3A_517, %swap3A_518, %swap3A_519] {strides = array<i32>} : memref<2x80x128xf32, #tpu.memory_space<vmem>>, vector<1x1x16xf32>,
          %swap3A_521 = vector.shape_cast %swap3A_520 : vector<1x1x16xf32> to vector<16xf32>
          %swap3A_522 = vector.shape_cast %max3A_515 : vector<16xf32> to vector<1x1x16xf32>
          tpu.vector_store %arg18[%swap3A_517, %swap3A_518, %swap3A_519], %swap3A_522 {strides = array<i32>} : memref<2x80x128xf32, #tpu.memory_space<vmem>>, vector<1x1x16xf32>,
          %get3A_523 = arith.constant 0 : i32
          %get3A_524 = arith.index_cast %get3A_523 : i32 to index
          %get3A_525 = arith.index_cast %add3A_387 : i32 to index
          %get3A_526 = arith.constant 96 : index
          %get3A_527 = tpu.vector_load %arg18[%get3A_524, %get3A_525, %get3A_526] {strides = array<i32>} : memref<2x80x128xf32, #tpu.memory_space<vmem>>, vector<1x1x16xf32>,
          %get3A_528 = vector.shape_cast %get3A_527 : vector<1x1x16xf32> to vector<16xf32>
          %get3A_529 = arith.constant 0 : i32
          %get3A_530 = arith.index_cast %get3A_529 : i32 to index
          %get3A_531 = arith.index_cast %add3A_387 : i32 to index
          %get3A_532 = arith.constant 96 : index
          %get3A_533 = tpu.vector_load %arg14[%get3A_530, %get3A_531, %get3A_532] {strides = array<i32>} : memref<2x80x128xf32, #tpu.memory_space<vmem>>, vector<1x1x16xf32>,
          %get3A_534 = vector.shape_cast %get3A_533 : vector<1x1x16xf32> to vector<16xf32>
          %add3A_535 = arith.addf %get3A_528, %get3A_534 : vector<16xf32>
          %max3A_536 = arith.constant 0.000000e+00 : f32
          %max3A_537 = vector.broadcast %max3A_536 : f32 to vector<16xf32>
          %max3A_538 = arith.maximumf %add3A_535, %max3A_537 : vector<16xf32>
          %swap3A_539 = arith.constant 0 : i32
          %swap3A_540 = arith.index_cast %swap3A_539 : i32 to index
          %swap3A_541 = arith.index_cast %add3A_387 : i32 to index
          %swap3A_542 = arith.constant 96 : index
          %swap3A_543 = tpu.vector_load %arg18[%swap3A_540, %swap3A_541, %swap3A_542] {strides = array<i32>} : memref<2x80x128xf32, #tpu.memory_space<vmem>>, vector<1x1x16xf32>,
          %swap3A_544 = vector.shape_cast %swap3A_543 : vector<1x1x16xf32> to vector<16xf32>
          %swap3A_545 = vector.shape_cast %max3A_538 : vector<16xf32> to vector<1x1x16xf32>
          tpu.vector_store %arg18[%swap3A_540, %swap3A_541, %swap3A_542], %swap3A_545 {strides = array<i32>} : memref<2x80x128xf32, #tpu.memory_space<vmem>>, vector<1x1x16xf32>,
          %get3A_546 = arith.constant 0 : i32
          %get3A_547 = arith.index_cast %get3A_546 : i32 to index
          %get3A_548 = arith.index_cast %add3A_387 : i32 to index
          %get3A_549 = arith.constant 112 : index
          %get3A_550 = tpu.vector_load %arg18[%get3A_547, %get3A_548, %get3A_549] {strides = array<i32>} : memref<2x80x128xf32, #tpu.memory_space<vmem>>, vector<1x1x16xf32>,
          %get3A_551 = vector.shape_cast %get3A_550 : vector<1x1x16xf32> to vector<16xf32>
          %get3A_552 = arith.constant 0 : i32
          %get3A_553 = arith.index_cast %get3A_552 : i32 to index
          %get3A_554 = arith.index_cast %add3A_387 : i32 to index
          %get3A_555 = arith.constant 112 : index
          %get3A_556 = tpu.vector_load %arg14[%get3A_553, %get3A_554, %get3A_555] {strides = array<i32>} : memref<2x80x128xf32, #tpu.memory_space<vmem>>, vector<1x1x16xf32>,
          %get3A_557 = vector.shape_cast %get3A_556 : vector<1x1x16xf32> to vector<16xf32>
          %add3A_558 = arith.addf %get3A_551, %get3A_557 : vector<16xf32>
          %max3A_559 = arith.constant 0.000000e+00 : f32
          %max3A_560 = vector.broadcast %max3A_559 : f32 to vector<16xf32>
          %max3A_561 = arith.maximumf %add3A_558, %max3A_560 : vector<16xf32>
          %swap3A_562 = arith.constant 0 : i32
          %swap3A_563 = arith.index_cast %swap3A_562 : i32 to index
          %swap3A_564 = arith.index_cast %add3A_387 : i32 to index
          %swap3A_565 = arith.constant 112 : index
          %swap3A_566 = tpu.vector_load %arg18[%swap3A_563, %swap3A_564, %swap3A_565] {strides = array<i32>} : memref<2x80x128xf32, #tpu.memory_space<vmem>>, vector<1x1x16xf32>,
          %swap3A_567 = vector.shape_cast %swap3A_566 : vector<1x1x16xf32> to vector<16xf32>
          %swap3A_568 = vector.shape_cast %max3A_561 : vector<16xf32> to vector<1x1x16xf32>
          tpu.vector_store %arg18[%swap3A_563, %swap3A_564, %swap3A_565], %swap3A_568 {strides = array<i32>} : memref<2x80x128xf32, #tpu.memory_space<vmem>>, vector<1x1x16xf32>,
        }
        %scan3A_367 = arith.constant 80 : i32
        %dma_start3A_368 = arith.constant 0 : i32
        %dma_start3A_369 = arith.constant 2 : i32
        %dma_start3A_370 = arith.constant 0 : i32
        %dma_start3A_371 = arith.constant 0 : i32
        %dma_start3A_372 = arith.constant 0 : i32
        %dma_start3A_373 = tpu.memref_slice %arg18[%dma_start3A_368, %dma_start3A_371, %dma_start3A_372] : memref<2x80x128xf32, #tpu.memory_space<vmem>> -> memref<1x80x128xf32, #tpu.memory_space<vmem>>
        %dma_start3A_374 = tpu.memref_squeeze %dma_start3A_373 : memref<1x80x128xf32, #tpu.memory_space<vmem>> -> memref<80x128xf32, #tpu.memory_space<vmem>>
        %dma_start3A_375 = arith.constant 0 : i32
        %dma_start3A_376 = tpu.memref_slice %arg13[%dma_start3A_369, %dma_start3A_375] : memref<4x80xi32, #tpu.memory_space<vmem>> -> memref<1x80xi32, #tpu.memory_space<vmem>>
        %dma_start3A_377 = tpu.memref_squeeze %dma_start3A_376 : memref<1x80xi32, #tpu.memory_space<vmem>> -> memref<80xi32, #tpu.memory_space<vmem>>
        %dma_start3A_378 = arith.constant 0 : i32
        %dma_start3A_379 = arith.constant 0 : i32
        %dma_start3A_380 = tpu.memref_slice %arg12[%dma_start3A_378, %dma_start3A_379] : memref<10112x128xf32, #tpu.memory_space<vmem_shared>> -> memref<10112x128xf32, #tpu.memory_space<vmem_shared>>
        %dma_start3A_381 = tpu.memref_slice %arg20[%dma_start3A_370] : memref<2x!tpu.dma_semaphore, #tpu.memory_space<semaphore_mem>> -> memref<1x!tpu.dma_semaphore, #tpu.memory_space<semaphore_mem>>
        %dma_start3A_382 = tpu.memref_squeeze %dma_start3A_381 : memref<1x!tpu.dma_semaphore, #tpu.memory_space<semaphore_mem>> -> memref<!tpu.dma_semaphore, #tpu.memory_space<semaphore_mem>>
        tpu.enqueue_indirect_dma source(%dma_start3A_374 : memref<80x128xf32, #tpu.memory_space<vmem>>) target(%dma_start3A_380 : memref<10112x128xf32, #tpu.memory_space<vmem_shared>>) offsets(%dma_start3A_377 : memref<80xi32, #tpu.memory_space<vmem>>) semaphore(%dma_start3A_382 : memref<!tpu.dma_semaphore, #tpu.memory_space<semaphore_mem>>) {add = true}
      } else {
      }
      %mul3A_303 = arith.constant 4 : i32
      %mul3A_304 = arith.muli %add3A_278, %mul3A_303 : i32
      %add3A_305 = arith.constant 3 : i32
      %add3A_306 = arith.addi %mul3A_304, %add3A_305 : i32
      %lt3A_307 = arith.constant 25 : i32
      %lt3A_308 = arith.cmpi slt, %add3A_306, %lt3A_307 : i32
      %convert_element_type3A_309 = arith.extui %lt3A_308 : i1 to i32
      %cond3A_310 = arith.constant 0 : i32
      %cond3A_311 = arith.cmpi ne, %convert_element_type3A_309, %cond3A_310 : i32
      scf.if %cond3A_311 {
        %ge3A = arith.constant 1 : i32
        %ge3A_312 = arith.cmpi sge, %add3A_306, %ge3A : i32
        %convert_element_type3A_313 = arith.extui %ge3A_312 : i1 to i32
        %cond3A_314 = arith.constant 0 : i32
        %cond3A_315 = arith.cmpi ne, %convert_element_type3A_313, %cond3A_314 : i32
        scf.if %cond3A_315 {
          %dma_wait3A_383 = arith.constant 0 : i32
          %dma_wait3A_384 = arith.constant 2 : i32
          %dma_wait3A_385 = arith.constant 0 : i32
          %dma_wait3A_386 = arith.constant 0 : i32
          %dma_wait3A_387 = arith.constant 0 : i32
          %dma_wait3A_388 = tpu.memref_slice %arg18[%dma_wait3A_383, %dma_wait3A_386, %dma_wait3A_387] : memref<2x80x128xf32, #tpu.memory_space<vmem>> -> memref<1x80x128xf32, #tpu.memory_space<vmem>>
          %dma_wait3A_389 = tpu.memref_squeeze %dma_wait3A_388 : memref<1x80x128xf32, #tpu.memory_space<vmem>> -> memref<80x128xf32, #tpu.memory_space<vmem>>
          %dma_wait3A_390 = arith.constant 0 : i32
          %dma_wait3A_391 = tpu.memref_slice %arg13[%dma_wait3A_384, %dma_wait3A_390] : memref<4x80xi32, #tpu.memory_space<vmem>> -> memref<1x80xi32, #tpu.memory_space<vmem>>
          %dma_wait3A_392 = tpu.memref_squeeze %dma_wait3A_391 : memref<1x80xi32, #tpu.memory_space<vmem>> -> memref<80xi32, #tpu.memory_space<vmem>>
          %dma_wait3A_393 = arith.constant 0 : i32
          %dma_wait3A_394 = arith.constant 0 : i32
          %dma_wait3A_395 = tpu.memref_slice %arg12[%dma_wait3A_393, %dma_wait3A_394] : memref<10112x128xf32, #tpu.memory_space<vmem_shared>> -> memref<10112x128xf32, #tpu.memory_space<vmem_shared>>
          %dma_wait3A_396 = tpu.memref_slice %arg20[%dma_wait3A_385] : memref<2x!tpu.dma_semaphore, #tpu.memory_space<semaphore_mem>> -> memref<1x!tpu.dma_semaphore, #tpu.memory_space<semaphore_mem>>
          %dma_wait3A_397 = tpu.memref_squeeze %dma_wait3A_396 : memref<1x!tpu.dma_semaphore, #tpu.memory_space<semaphore_mem>> -> memref<!tpu.dma_semaphore, #tpu.memory_space<semaphore_mem>>
          tpu.wait_indirect_dma semaphore(%dma_wait3A_397 : memref<!tpu.dma_semaphore, #tpu.memory_space<semaphore_mem>>) src(%dma_wait3A_389 : memref<80x128xf32, #tpu.memory_space<vmem>>) dst(%dma_wait3A_395 : memref<10112x128xf32, #tpu.memory_space<vmem_shared>>)
        } else {
        }
        %add3A_316 = arith.constant 2 : i32
        %add3A_317 = arith.addi %add3A_306, %add3A_316 : i32
        %lt3A_318 = arith.constant 25 : i32
        %lt3A_319 = arith.cmpi slt, %add3A_317, %lt3A_318 : i32
        %convert_element_type3A_320 = arith.extui %lt3A_319 : i1 to i32
        %cond3A_321 = arith.constant 0 : i32
        %cond3A_322 = arith.cmpi ne, %convert_element_type3A_320, %cond3A_321 : i32
        scf.if %cond3A_322 {
          %add3A_383 = arith.constant 2 : i32
          %add3A_384 = arith.addi %add3A_306, %add3A_383 : i32
          %mul3A_385 = arith.constant 80 : i32
          %mul3A_386 = arith.muli %add3A_384, %mul3A_385 : i32
          %add3A_387 = arith.addi %mul3A_139, %mul3A_386 : i32
          %dma_start3A_388 = arith.constant 1 : i32
          %dma_start3A_389 = arith.constant 1 : i32
          %dma_start3A_390 = arith.constant 0 : i32
          %dma_start3A_391 = tpu.memref_slice %arg19[%dma_start3A_388, %dma_start3A_390] : memref<4x80xi32, #tpu.memory_space<vmem>> -> memref<1x80xi32, #tpu.memory_space<vmem>>
          %dma_start3A_392 = tpu.memref_squeeze %dma_start3A_391 : memref<1x80xi32, #tpu.memory_space<vmem>> -> memref<80xi32, #tpu.memory_space<vmem>>
          %dma_start3A_393 = tpu.memref_slice %arg6[%add3A_387] : memref<64000xi32, #tpu.memory_space<hbm>> -> memref<80xi32, #tpu.memory_space<hbm>>
          %dma_start3A_394 = tpu.memref_slice %arg17[%dma_start3A_389] : memref<4x!tpu.dma_semaphore, #tpu.memory_space<semaphore_mem>> -> memref<1x!tpu.dma_semaphore, #tpu.memory_space<semaphore_mem>>
          %dma_start3A_395 = tpu.memref_squeeze %dma_start3A_394 : memref<1x!tpu.dma_semaphore, #tpu.memory_space<semaphore_mem>> -> memref<!tpu.dma_semaphore, #tpu.memory_space<semaphore_mem>>
          %dma_start3A_396 = arith.constant 0 : i32
          %dma_start3A_397 = tpu.memref_slice %arg19[%dma_start3A_388, %dma_start3A_396] : memref<4x80xi32, #tpu.memory_space<vmem>> -> memref<1x80xi32, #tpu.memory_space<vmem>>
          %dma_start3A_398 = tpu.memref_squeeze %dma_start3A_397 : memref<1x80xi32, #tpu.memory_space<vmem>> -> memref<80xi32, #tpu.memory_space<vmem>>
          %dma_start3A_399 = tpu.memref_slice %arg6[%add3A_387] : memref<64000xi32, #tpu.memory_space<hbm>> -> memref<80xi32, #tpu.memory_space<hbm>>
          tpu.enqueue_dma source(%dma_start3A_399 : memref<80xi32, #tpu.memory_space<hbm>>) target(%dma_start3A_398 : memref<80xi32, #tpu.memory_space<vmem>>) target_semaphore(%dma_start3A_395 : memref<!tpu.dma_semaphore, #tpu.memory_space<semaphore_mem>>)
          %dma_start3A_400 = arith.constant 1 : i32
          %dma_start3A_401 = arith.constant 1 : i32
          %dma_start3A_402 = arith.constant 0 : i32
          %dma_start3A_403 = tpu.memref_slice %arg13[%dma_start3A_400, %dma_start3A_402] : memref<4x80xi32, #tpu.memory_space<vmem>> -> memref<1x80xi32, #tpu.memory_space<vmem>>
          %dma_start3A_404 = tpu.memref_squeeze %dma_start3A_403 : memref<1x80xi32, #tpu.memory_space<vmem>> -> memref<80xi32, #tpu.memory_space<vmem>>
          %dma_start3A_405 = tpu.memref_slice %arg7[%add3A_387] : memref<64000xi32, #tpu.memory_space<hbm>> -> memref<80xi32, #tpu.memory_space<hbm>>
          %dma_start3A_406 = tpu.memref_slice %arg17[%dma_start3A_401] : memref<4x!tpu.dma_semaphore, #tpu.memory_space<semaphore_mem>> -> memref<1x!tpu.dma_semaphore, #tpu.memory_space<semaphore_mem>>
          %dma_start3A_407 = tpu.memref_squeeze %dma_start3A_406 : memref<1x!tpu.dma_semaphore, #tpu.memory_space<semaphore_mem>> -> memref<!tpu.dma_semaphore, #tpu.memory_space<semaphore_mem>>
          %dma_start3A_408 = arith.constant 0 : i32
          %dma_start3A_409 = tpu.memref_slice %arg13[%dma_start3A_400, %dma_start3A_408] : memref<4x80xi32, #tpu.memory_space<vmem>> -> memref<1x80xi32, #tpu.memory_space<vmem>>
          %dma_start3A_410 = tpu.memref_squeeze %dma_start3A_409 : memref<1x80xi32, #tpu.memory_space<vmem>> -> memref<80xi32, #tpu.memory_space<vmem>>
          %dma_start3A_411 = tpu.memref_slice %arg7[%add3A_387] : memref<64000xi32, #tpu.memory_space<hbm>> -> memref<80xi32, #tpu.memory_space<hbm>>
          tpu.enqueue_dma source(%dma_start3A_411 : memref<80xi32, #tpu.memory_space<hbm>>) target(%dma_start3A_410 : memref<80xi32, #tpu.memory_space<vmem>>) target_semaphore(%dma_start3A_407 : memref<!tpu.dma_semaphore, #tpu.memory_space<semaphore_mem>>)
        } else {
        }
        %add3A_323 = arith.constant 1 : i32
        %add3A_324 = arith.addi %add3A_306, %add3A_323 : i32
        %lt3A_325 = arith.constant 25 : i32
        %lt3A_326 = arith.cmpi slt, %add3A_324, %lt3A_325 : i32
        %convert_element_type3A_327 = arith.extui %lt3A_326 : i1 to i32
        %cond3A_328 = arith.constant 0 : i32
        %cond3A_329 = arith.cmpi ne, %convert_element_type3A_327, %cond3A_328 : i32
        scf.if %cond3A_329 {
          %add3A_383 = arith.constant 1 : i32
          %add3A_384 = arith.addi %add3A_306, %add3A_383 : i32
          %mul3A_385 = arith.constant 80 : i32
          %mul3A_386 = arith.muli %add3A_384, %mul3A_385 : i32
          %add3A_387 = arith.addi %mul3A_139, %mul3A_386 : i32
          %dma_start3A_388 = arith.constant 0 : i32
          %dma_start3A_389 = arith.constant 0 : i32
          %dma_start3A_390 = arith.constant 0 : i32
          %dma_start3A_391 = arith.constant 0 : i32
          %dma_start3A_392 = tpu.memref_slice %arg14[%dma_start3A_388, %dma_start3A_390, %dma_start3A_391] : memref<2x80x128xf32, #tpu.memory_space<vmem>> -> memref<1x80x128xf32, #tpu.memory_space<vmem>>
          %dma_start3A_393 = tpu.memref_squeeze %dma_start3A_392 : memref<1x80x128xf32, #tpu.memory_space<vmem>> -> memref<80x128xf32, #tpu.memory_space<vmem>>
          %dma_start3A_394 = arith.constant 0 : i32
          %dma_start3A_395 = tpu.memref_slice %arg8[%add3A_387, %dma_start3A_394] : memref<64000x128xf32, #tpu.memory_space<hbm>> -> memref<80x128xf32, #tpu.memory_space<hbm>>
          %dma_start3A_396 = tpu.memref_slice %arg15[%dma_start3A_389] : memref<2x!tpu.dma_semaphore, #tpu.memory_space<semaphore_mem>> -> memref<1x!tpu.dma_semaphore, #tpu.memory_space<semaphore_mem>>
          %dma_start3A_397 = tpu.memref_squeeze %dma_start3A_396 : memref<1x!tpu.dma_semaphore, #tpu.memory_space<semaphore_mem>> -> memref<!tpu.dma_semaphore, #tpu.memory_space<semaphore_mem>>
          %dma_start3A_398 = arith.constant 0 : i32
          %dma_start3A_399 = arith.constant 0 : i32
          %dma_start3A_400 = tpu.memref_slice %arg14[%dma_start3A_388, %dma_start3A_398, %dma_start3A_399] : memref<2x80x128xf32, #tpu.memory_space<vmem>> -> memref<1x80x128xf32, #tpu.memory_space<vmem>>
          %dma_start3A_401 = tpu.memref_squeeze %dma_start3A_400 : memref<1x80x128xf32, #tpu.memory_space<vmem>> -> memref<80x128xf32, #tpu.memory_space<vmem>>
          %dma_start3A_402 = arith.constant 0 : i32
          %dma_start3A_403 = tpu.memref_slice %arg8[%add3A_387, %dma_start3A_402] : memref<64000x128xf32, #tpu.memory_space<hbm>> -> memref<80x128xf32, #tpu.memory_space<hbm>>
          tpu.enqueue_dma source(%dma_start3A_403 : memref<80x128xf32, #tpu.memory_space<hbm>>) target(%dma_start3A_401 : memref<80x128xf32, #tpu.memory_space<vmem>>) target_semaphore(%dma_start3A_397 : memref<!tpu.dma_semaphore, #tpu.memory_space<semaphore_mem>>)
          %dma_wait3A_404 = arith.constant 0 : i32
          %dma_wait3A_405 = arith.constant 0 : i32
          %dma_wait3A_406 = arith.constant 0 : i32
          %dma_wait3A_407 = tpu.memref_slice %arg19[%dma_wait3A_404, %dma_wait3A_406] : memref<4x80xi32, #tpu.memory_space<vmem>> -> memref<1x80xi32, #tpu.memory_space<vmem>>
          %dma_wait3A_408 = tpu.memref_squeeze %dma_wait3A_407 : memref<1x80xi32, #tpu.memory_space<vmem>> -> memref<80xi32, #tpu.memory_space<vmem>>
          %dma_wait3A_409 = arith.constant 0 : i32
          %dma_wait3A_410 = tpu.memref_slice %arg6[%dma_wait3A_409] : memref<64000xi32, #tpu.memory_space<hbm>> -> memref<80xi32, #tpu.memory_space<hbm>>
          %dma_wait3A_411 = tpu.memref_slice %arg17[%dma_wait3A_405] : memref<4x!tpu.dma_semaphore, #tpu.memory_space<semaphore_mem>> -> memref<1x!tpu.dma_semaphore, #tpu.memory_space<semaphore_mem>>
          %dma_wait3A_412 = tpu.memref_squeeze %dma_wait3A_411 : memref<1x!tpu.dma_semaphore, #tpu.memory_space<semaphore_mem>> -> memref<!tpu.dma_semaphore, #tpu.memory_space<semaphore_mem>>
          %dma_wait3A_413 = arith.constant 0 : i32
          %dma_wait3A_414 = tpu.memref_slice %arg19[%dma_wait3A_404, %dma_wait3A_413] : memref<4x80xi32, #tpu.memory_space<vmem>> -> memref<1x80xi32, #tpu.memory_space<vmem>>
          %dma_wait3A_415 = tpu.memref_squeeze %dma_wait3A_414 : memref<1x80xi32, #tpu.memory_space<vmem>> -> memref<80xi32, #tpu.memory_space<vmem>>
          %dma_wait3A_416 = arith.constant 0 : i32
          %dma_wait3A_417 = tpu.memref_slice %arg6[%dma_wait3A_416] : memref<64000xi32, #tpu.memory_space<hbm>> -> memref<80xi32, #tpu.memory_space<hbm>>
          tpu.wait_dma2 semaphore(%dma_wait3A_412 : memref<!tpu.dma_semaphore, #tpu.memory_space<semaphore_mem>>) src(%dma_wait3A_417 : memref<80xi32, #tpu.memory_space<hbm>>) dst(%dma_wait3A_415 : memref<80xi32, #tpu.memory_space<vmem>>)
          %dma_wait3A_418 = arith.constant 0 : i32
          %dma_wait3A_419 = arith.constant 0 : i32
          %dma_wait3A_420 = arith.constant 0 : i32
          %dma_wait3A_421 = tpu.memref_slice %arg13[%dma_wait3A_418, %dma_wait3A_420] : memref<4x80xi32, #tpu.memory_space<vmem>> -> memref<1x80xi32, #tpu.memory_space<vmem>>
          %dma_wait3A_422 = tpu.memref_squeeze %dma_wait3A_421 : memref<1x80xi32, #tpu.memory_space<vmem>> -> memref<80xi32, #tpu.memory_space<vmem>>
          %dma_wait3A_423 = arith.constant 0 : i32
          %dma_wait3A_424 = tpu.memref_slice %arg7[%dma_wait3A_423] : memref<64000xi32, #tpu.memory_space<hbm>> -> memref<80xi32, #tpu.memory_space<hbm>>
          %dma_wait3A_425 = tpu.memref_slice %arg17[%dma_wait3A_419] : memref<4x!tpu.dma_semaphore, #tpu.memory_space<semaphore_mem>> -> memref<1x!tpu.dma_semaphore, #tpu.memory_space<semaphore_mem>>
          %dma_wait3A_426 = tpu.memref_squeeze %dma_wait3A_425 : memref<1x!tpu.dma_semaphore, #tpu.memory_space<semaphore_mem>> -> memref<!tpu.dma_semaphore, #tpu.memory_space<semaphore_mem>>
          %dma_wait3A_427 = arith.constant 0 : i32
          %dma_wait3A_428 = tpu.memref_slice %arg13[%dma_wait3A_418, %dma_wait3A_427] : memref<4x80xi32, #tpu.memory_space<vmem>> -> memref<1x80xi32, #tpu.memory_space<vmem>>
          %dma_wait3A_429 = tpu.memref_squeeze %dma_wait3A_428 : memref<1x80xi32, #tpu.memory_space<vmem>> -> memref<80xi32, #tpu.memory_space<vmem>>
          %dma_wait3A_430 = arith.constant 0 : i32
          %dma_wait3A_431 = tpu.memref_slice %arg7[%dma_wait3A_430] : memref<64000xi32, #tpu.memory_space<hbm>> -> memref<80xi32, #tpu.memory_space<hbm>>
          tpu.wait_dma2 semaphore(%dma_wait3A_426 : memref<!tpu.dma_semaphore, #tpu.memory_space<semaphore_mem>>) src(%dma_wait3A_431 : memref<80xi32, #tpu.memory_space<hbm>>) dst(%dma_wait3A_429 : memref<80xi32, #tpu.memory_space<vmem>>)
          %dma_start3A_432 = arith.constant 0 : i32
          %dma_start3A_433 = arith.constant 0 : i32
          %dma_start3A_434 = arith.constant 0 : i32
          %dma_start3A_435 = arith.constant 0 : i32
          %dma_start3A_436 = arith.constant 0 : i32
          %dma_start3A_437 = tpu.memref_slice %arg18[%dma_start3A_433, %dma_start3A_435, %dma_start3A_436] : memref<2x80x128xf32, #tpu.memory_space<vmem>> -> memref<1x80x128xf32, #tpu.memory_space<vmem>>
          %dma_start3A_438 = tpu.memref_squeeze %dma_start3A_437 : memref<1x80x128xf32, #tpu.memory_space<vmem>> -> memref<80x128xf32, #tpu.memory_space<vmem>>
          %dma_start3A_439 = arith.constant 0 : i32
          %dma_start3A_440 = tpu.memref_slice %arg19[%dma_start3A_432, %dma_start3A_439] : memref<4x80xi32, #tpu.memory_space<vmem>> -> memref<1x80xi32, #tpu.memory_space<vmem>>
          %dma_start3A_441 = tpu.memref_squeeze %dma_start3A_440 : memref<1x80xi32, #tpu.memory_space<vmem>> -> memref<80xi32, #tpu.memory_space<vmem>>
          %dma_start3A_442 = arith.constant 0 : i32
          %dma_start3A_443 = arith.constant 0 : i32
          %dma_start3A_444 = tpu.memref_slice %arg2[%dma_start3A_442, %dma_start3A_443] : memref<10000x128xf32, #tpu.memory_space<hbm>> -> memref<10000x128xf32, #tpu.memory_space<hbm>>
          %dma_start3A_445 = tpu.memref_slice %arg16[%dma_start3A_434] : memref<2x!tpu.dma_semaphore, #tpu.memory_space<semaphore_mem>> -> memref<1x!tpu.dma_semaphore, #tpu.memory_space<semaphore_mem>>
          %dma_start3A_446 = tpu.memref_squeeze %dma_start3A_445 : memref<1x!tpu.dma_semaphore, #tpu.memory_space<semaphore_mem>> -> memref<!tpu.dma_semaphore, #tpu.memory_space<semaphore_mem>>
          tpu.enqueue_indirect_dma source(%dma_start3A_444 : memref<10000x128xf32, #tpu.memory_space<hbm>>) target(%dma_start3A_438 : memref<80x128xf32, #tpu.memory_space<vmem>>) offsets(%dma_start3A_441 : memref<80xi32, #tpu.memory_space<vmem>>) semaphore(%dma_start3A_446 : memref<!tpu.dma_semaphore, #tpu.memory_space<semaphore_mem>>)
        } else {
        }
        %dma_wait3A_330 = arith.constant 3 : i32
        %dma_wait3A_331 = arith.constant 1 : i32
        %dma_wait3A_332 = arith.constant 1 : i32
        %dma_wait3A_333 = arith.constant 0 : i32
        %dma_wait3A_334 = arith.constant 0 : i32
        %dma_wait3A_335 = tpu.memref_slice %arg18[%dma_wait3A_331, %dma_wait3A_333, %dma_wait3A_334] : memref<2x80x128xf32, #tpu.memory_space<vmem>> -> memref<1x80x128xf32, #tpu.memory_space<vmem>>
        %dma_wait3A_336 = tpu.memref_squeeze %dma_wait3A_335 : memref<1x80x128xf32, #tpu.memory_space<vmem>> -> memref<80x128xf32, #tpu.memory_space<vmem>>
        %dma_wait3A_337 = arith.constant 0 : i32
        %dma_wait3A_338 = tpu.memref_slice %arg19[%dma_wait3A_330, %dma_wait3A_337] : memref<4x80xi32, #tpu.memory_space<vmem>> -> memref<1x80xi32, #tpu.memory_space<vmem>>
        %dma_wait3A_339 = tpu.memref_squeeze %dma_wait3A_338 : memref<1x80xi32, #tpu.memory_space<vmem>> -> memref<80xi32, #tpu.memory_space<vmem>>
        %dma_wait3A_340 = arith.constant 0 : i32
        %dma_wait3A_341 = arith.constant 0 : i32
        %dma_wait3A_342 = tpu.memref_slice %arg2[%dma_wait3A_340, %dma_wait3A_341] : memref<10000x128xf32, #tpu.memory_space<hbm>> -> memref<10000x128xf32, #tpu.memory_space<hbm>>
        %dma_wait3A_343 = tpu.memref_slice %arg16[%dma_wait3A_332] : memref<2x!tpu.dma_semaphore, #tpu.memory_space<semaphore_mem>> -> memref<1x!tpu.dma_semaphore, #tpu.memory_space<semaphore_mem>>
        %dma_wait3A_344 = tpu.memref_squeeze %dma_wait3A_343 : memref<1x!tpu.dma_semaphore, #tpu.memory_space<semaphore_mem>> -> memref<!tpu.dma_semaphore, #tpu.memory_space<semaphore_mem>>
        tpu.wait_indirect_dma semaphore(%dma_wait3A_344 : memref<!tpu.dma_semaphore, #tpu.memory_space<semaphore_mem>>) src(%dma_wait3A_342 : memref<10000x128xf32, #tpu.memory_space<hbm>>) dst(%dma_wait3A_336 : memref<80x128xf32, #tpu.memory_space<vmem>>)
        %dma_wait3A_345 = arith.constant 1 : i32
        %dma_wait3A_346 = arith.constant 1 : i32
        %dma_wait3A_347 = arith.constant 0 : i32
        %dma_wait3A_348 = arith.constant 0 : i32
        %dma_wait3A_349 = tpu.memref_slice %arg14[%dma_wait3A_345, %dma_wait3A_347, %dma_wait3A_348] : memref<2x80x128xf32, #tpu.memory_space<vmem>> -> memref<1x80x128xf32, #tpu.memory_space<vmem>>
        %dma_wait3A_350 = tpu.memref_squeeze %dma_wait3A_349 : memref<1x80x128xf32, #tpu.memory_space<vmem>> -> memref<80x128xf32, #tpu.memory_space<vmem>>
        %dma_wait3A_351 = arith.constant 0 : i32
        %dma_wait3A_352 = arith.constant 0 : i32
        %dma_wait3A_353 = tpu.memref_slice %arg8[%dma_wait3A_351, %dma_wait3A_352] : memref<64000x128xf32, #tpu.memory_space<hbm>> -> memref<80x128xf32, #tpu.memory_space<hbm>>
        %dma_wait3A_354 = tpu.memref_slice %arg15[%dma_wait3A_346] : memref<2x!tpu.dma_semaphore, #tpu.memory_space<semaphore_mem>> -> memref<1x!tpu.dma_semaphore, #tpu.memory_space<semaphore_mem>>
        %dma_wait3A_355 = tpu.memref_squeeze %dma_wait3A_354 : memref<1x!tpu.dma_semaphore, #tpu.memory_space<semaphore_mem>> -> memref<!tpu.dma_semaphore, #tpu.memory_space<semaphore_mem>>
        %dma_wait3A_356 = arith.constant 0 : i32
        %dma_wait3A_357 = arith.constant 0 : i32
        %dma_wait3A_358 = tpu.memref_slice %arg14[%dma_wait3A_345, %dma_wait3A_356, %dma_wait3A_357] : memref<2x80x128xf32, #tpu.memory_space<vmem>> -> memref<1x80x128xf32, #tpu.memory_space<vmem>>
        %dma_wait3A_359 = tpu.memref_squeeze %dma_wait3A_358 : memref<1x80x128xf32, #tpu.memory_space<vmem>> -> memref<80x128xf32, #tpu.memory_space<vmem>>
        %dma_wait3A_360 = arith.constant 0 : i32
        %dma_wait3A_361 = arith.constant 0 : i32
        %dma_wait3A_362 = tpu.memref_slice %arg8[%dma_wait3A_360, %dma_wait3A_361] : memref<64000x128xf32, #tpu.memory_space<hbm>> -> memref<80x128xf32, #tpu.memory_space<hbm>>
        tpu.wait_dma2 semaphore(%dma_wait3A_355 : memref<!tpu.dma_semaphore, #tpu.memory_space<semaphore_mem>>) src(%dma_wait3A_362 : memref<80x128xf32, #tpu.memory_space<hbm>>) dst(%dma_wait3A_359 : memref<80x128xf32, #tpu.memory_space<vmem>>)
        %scan3A_363 = arith.constant 0 : i32
        %scan3A_364 = arith.constant 80 : i32
        %scan3A_365 = arith.addi %scan3A_363, %scan3A_364 : i32
        %scan3A_366 = arith.constant 1 : i32
        scf.for %scan3A_383 = %scan3A_363 to %scan3A_365 step %scan3A_366  : i32 {
          %mul3A_384 = arith.constant 1 : i32
          %mul3A_385 = arith.muli %scan3A_383, %mul3A_384 : i32
          %add3A_386 = arith.constant 0 : i32
          %add3A_387 = arith.addi %add3A_386, %mul3A_385 : i32
          %get3A = arith.constant 1 : i32
          %get3A_388 = arith.index_cast %get3A : i32 to index
          %get3A_389 = arith.index_cast %add3A_387 : i32 to index
          %get3A_390 = arith.constant 0 : index
          %get3A_391 = tpu.vector_load %arg18[%get3A_388, %get3A_389, %get3A_390] {strides = array<i32>} : memref<2x80x128xf32, #tpu.memory_space<vmem>>, vector<1x1x16xf32>,
          %get3A_392 = vector.shape_cast %get3A_391 : vector<1x1x16xf32> to vector<16xf32>
          %get3A_393 = arith.constant 1 : i32
          %get3A_394 = arith.index_cast %get3A_393 : i32 to index
          %get3A_395 = arith.index_cast %add3A_387 : i32 to index
          %get3A_396 = arith.constant 0 : index
          %get3A_397 = tpu.vector_load %arg14[%get3A_394, %get3A_395, %get3A_396] {strides = array<i32>} : memref<2x80x128xf32, #tpu.memory_space<vmem>>, vector<1x1x16xf32>,
          %get3A_398 = vector.shape_cast %get3A_397 : vector<1x1x16xf32> to vector<16xf32>
          %add3A_399 = arith.addf %get3A_392, %get3A_398 : vector<16xf32>
          %max3A = arith.constant 0.000000e+00 : f32
          %max3A_400 = vector.broadcast %max3A : f32 to vector<16xf32>
          %max3A_401 = arith.maximumf %add3A_399, %max3A_400 : vector<16xf32>
          %swap3A = arith.constant 1 : i32
          %swap3A_402 = arith.index_cast %swap3A : i32 to index
          %swap3A_403 = arith.index_cast %add3A_387 : i32 to index
          %swap3A_404 = arith.constant 0 : index
          %swap3A_405 = tpu.vector_load %arg18[%swap3A_402, %swap3A_403, %swap3A_404] {strides = array<i32>} : memref<2x80x128xf32, #tpu.memory_space<vmem>>, vector<1x1x16xf32>,
          %swap3A_406 = vector.shape_cast %swap3A_405 : vector<1x1x16xf32> to vector<16xf32>
          %swap3A_407 = vector.shape_cast %max3A_401 : vector<16xf32> to vector<1x1x16xf32>
          tpu.vector_store %arg18[%swap3A_402, %swap3A_403, %swap3A_404], %swap3A_407 {strides = array<i32>} : memref<2x80x128xf32, #tpu.memory_space<vmem>>, vector<1x1x16xf32>,
          %get3A_408 = arith.constant 1 : i32
          %get3A_409 = arith.index_cast %get3A_408 : i32 to index
          %get3A_410 = arith.index_cast %add3A_387 : i32 to index
          %get3A_411 = arith.constant 16 : index
          %get3A_412 = tpu.vector_load %arg18[%get3A_409, %get3A_410, %get3A_411] {strides = array<i32>} : memref<2x80x128xf32, #tpu.memory_space<vmem>>, vector<1x1x16xf32>,
          %get3A_413 = vector.shape_cast %get3A_412 : vector<1x1x16xf32> to vector<16xf32>
          %get3A_414 = arith.constant 1 : i32
          %get3A_415 = arith.index_cast %get3A_414 : i32 to index
          %get3A_416 = arith.index_cast %add3A_387 : i32 to index
          %get3A_417 = arith.constant 16 : index
          %get3A_418 = tpu.vector_load %arg14[%get3A_415, %get3A_416, %get3A_417] {strides = array<i32>} : memref<2x80x128xf32, #tpu.memory_space<vmem>>, vector<1x1x16xf32>,
          %get3A_419 = vector.shape_cast %get3A_418 : vector<1x1x16xf32> to vector<16xf32>
          %add3A_420 = arith.addf %get3A_413, %get3A_419 : vector<16xf32>
          %max3A_421 = arith.constant 0.000000e+00 : f32
          %max3A_422 = vector.broadcast %max3A_421 : f32 to vector<16xf32>
          %max3A_423 = arith.maximumf %add3A_420, %max3A_422 : vector<16xf32>
          %swap3A_424 = arith.constant 1 : i32
          %swap3A_425 = arith.index_cast %swap3A_424 : i32 to index
          %swap3A_426 = arith.index_cast %add3A_387 : i32 to index
          %swap3A_427 = arith.constant 16 : index
          %swap3A_428 = tpu.vector_load %arg18[%swap3A_425, %swap3A_426, %swap3A_427] {strides = array<i32>} : memref<2x80x128xf32, #tpu.memory_space<vmem>>, vector<1x1x16xf32>,
          %swap3A_429 = vector.shape_cast %swap3A_428 : vector<1x1x16xf32> to vector<16xf32>
          %swap3A_430 = vector.shape_cast %max3A_423 : vector<16xf32> to vector<1x1x16xf32>
          tpu.vector_store %arg18[%swap3A_425, %swap3A_426, %swap3A_427], %swap3A_430 {strides = array<i32>} : memref<2x80x128xf32, #tpu.memory_space<vmem>>, vector<1x1x16xf32>,
          %get3A_431 = arith.constant 1 : i32
          %get3A_432 = arith.index_cast %get3A_431 : i32 to index
          %get3A_433 = arith.index_cast %add3A_387 : i32 to index
          %get3A_434 = arith.constant 32 : index
          %get3A_435 = tpu.vector_load %arg18[%get3A_432, %get3A_433, %get3A_434] {strides = array<i32>} : memref<2x80x128xf32, #tpu.memory_space<vmem>>, vector<1x1x16xf32>,
          %get3A_436 = vector.shape_cast %get3A_435 : vector<1x1x16xf32> to vector<16xf32>
          %get3A_437 = arith.constant 1 : i32
          %get3A_438 = arith.index_cast %get3A_437 : i32 to index
          %get3A_439 = arith.index_cast %add3A_387 : i32 to index
          %get3A_440 = arith.constant 32 : index
          %get3A_441 = tpu.vector_load %arg14[%get3A_438, %get3A_439, %get3A_440] {strides = array<i32>} : memref<2x80x128xf32, #tpu.memory_space<vmem>>, vector<1x1x16xf32>,
          %get3A_442 = vector.shape_cast %get3A_441 : vector<1x1x16xf32> to vector<16xf32>
          %add3A_443 = arith.addf %get3A_436, %get3A_442 : vector<16xf32>
          %max3A_444 = arith.constant 0.000000e+00 : f32
          %max3A_445 = vector.broadcast %max3A_444 : f32 to vector<16xf32>
          %max3A_446 = arith.maximumf %add3A_443, %max3A_445 : vector<16xf32>
          %swap3A_447 = arith.constant 1 : i32
          %swap3A_448 = arith.index_cast %swap3A_447 : i32 to index
          %swap3A_449 = arith.index_cast %add3A_387 : i32 to index
          %swap3A_450 = arith.constant 32 : index
          %swap3A_451 = tpu.vector_load %arg18[%swap3A_448, %swap3A_449, %swap3A_450] {strides = array<i32>} : memref<2x80x128xf32, #tpu.memory_space<vmem>>, vector<1x1x16xf32>,
          %swap3A_452 = vector.shape_cast %swap3A_451 : vector<1x1x16xf32> to vector<16xf32>
          %swap3A_453 = vector.shape_cast %max3A_446 : vector<16xf32> to vector<1x1x16xf32>
          tpu.vector_store %arg18[%swap3A_448, %swap3A_449, %swap3A_450], %swap3A_453 {strides = array<i32>} : memref<2x80x128xf32, #tpu.memory_space<vmem>>, vector<1x1x16xf32>,
          %get3A_454 = arith.constant 1 : i32
          %get3A_455 = arith.index_cast %get3A_454 : i32 to index
          %get3A_456 = arith.index_cast %add3A_387 : i32 to index
          %get3A_457 = arith.constant 48 : index
          %get3A_458 = tpu.vector_load %arg18[%get3A_455, %get3A_456, %get3A_457] {strides = array<i32>} : memref<2x80x128xf32, #tpu.memory_space<vmem>>, vector<1x1x16xf32>,
          %get3A_459 = vector.shape_cast %get3A_458 : vector<1x1x16xf32> to vector<16xf32>
          %get3A_460 = arith.constant 1 : i32
          %get3A_461 = arith.index_cast %get3A_460 : i32 to index
          %get3A_462 = arith.index_cast %add3A_387 : i32 to index
          %get3A_463 = arith.constant 48 : index
          %get3A_464 = tpu.vector_load %arg14[%get3A_461, %get3A_462, %get3A_463] {strides = array<i32>} : memref<2x80x128xf32, #tpu.memory_space<vmem>>, vector<1x1x16xf32>,
          %get3A_465 = vector.shape_cast %get3A_464 : vector<1x1x16xf32> to vector<16xf32>
          %add3A_466 = arith.addf %get3A_459, %get3A_465 : vector<16xf32>
          %max3A_467 = arith.constant 0.000000e+00 : f32
          %max3A_468 = vector.broadcast %max3A_467 : f32 to vector<16xf32>
          %max3A_469 = arith.maximumf %add3A_466, %max3A_468 : vector<16xf32>
          %swap3A_470 = arith.constant 1 : i32
          %swap3A_471 = arith.index_cast %swap3A_470 : i32 to index
          %swap3A_472 = arith.index_cast %add3A_387 : i32 to index
          %swap3A_473 = arith.constant 48 : index
          %swap3A_474 = tpu.vector_load %arg18[%swap3A_471, %swap3A_472, %swap3A_473] {strides = array<i32>} : memref<2x80x128xf32, #tpu.memory_space<vmem>>, vector<1x1x16xf32>,
          %swap3A_475 = vector.shape_cast %swap3A_474 : vector<1x1x16xf32> to vector<16xf32>
          %swap3A_476 = vector.shape_cast %max3A_469 : vector<16xf32> to vector<1x1x16xf32>
          tpu.vector_store %arg18[%swap3A_471, %swap3A_472, %swap3A_473], %swap3A_476 {strides = array<i32>} : memref<2x80x128xf32, #tpu.memory_space<vmem>>, vector<1x1x16xf32>,
          %get3A_477 = arith.constant 1 : i32
          %get3A_478 = arith.index_cast %get3A_477 : i32 to index
          %get3A_479 = arith.index_cast %add3A_387 : i32 to index
          %get3A_480 = arith.constant 64 : index
          %get3A_481 = tpu.vector_load %arg18[%get3A_478, %get3A_479, %get3A_480] {strides = array<i32>} : memref<2x80x128xf32, #tpu.memory_space<vmem>>, vector<1x1x16xf32>,
          %get3A_482 = vector.shape_cast %get3A_481 : vector<1x1x16xf32> to vector<16xf32>
          %get3A_483 = arith.constant 1 : i32
          %get3A_484 = arith.index_cast %get3A_483 : i32 to index
          %get3A_485 = arith.index_cast %add3A_387 : i32 to index
          %get3A_486 = arith.constant 64 : index
          %get3A_487 = tpu.vector_load %arg14[%get3A_484, %get3A_485, %get3A_486] {strides = array<i32>} : memref<2x80x128xf32, #tpu.memory_space<vmem>>, vector<1x1x16xf32>,
          %get3A_488 = vector.shape_cast %get3A_487 : vector<1x1x16xf32> to vector<16xf32>
          %add3A_489 = arith.addf %get3A_482, %get3A_488 : vector<16xf32>
          %max3A_490 = arith.constant 0.000000e+00 : f32
          %max3A_491 = vector.broadcast %max3A_490 : f32 to vector<16xf32>
          %max3A_492 = arith.maximumf %add3A_489, %max3A_491 : vector<16xf32>
          %swap3A_493 = arith.constant 1 : i32
          %swap3A_494 = arith.index_cast %swap3A_493 : i32 to index
          %swap3A_495 = arith.index_cast %add3A_387 : i32 to index
          %swap3A_496 = arith.constant 64 : index
          %swap3A_497 = tpu.vector_load %arg18[%swap3A_494, %swap3A_495, %swap3A_496] {strides = array<i32>} : memref<2x80x128xf32, #tpu.memory_space<vmem>>, vector<1x1x16xf32>,
          %swap3A_498 = vector.shape_cast %swap3A_497 : vector<1x1x16xf32> to vector<16xf32>
          %swap3A_499 = vector.shape_cast %max3A_492 : vector<16xf32> to vector<1x1x16xf32>
          tpu.vector_store %arg18[%swap3A_494, %swap3A_495, %swap3A_496], %swap3A_499 {strides = array<i32>} : memref<2x80x128xf32, #tpu.memory_space<vmem>>, vector<1x1x16xf32>,
          %get3A_500 = arith.constant 1 : i32
          %get3A_501 = arith.index_cast %get3A_500 : i32 to index
          %get3A_502 = arith.index_cast %add3A_387 : i32 to index
          %get3A_503 = arith.constant 80 : index
          %get3A_504 = tpu.vector_load %arg18[%get3A_501, %get3A_502, %get3A_503] {strides = array<i32>} : memref<2x80x128xf32, #tpu.memory_space<vmem>>, vector<1x1x16xf32>,
          %get3A_505 = vector.shape_cast %get3A_504 : vector<1x1x16xf32> to vector<16xf32>
          %get3A_506 = arith.constant 1 : i32
          %get3A_507 = arith.index_cast %get3A_506 : i32 to index
          %get3A_508 = arith.index_cast %add3A_387 : i32 to index
          %get3A_509 = arith.constant 80 : index
          %get3A_510 = tpu.vector_load %arg14[%get3A_507, %get3A_508, %get3A_509] {strides = array<i32>} : memref<2x80x128xf32, #tpu.memory_space<vmem>>, vector<1x1x16xf32>,
          %get3A_511 = vector.shape_cast %get3A_510 : vector<1x1x16xf32> to vector<16xf32>
          %add3A_512 = arith.addf %get3A_505, %get3A_511 : vector<16xf32>
          %max3A_513 = arith.constant 0.000000e+00 : f32
          %max3A_514 = vector.broadcast %max3A_513 : f32 to vector<16xf32>
          %max3A_515 = arith.maximumf %add3A_512, %max3A_514 : vector<16xf32>
          %swap3A_516 = arith.constant 1 : i32
          %swap3A_517 = arith.index_cast %swap3A_516 : i32 to index
          %swap3A_518 = arith.index_cast %add3A_387 : i32 to index
          %swap3A_519 = arith.constant 80 : index
          %swap3A_520 = tpu.vector_load %arg18[%swap3A_517, %swap3A_518, %swap3A_519] {strides = array<i32>} : memref<2x80x128xf32, #tpu.memory_space<vmem>>, vector<1x1x16xf32>,
          %swap3A_521 = vector.shape_cast %swap3A_520 : vector<1x1x16xf32> to vector<16xf32>
          %swap3A_522 = vector.shape_cast %max3A_515 : vector<16xf32> to vector<1x1x16xf32>
          tpu.vector_store %arg18[%swap3A_517, %swap3A_518, %swap3A_519], %swap3A_522 {strides = array<i32>} : memref<2x80x128xf32, #tpu.memory_space<vmem>>, vector<1x1x16xf32>,
          %get3A_523 = arith.constant 1 : i32
          %get3A_524 = arith.index_cast %get3A_523 : i32 to index
          %get3A_525 = arith.index_cast %add3A_387 : i32 to index
          %get3A_526 = arith.constant 96 : index
          %get3A_527 = tpu.vector_load %arg18[%get3A_524, %get3A_525, %get3A_526] {strides = array<i32>} : memref<2x80x128xf32, #tpu.memory_space<vmem>>, vector<1x1x16xf32>,
          %get3A_528 = vector.shape_cast %get3A_527 : vector<1x1x16xf32> to vector<16xf32>
          %get3A_529 = arith.constant 1 : i32
          %get3A_530 = arith.index_cast %get3A_529 : i32 to index
          %get3A_531 = arith.index_cast %add3A_387 : i32 to index
          %get3A_532 = arith.constant 96 : index
          %get3A_533 = tpu.vector_load %arg14[%get3A_530, %get3A_531, %get3A_532] {strides = array<i32>} : memref<2x80x128xf32, #tpu.memory_space<vmem>>, vector<1x1x16xf32>,
          %get3A_534 = vector.shape_cast %get3A_533 : vector<1x1x16xf32> to vector<16xf32>
          %add3A_535 = arith.addf %get3A_528, %get3A_534 : vector<16xf32>
          %max3A_536 = arith.constant 0.000000e+00 : f32
          %max3A_537 = vector.broadcast %max3A_536 : f32 to vector<16xf32>
          %max3A_538 = arith.maximumf %add3A_535, %max3A_537 : vector<16xf32>
          %swap3A_539 = arith.constant 1 : i32
          %swap3A_540 = arith.index_cast %swap3A_539 : i32 to index
          %swap3A_541 = arith.index_cast %add3A_387 : i32 to index
          %swap3A_542 = arith.constant 96 : index
          %swap3A_543 = tpu.vector_load %arg18[%swap3A_540, %swap3A_541, %swap3A_542] {strides = array<i32>} : memref<2x80x128xf32, #tpu.memory_space<vmem>>, vector<1x1x16xf32>,
          %swap3A_544 = vector.shape_cast %swap3A_543 : vector<1x1x16xf32> to vector<16xf32>
          %swap3A_545 = vector.shape_cast %max3A_538 : vector<16xf32> to vector<1x1x16xf32>
          tpu.vector_store %arg18[%swap3A_540, %swap3A_541, %swap3A_542], %swap3A_545 {strides = array<i32>} : memref<2x80x128xf32, #tpu.memory_space<vmem>>, vector<1x1x16xf32>,
          %get3A_546 = arith.constant 1 : i32
          %get3A_547 = arith.index_cast %get3A_546 : i32 to index
          %get3A_548 = arith.index_cast %add3A_387 : i32 to index
          %get3A_549 = arith.constant 112 : index
          %get3A_550 = tpu.vector_load %arg18[%get3A_547, %get3A_548, %get3A_549] {strides = array<i32>} : memref<2x80x128xf32, #tpu.memory_space<vmem>>, vector<1x1x16xf32>,
          %get3A_551 = vector.shape_cast %get3A_550 : vector<1x1x16xf32> to vector<16xf32>
          %get3A_552 = arith.constant 1 : i32
          %get3A_553 = arith.index_cast %get3A_552 : i32 to index
          %get3A_554 = arith.index_cast %add3A_387 : i32 to index
          %get3A_555 = arith.constant 112 : index
          %get3A_556 = tpu.vector_load %arg14[%get3A_553, %get3A_554, %get3A_555] {strides = array<i32>} : memref<2x80x128xf32, #tpu.memory_space<vmem>>, vector<1x1x16xf32>,
          %get3A_557 = vector.shape_cast %get3A_556 : vector<1x1x16xf32> to vector<16xf32>
          %add3A_558 = arith.addf %get3A_551, %get3A_557 : vector<16xf32>
          %max3A_559 = arith.constant 0.000000e+00 : f32
          %max3A_560 = vector.broadcast %max3A_559 : f32 to vector<16xf32>
          %max3A_561 = arith.maximumf %add3A_558, %max3A_560 : vector<16xf32>
          %swap3A_562 = arith.constant 1 : i32
          %swap3A_563 = arith.index_cast %swap3A_562 : i32 to index
          %swap3A_564 = arith.index_cast %add3A_387 : i32 to index
          %swap3A_565 = arith.constant 112 : index
          %swap3A_566 = tpu.vector_load %arg18[%swap3A_563, %swap3A_564, %swap3A_565] {strides = array<i32>} : memref<2x80x128xf32, #tpu.memory_space<vmem>>, vector<1x1x16xf32>,
          %swap3A_567 = vector.shape_cast %swap3A_566 : vector<1x1x16xf32> to vector<16xf32>
          %swap3A_568 = vector.shape_cast %max3A_561 : vector<16xf32> to vector<1x1x16xf32>
          tpu.vector_store %arg18[%swap3A_563, %swap3A_564, %swap3A_565], %swap3A_568 {strides = array<i32>} : memref<2x80x128xf32, #tpu.memory_space<vmem>>, vector<1x1x16xf32>,
        }
        %scan3A_367 = arith.constant 80 : i32
        %dma_start3A_368 = arith.constant 1 : i32
        %dma_start3A_369 = arith.constant 3 : i32
        %dma_start3A_370 = arith.constant 1 : i32
        %dma_start3A_371 = arith.constant 0 : i32
        %dma_start3A_372 = arith.constant 0 : i32
        %dma_start3A_373 = tpu.memref_slice %arg18[%dma_start3A_368, %dma_start3A_371, %dma_start3A_372] : memref<2x80x128xf32, #tpu.memory_space<vmem>> -> memref<1x80x128xf32, #tpu.memory_space<vmem>>
        %dma_start3A_374 = tpu.memref_squeeze %dma_start3A_373 : memref<1x80x128xf32, #tpu.memory_space<vmem>> -> memref<80x128xf32, #tpu.memory_space<vmem>>
        %dma_start3A_375 = arith.constant 0 : i32
        %dma_start3A_376 = tpu.memref_slice %arg13[%dma_start3A_369, %dma_start3A_375] : memref<4x80xi32, #tpu.memory_space<vmem>> -> memref<1x80xi32, #tpu.memory_space<vmem>>
        %dma_start3A_377 = tpu.memref_squeeze %dma_start3A_376 : memref<1x80xi32, #tpu.memory_space<vmem>> -> memref<80xi32, #tpu.memory_space<vmem>>
        %dma_start3A_378 = arith.constant 0 : i32
        %dma_start3A_379 = arith.constant 0 : i32
        %dma_start3A_380 = tpu.memref_slice %arg12[%dma_start3A_378, %dma_start3A_379] : memref<10112x128xf32, #tpu.memory_space<vmem_shared>> -> memref<10112x128xf32, #tpu.memory_space<vmem_shared>>
        %dma_start3A_381 = tpu.memref_slice %arg20[%dma_start3A_370] : memref<2x!tpu.dma_semaphore, #tpu.memory_space<semaphore_mem>> -> memref<1x!tpu.dma_semaphore, #tpu.memory_space<semaphore_mem>>
        %dma_start3A_382 = tpu.memref_squeeze %dma_start3A_381 : memref<1x!tpu.dma_semaphore, #tpu.memory_space<semaphore_mem>> -> memref<!tpu.dma_semaphore, #tpu.memory_space<semaphore_mem>>
        tpu.enqueue_indirect_dma source(%dma_start3A_374 : memref<80x128xf32, #tpu.memory_space<vmem>>) target(%dma_start3A_380 : memref<10112x128xf32, #tpu.memory_space<vmem_shared>>) offsets(%dma_start3A_377 : memref<80xi32, #tpu.memory_space<vmem>>) semaphore(%dma_start3A_382 : memref<!tpu.dma_semaphore, #tpu.memory_space<semaphore_mem>>) {add = true}
      } else {
      }
    }
    %scan3A_257 = arith.constant 7 : i32
    %dma_wait3A_258 = arith.constant 0 : i32
    %dma_wait3A_259 = arith.constant 0 : i32
    %dma_wait3A_260 = arith.constant 0 : i32
    %dma_wait3A_261 = arith.constant 0 : i32
    %dma_wait3A_262 = arith.constant 0 : i32
    %dma_wait3A_263 = tpu.memref_slice %arg18[%dma_wait3A_258, %dma_wait3A_261, %dma_wait3A_262] : memref<2x80x128xf32, #tpu.memory_space<vmem>> -> memref<1x80x128xf32, #tpu.memory_space<vmem>>
    %dma_wait3A_264 = tpu.memref_squeeze %dma_wait3A_263 : memref<1x80x128xf32, #tpu.memory_space<vmem>> -> memref<80x128xf32, #tpu.memory_space<vmem>>
    %dma_wait3A_265 = arith.constant 0 : i32
    %dma_wait3A_266 = tpu.memref_slice %arg13[%dma_wait3A_259, %dma_wait3A_265] : memref<4x80xi32, #tpu.memory_space<vmem>> -> memref<1x80xi32, #tpu.memory_space<vmem>>
    %dma_wait3A_267 = tpu.memref_squeeze %dma_wait3A_266 : memref<1x80xi32, #tpu.memory_space<vmem>> -> memref<80xi32, #tpu.memory_space<vmem>>
    %dma_wait3A_268 = arith.constant 0 : i32
    %dma_wait3A_269 = arith.constant 0 : i32
    %dma_wait3A_270 = tpu.memref_slice %arg12[%dma_wait3A_268, %dma_wait3A_269] : memref<10112x128xf32, #tpu.memory_space<vmem_shared>> -> memref<10112x128xf32, #tpu.memory_space<vmem_shared>>
    %dma_wait3A_271 = tpu.memref_slice %arg20[%dma_wait3A_260] : memref<2x!tpu.dma_semaphore, #tpu.memory_space<semaphore_mem>> -> memref<1x!tpu.dma_semaphore, #tpu.memory_space<semaphore_mem>>
    %dma_wait3A_272 = tpu.memref_squeeze %dma_wait3A_271 : memref<1x!tpu.dma_semaphore, #tpu.memory_space<semaphore_mem>> -> memref<!tpu.dma_semaphore, #tpu.memory_space<semaphore_mem>>
    tpu.wait_indirect_dma semaphore(%dma_wait3A_272 : memref<!tpu.dma_semaphore, #tpu.memory_space<semaphore_mem>>) src(%dma_wait3A_264 : memref<80x128xf32, #tpu.memory_space<vmem>>) dst(%dma_wait3A_270 : memref<10112x128xf32, #tpu.memory_space<vmem_shared>>)
    %barrier3A_273 = arith.constant 0 : index
    tpu.barrier barrier_id(%barrier3A_273)
    "tpu.region"() ({
      %run_scoped3A = tpu.sem_alloc : memref<!tpu.dma_semaphore, #tpu.memory_space<semaphore_mem>>
      %dma_start3A_274 = arith.constant 0 : i32
      %dma_start3A_275 = tpu.memref_slice %arg11[%arg0, %mul3A_2, %dma_start3A_274] : memref<2x10112x128xf32, #tpu.memory_space<hbm>> -> memref<1x632x128xf32, #tpu.memory_space<hbm>>
      %dma_start3A_276 = tpu.memref_squeeze %dma_start3A_275 : memref<1x632x128xf32, #tpu.memory_space<hbm>> -> memref<632x128xf32, #tpu.memory_space<hbm>>
      %dma_start3A_277 = arith.constant 0 : i32
      %dma_start3A_278 = tpu.memref_slice %arg12[%mul3A_2, %dma_start3A_277] : memref<10112x128xf32, #tpu.memory_space<vmem_shared>> -> memref<632x128xf32, #tpu.memory_space<vmem_shared>>
      tpu.enqueue_dma source(%dma_start3A_278 : memref<632x128xf32, #tpu.memory_space<vmem_shared>>) target(%dma_start3A_276 : memref<632x128xf32, #tpu.memory_space<hbm>>) target_semaphore(%run_scoped3A : memref<!tpu.dma_semaphore, #tpu.memory_space<semaphore_mem>>)
      %dma_wait3A_279 = arith.constant 0 : i32
      %dma_wait3A_280 = tpu.memref_slice %arg11[%arg0, %mul3A_2, %dma_wait3A_279] : memref<2x10112x128xf32, #tpu.memory_space<hbm>> -> memref<1x632x128xf32, #tpu.memory_space<hbm>>
      %dma_wait3A_281 = tpu.memref_squeeze %dma_wait3A_280 : memref<1x632x128xf32, #tpu.memory_space<hbm>> -> memref<632x128xf32, #tpu.memory_space<hbm>>
      %dma_wait3A_282 = arith.constant 0 : i32
      %dma_wait3A_283 = tpu.memref_slice %arg12[%mul3A_2, %dma_wait3A_282] : memref<10112x128xf32, #tpu.memory_space<vmem_shared>> -> memref<632x128xf32, #tpu.memory_space<vmem_shared>>
      tpu.wait_dma2 semaphore(%run_scoped3A : memref<!tpu.dma_semaphore, #tpu.memory_space<semaphore_mem>>) src(%dma_wait3A_283 : memref<632x128xf32, #tpu.memory_space<vmem_shared>>) dst(%dma_wait3A_281 : memref<632x128xf32, #tpu.memory_space<hbm>>)
      tpu.yield
    }) : () -> ()
    return
  }
}

module attributes {stable_mosaic.version = 14 : i64} {
  func.func @_tc_tail(%arg0: memref<10000x128xf32, #tpu.memory_space<vmem>>, %arg1: memref<2x10112x128xf32, #tpu.memory_space<vmem>>, %arg2: memref<2x10112x128xf32, #tpu.memory_space<vmem>>, %arg3: memref<128x128xf32, #tpu.memory_space<vmem>>, %arg4: memref<128xf32, #tpu.memory_space<vmem>>, %arg5: memref<128xf32, #tpu.memory_space<vmem>>, %arg6: memref<128xf32, #tpu.memory_space<vmem>>, %arg7: memref<128x128xf32, #tpu.memory_space<vmem>>, %arg8: memref<128xf32, #tpu.memory_space<vmem>>, %arg9: memref<128x128xf32, #tpu.memory_space<vmem>>, %arg10: memref<128xf32, #tpu.memory_space<vmem>>, %arg11: memref<128xf32, #tpu.memory_space<vmem>>, %arg12: memref<128xf32, #tpu.memory_space<vmem>>, %arg13: memref<128x128xf32, #tpu.memory_space<vmem>>, %arg14: memref<128xf32, #tpu.memory_space<vmem>>, %arg15: memref<128xf32, #tpu.memory_space<vmem>>, %arg16: memref<128xf32, #tpu.memory_space<vmem>>, %arg17: memref<4xf32, #tpu.memory_space<smem>>, %arg18: memref<10000x128xf32, #tpu.memory_space<vmem>>) attributes {dimension_semantics = [], scalar_prefetch = 0 : i64, scratch_operands = 0 : i64, tpu.core_type = #tpu.core_type<tc>} {
    %get3A = arith.constant 0 : index
    %get3A_0 = arith.constant 0 : index
    %get3A_1 = vector.load %arg0[%get3A, %get3A_0] : memref<10000x128xf32, #tpu.memory_space<vmem>>, vector<10000x128xf32>
    %get3A_2 = arith.constant 0 : index
    %get3A_3 = memref.load %arg17[%get3A_2] : memref<4xf32, #tpu.memory_space<smem>>
    %get3A_4 = arith.constant 1 : index
    %get3A_5 = memref.load %arg17[%get3A_4] : memref<4xf32, #tpu.memory_space<smem>>
    %get3A_6 = arith.constant 2 : index
    %get3A_7 = memref.load %arg17[%get3A_6] : memref<4xf32, #tpu.memory_space<smem>>
    %get3A_8 = arith.constant 3 : index
    %get3A_9 = memref.load %arg17[%get3A_8] : memref<4xf32, #tpu.memory_space<smem>>
    %get3A_10 = arith.constant 0 : index
    %get3A_11 = arith.constant 0 : index
    %get3A_12 = arith.constant 0 : index
    %get3A_13 = vector.load %arg1[%get3A_10, %get3A_11, %get3A_12] : memref<2x10112x128xf32, #tpu.memory_space<vmem>>, vector<1x10000x128xf32>
    %get3A_14 = vector.shape_cast %get3A_13 : vector<1x10000x128xf32> to vector<10000x128xf32>
    %get3A_15 = arith.constant 1 : index
    %get3A_16 = arith.constant 0 : index
    %get3A_17 = arith.constant 0 : index
    %get3A_18 = vector.load %arg1[%get3A_15, %get3A_16, %get3A_17] : memref<2x10112x128xf32, #tpu.memory_space<vmem>>, vector<1x10000x128xf32>
    %get3A_19 = vector.shape_cast %get3A_18 : vector<1x10000x128xf32> to vector<10000x128xf32>
    %add3A = arith.addf %get3A_14, %get3A_19 : vector<10000x128xf32>
    %get3A_20 = arith.constant 0 : index
    %get3A_21 = arith.constant 0 : index
    %get3A_22 = vector.load %arg3[%get3A_20, %get3A_21] : memref<128x128xf32, #tpu.memory_space<vmem>>, vector<128x128xf32>
    %get3A_23 = arith.constant 0 : index
    %get3A_24 = vector.load %arg4[%get3A_23] : memref<128xf32, #tpu.memory_space<vmem>>, vector<128xf32>
    %get3A_25 = arith.constant 0 : index
    %get3A_26 = vector.load %arg5[%get3A_25] : memref<128xf32, #tpu.memory_space<vmem>>, vector<128xf32>
    %get3A_27 = arith.constant 0 : index
    %get3A_28 = vector.load %arg6[%get3A_27] : memref<128xf32, #tpu.memory_space<vmem>>, vector<128xf32>
    %get3A_29 = arith.constant 0 : index
    %get3A_30 = arith.constant 0 : index
    %get3A_31 = vector.load %arg7[%get3A_29, %get3A_30] : memref<128x128xf32, #tpu.memory_space<vmem>>, vector<128x128xf32>
    %get3A_32 = arith.constant 0 : index
    %get3A_33 = vector.load %arg8[%get3A_32] : memref<128xf32, #tpu.memory_space<vmem>>, vector<128xf32>
    %add3A_34 = arith.constant 1.000000e+00 : f32
    %add3A_35 = arith.addf %add3A_34, %get3A_3 : f32
    %mul3A = vector.broadcast %add3A_35 : f32 to vector<10000x128xf32>
    %mul3A_36 = arith.mulf %mul3A, %get3A_1 : vector<10000x128xf32>
    %add3A_37 = arith.addf %mul3A_36, %add3A : vector<10000x128xf32>
    %dot_general3A = arith.constant dense<0.000000e+00> : vector<10000x128xf32>
    %dot_general3A_38 = tpu.matmul %add3A_37, %get3A_22, %dot_general3A {dimension_numbers = #tpu.dot_dimension_numbers<[1], [0], [0], [1], [0, 0, 1, 1], [], []>, transpose_lhs_hint = false} : vector<10000x128xf32>, vector<128x128xf32>, vector<10000x128xf32> -> vector<10000x128xf32>
    %broadcast_in_dim3A = vector.shape_cast %get3A_24 : vector<128xf32> to vector<1x128xf32>
    %add3A_39 = vector.broadcast %broadcast_in_dim3A : vector<1x128xf32> to vector<10000x128xf32>
    %add3A_40 = arith.addf %dot_general3A_38, %add3A_39 : vector<10000x128xf32>
    %reduce_sum3A = arith.constant dense<0.000000e+00> : vector<128xf32>
    %reduce_sum3A_41 = vector.multi_reduction <add>, %add3A_40, %reduce_sum3A [0] : vector<10000x128xf32> to vector<128xf32>
    %broadcast_in_dim3A_42 = vector.shape_cast %reduce_sum3A_41 : vector<128xf32> to vector<1x128xf32>
    %div3A = arith.constant 1.000000e+04 : f32
    %div3A_43 = vector.broadcast %div3A : f32 to vector<1x128xf32>
    %div3A_44 = arith.divf %broadcast_in_dim3A_42, %div3A_43 : vector<1x128xf32>
    %sub3A = vector.broadcast %div3A_44 : vector<1x128xf32> to vector<10000x128xf32>
    %sub3A_45 = arith.subf %add3A_40, %sub3A : vector<10000x128xf32>
    %sub3A_46 = vector.broadcast %div3A_44 : vector<1x128xf32> to vector<10000x128xf32>
    %sub3A_47 = arith.subf %add3A_40, %sub3A_46 : vector<10000x128xf32>
    %mul3A_48 = arith.mulf %sub3A_45, %sub3A_47 : vector<10000x128xf32>
    %reduce_sum3A_49 = arith.constant dense<0.000000e+00> : vector<128xf32>
    %reduce_sum3A_50 = vector.multi_reduction <add>, %mul3A_48, %reduce_sum3A_49 [0] : vector<10000x128xf32> to vector<128xf32>
    %broadcast_in_dim3A_51 = vector.shape_cast %reduce_sum3A_50 : vector<128xf32> to vector<1x128xf32>
    %div3A_52 = arith.constant 1.000000e+04 : f32
    %div3A_53 = vector.broadcast %div3A_52 : f32 to vector<1x128xf32>
    %div3A_54 = arith.divf %broadcast_in_dim3A_51, %div3A_53 : vector<1x128xf32>
    %sub3A_55 = vector.broadcast %div3A_44 : vector<1x128xf32> to vector<10000x128xf32>
    %sub3A_56 = arith.subf %add3A_40, %sub3A_55 : vector<10000x128xf32>
    %add3A_57 = arith.constant 9.99999974E-6 : f32
    %add3A_58 = vector.broadcast %add3A_57 : f32 to vector<1x128xf32>
    %add3A_59 = arith.addf %div3A_54, %add3A_58 : vector<1x128xf32>
    %rsqrt3A = math.rsqrt %add3A_59 : vector<1x128xf32>
    %mul3A_60 = vector.broadcast %rsqrt3A : vector<1x128xf32> to vector<10000x128xf32>
    %mul3A_61 = arith.mulf %sub3A_56, %mul3A_60 : vector<10000x128xf32>
    %broadcast_in_dim3A_62 = vector.shape_cast %get3A_26 : vector<128xf32> to vector<1x128xf32>
    %mul3A_63 = vector.broadcast %broadcast_in_dim3A_62 : vector<1x128xf32> to vector<10000x128xf32>
    %mul3A_64 = arith.mulf %mul3A_61, %mul3A_63 : vector<10000x128xf32>
    %broadcast_in_dim3A_65 = vector.shape_cast %get3A_28 : vector<128xf32> to vector<1x128xf32>
    %add3A_66 = vector.broadcast %broadcast_in_dim3A_65 : vector<1x128xf32> to vector<10000x128xf32>
    %add3A_67 = arith.addf %mul3A_64, %add3A_66 : vector<10000x128xf32>
    %max3A = arith.constant 0.000000e+00 : f32
    %max3A_68 = vector.broadcast %max3A : f32 to vector<10000x128xf32>
    %max3A_69 = arith.maximumf %add3A_67, %max3A_68 : vector<10000x128xf32>
    %dot_general3A_70 = arith.constant dense<0.000000e+00> : vector<10000x128xf32>
    %dot_general3A_71 = tpu.matmul %max3A_69, %get3A_31, %dot_general3A_70 {dimension_numbers = #tpu.dot_dimension_numbers<[1], [0], [0], [1], [0, 0, 1, 1], [], []>, transpose_lhs_hint = false} : vector<10000x128xf32>, vector<128x128xf32>, vector<10000x128xf32> -> vector<10000x128xf32>
    %broadcast_in_dim3A_72 = vector.shape_cast %get3A_33 : vector<128xf32> to vector<1x128xf32>
    %add3A_73 = vector.broadcast %broadcast_in_dim3A_72 : vector<1x128xf32> to vector<10000x128xf32>
    %add3A_74 = arith.addf %dot_general3A_71, %add3A_73 : vector<10000x128xf32>
    %get3A_75 = arith.constant 0 : index
    %get3A_76 = arith.constant 0 : index
    %get3A_77 = arith.constant 0 : index
    %get3A_78 = vector.load %arg2[%get3A_75, %get3A_76, %get3A_77] : memref<2x10112x128xf32, #tpu.memory_space<vmem>>, vector<1x10000x128xf32>
    %get3A_79 = vector.shape_cast %get3A_78 : vector<1x10000x128xf32> to vector<10000x128xf32>
    %get3A_80 = arith.constant 1 : index
    %get3A_81 = arith.constant 0 : index
    %get3A_82 = arith.constant 0 : index
    %get3A_83 = vector.load %arg2[%get3A_80, %get3A_81, %get3A_82] : memref<2x10112x128xf32, #tpu.memory_space<vmem>>, vector<1x10000x128xf32>
    %get3A_84 = vector.shape_cast %get3A_83 : vector<1x10000x128xf32> to vector<10000x128xf32>
    %add3A_85 = arith.addf %get3A_79, %get3A_84 : vector<10000x128xf32>
    %get3A_86 = arith.constant 0 : index
    %get3A_87 = arith.constant 0 : index
    %get3A_88 = vector.load %arg9[%get3A_86, %get3A_87] : memref<128x128xf32, #tpu.memory_space<vmem>>, vector<128x128xf32>
    %get3A_89 = arith.constant 0 : index
    %get3A_90 = vector.load %arg10[%get3A_89] : memref<128xf32, #tpu.memory_space<vmem>>, vector<128xf32>
    %get3A_91 = arith.constant 0 : index
    %get3A_92 = vector.load %arg11[%get3A_91] : memref<128xf32, #tpu.memory_space<vmem>>, vector<128xf32>
    %get3A_93 = arith.constant 0 : index
    %get3A_94 = vector.load %arg12[%get3A_93] : memref<128xf32, #tpu.memory_space<vmem>>, vector<128xf32>
    %get3A_95 = arith.constant 0 : index
    %get3A_96 = arith.constant 0 : index
    %get3A_97 = vector.load %arg13[%get3A_95, %get3A_96] : memref<128x128xf32, #tpu.memory_space<vmem>>, vector<128x128xf32>
    %get3A_98 = arith.constant 0 : index
    %get3A_99 = vector.load %arg14[%get3A_98] : memref<128xf32, #tpu.memory_space<vmem>>, vector<128xf32>
    %add3A_100 = arith.constant 1.000000e+00 : f32
    %add3A_101 = arith.addf %add3A_100, %get3A_5 : f32
    %mul3A_102 = vector.broadcast %add3A_101 : f32 to vector<10000x128xf32>
    %mul3A_103 = arith.mulf %mul3A_102, %get3A_1 : vector<10000x128xf32>
    %add3A_104 = arith.addf %mul3A_103, %add3A_85 : vector<10000x128xf32>
    %dot_general3A_105 = arith.constant dense<0.000000e+00> : vector<10000x128xf32>
    %dot_general3A_106 = tpu.matmul %add3A_104, %get3A_88, %dot_general3A_105 {dimension_numbers = #tpu.dot_dimension_numbers<[1], [0], [0], [1], [0, 0, 1, 1], [], []>, transpose_lhs_hint = false} : vector<10000x128xf32>, vector<128x128xf32>, vector<10000x128xf32> -> vector<10000x128xf32>
    %broadcast_in_dim3A_107 = vector.shape_cast %get3A_90 : vector<128xf32> to vector<1x128xf32>
    %add3A_108 = vector.broadcast %broadcast_in_dim3A_107 : vector<1x128xf32> to vector<10000x128xf32>
    %add3A_109 = arith.addf %dot_general3A_106, %add3A_108 : vector<10000x128xf32>
    %reduce_sum3A_110 = arith.constant dense<0.000000e+00> : vector<128xf32>
    %reduce_sum3A_111 = vector.multi_reduction <add>, %add3A_109, %reduce_sum3A_110 [0] : vector<10000x128xf32> to vector<128xf32>
    %broadcast_in_dim3A_112 = vector.shape_cast %reduce_sum3A_111 : vector<128xf32> to vector<1x128xf32>
    %div3A_113 = arith.constant 1.000000e+04 : f32
    %div3A_114 = vector.broadcast %div3A_113 : f32 to vector<1x128xf32>
    %div3A_115 = arith.divf %broadcast_in_dim3A_112, %div3A_114 : vector<1x128xf32>
    %sub3A_116 = vector.broadcast %div3A_115 : vector<1x128xf32> to vector<10000x128xf32>
    %sub3A_117 = arith.subf %add3A_109, %sub3A_116 : vector<10000x128xf32>
    %sub3A_118 = vector.broadcast %div3A_115 : vector<1x128xf32> to vector<10000x128xf32>
    %sub3A_119 = arith.subf %add3A_109, %sub3A_118 : vector<10000x128xf32>
    %mul3A_120 = arith.mulf %sub3A_117, %sub3A_119 : vector<10000x128xf32>
    %reduce_sum3A_121 = arith.constant dense<0.000000e+00> : vector<128xf32>
    %reduce_sum3A_122 = vector.multi_reduction <add>, %mul3A_120, %reduce_sum3A_121 [0] : vector<10000x128xf32> to vector<128xf32>
    %broadcast_in_dim3A_123 = vector.shape_cast %reduce_sum3A_122 : vector<128xf32> to vector<1x128xf32>
    %div3A_124 = arith.constant 1.000000e+04 : f32
    %div3A_125 = vector.broadcast %div3A_124 : f32 to vector<1x128xf32>
    %div3A_126 = arith.divf %broadcast_in_dim3A_123, %div3A_125 : vector<1x128xf32>
    %sub3A_127 = vector.broadcast %div3A_115 : vector<1x128xf32> to vector<10000x128xf32>
    %sub3A_128 = arith.subf %add3A_109, %sub3A_127 : vector<10000x128xf32>
    %add3A_129 = arith.constant 9.99999974E-6 : f32
    %add3A_130 = vector.broadcast %add3A_129 : f32 to vector<1x128xf32>
    %add3A_131 = arith.addf %div3A_126, %add3A_130 : vector<1x128xf32>
    %rsqrt3A_132 = math.rsqrt %add3A_131 : vector<1x128xf32>
    %mul3A_133 = vector.broadcast %rsqrt3A_132 : vector<1x128xf32> to vector<10000x128xf32>
    %mul3A_134 = arith.mulf %sub3A_128, %mul3A_133 : vector<10000x128xf32>
    %broadcast_in_dim3A_135 = vector.shape_cast %get3A_92 : vector<128xf32> to vector<1x128xf32>
    %mul3A_136 = vector.broadcast %broadcast_in_dim3A_135 : vector<1x128xf32> to vector<10000x128xf32>
    %mul3A_137 = arith.mulf %mul3A_134, %mul3A_136 : vector<10000x128xf32>
    %broadcast_in_dim3A_138 = vector.shape_cast %get3A_94 : vector<128xf32> to vector<1x128xf32>
    %add3A_139 = vector.broadcast %broadcast_in_dim3A_138 : vector<1x128xf32> to vector<10000x128xf32>
    %add3A_140 = arith.addf %mul3A_137, %add3A_139 : vector<10000x128xf32>
    %max3A_141 = arith.constant 0.000000e+00 : f32
    %max3A_142 = vector.broadcast %max3A_141 : f32 to vector<10000x128xf32>
    %max3A_143 = arith.maximumf %add3A_140, %max3A_142 : vector<10000x128xf32>
    %dot_general3A_144 = arith.constant dense<0.000000e+00> : vector<10000x128xf32>
    %dot_general3A_145 = tpu.matmul %max3A_143, %get3A_97, %dot_general3A_144 {dimension_numbers = #tpu.dot_dimension_numbers<[1], [0], [0], [1], [0, 0, 1, 1], [], []>, transpose_lhs_hint = false} : vector<10000x128xf32>, vector<128x128xf32>, vector<10000x128xf32> -> vector<10000x128xf32>
    %broadcast_in_dim3A_146 = vector.shape_cast %get3A_99 : vector<128xf32> to vector<1x128xf32>
    %add3A_147 = vector.broadcast %broadcast_in_dim3A_146 : vector<1x128xf32> to vector<10000x128xf32>
    %add3A_148 = arith.addf %dot_general3A_145, %add3A_147 : vector<10000x128xf32>
    %mul3A_149 = vector.broadcast %get3A_7 : f32 to vector<10000x128xf32>
    %mul3A_150 = arith.mulf %mul3A_149, %add3A_74 : vector<10000x128xf32>
    %add3A_151 = arith.addf %get3A_1, %mul3A_150 : vector<10000x128xf32>
    %mul3A_152 = vector.broadcast %get3A_9 : f32 to vector<10000x128xf32>
    %mul3A_153 = arith.mulf %mul3A_152, %add3A_148 : vector<10000x128xf32>
    %add3A_154 = arith.addf %add3A_151, %mul3A_153 : vector<10000x128xf32>
    %get3A_155 = arith.constant 0 : index
    %get3A_156 = vector.load %arg15[%get3A_155] : memref<128xf32, #tpu.memory_space<vmem>>, vector<128xf32>
    %get3A_157 = arith.constant 0 : index
    %get3A_158 = vector.load %arg16[%get3A_157] : memref<128xf32, #tpu.memory_space<vmem>>, vector<128xf32>
    %reduce_sum3A_159 = arith.constant dense<0.000000e+00> : vector<128xf32>
    %reduce_sum3A_160 = vector.multi_reduction <add>, %add3A_154, %reduce_sum3A_159 [0] : vector<10000x128xf32> to vector<128xf32>
    %broadcast_in_dim3A_161 = vector.shape_cast %reduce_sum3A_160 : vector<128xf32> to vector<1x128xf32>
    %div3A_162 = arith.constant 1.000000e+04 : f32
    %div3A_163 = vector.broadcast %div3A_162 : f32 to vector<1x128xf32>
    %div3A_164 = arith.divf %broadcast_in_dim3A_161, %div3A_163 : vector<1x128xf32>
    %sub3A_165 = vector.broadcast %div3A_164 : vector<1x128xf32> to vector<10000x128xf32>
    %sub3A_166 = arith.subf %add3A_154, %sub3A_165 : vector<10000x128xf32>
    %sub3A_167 = vector.broadcast %div3A_164 : vector<1x128xf32> to vector<10000x128xf32>
    %sub3A_168 = arith.subf %add3A_154, %sub3A_167 : vector<10000x128xf32>
    %mul3A_169 = arith.mulf %sub3A_166, %sub3A_168 : vector<10000x128xf32>
    %reduce_sum3A_170 = arith.constant dense<0.000000e+00> : vector<128xf32>
    %reduce_sum3A_171 = vector.multi_reduction <add>, %mul3A_169, %reduce_sum3A_170 [0] : vector<10000x128xf32> to vector<128xf32>
    %broadcast_in_dim3A_172 = vector.shape_cast %reduce_sum3A_171 : vector<128xf32> to vector<1x128xf32>
    %div3A_173 = arith.constant 1.000000e+04 : f32
    %div3A_174 = vector.broadcast %div3A_173 : f32 to vector<1x128xf32>
    %div3A_175 = arith.divf %broadcast_in_dim3A_172, %div3A_174 : vector<1x128xf32>
    %sub3A_176 = vector.broadcast %div3A_164 : vector<1x128xf32> to vector<10000x128xf32>
    %sub3A_177 = arith.subf %add3A_154, %sub3A_176 : vector<10000x128xf32>
    %add3A_178 = arith.constant 9.99999974E-6 : f32
    %add3A_179 = vector.broadcast %add3A_178 : f32 to vector<1x128xf32>
    %add3A_180 = arith.addf %div3A_175, %add3A_179 : vector<1x128xf32>
    %rsqrt3A_181 = math.rsqrt %add3A_180 : vector<1x128xf32>
    %mul3A_182 = vector.broadcast %rsqrt3A_181 : vector<1x128xf32> to vector<10000x128xf32>
    %mul3A_183 = arith.mulf %sub3A_177, %mul3A_182 : vector<10000x128xf32>
    %broadcast_in_dim3A_184 = vector.shape_cast %get3A_156 : vector<128xf32> to vector<1x128xf32>
    %mul3A_185 = vector.broadcast %broadcast_in_dim3A_184 : vector<1x128xf32> to vector<10000x128xf32>
    %mul3A_186 = arith.mulf %mul3A_183, %mul3A_185 : vector<10000x128xf32>
    %broadcast_in_dim3A_187 = vector.shape_cast %get3A_158 : vector<128xf32> to vector<1x128xf32>
    %add3A_188 = vector.broadcast %broadcast_in_dim3A_187 : vector<1x128xf32> to vector<10000x128xf32>
    %add3A_189 = arith.addf %mul3A_186, %add3A_188 : vector<10000x128xf32>
    %max3A_190 = arith.constant 0.000000e+00 : f32
    %max3A_191 = vector.broadcast %max3A_190 : f32 to vector<10000x128xf32>
    %max3A_192 = arith.maximumf %add3A_189, %max3A_191 : vector<10000x128xf32>
    %swap3A = arith.constant 0 : index
    %swap3A_193 = arith.constant 0 : index
    %swap3A_194 = vector.load %arg18[%swap3A, %swap3A_193] : memref<10000x128xf32, #tpu.memory_space<vmem>>, vector<10000x128xf32>
    tpu.vector_store %arg18[%swap3A, %swap3A_193], %max3A_192 {strides = array<i32>} : memref<10000x128xf32, #tpu.memory_space<vmem>>, vector<10000x128xf32>,
    return
  }
}

</mosaic_0001>

<sc_bundles>
// kernel: kernel.4.cloned.1.call-start
scs
__scs_entry_jumppad:
0x0: {  	(pc) =	sbr.rel $0x88, $3  }
0x1: {  	(tag) =	ssettag $0x0;
	lr =	simm.s32 $0x1  }
0x2: {  	[smem:$0x3F8A] =	sst lr;
	_ =	strace $0xD0000000  }
0x3: {  	_ = 	snop  }
0x4: {  	_ = 	snop  }
0x5: {  	_ = 	snop  }
0x6: {  	_ = 	snop  }
0x7: {  	_ = 	snop  }
__scs_overlays_trampoline_lowered:
0x8: {  	[smem:$0x3F99] =	sst s0  }
0x9: {  	[smem:$0x3F9A] =	sst s1  }
0xa: {  	[smem:$0x3F9B] =	sst s2  }
0xb: {  	[smem:$0x3F9C] =	sst s3  }
0xc: {  	[smem:$0x3F9D] =	sst s4  }
0xd: {  	[smem:$0x3F9E] =	sst s5  }
0xe: {  	[smem:$0x3F9F] =	sst s6  }
0xf: {  	[smem:$0x3FA0] =	sst s7  }
0x10: {  	[smem:$0x3FA1] =	sst s8  }
0x11: {  	[smem:$0x3FA2] =	sst s9;
	s0 =	simm.s32 @!p0 $0x0  }
0x12: {  	s1 =	sld [smem:$0x3F88];
	s0 =	simm.s32 @p0 $0x1  }
0x13: {  	[smem:$0x3FA3] =	sst s0;
	s0 =	simm.s32 @!p1 $0x0  }
0x14: {  	s2 =	sld [smem:$0x3F87];
	s0 =	simm.s32 @p1 $0x1  }
0x15: {  	[smem:$0x3FA4] =	sst s0;
	s0 =	simm.s32 @!p2 $0x0  }
0x16: {  	s3 =	sld [smem:$0x3FDB];
	s0 =	simm.s32 @p2 $0x1  }
0x17: {  	s4 =	simm.s32 $0x1BF5;
	[smem:$0x3FA6] =	sst s0  }
0x18: {  	s0 =	sld [smem:$0x3F89];
	_ =	swait.ge [sflag:s4], $0x0  }
0x19: {  	s7 =	sld [smem:$0x3F8A]  }
0x1a: {  	s8 =	sadd.s32 $0xFFFFE003, lr  }
0x1b: {  	s9 =	sadd.s32 $0xFFFFFEF7, lr;
	s5 =	simm.s32 $0xFFFFFFFF;
	p2 =	slt.u32 s8, $0xFFFFF086  }
0x1c: {  	p1 =	slt.u32 s9, $0xF7A;
	s5 =	simm.s32 @!p2 $0x0  }
0x1d: {  	s5 =	simm.s32 @p1 $0x1;
	p0 =	seq.s32 s7, s2  }
0x1e: {  	s7 =	smul.u32 @!p0 $0xF7A, s2;
	p2 =	seq.s32 @!p0 s5, $0x0  }
0x1f: {  	s9 =	smul.u32 $0xF7A, s1;
	s8 =	simm.s32 @!p0 $0x1BF5;
	p2 =	por !p2, p0  }
0x20: {  	[sflag:s8] =	ssyncset.s32 @!p0 $0xFFFFF086;
	s6 =	sadd.s32 @!p0 s3, s7;
	s7 =	simm.s32 @!p0 $0x108  }
0x21: {  	s3 =	sadd.s32 s3, s9;
	s6 =	sadd.s32 @!p0 $0x88, s6;
	s7 =	simm.s32 @p2 $0x1082  }
0x22: {  	[simem:s7], [sflag:s8] =	dma.local @!p0 [hbm:s6], $0xF7A  }
0x23: {  	s9 =	sor.u32 $0xD0000000, s2;
	s6 =	simm.s32 $0x108;
	_ =	swait.ge @!p0 [sflag:s8], $0x0  }
0x24: {  	s3 =	sadd.s32 $0x88, s3;
	s6 =	simm.s32 @!p1 $0x1082;
	[sflag:s4] =	ssyncset.s32 $0xFFFFF086  }
0x25: {  	[simem:s6], [sflag:s4] =	dma.local [hbm:s3], $0xF7A  }
0x26: {  	[smem:$0x3F8A] =	sst s1;
	(tag) =	ssettag s2;
	_ =	strace s9  }
0x27: {  	s1 =	sld [smem:$0x3F9A]  }
0x28: {  	s2 =	sld [smem:$0x3F9B]  }
0x29: {  	s4 =	sld [smem:$0x3F9D]  }
0x2a: {  	p0 =	seq.s32 s5, $0x0;
	s5 =	sld [smem:$0x3F9E]  }
0x2b: {  	s6 =	sld [smem:$0x3F9F]  }
0x2c: {  	s7 =	sld [smem:$0x3FA0]  }
0x2d: {  	s3 =	simm.s32 $0x108;
	s8 =	sld [smem:$0x3FA1]  }
0x2e: {  	s3 =	simm.s32 @!p0 $0x1082;
	s9 =	sld [smem:$0x3FA2]  }
0x2f: {  	lr =	sadd.s32 s0, s3;
	s0 =	sld [smem:$0x3F99]  }
0x30: {  	s3 =	sld [smem:$0x3F9C]  }
0x31: {  	[smem:$0x3FA5] =	sst s10  }
0x32: {  	s10 =	sld [smem:$0x3FA3];
	_ =	sdelay $0x3  }
0x33: {  	p0 =	seq.s32 s10, $0x1;
	s10 =	sld [smem:$0x3FA5];
	_ =	sdelay $0x3  }
0x34: {  	[smem:$0x3FA5] =	sst s10  }
0x35: {  	s10 =	sld [smem:$0x3FA4];
	_ =	sdelay $0x3  }
0x36: {  	p1 =	seq.s32 s10, $0x1;
	s10 =	sld [smem:$0x3FA5];
	_ =	sdelay $0x3  }
0x37: {  	[smem:$0x3FA5] =	sst s10  }
0x38: {  	s10 =	sld [smem:$0x3FA6]  }
0x39: {  	_ = 	snop;
	(pc) =	sbr.ind lr, $3  }
0x3a: {  	_ = 	snop  }
0x3b: {  	_ = 	snop  }
0x3c: {  	p2 =	seq.s32 s10, $0x1;
	s10 =	sld [smem:$0x3FA5]  }
0x3d: {  	_ =	shalt  }
0x3e: {  	_ =	shalt  }
0x3f: {  	_ =	shalt  }
0x40: {  	_ =	shalt  }
0x41: {  	_ =	shalt  }
0x42: {  	_ =	shalt  }
0x43: {  	_ =	shalt  }
0x44: {  	_ =	shalt  }
0x45: {  	_ =	shalt  }
0x46: {  	_ =	shalt  }
0x47: {  	_ =	shalt  }
0x48: {  	_ =	shalt  }
0x49: {  	_ =	shalt  }
0x4a: {  	_ =	shalt  }
0x4b: {  	_ =	shalt  }
0x4c: {  	_ =	shalt  }
0x4d: {  	_ =	shalt  }
0x4e: {  	_ =	shalt  }
0x4f: {  	_ =	shalt  }
0x50: {  	_ =	shalt  }
0x51: {  	_ =	shalt  }
0x52: {  	_ =	shalt  }
0x53: {  	_ =	shalt  }
0x54: {  	_ =	shalt  }
0x55: {  	_ =	shalt  }
0x56: {  	_ =	shalt  }
0x57: {  	_ =	shalt  }
0x58: {  	_ =	shalt  }
0x59: {  	_ =	shalt  }
0x5a: {  	_ =	shalt  }
0x5b: {  	_ =	shalt  }
0x5c: {  	_ =	shalt  }
0x5d: {  	_ =	shalt  }
0x5e: {  	_ =	shalt  }
0x5f: {  	_ =	shalt  }
0x60: {  	_ =	shalt  }
0x61: {  	_ =	shalt  }
0x62: {  	_ =	shalt  }
0x63: {  	_ =	shalt  }
0x64: {  	_ =	shalt  }
0x65: {  	_ =	shalt  }
0x66: {  	_ =	shalt  }
0x67: {  	_ =	shalt  }
0x68: {  	_ =	shalt  }
0x69: {  	_ =	shalt  }
0x6a: {  	_ =	shalt  }
0x6b: {  	_ =	shalt  }
0x6c: {  	_ =	shalt  }
0x6d: {  	_ =	shalt  }
0x6e: {  	_ =	shalt  }
0x6f: {  	_ =	shalt  }
0x70: {  	_ =	shalt  }
0x71: {  	_ =	shalt  }
0x72: {  	_ =	shalt  }
0x73: {  	_ =	shalt  }
0x74: {  	_ =	shalt  }
0x75: {  	_ =	shalt  }
0x76: {  	_ =	shalt  }
0x77: {  	_ =	shalt  }
0x78: {  	_ =	shalt  }
0x79: {  	_ =	shalt  }
0x7a: {  	_ =	shalt  }
0x7b: {  	_ =	shalt  }
0x7c: {  	_ =	shalt  }
0x7d: {  	_ =	shalt  }
0x7e: {  	_ =	shalt  }
0x7f: {  	_ =	shalt  }
0x80: {  	_ =	shalt  }
0x81: {  	_ =	shalt  }
0x82: {  	_ =	shalt  }
0x83: {  	_ =	shalt  }
0x84: {  	_ =	shalt  }
0x85: {  	_ =	shalt  }
0x86: {  	_ =	shalt  }
0x87: {  	_ =	shalt  }
.Lfunc_end0:
.L_simem_size_0:
called_computation_lowered:
.L_overlay_start_0:
0x88: {  	s2 =	sld [smem:$0x3FD9]  }
0x89: {  	s3 =	sld [smem:$0x3FFE];
	_ =	sdelay $0x1  }
0x8a: {  	s1 =	srdreg.scid  }
0x8b: {  	s0 =	sand.u32 $0x1, s1  }
0x8c: {  	s17 =	sshll.u32 s0, $0xA;
	s2 =	sadd.s32 s3, s2  }
0x8d: {  	s2 =	sadd.s32 s2, s17  }
0x8e: {  	[smem:$0x3FB1] =	sst s2  }
0x8f: {  	_ = 	snop  }
0x90: {  	s2 =	sld [smem:$0x3FC9]  }
0x91: {  	s18 =	sld [smem:$0x3FC7]  }
0x92: {  	s4 =	sld [smem:$0x3FC5]  }
0x93: {  	s5 =	sld [smem:$0x3FD0];
	(tm) =	ssettm $0x1  }
0x94: {  	s6 =	sld [smem:$0x3FFB];
	_ =	sdelay $0x3  }
0x95: {  	_ =	strace s6  }
0x96: {  	s6 =	sld [smem:$0x3FFC];
	_ =	sdelay $0x3  }
0x97: {  	_ =	strace s6  }
0x98: {  	s6 =	sld [smem:$0x3FFD];
	_ =	sdelay $0x3  }
0x99: {  	_ =	strace s6  }
0x9a: {  	_ =	strace $0x8FFFFFFF  }
0x9b: {  	s19 =	sld [smem:$0x3FDB];
	_ =	sdelay $0x1  }
0x9c: {  	s7 =	simm.s32 $_scs_section_size  }
0x9d: {  	s8 =	simm.s32 $_size__tile_overlayer_lowered;
	s9 =	simm.s32 $_tile_overlayer_lowered  }
0x9e: {  	s22 =	simm.s32 $0x1BFF;
	s21 =	sshll.u32 s9, $0x1;
	s6 =	sadd.s32 s7, s19  }
0x9f: {  	s10 =	simm.s32 $0x0;
	s20 =	sshll.u32 s8, $0x1;
	s8 =	sadd.s32 s21, s6  }
0xa0: {  	[timem:s10], [sflag:s22] =	dma.local [hbm:s8], s20  }
0xa1: {  	_ =	swait.ge [sflag:s22], s20  }
0xa2: {  	s7 =	ssub.s32 $0x0, s20;
	[sflag:s22] =	ssyncset.done $0x0  }
0xa3: {  	[sflag:s22] =	ssyncadd.s32 s7;
	_ =	sdelay $0x1  }
0xa4: {  	s23 =	simm.s32 $0x1B8B  }
0xa5: {  	_ =	swait.ge [sflag:s23], $0x1  }
0xa6: {  	[sflag:s23] =	ssyncset.done $0x0  }
0xa7: {  	s25 =	simm.s32 $0x1B8E;
	s24 =	sld [smem:$0x3FFE];
	[sflag:s23] =	ssyncadd.s32 $0xFFFFFFFF  }
0xa8: {  	s26 =	simm.s32 $execute0_lowered;
	[smem:$0x3FD2] =	sst s25  }
0xa9: {  	s8 =	sshll.u32 s26, $0x1;
	_ =	strace $0x80000046;
	[dreg:$0x1] =	wrdreg $0xFFFFFFFF  }
0xaa: {  	s28 =	simm.s32 $_size_execute0_lowered;
	s6 =	sadd.s32 s6, s8;
	[dreg:$0x0] =	wrdreg $0x0  }
0xab: {  	s8 =	sshll.u32 s28, $0x1;
	[dreg:$0x2] =	wrdreg s6  }
0xac: {  	[dreg:$0x3] =	wrdreg s8  }
0xad: {  	[dreg:$0x4] =	wrdreg $0xC0  }
0xae: {  	_ =	task [dreg:s10], $0x5FFFF  }
0xaf: {  	[dreg:$0x1] =	wrdreg $0xFFFFFFFF  }
0xb0: {  	[dreg:$0x0] =	wrdreg $0x60  }
0xb1: {  	[dreg:$0x2] =	wrdreg s2  }
0xb2: {  	[dreg:$0x3] =	wrdreg s24  }
0xb3: {  	[dreg:$0x4] =	wrdreg s5  }
0xb4: {  	[dreg:$0x5] =	wrdreg s18  }
0xb5: {  	[dreg:$0x6] =	wrdreg s4  }
0xb6: {  	[dreg:$0x7] =	wrdreg $0x0  }
0xb7: {  	[dreg:$0x8] =	wrdreg $0x9  }
0xb8: {  	_ =	task.clear_ibuf [dreg:s10], $0x9FFFF;
	_ =	strace $0x90000046  }
0xb9: {  	s29 =	simm.s32 $0x9;
	_ =	strace $0x80000048  }
0xba: {  	_ =	swait.ge [sflag:s29], $0x1  }
0xbb: {  	[sflag:s29] =	ssyncadd.s32 $0xFFFFFFFF  }
0xbc: {  	_ =	strace $0x90000048  }
0xbd: {  	_ =	sfence  }
0xbe: {  	s30 =	sld [smem:$0x0];
	_ =	sdelay $0x2  }
0xbf: {  	s31 =	sshll.u32 s1, $0xD;
	s1 =	sshrl.u32 s1, $0x2  }
0xc0: {  	s3 =	sand.u32 $0x4000, s31;
	s1 =	sadd.s32 s1, s30  }
0xc1: {  	s0 =	sor.u32 s3, s0;
	s1 =	sshll.u32 s1, $0x11  }
0xc2: {  	s0 =	sor.u32 s1, s0  }
0xc3: {  	s0 =	sadd.s32 $0x8F2B, s0  }
0xc4: {  	[sflag:s0] =	ssyncadd.remote.s32 $0x1  }
0xc5: {  	_ =	sfence.sel $0xFFFF  }
0xc6: {  	[dreg:$0x0] =	wrdreg $0xFFFFFFFF;
	(pc) =	sbr.abs _section_cstart, $3  }
0xc7: {  	[dreg:$0x1] =	wrdreg $0xFFFFFFFF  }
0xc8: {  	_ =	task.clear_ibuf [dreg:s10], $0x2FFFF;
	_ =	strace $0x9FFFFFFF  }
0xc9: {  	(tm) =	ssettm $0x7FFFFFFF  }
tec
execute0_lowered:
.L_overlay_start_1:
0x0: {  	(tag) =	ssettag $0x1  }
0x1: {  	s1 =	rddreg [dreg:$0x0]  }
0x2: {  	s0 =	rddreg [dreg:$0x1]  }
0x3: {  	s2 =	rddreg [dreg:$0x2]  }
0x4: {  	s4 =	rddreg [dreg:$0x3]  }
0x5: {  	s5 =	rddreg [dreg:$0x4]  }
0x6: {  	s6 =	rddreg [dreg:$0x5]  }
0x7: {  	s16 =	stileid.u32;
	s3 =	srdreg.scid;
	s7 =	simm.s32 $0x0  }
0x8: {  	s28 =	simm.s32 $0x13D00;
	s29 =	simm.s32 $0x3;
	s31 =	simm.s32 $0x13D80  }
0x9: {  	s10 =	smul.u32 $0x13C00, s16;
	s3 =	sand.u32 $0x1, s3;
	[smem:$0x7FF] =	sst s7  }
0xa: {  	s8 =	sadd.s32 $0x1800, s0;
	s9 =	sadd.s32 $0xD600, s0;
	s15 =	smul.u32 $0x4F000, s16  }
0xb: {  	s14 =	sshll.u32 s16, $0x1;
	s19 =	sshll.u32 s16, $0x6;
	s11 =	smul.u32 $0x13C000, s3  }
0xc: {  	_ =	strace $0x80000047;
	s13 =	ssub.s32 $0x2, s3;
	s3 =	sor.u32 s3, s14  }
0xd: {  	s12 =	sshrl.u32 s10, $0x3;
	s17 =	sshrl.u32 s13, $0x1;
	s21 =	smul.u32 $0x27100, s3  }
0xe: {  	s18 =	sshrl.u32 s15, $0x2;
	s16 =	smul.u32 $0x7D0, s3;
	s11 =	sadd.s32 s10, s11  }
0xf: {  	s10 =	sadd.s32 $0xB600, s0;
	s12 =	sadd.s32 s12, s0;
	s14 =	sadd.s32 s18, s6  }
0x10: {  	s13 =	ssub.s32 s13, s17;
	s17 =	sor.u32 $0x1C0B, s19;
	[dreg:$0x7] =	wrdreg s14  }
0x11: {  	s11 =	sshrl.u32 s11, $0x3;
	s12 =	sadd.s32 $0xF600, s12;
	[dreg:$0x9] =	wrdreg s17  }
0x12: {  	s25 =	sadd.s32 s4, s21;
	s26 =	sshrl.u32 s16, $0x3;
	[dreg:$0x8] =	wrdreg s12  }
0x13: {  	s0 =	sadd.s32 s11, s0;
	[dreg:$0xe] =	wrdreg s25;
	s14 =	sadd.s32 s9, s26  }
0x14: {  	s11 =	smul.u32 $0x2710, s3;
	s15 =	sadd.s32 s10, s26;
	[dreg:$0xf] =	wrdreg s14  }
0x15: {  	s3 =	smul.u32 $0x7D00, s3;
	[dreg:$0x10] =	wrdreg s15;
	s21 =	sadd.s32 $0x36E00, s0  }
0x16: {  	s0 =	sadd.s32 $0x85E00, s0;
	s14 =	simm.s32 $0x9;
	[dreg:$0x14] =	wrdreg s21  }
0x17: {  	s20 =	sshrl.u32 s11, $0x3;
	[dreg:$0x15] =	wrdreg s0;
	s25 =	sadd.s32 $0xF0, s11  }
0x18: {  	s15 =	simm.s32 $0xA;
	s22 =	sadd.s32 s8, s20;
	[dreg:$0x19] =	wrdreg s25  }
0x19: {  	s30 =	sadd.s32 $0x140, s11;
	s12 =	sadd.s32 s2, s20;
	[dreg:$0xa] =	wrdreg s22  }
0x1a: {  	s23 =	sadd.s32 $0xA, s20;
	s20 =	sadd.s32 s5, s3;
	[dreg:$0xb] =	wrdreg s12  }
0x1b: {  	s0 =	sadd.s32 $0x140, s16;
	s24 =	sadd.s32 s8, s23;
	[dreg:$0x13] =	wrdreg s20  }
0x1c: {  	s25 =	simm.s32 $0x2;
	s2 =	sadd.s32 s2, s23;
	[dreg:$0xc] =	wrdreg s24  }
0x1d: {  	s3 =	simm.s32 $0x4;
	s22 =	smax.u32 s13, $0x1;
	[dreg:$0xd] =	wrdreg s2  }
0x1e: {  	s12 =	sadd.s32 $0xA, s26;
	s23 =	sadd.s32 $0x190, s11;
	[dreg:$0x16] =	wrdreg s22  }
0x1f: {  	s26 =	sadd.s32 $0xF0, s16;
	s13 =	simm.s32 $0x1;
	[dreg:$0x17] =	wrdreg s23  }
.Ltmp0:
0x20: {  	s18 =	sadd.s32 s9, s12;
	[dreg:$0x1a] =	wrdreg s26;
	(pc) =	sbr.rel .LBB2_1-.Ltmp0, $4  }
0x21: {  	s20 =	simm.s32 $0x0;
	s19 =	sadd.s32 s10, s12;
	[dreg:$0x11] =	wrdreg s18  }
0x22: {  	s24 =	sadd.s32 $0x190, s16;
	s22 =	simm.s32 $0x5;
	[dreg:$0x12] =	wrdreg s19  }
0x23: {  	s23 =	simm.s32 $0x50;
	s12 =	simm.s32 $0x1B600;
	[dreg:$0x18] =	wrdreg s24  }
0x24: {  	s18 =	simm.s32 $0xB;
	s19 =	simm.s32 $0x13C00;
	s24 =	simm.s32 $0x18E00  }
.LBB2_37:
0x25: {  	_ =	swait.ge [sflag:s14], $0x2800  }
0x26: {  	[sflag:s14] =	ssyncset.done $0x0  }
0x27: {  	[sflag:s14] =	ssyncadd.s32 $0xFFFFD800  }
0x28: {  	[bflag:$0x0] =	sbarrier.arrive $0xFFFF  }
0x29: {  	s17 =	rddreg [dreg:$0x9]  }
0x2a: {  	s2 =	rddreg [dreg:$0x15]  }
0x2b: {  	s18 =	rddreg [dreg:$0x1c]  }
0x2c: {  	[hbm:s2], [sflag:s17] =	dma.local [spmem:s18], $0x2780  }
0x2d: {  	s18 =	simm.s32 $0xB  }
0x2e: {  	_ =	swait.ge [sflag:s18], $0x2780  }
0x2f: {  	s20 =	rddreg [dreg:$0x1b]  }
0x30: {  	s26 =	rddreg [dreg:$0x16];
	s20 =	sadd.s32 $0x1, s20  }
0x31: {  	p0 =	sne.s32 s20, s26  }
.Ltmp1:
0x32: {  	_ = 	snop;
	(pc) =	sbr.rel @!p0 .LBB2_38-.Ltmp1, $3  }
0x33: {  	_ =	sdelay $0x1  }
0x34: {  	[sflag:s18] =	ssyncset.done $0x0  }
0x35: {  	[sflag:s18] =	ssyncadd.s32 $0xFFFFD880  }
.LBB2_1:
0x36: {  	[dreg:$0x1b] =	wrdreg s20  }
0x37: {  	s2 =	rddreg [dreg:$0x7]  }
0x38: {  	s26 =	rddreg [dreg:$0x8];
	s21 =	sshrl.u32 s2, $0x3  }
0x39: {  	[dreg:$0x1c] =	wrdreg s21  }
0x3a: {  	[spmem:s21], [sflag:s17] =	dma.local [hbm:s26], $0x2780  }
0x3b: {  	_ =	swait.ge [sflag:s18], $0x2780  }
0x3c: {  	[sflag:s18] =	ssyncset.done $0x0  }
0x3d: {  	[sflag:s18] =	ssyncadd.s32 $0xFFFFD880  }
0x3e: {  	[bflag:$0x0] =	sbarrier.arrive $0xFFFF  }
0x3f: {  	s17 =	simm.s32 $0x1DE00;
	s18 =	rddreg [dreg:$0xa]  }
0x40: {  	[tilespmem:s17], [sflag:$0x5] =	stream.linear.gather [hbm4b:s18+s7], $0x50, $0x38;
	[tilespmem:$0x1E000] =	vst v63  }
0x41: {  	s20 =	rddreg [dreg:$0xb]  }
0x42: {  	[tilespmem:s19], [sflag:$0x5] =	stream.linear.gather [hbm4b:s20+s7], $0x50, $0x38;
	[tilespmem:$0x1E000] =	vst v63  }
0x43: {  	s26 =	simm.s32 $0x1DE80;
	s21 =	rddreg [dreg:$0xc]  }
0x44: {  	[tilespmem:s26], [sflag:$0x6] =	stream.linear.gather [hbm4b:s21+s7], $0x50, $0x38;
	[tilespmem:$0x1E000] =	vst v63  }
0x45: {  	s18 =	rddreg [dreg:$0xd];
	s20 =	simm.s32 $0x13C80  }
0x46: {  	[tilespmem:s20], [sflag:$0x6] =	stream.linear.gather [hbm4b:s18+s7], $0x50, $0x38;
	[tilespmem:$0x1E000] =	vst v63  }
0x47: {  	s21 =	rddreg [dreg:$0xe];
	s26 =	simm.s32 $0x13E00  }
0x48: {  	[tilespmem:s26], [sflag:$0x1] =	stream.linear.gather [hbm4b:s21+s7], $0x2800, $0x38;
	[tilespmem:$0x1E000] =	vst v63  }
0x49: {  	_ =	swait.ge [sflag:s22], $0x50  }
0x4a: {  	[sflag:s22] =	ssyncset.done $0x0  }
.Ltmp2:
0x4b: {  	[sflag:s22] =	ssyncadd.s32 $0xFFFFFFB0;
	(pc) =	sbr.rel .LBB2_2-.Ltmp2, $4  }
0x4c: {  	_ =	swait.ge [sflag:s22], $0x50  }
0x4d: {  	[sflag:s22] =	ssyncset.done $0x0  }
0x4e: {  	s26 =	simm.s32 $0x0;
	[sflag:s22] =	ssyncadd.s32 $0xFFFFFFB0  }
0x4f: {  	[tilespmem:s24], [sflag:$0x3] =	stream.indirect.gather [hbm4b:s1+s23], $0x80, s17, s23, $0xb8;
	[tilespmem:$0x1E000] =	vst v63  }
.LBB2_18:
0x50: {  	s26 =	sadd.s32 $0x1, s26  }
0x51: {  	p0 =	sne.s32 s26, $0x20  }
.Ltmp3:
0x52: {  	_ = 	snop;
	(pc) =	sbr.rel @!p0 .LBB2_19-.Ltmp3, $1  }
0x53: {  	_ =	sdelay $0x3  }
.LBB2_2:
0x54: {  	s17 =	sshll.u32 s26, $0x2;
	p1 =	seq.s32 s26, $0x0  }
0x55: {  	s20 =	sor.u32 @!p1 $0x2, s17  }
0x56: {  	p0 =	sgt.u32 @!p1 s20, $0x7C  }
0x57: {  	p2 =	por p1, !p0  }
.Ltmp4:
0x58: {  	_ = 	snop;
	(pc) =	sbr.rel @!p2 .LBB2_4-.Ltmp4, $4  }
0x59: {  	s18 =	simm.s32 @!p1 $0xA  }
0x5a: {  	_ =	swait.ge @!p1 [sflag:s18], $0x2800  }
0x5b: {  	[sflag:s18] =	ssyncset.done @!p1 $0x0  }
0x5c: {  	p0 =	por @!p1 $0x0, $0x0;
	[sflag:s18] =	ssyncadd.s32 @!p1 $0xFFFFD800  }
0x5d: {  	s20 =	simm.s32 @p1 $0x2  }
0x5e: {  	s18 =	smul.u32 $0x50, s20;
	_ =	sdelay $0x1  }
0x5f: {  	s18 =	sadd.s32 s11, s18  }
0x60: {  	s18 =	sshrl.u32 s18, $0x3  }
0x61: {  	s2 =	simm.s32 $0x1DF00;
	s21 =	sadd.s32 s8, s18  }
0x62: {  	[tilespmem:s2], [sflag:$0x7] =	stream.linear.gather [hbm4b:s21+s7], $0x50, $0x38;
	[tilespmem:$0x1E000] =	vst v63  }
0x63: {  	s21 =	rddreg [dreg:$0x2]  }
0x64: {  	p0 =	por $0x1, $0x1;
	s18 =	sadd.s32 s21, s18  }
0x65: {  	[tilespmem:s28], [sflag:$0x7] =	stream.linear.gather [hbm4b:s18+s7], $0x50, $0x38;
	[tilespmem:$0x1E000] =	vst v63  }
.LBB2_4:
0x66: {  	s18 =	sor.u32 $0x1, s17  }
0x67: {  	p1 =	sgt.u32 s18, $0x7C  }
0x68: {  	s18 =	smul.u32 @!p1 $0x50, s18;
	_ =	sdelay $0x1  }
0x69: {  	s18 =	sadd.s32 @!p1 s11, s18  }
0x6a: {  	s18 =	sshll.u32 @!p1 s18, $0x4  }
0x6b: {  	s21 =	simm.s32 @!p1 $0x0;
	s2 =	simm.s32 @!p1 $0x16600;
	s18 =	sadd.s32 @!p1 s4, s18  }
0x6c: {  	[tilespmem:s2], [sflag:$0x2] =	stream.linear.gather @!p1 [hbm4b:s18+s21], $0x2800, $0x38;
	[tilespmem:$0x1E000] =	vst v63  }
0x6d: {  	s2 =	simm.s32 @!p1 $0x6  }
0x6e: {  	_ =	swait.ge @!p1 [sflag:s2], $0x50  }
0x6f: {  	[sflag:s2] =	ssyncset.done @!p1 $0x0  }
0x70: {  	[sflag:s2] =	ssyncadd.s32 @!p1 $0xFFFFFFB0  }
0x71: {  	_ =	swait.ge @!p1 [sflag:s2], $0x50  }
0x72: {  	s18 =	simm.s32 @!p1 $0x1DE80;
	[sflag:s2] =	ssyncset.done @!p1 $0x0  }
0x73: {  	s21 =	simm.s32 @!p1 $0x1B600;
	[sflag:s2] =	ssyncadd.s32 @!p1 $0xFFFFFFB0;
	s2 =	simm.s32 @!p1 $0x50  }
0x74: {  	[tilespmem:s21], [sflag:$0x4] =	stream.indirect.gather @!p1 [hbm4b:s1+s2], $0x80, s18, s2, $0xb8;
	[tilespmem:$0x1E000] =	vst v63  }
0x75: {  	_ =	swait.ge [sflag:s29], $0x2800  }
0x76: {  	[sflag:s29] =	ssyncset.done $0x0  }
0x77: {  	[sflag:s29] =	ssyncadd.s32 $0xFFFFD800  }
0x78: {  	_ =	swait.ge [sflag:s13], $0x2800  }
0x79: {  	[sflag:s13] =	ssyncset.done $0x0  }
0x7a: {  	s21 =	simm.s32 $0x0;
	[sflag:s13] =	ssyncadd.s32 $0xFFFFD800  }
0x7b: {  	v6 =	vld [tilespmem:s21+$0x13E00]  }
0x7c: {  	v11 =	vld [tilespmem:s21+$0x13E10]  }
0x7d: {  	v5 =	vld [tilespmem:s21+$0x13E20]  }
0x7e: {  	v4 =	vld [tilespmem:s21+$0x13E30]  }
0x7f: {  	v3 =	vld [tilespmem:s21+$0x13E40]  }
0x80: {  	v2 =	vld [tilespmem:s21+$0x13E50]  }
0x81: {  	v1 =	vld [tilespmem:s21+$0x13E60]  }
0x82: {  	v0 =	vld [tilespmem:s21+$0x13E70]  }
0x83: {  	v12 =	vld [tilespmem:s21+$0x18E00]  }
0x84: {  	v13 =	vld [tilespmem:s21+$0x18E10]  }
0x85: {  	v10 =	vld [tilespmem:s21+$0x18E20]  }
0x86: {  	v9 =	vld [tilespmem:s21+$0x18E30]  }
0x87: {  	v8 =	vld [tilespmem:s21+$0x18E40]  }
0x88: {  	v7 =	vld [tilespmem:s21+$0x18E50];
	v12 =	vadd.f32 v6, v12  }
0x89: {  	s18 =	simm.s32 $0x200;
	v11 =	vadd.f32 v11, v13;
	v6 =	vld [tilespmem:s21+$0x18E60]  }
.LBB2_5:
0x8a: {  	s2 =	sshra.s32 s18, $0x2;
	p2 =	sne.s32 s18, $0x9E00;
	v12 =	vmax.f32 v12, $0.0e+00;
	v5 =	vadd.f32 v5, v10;
	v10 =	vld [tilespmem:s21+$0x18E70]  }
0x8b: {  	v13 =	vld [tilespmem:s2+$0x13E00];
	[tilespmem:s21+$0x18E00] =	vst v12;
	v11 =	vmax.f32 v11, $0.0e+00;
	v4 =	vadd.f32 v4, v9  }
0x8c: {  	v14 =	vld [tilespmem:s2+$0x13E10];
	[tilespmem:s21+$0x18E10] =	vst v11;
	v9 =	vmax.f32 v5, $0.0e+00;
	v3 =	vadd.f32 v3, v8  }
0x8d: {  	v5 =	vld [tilespmem:s2+$0x13E20];
	[tilespmem:s21+$0x18E20] =	vst v9;
	v8 =	vmax.f32 v4, $0.0e+00;
	v2 =	vadd.f32 v2, v7  }
0x8e: {  	v4 =	vld [tilespmem:s2+$0x13E30];
	[tilespmem:s21+$0x18E30] =	vst v8;
	v7 =	vmax.f32 v3, $0.0e+00;
	v1 =	vadd.f32 v1, v6  }
0x8f: {  	v3 =	vld [tilespmem:s2+$0x13E40];
	[tilespmem:s21+$0x18E40] =	vst v7;
	v6 =	vmax.f32 v2, $0.0e+00;
	v0 =	vadd.f32 v0, v10  }
0x90: {  	v2 =	vld [tilespmem:s2+$0x13E50];
	[tilespmem:s21+$0x18E50] =	vst v6;
	v6 =	vmax.f32 v1, $0.0e+00  }
0x91: {  	v1 =	vld [tilespmem:s2+$0x13E60];
	[tilespmem:s21+$0x18E60] =	vst v6;
	v6 =	vmax.f32 v0, $0.0e+00  }
0x92: {  	v0 =	vld [tilespmem:s2+$0x13E70];
	[tilespmem:s21+$0x18E70] =	vst v6;
	s21 =	smov.u32 s2  }
0x93: {  	v6 =	vld [tilespmem:s21+$0x18E00]  }
0x94: {  	v11 =	vld [tilespmem:s21+$0x18E10]  }
.Ltmp5:
0x95: {  	v10 =	vld [tilespmem:s21+$0x18E20];
	(pc) =	sbr.rel @p2 .LBB2_5-.Ltmp5, $4  }
0x96: {  	v9 =	vld [tilespmem:s21+$0x18E30]  }
0x97: {  	v8 =	vld [tilespmem:s21+$0x18E40]  }
0x98: {  	v12 =	vadd.f32 v13, v6;
	v7 =	vld [tilespmem:s21+$0x18E50]  }
0x99: {  	s18 =	sadd.s32 $0x200, s18;
	v11 =	vadd.f32 v14, v11;
	v6 =	vld [tilespmem:s21+$0x18E60]  }
0x9a: {  	v12 =	vmax.f32 v12, $0.0e+00;
	v5 =	vadd.f32 v5, v10;
	v63 =	vld [tilespmem:s21+$0x18E70]  }
0x9b: {  	[tilespmem:s21+$0x18E00] =	vst v12;
	v11 =	vmax.f32 v11, $0.0e+00;
	v4 =	vadd.f32 v4, v9  }
0x9c: {  	[tilespmem:s21+$0x18E10] =	vst v11;
	v5 =	vmax.f32 v5, $0.0e+00;
	v3 =	vadd.f32 v3, v8  }
0x9d: {  	[tilespmem:s21+$0x18E20] =	vst v5;
	v4 =	vmax.f32 v4, $0.0e+00;
	v2 =	vadd.f32 v2, v7  }
0x9e: {  	[tilespmem:s21+$0x18E30] =	vst v4;
	v3 =	vmax.f32 v3, $0.0e+00;
	v1 =	vadd.f32 v1, v6  }
.Ltmp6:
0x9f: {  	[tilespmem:s21+$0x18E40] =	vst v3;
	v2 =	vmax.f32 v2, $0.0e+00;
	v0 =	vadd.f32 v0, v63;
	(pc) =	sbr.rel @p1 .LBB2_10-.Ltmp6, $4  }
0xa0: {  	[tilespmem:s21+$0x18E50] =	vst v2;
	v1 =	vmax.f32 v1, $0.0e+00  }
0xa1: {  	[tilespmem:s21+$0x18E60] =	vst v1;
	v0 =	vmax.f32 v0, $0.0e+00  }
0xa2: {  	[tilespmem:s21+$0x18E70] =	vst v0  }
0xa3: {  	[spmem:s6] =	stream.indirect.scatter.add.f32 [tilespmem:s24], [sflag:$0x9], $0x80, s19, s23, $0xb8;
	[tilespmem:$0x1E000] =	vst v63  }
0xa4: {  	s2 =	smul.u32 $0x140, s26;
	_ =	swait.ge [sflag:s14], $0x2800  }
0xa5: {  	s18 =	rddreg [dreg:$0x19]  }
0xa6: {  	s2 =	sadd.s32 s18, s2  }
0xa7: {  	[sflag:s14] =	ssyncset.done $0x0;
	s2 =	sshrl.u32 s2, $0x3  }
0xa8: {  	s21 =	simm.s32 $0x1DF80;
	[sflag:s14] =	ssyncadd.s32 $0xFFFFD800;
	s18 =	sadd.s32 s8, s2  }
0xa9: {  	[tilespmem:s21], [sflag:$0x8] =	stream.linear.gather [hbm4b:s18+s7], $0x50, $0x38;
	[tilespmem:$0x1E000] =	vst v63  }
0xaa: {  	s21 =	rddreg [dreg:$0x2]  }
0xab: {  	s18 =	smul.u32 @p0 $0x50, s20;
	s2 =	sadd.s32 s21, s2  }
0xac: {  	[tilespmem:s31], [sflag:$0x8] =	stream.linear.gather [hbm4b:s2+s7], $0x50, $0x38;
	[tilespmem:$0x1E000] =	vst v63  }
0xad: {  	s2 =	sadd.s32 @p0 s11, s18  }
0xae: {  	s2 =	sshll.u32 @p0 s2, $0x4  }
0xaf: {  	s20 =	simm.s32 @p0 $0x13E00;
	s18 =	simm.s32 @p0 $0x0;
	s2 =	sadd.s32 @p0 s4, s2  }
0xb0: {  	[tilespmem:s20], [sflag:$0x1] =	stream.linear.gather @p0 [hbm4b:s2+s18], $0x2800, $0x38;
	[tilespmem:$0x1E000] =	vst v63  }
0xb1: {  	s2 =	simm.s32 @p0 $0x7  }
0xb2: {  	_ =	swait.ge @p0 [sflag:s2], $0x50  }
0xb3: {  	[sflag:s2] =	ssyncset.done @p0 $0x0  }
0xb4: {  	[sflag:s2] =	ssyncadd.s32 @p0 $0xFFFFFFB0  }
0xb5: {  	_ =	swait.ge @p0 [sflag:s2], $0x50  }
0xb6: {  	s18 =	simm.s32 @p0 $0x1DF00;
	[sflag:s2] =	ssyncset.done @p0 $0x0  }
0xb7: {  	s20 =	simm.s32 @p0 $0x18E00;
	[sflag:s2] =	ssyncadd.s32 @p0 $0xFFFFFFB0;
	s2 =	simm.s32 @p0 $0x50  }
0xb8: {  	[tilespmem:s20], [sflag:$0x3] =	stream.indirect.gather @p0 [hbm4b:s1+s2], $0x80, s18, s2, $0xb8;
	[tilespmem:$0x1E000] =	vst v63  }
0xb9: {  	_ =	swait.ge [sflag:s3], $0x2800  }
0xba: {  	[sflag:s3] =	ssyncset.done $0x0  }
0xbb: {  	[sflag:s3] =	ssyncadd.s32 $0xFFFFD800  }
0xbc: {  	_ =	swait.ge [sflag:s25], $0x2800  }
0xbd: {  	[sflag:s25] =	ssyncset.done $0x0  }
0xbe: {  	s20 =	simm.s32 $0x0;
	[sflag:s25] =	ssyncadd.s32 $0xFFFFD800  }
0xbf: {  	v6 =	vld [tilespmem:s20+$0x16600]  }
0xc0: {  	v11 =	vld [tilespmem:s20+$0x16610]  }
0xc1: {  	v5 =	vld [tilespmem:s20+$0x16620]  }
0xc2: {  	v4 =	vld [tilespmem:s20+$0x16630]  }
0xc3: {  	v3 =	vld [tilespmem:s20+$0x16640]  }
0xc4: {  	v2 =	vld [tilespmem:s20+$0x16650]  }
0xc5: {  	v1 =	vld [tilespmem:s20+$0x16660]  }
0xc6: {  	v0 =	vld [tilespmem:s20+$0x16670]  }
0xc7: {  	v12 =	vld [tilespmem:s20+$0x1B600]  }
0xc8: {  	v13 =	vld [tilespmem:s20+$0x1B610]  }
0xc9: {  	v10 =	vld [tilespmem:s20+$0x1B620]  }
0xca: {  	v9 =	vld [tilespmem:s20+$0x1B630]  }
0xcb: {  	v8 =	vld [tilespmem:s20+$0x1B640]  }
0xcc: {  	v7 =	vld [tilespmem:s20+$0x1B650];
	v12 =	vadd.f32 v6, v12  }
0xcd: {  	s18 =	simm.s32 $0x200;
	v11 =	vadd.f32 v11, v13;
	v6 =	vld [tilespmem:s20+$0x1B660]  }
.LBB2_8:
0xce: {  	s2 =	sshra.s32 s18, $0x2;
	p1 =	sne.s32 s18, $0x9E00;
	v12 =	vmax.f32 v12, $0.0e+00;
	v5 =	vadd.f32 v5, v10;
	v10 =	vld [tilespmem:s20+$0x1B670]  }
0xcf: {  	v13 =	vld [tilespmem:s2+$0x16600];
	[tilespmem:s20+$0x1B600] =	vst v12;
	v11 =	vmax.f32 v11, $0.0e+00;
	v4 =	vadd.f32 v4, v9  }
0xd0: {  	v14 =	vld [tilespmem:s2+$0x16610];
	[tilespmem:s20+$0x1B610] =	vst v11;
	v9 =	vmax.f32 v5, $0.0e+00;
	v3 =	vadd.f32 v3, v8  }
0xd1: {  	v5 =	vld [tilespmem:s2+$0x16620];
	[tilespmem:s20+$0x1B620] =	vst v9;
	v8 =	vmax.f32 v4, $0.0e+00;
	v2 =	vadd.f32 v2, v7  }
0xd2: {  	v4 =	vld [tilespmem:s2+$0x16630];
	[tilespmem:s20+$0x1B630] =	vst v8;
	v7 =	vmax.f32 v3, $0.0e+00;
	v1 =	vadd.f32 v1, v6  }
0xd3: {  	v3 =	vld [tilespmem:s2+$0x16640];
	[tilespmem:s20+$0x1B640] =	vst v7;
	v6 =	vmax.f32 v2, $0.0e+00;
	v0 =	vadd.f32 v0, v10  }
0xd4: {  	v2 =	vld [tilespmem:s2+$0x16650];
	[tilespmem:s20+$0x1B650] =	vst v6;
	v6 =	vmax.f32 v1, $0.0e+00  }
0xd5: {  	v1 =	vld [tilespmem:s2+$0x16660];
	[tilespmem:s20+$0x1B660] =	vst v6;
	v6 =	vmax.f32 v0, $0.0e+00  }
0xd6: {  	v0 =	vld [tilespmem:s2+$0x16670];
	[tilespmem:s20+$0x1B670] =	vst v6;
	s20 =	smov.u32 s2  }
0xd7: {  	v6 =	vld [tilespmem:s20+$0x1B600]  }
0xd8: {  	v11 =	vld [tilespmem:s20+$0x1B610]  }
.Ltmp7:
0xd9: {  	v10 =	vld [tilespmem:s20+$0x1B620];
	(pc) =	sbr.rel @p1 .LBB2_8-.Ltmp7, $4  }
0xda: {  	v9 =	vld [tilespmem:s20+$0x1B630]  }
0xdb: {  	v8 =	vld [tilespmem:s20+$0x1B640]  }
0xdc: {  	v12 =	vadd.f32 v13, v6;
	v7 =	vld [tilespmem:s20+$0x1B650]  }
0xdd: {  	s18 =	sadd.s32 $0x200, s18;
	v11 =	vadd.f32 v14, v11;
	v6 =	vld [tilespmem:s20+$0x1B660]  }
0xde: {  	v12 =	vmax.f32 v12, $0.0e+00;
	v5 =	vadd.f32 v5, v10;
	v63 =	vld [tilespmem:s20+$0x1B670]  }
0xdf: {  	[tilespmem:s20+$0x1B600] =	vst v12;
	v11 =	vmax.f32 v11, $0.0e+00;
	v4 =	vadd.f32 v4, v9  }
0xe0: {  	[tilespmem:s20+$0x1B610] =	vst v11;
	v5 =	vmax.f32 v5, $0.0e+00;
	v3 =	vadd.f32 v3, v8  }
0xe1: {  	[tilespmem:s20+$0x1B620] =	vst v5;
	v4 =	vmax.f32 v4, $0.0e+00;
	v2 =	vadd.f32 v2, v7  }
0xe2: {  	[tilespmem:s20+$0x1B630] =	vst v4;
	v3 =	vmax.f32 v3, $0.0e+00;
	v1 =	vadd.f32 v1, v6  }
0xe3: {  	[tilespmem:s20+$0x1B640] =	vst v3;
	v2 =	vmax.f32 v2, $0.0e+00;
	v0 =	vadd.f32 v0, v63  }
0xe4: {  	[tilespmem:s20+$0x1B650] =	vst v2;
	v1 =	vmax.f32 v1, $0.0e+00  }
0xe5: {  	[tilespmem:s20+$0x1B660] =	vst v1;
	v0 =	vmax.f32 v0, $0.0e+00  }
0xe6: {  	s2 =	simm.s32 $0x13C80;
	[tilespmem:s20+$0x1B670] =	vst v0  }
0xe7: {  	[spmem:s6] =	stream.indirect.scatter.add.f32 [tilespmem:s12], [sflag:$0xA], $0x80, s2, s23, $0xb8;
	[tilespmem:$0x1E000] =	vst v63  }
.LBB2_10:
.Ltmp8:
0xe8: {  	(pc) =	sbr.rel @!p0 .LBB2_14-.Ltmp8, $1  }
0xe9: {  	_ =	sdelay $0x3  }
0xea: {  	p1 =	seq.s32 s26, $0x1F  }
0xeb: {  	s2 =	smul.u32 @!p1 $0x140, s26  }
0xec: {  	_ =	swait.ge [sflag:s15], $0x2800  }
0xed: {  	[sflag:s15] =	ssyncset.done $0x0;
	s20 =	simm.s32 @!p1 $0x0;
	s2 =	sadd.s32 @!p1 s2, s30  }
0xee: {  	s21 =	simm.s32 @!p1 $0x1DE00;
	s17 =	sor.u32 @!p1 $0x3, s17;
	s2 =	sshrl.u32 @!p1 s2, $0x3  }
0xef: {  	[sflag:s15] =	ssyncadd.s32 $0xFFFFD800;
	p0 =	sgt.u32 @!p1 s17, $0x7C;
	s18 =	sadd.s32 @!p1 s8, s2  }
0xf0: {  	[tilespmem:s21], [sflag:$0x5] =	stream.linear.gather @!p1 [hbm4b:s18+s20], $0x50, $0x38;
	[tilespmem:$0x1E000] =	vst v63  }
0xf1: {  	p0 =	por p0, p1;
	s18 =	rddreg [dreg:$0x2]  }
0xf2: {  	s17 =	smul.u32 @!p0 $0x50, s17;
	s2 =	sadd.s32 @!p1 s18, s2;
	s18 =	simm.s32 @!p1 $0x13C00  }
0xf3: {  	[tilespmem:s18], [sflag:$0x5] =	stream.linear.gather @!p1 [hbm4b:s2+s20], $0x50, $0x38;
	[tilespmem:$0x1E000] =	vst v63  }
0xf4: {  	s2 =	sadd.s32 @!p0 s11, s17  }
0xf5: {  	s2 =	sshll.u32 @!p0 s2, $0x4  }
0xf6: {  	s17 =	simm.s32 @!p0 $0x0;
	s18 =	simm.s32 @!p0 $0x16600;
	s2 =	sadd.s32 @!p0 s4, s2  }
0xf7: {  	[tilespmem:s18], [sflag:$0x2] =	stream.linear.gather @!p0 [hbm4b:s2+s17], $0x2800, $0x38;
	[tilespmem:$0x1E000] =	vst v63  }
0xf8: {  	s2 =	simm.s32 @!p0 $0x8  }
0xf9: {  	_ =	swait.ge @!p0 [sflag:s2], $0x50  }
0xfa: {  	[sflag:s2] =	ssyncset.done @!p0 $0x0  }
0xfb: {  	[sflag:s2] =	ssyncadd.s32 @!p0 $0xFFFFFFB0  }
0xfc: {  	_ =	swait.ge @!p0 [sflag:s2], $0x50  }
0xfd: {  	s17 =	simm.s32 @!p0 $0x1DF80;
	[sflag:s2] =	ssyncset.done @!p0 $0x0  }
0xfe: {  	s18 =	simm.s32 @!p0 $0x1B600;
	[sflag:s2] =	ssyncadd.s32 @!p0 $0xFFFFFFB0;
	s2 =	simm.s32 @!p0 $0x50  }
0xff: {  	[tilespmem:s18], [sflag:$0x4] =	stream.indirect.gather @!p0 [hbm4b:s1+s2], $0x80, s17, s2, $0xb8;
	[tilespmem:$0x1E000] =	vst v63  }
0x100: {  	_ =	swait.ge [sflag:s29], $0x2800  }
0x101: {  	[sflag:s29] =	ssyncset.done $0x0  }
0x102: {  	[sflag:s29] =	ssyncadd.s32 $0xFFFFD800  }
0x103: {  	_ =	swait.ge [sflag:s13], $0x2800  }
0x104: {  	[sflag:s13] =	ssyncset.done $0x0  }
0x105: {  	s17 =	simm.s32 $0x0;
	[sflag:s13] =	ssyncadd.s32 $0xFFFFD800  }
0x106: {  	v6 =	vld [tilespmem:s17+$0x13E00]  }
0x107: {  	v11 =	vld [tilespmem:s17+$0x13E10]  }
0x108: {  	v5 =	vld [tilespmem:s17+$0x13E20]  }
0x109: {  	v4 =	vld [tilespmem:s17+$0x13E30]  }
0x10a: {  	v3 =	vld [tilespmem:s17+$0x13E40]  }
0x10b: {  	v2 =	vld [tilespmem:s17+$0x13E50]  }
0x10c: {  	v1 =	vld [tilespmem:s17+$0x13E60]  }
0x10d: {  	v0 =	vld [tilespmem:s17+$0x13E70]  }
0x10e: {  	v12 =	vld [tilespmem:s17+$0x18E00]  }
0x10f: {  	v13 =	vld [tilespmem:s17+$0x18E10]  }
0x110: {  	v10 =	vld [tilespmem:s17+$0x18E20]  }
0x111: {  	v9 =	vld [tilespmem:s17+$0x18E30]  }
0x112: {  	v8 =	vld [tilespmem:s17+$0x18E40]  }
0x113: {  	v7 =	vld [tilespmem:s17+$0x18E50];
	v12 =	vadd.f32 v6, v12  }
0x114: {  	s18 =	simm.s32 $0x200;
	v11 =	vadd.f32 v11, v13;
	v6 =	vld [tilespmem:s17+$0x18E60]  }
.LBB2_12:
0x115: {  	s2 =	sshra.s32 s18, $0x2;
	p0 =	sne.s32 s18, $0x9E00;
	v12 =	vmax.f32 v12, $0.0e+00;
	v5 =	vadd.f32 v5, v10;
	v10 =	vld [tilespmem:s17+$0x18E70]  }
0x116: {  	v13 =	vld [tilespmem:s2+$0x13E00];
	[tilespmem:s17+$0x18E00] =	vst v12;
	v11 =	vmax.f32 v11, $0.0e+00;
	v4 =	vadd.f32 v4, v9  }
0x117: {  	v14 =	vld [tilespmem:s2+$0x13E10];
	[tilespmem:s17+$0x18E10] =	vst v11;
	v9 =	vmax.f32 v5, $0.0e+00;
	v3 =	vadd.f32 v3, v8  }
0x118: {  	v5 =	vld [tilespmem:s2+$0x13E20];
	[tilespmem:s17+$0x18E20] =	vst v9;
	v8 =	vmax.f32 v4, $0.0e+00;
	v2 =	vadd.f32 v2, v7  }
0x119: {  	v4 =	vld [tilespmem:s2+$0x13E30];
	[tilespmem:s17+$0x18E30] =	vst v8;
	v7 =	vmax.f32 v3, $0.0e+00;
	v1 =	vadd.f32 v1, v6  }
0x11a: {  	v3 =	vld [tilespmem:s2+$0x13E40];
	[tilespmem:s17+$0x18E40] =	vst v7;
	v6 =	vmax.f32 v2, $0.0e+00;
	v0 =	vadd.f32 v0, v10  }
0x11b: {  	v2 =	vld [tilespmem:s2+$0x13E50];
	[tilespmem:s17+$0x18E50] =	vst v6;
	v6 =	vmax.f32 v1, $0.0e+00  }
0x11c: {  	v1 =	vld [tilespmem:s2+$0x13E60];
	[tilespmem:s17+$0x18E60] =	vst v6;
	v6 =	vmax.f32 v0, $0.0e+00  }
0x11d: {  	v0 =	vld [tilespmem:s2+$0x13E70];
	[tilespmem:s17+$0x18E70] =	vst v6;
	s17 =	smov.u32 s2  }
0x11e: {  	v6 =	vld [tilespmem:s17+$0x18E00]  }
0x11f: {  	v11 =	vld [tilespmem:s17+$0x18E10]  }
.Ltmp9:
0x120: {  	v10 =	vld [tilespmem:s17+$0x18E20];
	(pc) =	sbr.rel @p0 .LBB2_12-.Ltmp9, $4  }
0x121: {  	v9 =	vld [tilespmem:s17+$0x18E30]  }
0x122: {  	v8 =	vld [tilespmem:s17+$0x18E40]  }
0x123: {  	v12 =	vadd.f32 v13, v6;
	v7 =	vld [tilespmem:s17+$0x18E50]  }
0x124: {  	s18 =	sadd.s32 $0x200, s18;
	v11 =	vadd.f32 v14, v11;
	v6 =	vld [tilespmem:s17+$0x18E60]  }
0x125: {  	v12 =	vmax.f32 v12, $0.0e+00;
	v5 =	vadd.f32 v5, v10;
	v63 =	vld [tilespmem:s17+$0x18E70]  }
0x126: {  	[tilespmem:s17+$0x18E00] =	vst v12;
	v11 =	vmax.f32 v11, $0.0e+00;
	v4 =	vadd.f32 v4, v9  }
0x127: {  	[tilespmem:s17+$0x18E10] =	vst v11;
	v5 =	vmax.f32 v5, $0.0e+00;
	v3 =	vadd.f32 v3, v8  }
0x128: {  	[tilespmem:s17+$0x18E20] =	vst v5;
	v4 =	vmax.f32 v4, $0.0e+00;
	v2 =	vadd.f32 v2, v7  }
0x129: {  	[tilespmem:s17+$0x18E30] =	vst v4;
	v3 =	vmax.f32 v3, $0.0e+00;
	v1 =	vadd.f32 v1, v6  }
0x12a: {  	[tilespmem:s17+$0x18E40] =	vst v3;
	v2 =	vmax.f32 v2, $0.0e+00;
	v0 =	vadd.f32 v0, v63  }
0x12b: {  	[tilespmem:s17+$0x18E50] =	vst v2;
	v1 =	vmax.f32 v1, $0.0e+00  }
0x12c: {  	[tilespmem:s17+$0x18E60] =	vst v1;
	v0 =	vmax.f32 v0, $0.0e+00  }
0x12d: {  	[tilespmem:s17+$0x18E70] =	vst v0  }
0x12e: {  	[spmem:s6] =	stream.indirect.scatter.add.f32 [tilespmem:s24], [sflag:$0x9], $0x80, s28, s23, $0xb8;
	[tilespmem:$0x1E000] =	vst v63  }
.LBB2_14:
0x12f: {  	p0 =	sgt.u32 s26, $0x1E  }
.Ltmp10:
0x130: {  	_ = 	snop;
	(pc) =	sbr.rel @p0 .LBB2_18-.Ltmp10, $1  }
0x131: {  	_ =	sdelay $0x3  }
0x132: {  	p0 =	seq.s32 s26, $0x1E  }
0x133: {  	_ =	swait.ge [sflag:s14], $0x2800;
	s2 =	smul.u32 @!p0 $0x140, s26  }
0x134: {  	s17 =	rddreg [dreg:$0x17]  }
0x135: {  	[sflag:s14] =	ssyncset.done $0x0;
	s17 =	sadd.s32 @!p0 s2, s17  }
0x136: {  	s20 =	simm.s32 @!p0 $0x0;
	s21 =	simm.s32 @!p0 $0x1DE80;
	s17 =	sshrl.u32 @!p0 s17, $0x3  }
0x137: {  	[sflag:s14] =	ssyncadd.s32 $0xFFFFD800;
	s2 =	simm.s32 @p0 $0x2580;
	s18 =	sadd.s32 @!p0 s8, s17  }
0x138: {  	[tilespmem:s21], [sflag:$0x6] =	stream.linear.gather @!p0 [hbm4b:s18+s20], $0x50, $0x38;
	[tilespmem:$0x1E000] =	vst v63  }
0x139: {  	s2 =	sadd.s32 s2, s30;
	s18 =	rddreg [dreg:$0x2]  }
0x13a: {  	s2 =	sshll.u32 s2, $0x4;
	s17 =	sadd.s32 @!p0 s18, s17;
	s18 =	simm.s32 @!p0 $0x13C80  }
0x13b: {  	[tilespmem:s18], [sflag:$0x6] =	stream.linear.gather @!p0 [hbm4b:s17+s20], $0x50, $0x38;
	[tilespmem:$0x1E000] =	vst v63  }
0x13c: {  	s2 =	sadd.s32 s4, s2;
	s18 =	simm.s32 $0x0;
	s20 =	simm.s32 $0x13E00  }
0x13d: {  	[tilespmem:s20], [sflag:$0x1] =	stream.linear.gather [hbm4b:s2+s18], $0x2800, $0x38;
	[tilespmem:$0x1E000] =	vst v63  }
0x13e: {  	_ =	swait.ge [sflag:s22], $0x50  }
0x13f: {  	[sflag:s22] =	ssyncset.done $0x0  }
0x140: {  	[sflag:s22] =	ssyncadd.s32 $0xFFFFFFB0  }
0x141: {  	_ =	swait.ge [sflag:s22], $0x50  }
0x142: {  	[sflag:s22] =	ssyncset.done $0x0  }
0x143: {  	s21 =	simm.s32 $0x1DE00;
	[sflag:s22] =	ssyncadd.s32 $0xFFFFFFB0  }
0x144: {  	[tilespmem:s24], [sflag:$0x3] =	stream.indirect.gather [hbm4b:s1+s23], $0x80, s21, s23, $0xb8;
	[tilespmem:$0x1E000] =	vst v63  }
0x145: {  	_ =	swait.ge [sflag:s3], $0x2800  }
0x146: {  	[sflag:s3] =	ssyncset.done $0x0  }
0x147: {  	[sflag:s3] =	ssyncadd.s32 $0xFFFFD800  }
0x148: {  	_ =	swait.ge [sflag:s25], $0x2800  }
0x149: {  	[sflag:s25] =	ssyncset.done $0x0  }
0x14a: {  	s17 =	simm.s32 $0x0;
	[sflag:s25] =	ssyncadd.s32 $0xFFFFD800  }
0x14b: {  	v6 =	vld [tilespmem:s17+$0x16600]  }
0x14c: {  	v11 =	vld [tilespmem:s17+$0x16610]  }
0x14d: {  	v5 =	vld [tilespmem:s17+$0x16620]  }
0x14e: {  	v4 =	vld [tilespmem:s17+$0x16630]  }
0x14f: {  	v3 =	vld [tilespmem:s17+$0x16640]  }
0x150: {  	v2 =	vld [tilespmem:s17+$0x16650]  }
0x151: {  	v1 =	vld [tilespmem:s17+$0x16660]  }
0x152: {  	v0 =	vld [tilespmem:s17+$0x16670]  }
0x153: {  	v12 =	vld [tilespmem:s17+$0x1B600]  }
0x154: {  	v13 =	vld [tilespmem:s17+$0x1B610]  }
0x155: {  	v10 =	vld [tilespmem:s17+$0x1B620]  }
0x156: {  	v9 =	vld [tilespmem:s17+$0x1B630]  }
0x157: {  	v8 =	vld [tilespmem:s17+$0x1B640]  }
0x158: {  	v7 =	vld [tilespmem:s17+$0x1B650];
	v12 =	vadd.f32 v6, v12  }
0x159: {  	s18 =	simm.s32 $0x200;
	v11 =	vadd.f32 v11, v13;
	v6 =	vld [tilespmem:s17+$0x1B660]  }
.LBB2_16:
0x15a: {  	s2 =	sshra.s32 s18, $0x2;
	p0 =	sne.s32 s18, $0x9E00;
	v12 =	vmax.f32 v12, $0.0e+00;
	v5 =	vadd.f32 v5, v10;
	v10 =	vld [tilespmem:s17+$0x1B670]  }
0x15b: {  	v13 =	vld [tilespmem:s2+$0x16600];
	[tilespmem:s17+$0x1B600] =	vst v12;
	v11 =	vmax.f32 v11, $0.0e+00;
	v4 =	vadd.f32 v4, v9  }
0x15c: {  	v14 =	vld [tilespmem:s2+$0x16610];
	[tilespmem:s17+$0x1B610] =	vst v11;
	v9 =	vmax.f32 v5, $0.0e+00;
	v3 =	vadd.f32 v3, v8  }
0x15d: {  	v5 =	vld [tilespmem:s2+$0x16620];
	[tilespmem:s17+$0x1B620] =	vst v9;
	v8 =	vmax.f32 v4, $0.0e+00;
	v2 =	vadd.f32 v2, v7  }
0x15e: {  	v4 =	vld [tilespmem:s2+$0x16630];
	[tilespmem:s17+$0x1B630] =	vst v8;
	v7 =	vmax.f32 v3, $0.0e+00;
	v1 =	vadd.f32 v1, v6  }
0x15f: {  	v3 =	vld [tilespmem:s2+$0x16640];
	[tilespmem:s17+$0x1B640] =	vst v7;
	v6 =	vmax.f32 v2, $0.0e+00;
	v0 =	vadd.f32 v0, v10  }
0x160: {  	v2 =	vld [tilespmem:s2+$0x16650];
	[tilespmem:s17+$0x1B650] =	vst v6;
	v6 =	vmax.f32 v1, $0.0e+00  }
0x161: {  	v1 =	vld [tilespmem:s2+$0x16660];
	[tilespmem:s17+$0x1B660] =	vst v6;
	v6 =	vmax.f32 v0, $0.0e+00  }
0x162: {  	v0 =	vld [tilespmem:s2+$0x16670];
	[tilespmem:s17+$0x1B670] =	vst v6;
	s17 =	smov.u32 s2  }
0x163: {  	v6 =	vld [tilespmem:s17+$0x1B600]  }
0x164: {  	v11 =	vld [tilespmem:s17+$0x1B610]  }
.Ltmp11:
0x165: {  	v10 =	vld [tilespmem:s17+$0x1B620];
	(pc) =	sbr.rel @p0 .LBB2_16-.Ltmp11, $4  }
0x166: {  	v9 =	vld [tilespmem:s17+$0x1B630]  }
0x167: {  	v8 =	vld [tilespmem:s17+$0x1B640]  }
0x168: {  	v12 =	vadd.f32 v13, v6;
	v7 =	vld [tilespmem:s17+$0x1B650]  }
0x169: {  	s18 =	sadd.s32 $0x200, s18;
	v11 =	vadd.f32 v14, v11;
	v6 =	vld [tilespmem:s17+$0x1B660]  }
0x16a: {  	v12 =	vmax.f32 v12, $0.0e+00;
	v5 =	vadd.f32 v5, v10;
	v63 =	vld [tilespmem:s17+$0x1B670]  }
0x16b: {  	[tilespmem:s17+$0x1B600] =	vst v12;
	v11 =	vmax.f32 v11, $0.0e+00;
	v4 =	vadd.f32 v4, v9  }
0x16c: {  	[tilespmem:s17+$0x1B610] =	vst v11;
	v5 =	vmax.f32 v5, $0.0e+00;
	v3 =	vadd.f32 v3, v8  }
0x16d: {  	[tilespmem:s17+$0x1B620] =	vst v5;
	v4 =	vmax.f32 v4, $0.0e+00;
	v2 =	vadd.f32 v2, v7  }
0x16e: {  	[tilespmem:s17+$0x1B630] =	vst v4;
	v3 =	vmax.f32 v3, $0.0e+00;
	v1 =	vadd.f32 v1, v6  }
.Ltmp12:
0x16f: {  	[tilespmem:s17+$0x1B640] =	vst v3;
	v2 =	vmax.f32 v2, $0.0e+00;
	v0 =	vadd.f32 v0, v63;
	(pc) =	sbr.rel .LBB2_18-.Ltmp12, $4  }
0x170: {  	[tilespmem:s17+$0x1B650] =	vst v2;
	v1 =	vmax.f32 v1, $0.0e+00  }
0x171: {  	[tilespmem:s17+$0x1B660] =	vst v1;
	v0 =	vmax.f32 v0, $0.0e+00  }
0x172: {  	[tilespmem:s17+$0x1B670] =	vst v0  }
0x173: {  	[spmem:s6] =	stream.indirect.scatter.add.f32 [tilespmem:s12], [sflag:$0xA], $0x80, s31, s23, $0xb8;
	[tilespmem:$0x1E000] =	vst v63  }
.LBB2_19:
0x174: {  	_ =	swait.ge [sflag:s14], $0x2800  }
0x175: {  	[sflag:s14] =	ssyncset.done $0x0  }
0x176: {  	[sflag:s14] =	ssyncadd.s32 $0xFFFFD800  }
0x177: {  	[bflag:$0x0] =	sbarrier.arrive $0xFFFF  }
0x178: {  	s17 =	rddreg [dreg:$0x9]  }
0x179: {  	s2 =	rddreg [dreg:$0x14]  }
0x17a: {  	s18 =	simm.s32 $0xB;
	s20 =	rddreg [dreg:$0x1c]  }
0x17b: {  	[hbm:s2], [sflag:s17] =	dma.local [spmem:s20], $0x2780  }
0x17c: {  	_ =	swait.ge [sflag:s18], $0x2780  }
0x17d: {  	[sflag:s18] =	ssyncset.done $0x0  }
0x17e: {  	[sflag:s18] =	ssyncadd.s32 $0xFFFFD880  }
0x17f: {  	[bflag:$0x0] =	sbarrier.arrive $0xFFFF  }
0x180: {  	s26 =	rddreg [dreg:$0x8]  }
0x181: {  	[spmem:s20], [sflag:s17] =	dma.local [hbm:s26], $0x2780  }
0x182: {  	_ =	swait.ge [sflag:s18], $0x2780  }
0x183: {  	[sflag:s18] =	ssyncset.done $0x0  }
0x184: {  	[sflag:s18] =	ssyncadd.s32 $0xFFFFD880  }
0x185: {  	[bflag:$0x0] =	sbarrier.arrive $0xFFFF  }
0x186: {  	s26 =	simm.s32 $0x0;
	s17 =	simm.s32 $0x1DE00;
	s21 =	rddreg [dreg:$0xf]  }
0x187: {  	[tilespmem:s17], [sflag:$0x5] =	stream.linear.gather [hbm4b:s21+s26], $0x50, $0x38;
	[tilespmem:$0x1E000] =	vst v63  }
0x188: {  	s18 =	rddreg [dreg:$0x10]  }
0x189: {  	[tilespmem:s19], [sflag:$0x5] =	stream.linear.gather [hbm4b:s18+s26], $0x50, $0x38;
	[tilespmem:$0x1E000] =	vst v63  }
0x18a: {  	s20 =	rddreg [dreg:$0x11];
	s21 =	simm.s32 $0x1DE80  }
0x18b: {  	[tilespmem:s21], [sflag:$0x6] =	stream.linear.gather [hbm4b:s20+s26], $0x50, $0x38;
	[tilespmem:$0x1E000] =	vst v63  }
0x18c: {  	s20 =	rddreg [dreg:$0x12];
	s21 =	simm.s32 $0x13C80  }
0x18d: {  	[tilespmem:s21], [sflag:$0x6] =	stream.linear.gather [hbm4b:s20+s26], $0x50, $0x38;
	[tilespmem:$0x1E000] =	vst v63  }
0x18e: {  	s20 =	rddreg [dreg:$0x13];
	s21 =	simm.s32 $0x13E00  }
0x18f: {  	[tilespmem:s21], [sflag:$0x1] =	stream.linear.gather [hbm4b:s20+s26], $0x2800, $0x38;
	[tilespmem:$0x1E000] =	vst v63  }
0x190: {  	_ =	swait.ge [sflag:s22], $0x50  }
0x191: {  	[sflag:s22] =	ssyncset.done $0x0  }
.Ltmp13:
0x192: {  	[sflag:s22] =	ssyncadd.s32 $0xFFFFFFB0;
	(pc) =	sbr.rel .LBB2_20-.Ltmp13, $4  }
0x193: {  	_ =	swait.ge [sflag:s22], $0x50  }
0x194: {  	[sflag:s22] =	ssyncset.done $0x0  }
0x195: {  	[sflag:s22] =	ssyncadd.s32 $0xFFFFFFB0  }
0x196: {  	[tilespmem:s24], [sflag:$0x3] =	stream.indirect.gather [hbm4b:s1+s23], $0x80, s17, s23, $0xb8;
	[tilespmem:$0x1E000] =	vst v63  }
.LBB2_36:
0x197: {  	s26 =	sadd.s32 $0x1, s26  }
0x198: {  	p0 =	sne.s32 s26, $0x7  }
.Ltmp14:
0x199: {  	_ = 	snop;
	(pc) =	sbr.rel @!p0 .LBB2_37-.Ltmp14, $1  }
0x19a: {  	_ =	sdelay $0x3  }
.LBB2_20:
0x19b: {  	s17 =	sshll.u32 s26, $0x2;
	p1 =	seq.s32 s26, $0x0  }
0x19c: {  	s20 =	sor.u32 @!p1 $0x2, s17  }
0x19d: {  	p0 =	sgt.u32 @!p1 s20, $0x18  }
0x19e: {  	p2 =	por p1, !p0  }
.Ltmp15:
0x19f: {  	_ = 	snop;
	(pc) =	sbr.rel @!p2 .LBB2_22-.Ltmp15, $4  }
0x1a0: {  	s2 =	simm.s32 @!p1 $0xA  }
0x1a1: {  	_ =	swait.ge @!p1 [sflag:s2], $0x2800  }
0x1a2: {  	[sflag:s2] =	ssyncset.done @!p1 $0x0  }
0x1a3: {  	p0 =	por @!p1 $0x0, $0x0;
	[sflag:s2] =	ssyncadd.s32 @!p1 $0xFFFFD800  }
0x1a4: {  	s20 =	simm.s32 @p1 $0x2  }
0x1a5: {  	s2 =	smul.u32 $0x50, s20;
	_ =	sdelay $0x1  }
0x1a6: {  	s2 =	sadd.s32 s16, s2  }
0x1a7: {  	s2 =	sshrl.u32 s2, $0x3  }
0x1a8: {  	s21 =	simm.s32 $0x1DF00;
	s18 =	sadd.s32 s9, s2  }
0x1a9: {  	[tilespmem:s21], [sflag:$0x7] =	stream.linear.gather [hbm4b:s18+s7], $0x50, $0x38;
	[tilespmem:$0x1E000] =	vst v63  }
0x1aa: {  	p0 =	por $0x1, $0x1;
	s2 =	sadd.s32 s10, s2  }
0x1ab: {  	[tilespmem:s28], [sflag:$0x7] =	stream.linear.gather [hbm4b:s2+s7], $0x50, $0x38;
	[tilespmem:$0x1E000] =	vst v63  }
.LBB2_22:
0x1ac: {  	s2 =	sor.u32 $0x1, s17  }
0x1ad: {  	p1 =	sgt.u32 s2, $0x18  }
0x1ae: {  	s2 =	smul.u32 @!p1 $0x50, s2;
	_ =	sdelay $0x1  }
0x1af: {  	s2 =	sadd.s32 @!p1 s16, s2  }
0x1b0: {  	s2 =	sshll.u32 @!p1 s2, $0x4  }
0x1b1: {  	s18 =	simm.s32 @!p1 $0x0;
	s21 =	simm.s32 @!p1 $0x16600;
	s2 =	sadd.s32 @!p1 s5, s2  }
0x1b2: {  	[tilespmem:s21], [sflag:$0x2] =	stream.linear.gather @!p1 [hbm4b:s2+s18], $0x2800, $0x38;
	[tilespmem:$0x1E000] =	vst v63  }
0x1b3: {  	s2 =	simm.s32 @!p1 $0x6  }
0x1b4: {  	_ =	swait.ge @!p1 [sflag:s2], $0x50  }
0x1b5: {  	[sflag:s2] =	ssyncset.done @!p1 $0x0  }
0x1b6: {  	[sflag:s2] =	ssyncadd.s32 @!p1 $0xFFFFFFB0  }
0x1b7: {  	_ =	swait.ge @!p1 [sflag:s2], $0x50  }
0x1b8: {  	s18 =	simm.s32 @!p1 $0x1DE80;
	[sflag:s2] =	ssyncset.done @!p1 $0x0  }
0x1b9: {  	s21 =	simm.s32 @!p1 $0x1B600;
	[sflag:s2] =	ssyncadd.s32 @!p1 $0xFFFFFFB0;
	s2 =	simm.s32 @!p1 $0x50  }
0x1ba: {  	[tilespmem:s21], [sflag:$0x4] =	stream.indirect.gather @!p1 [hbm4b:s1+s2], $0x80, s18, s2, $0xb8;
	[tilespmem:$0x1E000] =	vst v63  }
0x1bb: {  	_ =	swait.ge [sflag:s29], $0x2800  }
0x1bc: {  	[sflag:s29] =	ssyncset.done $0x0  }
0x1bd: {  	[sflag:s29] =	ssyncadd.s32 $0xFFFFD800  }
0x1be: {  	_ =	swait.ge [sflag:s13], $0x2800  }
0x1bf: {  	[sflag:s13] =	ssyncset.done $0x0  }
0x1c0: {  	s21 =	simm.s32 $0x0;
	[sflag:s13] =	ssyncadd.s32 $0xFFFFD800  }
0x1c1: {  	v6 =	vld [tilespmem:s21+$0x13E00]  }
0x1c2: {  	v11 =	vld [tilespmem:s21+$0x13E10]  }
0x1c3: {  	v5 =	vld [tilespmem:s21+$0x13E20]  }
0x1c4: {  	v4 =	vld [tilespmem:s21+$0x13E30]  }
0x1c5: {  	v3 =	vld [tilespmem:s21+$0x13E40]  }
0x1c6: {  	v2 =	vld [tilespmem:s21+$0x13E50]  }
0x1c7: {  	v1 =	vld [tilespmem:s21+$0x13E60]  }
0x1c8: {  	v0 =	vld [tilespmem:s21+$0x13E70]  }
0x1c9: {  	v12 =	vld [tilespmem:s21+$0x18E00]  }
0x1ca: {  	v13 =	vld [tilespmem:s21+$0x18E10]  }
0x1cb: {  	v10 =	vld [tilespmem:s21+$0x18E20]  }
0x1cc: {  	v9 =	vld [tilespmem:s21+$0x18E30]  }
0x1cd: {  	v8 =	vld [tilespmem:s21+$0x18E40]  }
0x1ce: {  	v7 =	vld [tilespmem:s21+$0x18E50];
	v12 =	vadd.f32 v6, v12  }
0x1cf: {  	s18 =	simm.s32 $0x200;
	v11 =	vadd.f32 v11, v13;
	v6 =	vld [tilespmem:s21+$0x18E60]  }
.LBB2_23:
0x1d0: {  	s2 =	sshra.s32 s18, $0x2;
	p2 =	sne.s32 s18, $0x9E00;
	v12 =	vmax.f32 v12, $0.0e+00;
	v5 =	vadd.f32 v5, v10;
	v10 =	vld [tilespmem:s21+$0x18E70]  }
0x1d1: {  	v13 =	vld [tilespmem:s2+$0x13E00];
	[tilespmem:s21+$0x18E00] =	vst v12;
	v11 =	vmax.f32 v11, $0.0e+00;
	v4 =	vadd.f32 v4, v9  }
0x1d2: {  	v14 =	vld [tilespmem:s2+$0x13E10];
	[tilespmem:s21+$0x18E10] =	vst v11;
	v9 =	vmax.f32 v5, $0.0e+00;
	v3 =	vadd.f32 v3, v8  }
0x1d3: {  	v5 =	vld [tilespmem:s2+$0x13E20];
	[tilespmem:s21+$0x18E20] =	vst v9;
	v8 =	vmax.f32 v4, $0.0e+00;
	v2 =	vadd.f32 v2, v7  }
0x1d4: {  	v4 =	vld [tilespmem:s2+$0x13E30];
	[tilespmem:s21+$0x18E30] =	vst v8;
	v7 =	vmax.f32 v3, $0.0e+00;
	v1 =	vadd.f32 v1, v6  }
0x1d5: {  	v3 =	vld [tilespmem:s2+$0x13E40];
	[tilespmem:s21+$0x18E40] =	vst v7;
	v6 =	vmax.f32 v2, $0.0e+00;
	v0 =	vadd.f32 v0, v10  }
0x1d6: {  	v2 =	vld [tilespmem:s2+$0x13E50];
	[tilespmem:s21+$0x18E50] =	vst v6;
	v6 =	vmax.f32 v1, $0.0e+00  }
0x1d7: {  	v1 =	vld [tilespmem:s2+$0x13E60];
	[tilespmem:s21+$0x18E60] =	vst v6;
	v6 =	vmax.f32 v0, $0.0e+00  }
0x1d8: {  	v0 =	vld [tilespmem:s2+$0x13E70];
	[tilespmem:s21+$0x18E70] =	vst v6;
	s21 =	smov.u32 s2  }
0x1d9: {  	v6 =	vld [tilespmem:s21+$0x18E00]  }
0x1da: {  	v11 =	vld [tilespmem:s21+$0x18E10]  }
.Ltmp16:
0x1db: {  	v10 =	vld [tilespmem:s21+$0x18E20];
	(pc) =	sbr.rel @p2 .LBB2_23-.Ltmp16, $4  }
0x1dc: {  	v9 =	vld [tilespmem:s21+$0x18E30]  }
0x1dd: {  	v8 =	vld [tilespmem:s21+$0x18E40]  }
0x1de: {  	v12 =	vadd.f32 v13, v6;
	v7 =	vld [tilespmem:s21+$0x18E50]  }
0x1df: {  	s18 =	sadd.s32 $0x200, s18;
	v11 =	vadd.f32 v14, v11;
	v6 =	vld [tilespmem:s21+$0x18E60]  }
0x1e0: {  	v12 =	vmax.f32 v12, $0.0e+00;
	v5 =	vadd.f32 v5, v10;
	v63 =	vld [tilespmem:s21+$0x18E70]  }
0x1e1: {  	[tilespmem:s21+$0x18E00] =	vst v12;
	v11 =	vmax.f32 v11, $0.0e+00;
	v4 =	vadd.f32 v4, v9  }
0x1e2: {  	[tilespmem:s21+$0x18E10] =	vst v11;
	v5 =	vmax.f32 v5, $0.0e+00;
	v3 =	vadd.f32 v3, v8  }
0x1e3: {  	[tilespmem:s21+$0x18E20] =	vst v5;
	v4 =	vmax.f32 v4, $0.0e+00;
	v2 =	vadd.f32 v2, v7  }
0x1e4: {  	[tilespmem:s21+$0x18E30] =	vst v4;
	v3 =	vmax.f32 v3, $0.0e+00;
	v1 =	vadd.f32 v1, v6  }
.Ltmp17:
0x1e5: {  	[tilespmem:s21+$0x18E40] =	vst v3;
	v2 =	vmax.f32 v2, $0.0e+00;
	v0 =	vadd.f32 v0, v63;
	(pc) =	sbr.rel @p1 .LBB2_28-.Ltmp17, $4  }
0x1e6: {  	[tilespmem:s21+$0x18E50] =	vst v2;
	v1 =	vmax.f32 v1, $0.0e+00  }
0x1e7: {  	[tilespmem:s21+$0x18E60] =	vst v1;
	v0 =	vmax.f32 v0, $0.0e+00  }
0x1e8: {  	[tilespmem:s21+$0x18E70] =	vst v0  }
0x1e9: {  	[spmem:s6] =	stream.indirect.scatter.add.f32 [tilespmem:s24], [sflag:$0x9], $0x80, s19, s23, $0xb8;
	[tilespmem:$0x1E000] =	vst v63  }
0x1ea: {  	s2 =	smul.u32 $0x140, s26;
	_ =	swait.ge [sflag:s14], $0x2800  }
0x1eb: {  	s18 =	rddreg [dreg:$0x1a]  }
0x1ec: {  	s2 =	sadd.s32 s18, s2  }
0x1ed: {  	[sflag:s14] =	ssyncset.done $0x0;
	s2 =	sshrl.u32 s2, $0x3  }
0x1ee: {  	s21 =	simm.s32 $0x1DF80;
	[sflag:s14] =	ssyncadd.s32 $0xFFFFD800;
	s18 =	sadd.s32 s9, s2  }
0x1ef: {  	[tilespmem:s21], [sflag:$0x8] =	stream.linear.gather [hbm4b:s18+s7], $0x50, $0x38;
	[tilespmem:$0x1E000] =	vst v63  }
0x1f0: {  	s2 =	sadd.s32 s10, s2;
	s18 =	smul.u32 @p0 $0x50, s20  }
0x1f1: {  	[tilespmem:s31], [sflag:$0x8] =	stream.linear.gather [hbm4b:s2+s7], $0x50, $0x38;
	[tilespmem:$0x1E000] =	vst v63  }
0x1f2: {  	s2 =	sadd.s32 @p0 s16, s18  }
0x1f3: {  	s2 =	sshll.u32 @p0 s2, $0x4  }
0x1f4: {  	s20 =	simm.s32 @p0 $0x13E00;
	s18 =	simm.s32 @p0 $0x0;
	s2 =	sadd.s32 @p0 s5, s2  }
0x1f5: {  	[tilespmem:s20], [sflag:$0x1] =	stream.linear.gather @p0 [hbm4b:s2+s18], $0x2800, $0x38;
	[tilespmem:$0x1E000] =	vst v63  }
0x1f6: {  	s2 =	simm.s32 @p0 $0x7  }
0x1f7: {  	_ =	swait.ge @p0 [sflag:s2], $0x50  }
0x1f8: {  	[sflag:s2] =	ssyncset.done @p0 $0x0  }
0x1f9: {  	[sflag:s2] =	ssyncadd.s32 @p0 $0xFFFFFFB0  }
0x1fa: {  	_ =	swait.ge @p0 [sflag:s2], $0x50  }
0x1fb: {  	s18 =	simm.s32 @p0 $0x1DF00;
	[sflag:s2] =	ssyncset.done @p0 $0x0  }
0x1fc: {  	s20 =	simm.s32 @p0 $0x18E00;
	[sflag:s2] =	ssyncadd.s32 @p0 $0xFFFFFFB0;
	s2 =	simm.s32 @p0 $0x50  }
0x1fd: {  	[tilespmem:s20], [sflag:$0x3] =	stream.indirect.gather @p0 [hbm4b:s1+s2], $0x80, s18, s2, $0xb8;
	[tilespmem:$0x1E000] =	vst v63  }
0x1fe: {  	_ =	swait.ge [sflag:s3], $0x2800  }
0x1ff: {  	[sflag:s3] =	ssyncset.done $0x0  }
0x200: {  	[sflag:s3] =	ssyncadd.s32 $0xFFFFD800  }
0x201: {  	_ =	swait.ge [sflag:s25], $0x2800  }
0x202: {  	[sflag:s25] =	ssyncset.done $0x0  }
0x203: {  	s20 =	simm.s32 $0x0;
	[sflag:s25] =	ssyncadd.s32 $0xFFFFD800  }
0x204: {  	v6 =	vld [tilespmem:s20+$0x16600]  }
0x205: {  	v11 =	vld [tilespmem:s20+$0x16610]  }
0x206: {  	v5 =	vld [tilespmem:s20+$0x16620]  }
0x207: {  	v4 =	vld [tilespmem:s20+$0x16630]  }
0x208: {  	v3 =	vld [tilespmem:s20+$0x16640]  }
0x209: {  	v2 =	vld [tilespmem:s20+$0x16650]  }
0x20a: {  	v1 =	vld [tilespmem:s20+$0x16660]  }
0x20b: {  	v0 =	vld [tilespmem:s20+$0x16670]  }
0x20c: {  	v12 =	vld [tilespmem:s20+$0x1B600]  }
0x20d: {  	v13 =	vld [tilespmem:s20+$0x1B610]  }
0x20e: {  	v10 =	vld [tilespmem:s20+$0x1B620]  }
0x20f: {  	v9 =	vld [tilespmem:s20+$0x1B630]  }
0x210: {  	v8 =	vld [tilespmem:s20+$0x1B640]  }
0x211: {  	v7 =	vld [tilespmem:s20+$0x1B650];
	v12 =	vadd.f32 v6, v12  }
0x212: {  	s18 =	simm.s32 $0x200;
	v11 =	vadd.f32 v11, v13;
	v6 =	vld [tilespmem:s20+$0x1B660]  }
.LBB2_26:
0x213: {  	s2 =	sshra.s32 s18, $0x2;
	p1 =	sne.s32 s18, $0x9E00;
	v12 =	vmax.f32 v12, $0.0e+00;
	v5 =	vadd.f32 v5, v10;
	v10 =	vld [tilespmem:s20+$0x1B670]  }
0x214: {  	v13 =	vld [tilespmem:s2+$0x16600];
	[tilespmem:s20+$0x1B600] =	vst v12;
	v11 =	vmax.f32 v11, $0.0e+00;
	v4 =	vadd.f32 v4, v9  }
0x215: {  	v14 =	vld [tilespmem:s2+$0x16610];
	[tilespmem:s20+$0x1B610] =	vst v11;
	v9 =	vmax.f32 v5, $0.0e+00;
	v3 =	vadd.f32 v3, v8  }
0x216: {  	v5 =	vld [tilespmem:s2+$0x16620];
	[tilespmem:s20+$0x1B620] =	vst v9;
	v8 =	vmax.f32 v4, $0.0e+00;
	v2 =	vadd.f32 v2, v7  }
0x217: {  	v4 =	vld [tilespmem:s2+$0x16630];
	[tilespmem:s20+$0x1B630] =	vst v8;
	v7 =	vmax.f32 v3, $0.0e+00;
	v1 =	vadd.f32 v1, v6  }
0x218: {  	v3 =	vld [tilespmem:s2+$0x16640];
	[tilespmem:s20+$0x1B640] =	vst v7;
	v6 =	vmax.f32 v2, $0.0e+00;
	v0 =	vadd.f32 v0, v10  }
0x219: {  	v2 =	vld [tilespmem:s2+$0x16650];
	[tilespmem:s20+$0x1B650] =	vst v6;
	v6 =	vmax.f32 v1, $0.0e+00  }
0x21a: {  	v1 =	vld [tilespmem:s2+$0x16660];
	[tilespmem:s20+$0x1B660] =	vst v6;
	v6 =	vmax.f32 v0, $0.0e+00  }
0x21b: {  	v0 =	vld [tilespmem:s2+$0x16670];
	[tilespmem:s20+$0x1B670] =	vst v6;
	s20 =	smov.u32 s2  }
0x21c: {  	v6 =	vld [tilespmem:s20+$0x1B600]  }
0x21d: {  	v11 =	vld [tilespmem:s20+$0x1B610]  }
.Ltmp18:
0x21e: {  	v10 =	vld [tilespmem:s20+$0x1B620];
	(pc) =	sbr.rel @p1 .LBB2_26-.Ltmp18, $4  }
0x21f: {  	v9 =	vld [tilespmem:s20+$0x1B630]  }
0x220: {  	v8 =	vld [tilespmem:s20+$0x1B640]  }
0x221: {  	v12 =	vadd.f32 v13, v6;
	v7 =	vld [tilespmem:s20+$0x1B650]  }
0x222: {  	s18 =	sadd.s32 $0x200, s18;
	v11 =	vadd.f32 v14, v11;
	v6 =	vld [tilespmem:s20+$0x1B660]  }
0x223: {  	v12 =	vmax.f32 v12, $0.0e+00;
	v5 =	vadd.f32 v5, v10;
	v63 =	vld [tilespmem:s20+$0x1B670]  }
0x224: {  	[tilespmem:s20+$0x1B600] =	vst v12;
	v11 =	vmax.f32 v11, $0.0e+00;
	v4 =	vadd.f32 v4, v9  }
0x225: {  	[tilespmem:s20+$0x1B610] =	vst v11;
	v5 =	vmax.f32 v5, $0.0e+00;
	v3 =	vadd.f32 v3, v8  }
0x226: {  	[tilespmem:s20+$0x1B620] =	vst v5;
	v4 =	vmax.f32 v4, $0.0e+00;
	v2 =	vadd.f32 v2, v7  }
0x227: {  	[tilespmem:s20+$0x1B630] =	vst v4;
	v3 =	vmax.f32 v3, $0.0e+00;
	v1 =	vadd.f32 v1, v6  }
0x228: {  	[tilespmem:s20+$0x1B640] =	vst v3;
	v2 =	vmax.f32 v2, $0.0e+00;
	v0 =	vadd.f32 v0, v63  }
0x229: {  	[tilespmem:s20+$0x1B650] =	vst v2;
	v1 =	vmax.f32 v1, $0.0e+00  }
0x22a: {  	[tilespmem:s20+$0x1B660] =	vst v1;
	v0 =	vmax.f32 v0, $0.0e+00  }
0x22b: {  	s2 =	simm.s32 $0x13C80;
	[tilespmem:s20+$0x1B670] =	vst v0  }
0x22c: {  	[spmem:s6] =	stream.indirect.scatter.add.f32 [tilespmem:s12], [sflag:$0xA], $0x80, s2, s23, $0xb8;
	[tilespmem:$0x1E000] =	vst v63  }
.LBB2_28:
.Ltmp19:
0x22d: {  	(pc) =	sbr.rel @!p0 .LBB2_32-.Ltmp19, $1  }
0x22e: {  	_ =	sdelay $0x3  }
0x22f: {  	p1 =	seq.s32 s26, $0x6  }
0x230: {  	_ =	swait.ge [sflag:s15], $0x2800;
	s2 =	smul.u32 @!p1 $0x140, s26  }
0x231: {  	[sflag:s15] =	ssyncset.done $0x0  }
0x232: {  	s20 =	simm.s32 @!p1 $0x0;
	s17 =	sor.u32 @!p1 $0x3, s17;
	s2 =	sadd.s32 @!p1 s2, s0  }
0x233: {  	s21 =	simm.s32 @!p1 $0x1DE00;
	p0 =	sgt.u32 @!p1 s17, $0x18;
	s2 =	sshrl.u32 @!p1 s2, $0x3  }
0x234: {  	[sflag:s15] =	ssyncadd.s32 $0xFFFFD800;
	p0 =	por p0, p1;
	s18 =	sadd.s32 @!p1 s9, s2  }
0x235: {  	[tilespmem:s21], [sflag:$0x5] =	stream.linear.gather @!p1 [hbm4b:s18+s20], $0x50, $0x38;
	[tilespmem:$0x1E000] =	vst v63  }
0x236: {  	s17 =	smul.u32 @!p0 $0x50, s17;
	s2 =	sadd.s32 @!p1 s10, s2;
	s18 =	simm.s32 @!p1 $0x13C00  }
0x237: {  	[tilespmem:s18], [sflag:$0x5] =	stream.linear.gather @!p1 [hbm4b:s2+s20], $0x50, $0x38;
	[tilespmem:$0x1E000] =	vst v63  }
0x238: {  	s2 =	sadd.s32 @!p0 s16, s17  }
0x239: {  	s2 =	sshll.u32 @!p0 s2, $0x4  }
0x23a: {  	s17 =	simm.s32 @!p0 $0x0;
	s18 =	simm.s32 @!p0 $0x16600;
	s2 =	sadd.s32 @!p0 s5, s2  }
0x23b: {  	[tilespmem:s18], [sflag:$0x2] =	stream.linear.gather @!p0 [hbm4b:s2+s17], $0x2800, $0x38;
	[tilespmem:$0x1E000] =	vst v63  }
0x23c: {  	s2 =	simm.s32 @!p0 $0x8  }
0x23d: {  	_ =	swait.ge @!p0 [sflag:s2], $0x50  }
0x23e: {  	[sflag:s2] =	ssyncset.done @!p0 $0x0  }
0x23f: {  	[sflag:s2] =	ssyncadd.s32 @!p0 $0xFFFFFFB0  }
0x240: {  	_ =	swait.ge @!p0 [sflag:s2], $0x50  }
0x241: {  	s17 =	simm.s32 @!p0 $0x1DF80;
	[sflag:s2] =	ssyncset.done @!p0 $0x0  }
0x242: {  	s18 =	simm.s32 @!p0 $0x1B600;
	[sflag:s2] =	ssyncadd.s32 @!p0 $0xFFFFFFB0;
	s2 =	simm.s32 @!p0 $0x50  }
0x243: {  	[tilespmem:s18], [sflag:$0x4] =	stream.indirect.gather @!p0 [hbm4b:s1+s2], $0x80, s17, s2, $0xb8;
	[tilespmem:$0x1E000] =	vst v63  }
0x244: {  	_ =	swait.ge [sflag:s29], $0x2800  }
0x245: {  	[sflag:s29] =	ssyncset.done $0x0  }
0x246: {  	[sflag:s29] =	ssyncadd.s32 $0xFFFFD800  }
0x247: {  	_ =	swait.ge [sflag:s13], $0x2800  }
0x248: {  	[sflag:s13] =	ssyncset.done $0x0  }
0x249: {  	s17 =	simm.s32 $0x0;
	[sflag:s13] =	ssyncadd.s32 $0xFFFFD800  }
0x24a: {  	v6 =	vld [tilespmem:s17+$0x13E00]  }
0x24b: {  	v11 =	vld [tilespmem:s17+$0x13E10]  }
0x24c: {  	v5 =	vld [tilespmem:s17+$0x13E20]  }
0x24d: {  	v4 =	vld [tilespmem:s17+$0x13E30]  }
0x24e: {  	v3 =	vld [tilespmem:s17+$0x13E40]  }
0x24f: {  	v2 =	vld [tilespmem:s17+$0x13E50]  }
0x250: {  	v1 =	vld [tilespmem:s17+$0x13E60]  }
0x251: {  	v0 =	vld [tilespmem:s17+$0x13E70]  }
0x252: {  	v12 =	vld [tilespmem:s17+$0x18E00]  }
0x253: {  	v13 =	vld [tilespmem:s17+$0x18E10]  }
0x254: {  	v10 =	vld [tilespmem:s17+$0x18E20]  }
0x255: {  	v9 =	vld [tilespmem:s17+$0x18E30]  }
0x256: {  	v8 =	vld [tilespmem:s17+$0x18E40]  }
0x257: {  	v7 =	vld [tilespmem:s17+$0x18E50];
	v12 =	vadd.f32 v6, v12  }
0x258: {  	s18 =	simm.s32 $0x200;
	v11 =	vadd.f32 v11, v13;
	v6 =	vld [tilespmem:s17+$0x18E60]  }
.LBB2_30:
0x259: {  	s2 =	sshra.s32 s18, $0x2;
	p0 =	sne.s32 s18, $0x9E00;
	v12 =	vmax.f32 v12, $0.0e+00;
	v5 =	vadd.f32 v5, v10;
	v10 =	vld [tilespmem:s17+$0x18E70]  }
0x25a: {  	v13 =	vld [tilespmem:s2+$0x13E00];
	[tilespmem:s17+$0x18E00] =	vst v12;
	v11 =	vmax.f32 v11, $0.0e+00;
	v4 =	vadd.f32 v4, v9  }
0x25b: {  	v14 =	vld [tilespmem:s2+$0x13E10];
	[tilespmem:s17+$0x18E10] =	vst v11;
	v9 =	vmax.f32 v5, $0.0e+00;
	v3 =	vadd.f32 v3, v8  }
0x25c: {  	v5 =	vld [tilespmem:s2+$0x13E20];
	[tilespmem:s17+$0x18E20] =	vst v9;
	v8 =	vmax.f32 v4, $0.0e+00;
	v2 =	vadd.f32 v2, v7  }
0x25d: {  	v4 =	vld [tilespmem:s2+$0x13E30];
	[tilespmem:s17+$0x18E30] =	vst v8;
	v7 =	vmax.f32 v3, $0.0e+00;
	v1 =	vadd.f32 v1, v6  }
0x25e: {  	v3 =	vld [tilespmem:s2+$0x13E40];
	[tilespmem:s17+$0x18E40] =	vst v7;
	v6 =	vmax.f32 v2, $0.0e+00;
	v0 =	vadd.f32 v0, v10  }
0x25f: {  	v2 =	vld [tilespmem:s2+$0x13E50];
	[tilespmem:s17+$0x18E50] =	vst v6;
	v6 =	vmax.f32 v1, $0.0e+00  }
0x260: {  	v1 =	vld [tilespmem:s2+$0x13E60];
	[tilespmem:s17+$0x18E60] =	vst v6;
	v6 =	vmax.f32 v0, $0.0e+00  }
0x261: {  	v0 =	vld [tilespmem:s2+$0x13E70];
	[tilespmem:s17+$0x18E70] =	vst v6;
	s17 =	smov.u32 s2  }
0x262: {  	v6 =	vld [tilespmem:s17+$0x18E00]  }
0x263: {  	v11 =	vld [tilespmem:s17+$0x18E10]  }
.Ltmp20:
0x264: {  	v10 =	vld [tilespmem:s17+$0x18E20];
	(pc) =	sbr.rel @p0 .LBB2_30-.Ltmp20, $4  }
0x265: {  	v9 =	vld [tilespmem:s17+$0x18E30]  }
0x266: {  	v8 =	vld [tilespmem:s17+$0x18E40]  }
0x267: {  	v12 =	vadd.f32 v13, v6;
	v7 =	vld [tilespmem:s17+$0x18E50]  }
0x268: {  	s18 =	sadd.s32 $0x200, s18;
	v11 =	vadd.f32 v14, v11;
	v6 =	vld [tilespmem:s17+$0x18E60]  }
0x269: {  	v12 =	vmax.f32 v12, $0.0e+00;
	v5 =	vadd.f32 v5, v10;
	v63 =	vld [tilespmem:s17+$0x18E70]  }
0x26a: {  	[tilespmem:s17+$0x18E00] =	vst v12;
	v11 =	vmax.f32 v11, $0.0e+00;
	v4 =	vadd.f32 v4, v9  }
0x26b: {  	[tilespmem:s17+$0x18E10] =	vst v11;
	v5 =	vmax.f32 v5, $0.0e+00;
	v3 =	vadd.f32 v3, v8  }
0x26c: {  	[tilespmem:s17+$0x18E20] =	vst v5;
	v4 =	vmax.f32 v4, $0.0e+00;
	v2 =	vadd.f32 v2, v7  }
0x26d: {  	[tilespmem:s17+$0x18E30] =	vst v4;
	v3 =	vmax.f32 v3, $0.0e+00;
	v1 =	vadd.f32 v1, v6  }
0x26e: {  	[tilespmem:s17+$0x18E40] =	vst v3;
	v2 =	vmax.f32 v2, $0.0e+00;
	v0 =	vadd.f32 v0, v63  }
0x26f: {  	[tilespmem:s17+$0x18E50] =	vst v2;
	v1 =	vmax.f32 v1, $0.0e+00  }
0x270: {  	[tilespmem:s17+$0x18E60] =	vst v1;
	v0 =	vmax.f32 v0, $0.0e+00  }
0x271: {  	[tilespmem:s17+$0x18E70] =	vst v0  }
0x272: {  	[spmem:s6] =	stream.indirect.scatter.add.f32 [tilespmem:s24], [sflag:$0x9], $0x80, s28, s23, $0xb8;
	[tilespmem:$0x1E000] =	vst v63  }
.LBB2_32:
0x273: {  	p0 =	sgt.u32 s26, $0x5  }
.Ltmp21:
0x274: {  	_ = 	snop;
	(pc) =	sbr.rel @p0 .LBB2_36-.Ltmp21, $1  }
0x275: {  	_ =	sdelay $0x3  }
0x276: {  	p0 =	seq.s32 s26, $0x5  }
0x277: {  	_ =	swait.ge [sflag:s14], $0x2800;
	s2 =	smul.u32 @!p0 $0x140, s26  }
0x278: {  	s17 =	rddreg [dreg:$0x18]  }
0x279: {  	[sflag:s14] =	ssyncset.done $0x0;
	s20 =	simm.s32 @!p0 $0x0;
	s17 =	sadd.s32 @!p0 s2, s17  }
0x27a: {  	s21 =	simm.s32 @!p0 $0x1DE80;
	s2 =	simm.s32 @p0 $0x640;
	s17 =	sshrl.u32 @!p0 s17, $0x3  }
0x27b: {  	[sflag:s14] =	ssyncadd.s32 $0xFFFFD800;
	s2 =	sadd.s32 s2, s0;
	s18 =	sadd.s32 @!p0 s9, s17  }
0x27c: {  	[tilespmem:s21], [sflag:$0x6] =	stream.linear.gather @!p0 [hbm4b:s18+s20], $0x50, $0x38;
	[tilespmem:$0x1E000] =	vst v63  }
0x27d: {  	s17 =	sadd.s32 @!p0 s10, s17;
	s2 =	sshll.u32 s2, $0x4;
	s18 =	simm.s32 @!p0 $0x13C80  }
0x27e: {  	[tilespmem:s18], [sflag:$0x6] =	stream.linear.gather @!p0 [hbm4b:s17+s20], $0x50, $0x38;
	[tilespmem:$0x1E000] =	vst v63  }
0x27f: {  	s2 =	sadd.s32 s5, s2;
	s18 =	simm.s32 $0x0;
	s20 =	simm.s32 $0x13E00  }
0x280: {  	[tilespmem:s20], [sflag:$0x1] =	stream.linear.gather [hbm4b:s2+s18], $0x2800, $0x38;
	[tilespmem:$0x1E000] =	vst v63  }
0x281: {  	_ =	swait.ge [sflag:s22], $0x50  }
0x282: {  	[sflag:s22] =	ssyncset.done $0x0  }
0x283: {  	[sflag:s22] =	ssyncadd.s32 $0xFFFFFFB0  }
0x284: {  	_ =	swait.ge [sflag:s22], $0x50  }
0x285: {  	[sflag:s22] =	ssyncset.done $0x0  }
0x286: {  	s21 =	simm.s32 $0x1DE00;
	[sflag:s22] =	ssyncadd.s32 $0xFFFFFFB0  }
0x287: {  	[tilespmem:s24], [sflag:$0x3] =	stream.indirect.gather [hbm4b:s1+s23], $0x80, s21, s23, $0xb8;
	[tilespmem:$0x1E000] =	vst v63  }
0x288: {  	_ =	swait.ge [sflag:s3], $0x2800  }
0x289: {  	[sflag:s3] =	ssyncset.done $0x0  }
0x28a: {  	[sflag:s3] =	ssyncadd.s32 $0xFFFFD800  }
0x28b: {  	_ =	swait.ge [sflag:s25], $0x2800  }
0x28c: {  	[sflag:s25] =	ssyncset.done $0x0  }
0x28d: {  	s17 =	simm.s32 $0x0;
	[sflag:s25] =	ssyncadd.s32 $0xFFFFD800  }
0x28e: {  	v6 =	vld [tilespmem:s17+$0x16600]  }
0x28f: {  	v11 =	vld [tilespmem:s17+$0x16610]  }
0x290: {  	v5 =	vld [tilespmem:s17+$0x16620]  }
0x291: {  	v4 =	vld [tilespmem:s17+$0x16630]  }
0x292: {  	v3 =	vld [tilespmem:s17+$0x16640]  }
0x293: {  	v2 =	vld [tilespmem:s17+$0x16650]  }
0x294: {  	v1 =	vld [tilespmem:s17+$0x16660]  }
0x295: {  	v0 =	vld [tilespmem:s17+$0x16670]  }
0x296: {  	v12 =	vld [tilespmem:s17+$0x1B600]  }
0x297: {  	v13 =	vld [tilespmem:s17+$0x1B610]  }
0x298: {  	v10 =	vld [tilespmem:s17+$0x1B620]  }
0x299: {  	v9 =	vld [tilespmem:s17+$0x1B630]  }
0x29a: {  	v8 =	vld [tilespmem:s17+$0x1B640]  }
0x29b: {  	v7 =	vld [tilespmem:s17+$0x1B650];
	v12 =	vadd.f32 v6, v12  }
0x29c: {  	s18 =	simm.s32 $0x200;
	v11 =	vadd.f32 v11, v13;
	v6 =	vld [tilespmem:s17+$0x1B660]  }
.LBB2_34:
0x29d: {  	s2 =	sshra.s32 s18, $0x2;
	p0 =	sne.s32 s18, $0x9E00;
	v12 =	vmax.f32 v12, $0.0e+00;
	v5 =	vadd.f32 v5, v10;
	v10 =	vld [tilespmem:s17+$0x1B670]  }
0x29e: {  	v13 =	vld [tilespmem:s2+$0x16600];
	[tilespmem:s17+$0x1B600] =	vst v12;
	v11 =	vmax.f32 v11, $0.0e+00;
	v4 =	vadd.f32 v4, v9  }
0x29f: {  	v14 =	vld [tilespmem:s2+$0x16610];
	[tilespmem:s17+$0x1B610] =	vst v11;
	v9 =	vmax.f32 v5, $0.0e+00;
	v3 =	vadd.f32 v3, v8  }
0x2a0: {  	v5 =	vld [tilespmem:s2+$0x16620];
	[tilespmem:s17+$0x1B620] =	vst v9;
	v8 =	vmax.f32 v4, $0.0e+00;
	v2 =	vadd.f32 v2, v7  }
0x2a1: {  	v4 =	vld [tilespmem:s2+$0x16630];
	[tilespmem:s17+$0x1B630] =	vst v8;
	v7 =	vmax.f32 v3, $0.0e+00;
	v1 =	vadd.f32 v1, v6  }
0x2a2: {  	v3 =	vld [tilespmem:s2+$0x16640];
	[tilespmem:s17+$0x1B640] =	vst v7;
	v6 =	vmax.f32 v2, $0.0e+00;
	v0 =	vadd.f32 v0, v10  }
0x2a3: {  	v2 =	vld [tilespmem:s2+$0x16650];
	[tilespmem:s17+$0x1B650] =	vst v6;
	v6 =	vmax.f32 v1, $0.0e+00  }
0x2a4: {  	v1 =	vld [tilespmem:s2+$0x16660];
	[tilespmem:s17+$0x1B660] =	vst v6;
	v6 =	vmax.f32 v0, $0.0e+00  }
0x2a5: {  	v0 =	vld [tilespmem:s2+$0x16670];
	[tilespmem:s17+$0x1B670] =	vst v6;
	s17 =	smov.u32 s2  }
0x2a6: {  	v6 =	vld [tilespmem:s17+$0x1B600]  }
0x2a7: {  	v11 =	vld [tilespmem:s17+$0x1B610]  }
.Ltmp22:
0x2a8: {  	v10 =	vld [tilespmem:s17+$0x1B620];
	(pc) =	sbr.rel @p0 .LBB2_34-.Ltmp22, $4  }
0x2a9: {  	v9 =	vld [tilespmem:s17+$0x1B630]  }
0x2aa: {  	v8 =	vld [tilespmem:s17+$0x1B640]  }
0x2ab: {  	v12 =	vadd.f32 v13, v6;
	v7 =	vld [tilespmem:s17+$0x1B650]  }
0x2ac: {  	s18 =	sadd.s32 $0x200, s18;
	v11 =	vadd.f32 v14, v11;
	v6 =	vld [tilespmem:s17+$0x1B660]  }
0x2ad: {  	v12 =	vmax.f32 v12, $0.0e+00;
	v5 =	vadd.f32 v5, v10;
	v63 =	vld [tilespmem:s17+$0x1B670]  }
0x2ae: {  	[tilespmem:s17+$0x1B600] =	vst v12;
	v11 =	vmax.f32 v11, $0.0e+00;
	v4 =	vadd.f32 v4, v9  }
0x2af: {  	[tilespmem:s17+$0x1B610] =	vst v11;
	v5 =	vmax.f32 v5, $0.0e+00;
	v3 =	vadd.f32 v3, v8  }
0x2b0: {  	[tilespmem:s17+$0x1B620] =	vst v5;
	v4 =	vmax.f32 v4, $0.0e+00;
	v2 =	vadd.f32 v2, v7  }
0x2b1: {  	[tilespmem:s17+$0x1B630] =	vst v4;
	v3 =	vmax.f32 v3, $0.0e+00;
	v1 =	vadd.f32 v1, v6  }
.Ltmp23:
0x2b2: {  	[tilespmem:s17+$0x1B640] =	vst v3;
	v2 =	vmax.f32 v2, $0.0e+00;
	v0 =	vadd.f32 v0, v63;
	(pc) =	sbr.rel .LBB2_36-.Ltmp23, $4  }
0x2b3: {  	[tilespmem:s17+$0x1B650] =	vst v2;
	v1 =	vmax.f32 v1, $0.0e+00  }
0x2b4: {  	[tilespmem:s17+$0x1B660] =	vst v1;
	v0 =	vmax.f32 v0, $0.0e+00  }
0x2b5: {  	[tilespmem:s17+$0x1B670] =	vst v0  }
0x2b6: {  	[spmem:s6] =	stream.indirect.scatter.add.f32 [tilespmem:s12], [sflag:$0xA], $0x80, s31, s23, $0xb8;
	[tilespmem:$0x1E000] =	vst v63  }
.LBB2_38:
0x2b7: {  	_ =	sfence.sel $0x180000  }
0x2b8: {  	[bflag:$0x0] =	sbarrier.arrive $0xFFFF  }
0x2b9: {  	_ =	strace $0x90000047  }
0x2ba: {  	s0 =	stileid.u32;
	[bflag:$0x2] =	sbarrier.arrive $0xFFFF  }
0x2bb: {  	p0 =	sne.s32 s0, $0x0;
	s0 =	rddreg [dreg:$0x6]  }
0x2bc: {  	s0 =	sadd.s32 @!p0 $0x100000, s0  }
0x2bd: {  	[sflag:s0] =	ssyncadd.tile.s32 @!p0 $0x1;
	_ =	shalt  }
.Lfunc_end2:
_tile_overlayer_lowered:
.L_overlay_start_2:
0x2be: {  	(tag) =	ssettag $0x2  }
0x2bf: {  	s0 =	rddreg [dreg:$0x0];
	s2 =	stileid.u32  }
0x2c0: {  	s1 =	rddreg [dreg:$0x1];
	p0 =	sne.s32 s2, $0x0  }
0x2c1: {  	s3 =	rddreg [dreg:$0x2];
	[bflag:$0x3] =	sbarrier.arrive $0xFFFF;
	s2 =	simm.s32 @!p0 $0x1C0B  }
0x2c2: {  	[timem:s3], [sflag:s2] =	dma.local @!p0 [hbm:s0], s1  }
0x2c3: {  	s0 =	simm.s32 @!p0 $0xB  }
0x2c4: {  	_ =	swait.ge @!p0 [sflag:s0], s1  }
0x2c5: {  	s1 =	ssub.s32 @!p0 $0x0, s1;
	[sflag:s0] =	ssyncset.done @!p0 $0x0  }
0x2c6: {  	[sflag:s0] =	ssyncadd.s32 @!p0 s1  }
0x2c7: {  	[bflag:$0x3] =	sbarrier.arrive $0xFFFF  }
0x2c8: {  	_ =	shalt  }

</sc_bundles>
